<compile_context>
chip_gen: v7x
topology: tpu7x:2x2x1
jax: 0.10.2.dev20260603
libtpu: 0.0.44.dev20260713+nightly
codegen_flags: <defaults>
</compile_context>

<pallas_src>
import functools

import jax
import jax.numpy as jnp
import numpy as np
from jax import lax
from jax.experimental import pallas as pl
from jax.experimental.pallas import tpu as pltpu
from jax.experimental.pallas import tpu_sc as plsc

N = 10000
E = 320000
D = 128
H = 64
OUT = 128
P = 1776
E_PAD = E + N + P
EH = E_PAD // 2
NW = 32
FPT = H // 16
GCH = 2048
NGC = EH // GCH
SEG = 4096
NSEG = E_PAD // SEG
NPT = 320
N_PAD = NW * NPT
ACC_ROWS = 328
BE = 2048
VB = BE // 128
NBLK = E_PAD // BE
NRB = 2000
F32 = jnp.float32
I32 = np.int32
ZERO = np.int32(0)



def _uv_body(w_ref, x_ref, b_ref, o_ref):
    o_ref[...] = (
        lax.dot_general(w_ref[...], x_ref[...], (((0,), (1,)), ((), ())),
                        preferred_element_type=F32, precision=lax.Precision.HIGHEST)
        + b_ref[:, 0:1]
    )


def _node_matmul(wcat, x, bcat):
    return pl.pallas_call(
        _uv_body,
        out_shape=jax.ShapeDtypeStruct((4 * H, N), F32),
    )(wcat, x, bcat)


def _stats_body(h_ref, v_ref, s_ref, ss_ref, c_ref):
    @pl.when(pl.program_id(0) == 0)
    def _():
        s_ref[...] = jnp.zeros_like(s_ref)
        ss_ref[...] = jnp.zeros_like(ss_ref)
        c_ref[...] = jnp.zeros_like(c_ref)

    h = h_ref[...]
    s_ref[...] += jnp.broadcast_to(
        jnp.sum(h, axis=1, keepdims=True), (H, 128))
    ss_ref[...] += jnp.broadcast_to(
        jnp.sum(h * h, axis=1, keepdims=True), (H, 128))
    c_ref[...] += jnp.sum(v_ref[...])


def _h1_stats(h1z, validf2d):
    return pl.pallas_call(
        _stats_body,
        grid=(NBLK,),
        in_specs=[
            pl.BlockSpec((H, BE), lambda i: (I32(0), i)),
            pl.BlockSpec((VB, 128), lambda i: (i, I32(0))),
        ],
        out_specs=[
            pl.BlockSpec((H, 128), lambda i: (I32(0), I32(0))),
            pl.BlockSpec((H, 128), lambda i: (I32(0), I32(0))),
            pl.BlockSpec((8, 128), lambda i: (I32(0), I32(0))),
        ],
        out_shape=[
            jax.ShapeDtypeStruct((H, 128), F32),
            jax.ShapeDtypeStruct((H, 128), F32),
            jax.ShapeDtypeStruct((8, 128), F32),
        ],
    )(h1z, validf2d)


def _layer2_body(h_ref, sc_ref, sh_ref, w_ref, b_ref, o_ref, s_ref, ss_ref):
    @pl.when(pl.program_id(0) == 0)
    def _():
        s_ref[...] = jnp.zeros_like(s_ref)
        ss_ref[...] = jnp.zeros_like(ss_ref)

    hn = h_ref[...] * sc_ref[:, 0:1] + sh_ref[:, 0:1]
    z = jnp.maximum(
        lax.dot_general(hn, w_ref[...], (((0,), (0,)), ((), ())),
                        preferred_element_type=F32, precision=lax.Precision.HIGHEST)
        + b_ref[0:1, :],
        0.0,
    )
    o_ref[...] = z
    s_ref[...] += jnp.broadcast_to(jnp.sum(z, axis=0, keepdims=True), (8, H))
    ss_ref[...] += jnp.broadcast_to(
        jnp.sum(z * z, axis=0, keepdims=True), (8, H))


def _layer2(h1z, scale1, shift1, w2, b2):
    return pl.pallas_call(
        _layer2_body,
        grid=(NBLK,),
        in_specs=[
            pl.BlockSpec((H, BE), lambda i: (I32(0), i)),
            pl.BlockSpec((H, 128), lambda i: (I32(0), I32(0))),
            pl.BlockSpec((H, 128), lambda i: (I32(0), I32(0))),
            pl.BlockSpec((H, H), lambda i: (I32(0), I32(0))),
            pl.BlockSpec((8, H), lambda i: (I32(0), I32(0))),
        ],
        out_specs=[
            pl.BlockSpec((BE, H), lambda i: (i, I32(0))),
            pl.BlockSpec((8, H), lambda i: (I32(0), I32(0))),
            pl.BlockSpec((8, H), lambda i: (I32(0), I32(0))),
        ],
        out_shape=[
            jax.ShapeDtypeStruct((E_PAD, H), F32),
            jax.ShapeDtypeStruct((8, H), F32),
            jax.ShapeDtypeStruct((8, H), F32),
        ],
    )(h1z, scale1, shift1, w2, b2)


def _outmlp_body(a_ref, b_ref, sca_ref, sha_ref, scb_ref, shb_ref,
                 wt_ref, wb_ref, bias_ref, z_ref, s_ref, ss_ref):
    @pl.when(pl.program_id(0) == 0)
    def _():
        s_ref[...] = jnp.zeros_like(s_ref)
        ss_ref[...] = jnp.zeros_like(ss_ref)

    a = a_ref[...] * sca_ref[0:1, :] + sha_ref[0:1, :]
    b = b_ref[...] * scb_ref[0:1, :] + shb_ref[0:1, :]
    z = jnp.maximum(
        jnp.dot(a, wt_ref[...], preferred_element_type=F32, precision=lax.Precision.HIGHEST)
        + jnp.dot(b, wb_ref[...], preferred_element_type=F32, precision=lax.Precision.HIGHEST)
        + bias_ref[0:1, :],
        0.0,
    )
    z_ref[...] = z
    s_ref[...] += jnp.broadcast_to(jnp.sum(z, axis=0, keepdims=True), (8, OUT))
    ss_ref[...] += jnp.broadcast_to(
        jnp.sum(z * z, axis=0, keepdims=True), (8, OUT))


def _outmlp(segt, segg, sca, sha, scb, shb, wt, wb, bias):
    small = pl.BlockSpec((8, H), lambda i: (I32(0), I32(0)))
    return pl.pallas_call(
        _outmlp_body,
        grid=(N // NRB,),
        in_specs=[
            pl.BlockSpec((NRB, H), lambda i: (i, I32(0))),
            pl.BlockSpec((NRB, H), lambda i: (i, I32(0))),
            small, small, small, small,
            pl.BlockSpec((H, OUT), lambda i: (I32(0), I32(0))),
            pl.BlockSpec((H, OUT), lambda i: (I32(0), I32(0))),
            pl.BlockSpec((8, OUT), lambda i: (I32(0), I32(0))),
        ],
        out_specs=[
            pl.BlockSpec((NRB, OUT), lambda i: (i, I32(0))),
            pl.BlockSpec((8, OUT), lambda i: (I32(0), I32(0))),
            pl.BlockSpec((8, OUT), lambda i: (I32(0), I32(0))),
        ],
        out_shape=[
            jax.ShapeDtypeStruct((N, OUT), F32),
            jax.ShapeDtypeStruct((8, OUT), F32),
            jax.ShapeDtypeStruct((8, OUT), F32),
        ],
    )(segt, segg, sca, sha, scb, shb, wt, wb, bias)


def _affine_body(z_ref, sc_ref, sh_ref, o_ref):
    o_ref[...] = z_ref[...] * sc_ref[0:1, :] + sh_ref[0:1, :]


def _affine(z, scale, shift):
    return pl.pallas_call(
        _affine_body,
        grid=(N // NRB,),
        in_specs=[
            pl.BlockSpec((NRB, OUT), lambda i: (i, I32(0))),
            pl.BlockSpec((8, OUT), lambda i: (I32(0), I32(0))),
            pl.BlockSpec((8, OUT), lambda i: (I32(0), I32(0))),
        ],
        out_specs=pl.BlockSpec((NRB, OUT), lambda i: (i, I32(0))),
        out_shape=jax.ShapeDtypeStruct((N, OUT), F32),
    )(z, scale, shift)



_MESH = plsc.VectorSubcoreMesh(core_axis_name="c", subcore_axis_name="s")


@functools.partial(
    pl.kernel,
    mesh=_MESH,
    compiler_params=pltpu.CompilerParams(needs_layout_passes=False),
    out_type=jax.ShapeDtypeStruct((H, E_PAD), F32),
    scratch_types=(
        [pltpu.VMEM((N,), F32)] * (2 * FPT)
        + [
            pltpu.VMEM((GCH,), jnp.int32),
            pltpu.VMEM((GCH,), jnp.int32),
            pltpu.VMEM((GCH,), F32),
        ]
        + [pltpu.VMEM((GCH,), F32)] * FPT
    ),
)
def _sc_gather(u_hbm, v_hbm, s_hbm, d_hbm, vf_hbm, out_hbm,
               u0, u1, u2, u3, v0, v1, v2, v3, sbuf, dbuf, vfbuf,
               h0, h1, h2, h3):
    utabs = (u0, u1, u2, u3)
    vtabs = (v0, v1, v2, v3)
    hbufs = (h0, h1, h2, h3)
    wid = lax.axis_index("s") * I32(2) + lax.axis_index("c")
    fg = wid // I32(2)
    half = wid % I32(2)

    frow = fg * I32(FPT)
    for f in range(FPT):
        pltpu.sync_copy(u_hbm.at[frow + I32(f)], utabs[f])
        pltpu.sync_copy(v_hbm.at[frow + I32(f)], vtabs[f])

    def chunk(_, base):
        base = pl.multiple_of(base, GCH)
        pltpu.sync_copy(s_hbm.at[pl.ds(base, GCH)], sbuf)
        pltpu.sync_copy(d_hbm.at[pl.ds(base, GCH)], dbuf)
        pltpu.sync_copy(vf_hbm.at[pl.ds(base, GCH)], vfbuf)

        def vec(_, off):
            sl = pl.ds(off, 16)
            s16 = sbuf[sl]
            d16 = dbuf[sl]
            vf16 = vfbuf[sl]
            for f in range(FPT):
                u = plsc.load_gather(utabs[f], [d16])
                v = plsc.load_gather(vtabs[f], [s16])
                hbufs[f][sl] = jnp.maximum(u + v, 0.0) * vf16
            return off + I32(16)

        lax.fori_loop(0, GCH // 16, vec, ZERO)
        for f in range(FPT):
            pltpu.sync_copy(
                hbufs[f], out_hbm.at[frow + I32(f), pl.ds(base, GCH)])
        return base + I32(GCH)

    lax.fori_loop(0, NGC, chunk, half * I32(EH))


@functools.partial(
    pl.kernel,
    mesh=_MESH,
    compiler_params=pltpu.CompilerParams(needs_layout_passes=False),
    out_type=jax.ShapeDtypeStruct((N_PAD, H), F32),
    scratch_types=[
        pltpu.VMEM((SEG,), jnp.int32),
        pltpu.VMEM((SEG,), F32),
        pltpu.VMEM((SEG + 128,), jnp.int32),
        pltpu.VMEM((SEG + 144,), jnp.int32),
        pltpu.VMEM((SEG + 144,), jnp.int32),
        pltpu.VMEM((128, 2 * H), F32),
        pltpu.VMEM((ACC_ROWS, H), F32),
        pltpu.SemaphoreType.DMA,
    ],
)
def _sc_scatter_max(d_hbm, vf_hbm, h2_hbm, out_hbm,
                    dbuf, vbuf, ebuf, lbuf, pbuf, rows, acc, sem):
    wid = lax.axis_index("s") * I32(2) + lax.axis_index("c")
    lo = pl.multiple_of(wid * I32(NPT), NPT)
    hi = lo + I32(NPT)
    iota16 = lax.iota(jnp.int32, 16)
    neg = jnp.full((16,), -jnp.inf, F32)
    ones16 = jnp.full((16,), True)

    def initrow(_, r):
        for f in range(H // 16):
            acc[r, pl.ds(16 * f, 16)] = neg
        return r + I32(1)

    lax.fori_loop(0, ACC_ROWS, initrow, ZERO)

    def seg(_, sb):
        sb = pl.multiple_of(sb, SEG)
        pltpu.sync_copy(d_hbm.at[pl.ds(sb, SEG)], dbuf)
        pltpu.sync_copy(vf_hbm.at[pl.ds(sb, SEG)], vbuf)

        def scan(_, carry):
            off, cnt = carry
            sl = pl.ds(off, 16)
            d = dbuf[sl]
            vf = vbuf[sl]
            m = (d >= lo) & (d < hi) & (vf > 0.5)
            mi = m.astype(jnp.int32)
            pos = cnt + plsc.cumsum(mi) - I32(1)
            eid = iota16 + (sb + off)
            plsc.store_scatter(ebuf, [pos],
                               lax.shift_right_logical(eid, I32(1)), mask=m)
            plsc.store_scatter(lbuf, [pos], d - lo, mask=m)
            plsc.store_scatter(pbuf, [pos], (eid & I32(1)) * I32(H), mask=m)
            return (off + I32(16), pos[15] + I32(1))

        _, cnt = lax.fori_loop(0, SEG // 16, scan, (ZERO, ZERO))

        def pad(_, p):
            idx = iota16 + p
            zero16 = jnp.zeros((16,), jnp.int32)
            plsc.store_scatter(ebuf, [idx], zero16, mask=ones16)
            plsc.store_scatter(lbuf, [idx],
                               jnp.full((16,), ACC_ROWS - 1, jnp.int32),
                               mask=ones16)
            plsc.store_scatter(pbuf, [idx], zero16, mask=ones16)
            return p + I32(16)

        lax.fori_loop(0, 8, pad, cnt)

        nch = (cnt + I32(127)) // I32(128)

        def drain(_, jb):
            jb = pl.multiple_of(jb, 128)
            cp = pltpu.async_copy(
                h2_hbm.at[ebuf.at[pl.ds(jb, 128)]], rows, sem)
            cp.wait()

            def row(_, r):
                li = lbuf[pl.ds(jb + r, 16)][0]
                po = pbuf[pl.ds(jb + r, 16)][0]
                po = pl.multiple_of(po, H)
                for f in range(H // 16):
                    sl = pl.ds(16 * f, 16)
                    acc[li, sl] = jnp.maximum(acc[li, sl],
                                              rows[r, pl.ds(po + 16 * f, 16)])
                return r + I32(1)

            nr = jnp.minimum(cnt - jb, I32(128))
            lax.fori_loop(0, nr, row, ZERO)
            return jb + I32(128)

        lax.fori_loop(0, nch, drain, ZERO)
        return sb + I32(SEG)

    lax.fori_loop(0, NSEG, seg, ZERO)
    pltpu.sync_copy(acc.at[pl.ds(0, NPT), :], out_hbm.at[pl.ds(lo, NPT), :])



def _prep(ei):
    src = ei[0].astype(jnp.int32)
    dst = ei[1].astype(jnp.int32)
    loops = jnp.arange(N, dtype=jnp.int32)
    zpad = jnp.zeros((P,), jnp.int32)
    fs = jnp.concatenate([src, loops, zpad])
    fd = jnp.concatenate([dst, loops, zpad])
    validf = jnp.concatenate([
        (src != dst).astype(F32),
        jnp.ones((N,), F32),
        jnp.zeros((P,), F32),
    ])
    return fs, fd, validf


def _bn_affine(s, ss, cnt, g, be, eps=1e-5):
    m = s / cnt
    v = ss / cnt - m * m
    scale = g / jnp.sqrt(v + eps)
    shift = be - m * scale
    return scale, shift


def _rep8(v):
    return jnp.broadcast_to(v[None, :], (8, v.shape[0])).astype(F32)


def _repc(v):
    return jnp.broadcast_to(v[:, None], (v.shape[0], 128)).astype(F32)


def kernel(x, tpl_edge_index, geo_edge_index,
           tpl_W1, tpl_b1, tpl_g1, tpl_be1, tpl_W2, tpl_b2, tpl_g2, tpl_be2,
           geo_W1, geo_b1, geo_g1, geo_be1, geo_W2, geo_b2, geo_g2, geo_be2,
           out_W, out_b, out_g, out_be):
    x = x.astype(F32)

    wcat = jnp.concatenate([
        tpl_W1[:D] - tpl_W1[D:], tpl_W1[D:],
        geo_W1[:D] - geo_W1[D:], geo_W1[D:],
    ], axis=1).astype(F32)
    bcat = _repc(jnp.concatenate([
        tpl_b1, jnp.zeros((H,), F32), geo_b1, jnp.zeros((H,), F32)]))
    uv = _node_matmul(wcat, x, bcat)
    ut, vt = uv[:H], uv[H:2 * H]
    ug, vg = uv[2 * H:3 * H], uv[3 * H:]

    outs = []
    for (u, v, ei, g1, be1, w2, b2, g2, be2) in (
        (ut, vt, tpl_edge_index, tpl_g1, tpl_be1,
         tpl_W2, tpl_b2, tpl_g2, tpl_be2),
        (ug, vg, geo_edge_index, geo_g1, geo_be1,
         geo_W2, geo_b2, geo_g2, geo_be2),
    ):
        fs, fd, validf = _prep(ei)
        h1z = _sc_gather(u, v, fs, fd, validf)
        s1, ss1, c = _h1_stats(h1z, validf.reshape(E_PAD // 128, 128))
        cnt = c[0, 0]
        scale1, shift1 = _bn_affine(s1[:, 0], ss1[:, 0], cnt,
                                    g1.astype(F32), be1.astype(F32))
        h2, s2a, ss2a = _layer2(h1z, _repc(scale1), _repc(shift1),
                                w2.astype(F32), _rep8(b2.astype(F32)))
        c2 = h2[E + N]
        ninv = np.float32(E_PAD) - cnt
        s2 = s2a[0] - ninv * c2
        ss2 = ss2a[0] - ninv * c2 * c2
        scale2, shift2 = _bn_affine(s2, ss2, cnt,
                                    g2.astype(F32), be2.astype(F32))
        seg = _sc_scatter_max(fd, validf, h2.reshape(E_PAD // 2, 2 * H))
        outs.append((seg[:N], scale2, shift2))

    (segt, sc_t, sh_t), (segg, sc_g, sh_g) = outs
    z, s, ss = _outmlp(segt, segg, _rep8(sc_t), _rep8(sh_t),
                       _rep8(sc_g), _rep8(sh_g),
                       out_W[:H].astype(F32), out_W[H:].astype(F32),
                       _rep8(out_b.astype(F32)))
    scale, shift = _bn_affine(s[0], ss[0], np.float32(N),
                              out_g.astype(F32), out_be.astype(F32))
    return _affine(z, _rep8(scale), _rep8(shift)).astype(jnp.float64)

# --- scband reference (transcript-rebuilt; emitter-appended) ---
"""Pipeline reference for scband-gcu-33165737459948 (READ-ONLY COPY).

The authoritative reference and input builder live on the scoring server;
editing this copy changes nothing except your own understanding.
"""

import jax
jax.config.update("jax_enable_x64", True)
import jax.numpy as jnp
import numpy as np

N = 10000
E = 320000
D = 128
OUT = 128
H = OUT // 2  # 64


def _lin_init(k, fan_in, fan_out):
    return jax.random.normal(k, (fan_in, fan_out), dtype=jnp.float32) * (1.0 / np.sqrt(fan_in))


def setup_inputs(seed: int = 0) -> dict:
    key = jax.random.key(seed)
    ks = jax.random.split(key, 16)
    inp = {}
    inp["x"] = jax.random.normal(ks[0], (N, D), dtype=jnp.float32)
    inp["tpl_edge_index"] = jax.random.randint(ks[1], (2, E), 0, N, dtype=jnp.int64)
    inp["geo_edge_index"] = jax.random.randint(ks[2], (2, E), 0, N, dtype=jnp.int64)
    # EdgeConv tpl branch MLP([2D, H, H]) params
    inp["tpl_W1"] = _lin_init(ks[3], 2 * D, H); inp["tpl_b1"] = jnp.zeros((H,), jnp.float32)
    inp["tpl_g1"] = jnp.ones((H,), jnp.float32); inp["tpl_be1"] = jnp.zeros((H,), jnp.float32)
    inp["tpl_W2"] = _lin_init(ks[4], H, H); inp["tpl_b2"] = jnp.zeros((H,), jnp.float32)
    inp["tpl_g2"] = jnp.ones((H,), jnp.float32); inp["tpl_be2"] = jnp.zeros((H,), jnp.float32)
    # EdgeConv geo branch
    inp["geo_W1"] = _lin_init(ks[5], 2 * D, H); inp["geo_b1"] = jnp.zeros((H,), jnp.float32)
    inp["geo_g1"] = jnp.ones((H,), jnp.float32); inp["geo_be1"] = jnp.zeros((H,), jnp.float32)
    inp["geo_W2"] = _lin_init(ks[6], H, H); inp["geo_b2"] = jnp.zeros((H,), jnp.float32)
    inp["geo_g2"] = jnp.ones((H,), jnp.float32); inp["geo_be2"] = jnp.zeros((H,), jnp.float32)
    # Final MLP([OUT, OUT])
    inp["out_W"] = _lin_init(ks[7], OUT, OUT); inp["out_b"] = jnp.zeros((OUT,), jnp.float32)
    inp["out_g"] = jnp.ones((OUT,), jnp.float32); inp["out_be"] = jnp.zeros((OUT,), jnp.float32)
    return inp


def _bn(h, g, b, eps=1e-5):
    # BatchNorm1d forward in training mode: biased batch statistics
    m = jnp.mean(h, axis=0)
    v = jnp.var(h, axis=0)
    return (h - m) / jnp.sqrt(v + eps) * g + b


def _bn_masked(h, g, b, valid, cnt, eps=1e-5):
    # BatchNorm1d forward in training mode over valid rows only: biased batch statistics
    hz = jnp.where(valid[:, None], h, 0.0)
    m = jnp.sum(hz, axis=0) / cnt
    d = jnp.where(valid[:, None], h - m, 0.0)
    v = jnp.sum(d * d, axis=0) / cnt
    return (h - m) / jnp.sqrt(v + eps) * g + b


def _prep_edges(ei):
    # remove_self_loops then add_self_loops, expressed with a fixed-shape validity mask
    src, dst = ei[0], ei[1]
    m = src != dst
    loops = jnp.arange(N, dtype=ei.dtype)
    full_src = jnp.concatenate([src, loops])
    full_dst = jnp.concatenate([dst, loops])
    valid = jnp.concatenate([m, jnp.ones((N,), dtype=bool)])
    return full_src, full_dst, valid


def _edge_conv(x, src, dst, valid, W1, b1, g1, be1, W2, b2, g2, be2):
    x_j = jnp.take(x, src, axis=0)
    x_i = jnp.take(x, dst, axis=0)
    h = jnp.concatenate([x_i, x_j - x_i], axis=1)
    cnt = jnp.sum(valid).astype(h.dtype)
    h = jax.nn.relu(h @ W1 + b1)
    h = _bn_masked(h, g1, be1, valid, cnt)
    h = jax.nn.relu(h @ W2 + b2)
    h = _bn_masked(h, g2, be2, valid, cnt)
    h = jnp.where(valid[:, None], h, -jnp.inf)
    return jax.ops.segment_max(h, dst, num_segments=N)


def reference(x, tpl_edge_index, geo_edge_index,
              tpl_W1, tpl_b1, tpl_g1, tpl_be1, tpl_W2, tpl_b2, tpl_g2, tpl_be2,
              geo_W1, geo_b1, geo_g1, geo_be1, geo_W2, geo_b2, geo_g2, geo_be2,
              out_W, out_b, out_g, out_be):
    ts, td, tv = _prep_edges(tpl_edge_index)
    gs, gd, gv = _prep_edges(geo_edge_index)
    x_tpl = _edge_conv(x, ts, td, tv, tpl_W1, tpl_b1, tpl_g1, tpl_be1, tpl_W2, tpl_b2, tpl_g2, tpl_be2)
    x_geo = _edge_conv(x, gs, gd, gv, geo_W1, geo_b1, geo_g1, geo_be1, geo_W2, geo_b2, geo_g2, geo_be2)
    x_out = jnp.concatenate([x_tpl, x_geo], axis=1)
    x_out = jax.nn.relu(x_out @ out_W + out_b)
    x_out = _bn(x_out, out_g, out_be)
    return x_out

if __name__ == "__main__":
    import jax
    _d = setup_inputs()
    print(jax.jit(kernel)(*tuple(_d.values())))

</pallas_src>

<mosaic_0001>
#map = affine_map<(d0, d1) -> (0)>
#map1 = affine_map<(d0, d1) -> (0, 0)>
module attributes {stable_mosaic.version = 14 : i64} {
  func.func @_sc_scatter_max(%arg0: i32, %arg1: i32, %arg2: memref<331776xi32, #tpu.memory_space<hbm>>, %arg3: memref<331776xf32, #tpu.memory_space<hbm>>, %arg4: memref<165888x128xf32, #tpu.memory_space<hbm>>, %arg5: memref<10240x64xf32, #tpu.memory_space<hbm>>, %arg6: memref<4096xi32, #tpu.memory_space<vmem>>, %arg7: memref<4096xf32, #tpu.memory_space<vmem>>, %arg8: memref<4224xi32, #tpu.memory_space<vmem>>, %arg9: memref<4240xi32, #tpu.memory_space<vmem>>, %arg10: memref<4240xi32, #tpu.memory_space<vmem>>, %arg11: memref<128x128xf32, #tpu.memory_space<vmem>>, %arg12: memref<328x64xf32, #tpu.memory_space<vmem>>, %arg13: memref<!tpu.dma_semaphore, #tpu.memory_space<semaphore_mem>>) attributes {dimension_semantics = [#tpu.dimension_semantics<core_parallel>, #tpu.dimension_semantics<subcore_parallel>], iteration_bounds = array<i64: 2, 16>, scalar_prefetch = 0 : i64, scratch_operands = 8 : i64, tpu.core_type = #tpu.core_type<sc_vector_subcore>, window_params = [{transform_indices = #map}, {transform_indices = #map}, {transform_indices = #map1}, {transform_indices = #map1}]} {
    %mul3A = arith.constant 2 : i32
    %mul3A_0 = arith.muli %arg1, %mul3A : i32
    %add3A = arith.addi %mul3A_0, %arg0 : i32
    %mul3A_1 = arith.constant 320 : i32
    %mul3A_2 = arith.muli %add3A, %mul3A_1 : i32
    %multiple_of3A = tpu.assume_multiple %mul3A_2, 320 : i32
    %add3A_3 = arith.constant 320 : i32
    %add3A_4 = arith.addi %multiple_of3A, %add3A_3 : i32
    %iota3A = tpu.iota {dimensions = array<i32: 0>} : vector<16xi32>
    %broadcast_in_dim3A = arith.constant 0xFF800000 : f32
    %broadcast_in_dim3A_5 = vector.broadcast %broadcast_in_dim3A : f32 to vector<16xf32>
    %broadcast_in_dim3A_6 = arith.constant true
    %broadcast_in_dim3A_7 = vector.broadcast %broadcast_in_dim3A_6 : i1 to vector<16xi1>
    %scan3A = arith.constant 0 : i32
    %scan3A_8 = arith.constant 0 : i32
    %scan3A_9 = arith.constant 328 : i32
    %scan3A_10 = arith.addi %scan3A_8, %scan3A_9 : i32
    %scan3A_11 = arith.constant 1 : i32
    %scan3A_12 = scf.for %scan3A_21 = %scan3A_8 to %scan3A_10 step %scan3A_11 iter_args(%scan3A_22 = %scan3A) -> (i32)  : i32 {
      %swap3A = arith.index_cast %scan3A_22 : i32 to index
      %swap3A_23 = arith.constant 0 : index
      %swap3A_24 = tpu.vector_load %arg12[%swap3A, %swap3A_23] {strides = array<i32>} : memref<328x64xf32, #tpu.memory_space<vmem>>, vector<16xf32>,
      tpu.vector_store %arg12[%swap3A, %swap3A_23], %broadcast_in_dim3A_5 {strides = array<i32>} : memref<328x64xf32, #tpu.memory_space<vmem>>, vector<16xf32>,
      %swap3A_25 = arith.index_cast %scan3A_22 : i32 to index
      %swap3A_26 = arith.constant 16 : index
      %swap3A_27 = tpu.vector_load %arg12[%swap3A_25, %swap3A_26] {strides = array<i32>} : memref<328x64xf32, #tpu.memory_space<vmem>>, vector<16xf32>,
      tpu.vector_store %arg12[%swap3A_25, %swap3A_26], %broadcast_in_dim3A_5 {strides = array<i32>} : memref<328x64xf32, #tpu.memory_space<vmem>>, vector<16xf32>,
      %swap3A_28 = arith.index_cast %scan3A_22 : i32 to index
      %swap3A_29 = arith.constant 32 : index
      %swap3A_30 = tpu.vector_load %arg12[%swap3A_28, %swap3A_29] {strides = array<i32>} : memref<328x64xf32, #tpu.memory_space<vmem>>, vector<16xf32>,
      tpu.vector_store %arg12[%swap3A_28, %swap3A_29], %broadcast_in_dim3A_5 {strides = array<i32>} : memref<328x64xf32, #tpu.memory_space<vmem>>, vector<16xf32>,
      %swap3A_31 = arith.index_cast %scan3A_22 : i32 to index
      %swap3A_32 = arith.constant 48 : index
      %swap3A_33 = tpu.vector_load %arg12[%swap3A_31, %swap3A_32] {strides = array<i32>} : memref<328x64xf32, #tpu.memory_space<vmem>>, vector<16xf32>,
      tpu.vector_store %arg12[%swap3A_31, %swap3A_32], %broadcast_in_dim3A_5 {strides = array<i32>} : memref<328x64xf32, #tpu.memory_space<vmem>>, vector<16xf32>,
      %add3A_34 = arith.constant 1 : i32
      %add3A_35 = arith.addi %scan3A_22, %add3A_34 : i32
      scf.yield %add3A_35 : i32
    }
    %scan3A_13 = arith.constant 328 : i32
    %scan3A_14 = arith.constant 0 : i32
    %scan3A_15 = arith.constant 0 : i32
    %scan3A_16 = arith.constant 81 : i32
    %scan3A_17 = arith.addi %scan3A_15, %scan3A_16 : i32
    %scan3A_18 = arith.constant 1 : i32
    %scan3A_19 = scf.for %scan3A_21 = %scan3A_15 to %scan3A_17 step %scan3A_18 iter_args(%scan3A_22 = %scan3A_14) -> (i32)  : i32 {
      %multiple_of3A_23 = tpu.assume_multiple %scan3A_22, 4096 : i32
      "tpu.region"() ({
        %run_scoped3A = tpu.sem_alloc : memref<!tpu.dma_semaphore, #tpu.memory_space<semaphore_mem>>
        %dma_start3A = tpu.memref_slice %arg2[%multiple_of3A_23] : memref<331776xi32, #tpu.memory_space<hbm>> -> memref<4096xi32, #tpu.memory_space<hbm>>
        %dma_start3A_69 = tpu.memref_slice %arg2[%multiple_of3A_23] : memref<331776xi32, #tpu.memory_space<hbm>> -> memref<4096xi32, #tpu.memory_space<hbm>>
        tpu.enqueue_dma source(%dma_start3A_69 : memref<4096xi32, #tpu.memory_space<hbm>>) target(%arg6 : memref<4096xi32, #tpu.memory_space<vmem>>) target_semaphore(%run_scoped3A : memref<!tpu.dma_semaphore, #tpu.memory_space<semaphore_mem>>)
        %dma_wait3A = tpu.memref_slice %arg2[%multiple_of3A_23] : memref<331776xi32, #tpu.memory_space<hbm>> -> memref<4096xi32, #tpu.memory_space<hbm>>
        %dma_wait3A_70 = tpu.memref_slice %arg2[%multiple_of3A_23] : memref<331776xi32, #tpu.memory_space<hbm>> -> memref<4096xi32, #tpu.memory_space<hbm>>
        tpu.wait_dma2 semaphore(%run_scoped3A : memref<!tpu.dma_semaphore, #tpu.memory_space<semaphore_mem>>) src(%dma_wait3A_70 : memref<4096xi32, #tpu.memory_space<hbm>>) dst(%arg6 : memref<4096xi32, #tpu.memory_space<vmem>>)
        tpu.yield
      }) : () -> ()
      "tpu.region"() ({
        %run_scoped3A = tpu.sem_alloc : memref<!tpu.dma_semaphore, #tpu.memory_space<semaphore_mem>>
        %dma_start3A = tpu.memref_slice %arg3[%multiple_of3A_23] : memref<331776xf32, #tpu.memory_space<hbm>> -> memref<4096xf32, #tpu.memory_space<hbm>>
        %dma_start3A_69 = tpu.memref_slice %arg3[%multiple_of3A_23] : memref<331776xf32, #tpu.memory_space<hbm>> -> memref<4096xf32, #tpu.memory_space<hbm>>
        tpu.enqueue_dma source(%dma_start3A_69 : memref<4096xf32, #tpu.memory_space<hbm>>) target(%arg7 : memref<4096xf32, #tpu.memory_space<vmem>>) target_semaphore(%run_scoped3A : memref<!tpu.dma_semaphore, #tpu.memory_space<semaphore_mem>>)
        %dma_wait3A = tpu.memref_slice %arg3[%multiple_of3A_23] : memref<331776xf32, #tpu.memory_space<hbm>> -> memref<4096xf32, #tpu.memory_space<hbm>>
        %dma_wait3A_70 = tpu.memref_slice %arg3[%multiple_of3A_23] : memref<331776xf32, #tpu.memory_space<hbm>> -> memref<4096xf32, #tpu.memory_space<hbm>>
        tpu.wait_dma2 semaphore(%run_scoped3A : memref<!tpu.dma_semaphore, #tpu.memory_space<semaphore_mem>>) src(%dma_wait3A_70 : memref<4096xf32, #tpu.memory_space<hbm>>) dst(%arg7 : memref<4096xf32, #tpu.memory_space<vmem>>)
        tpu.yield
      }) : () -> ()
      %scan3A_24 = arith.constant 0 : i32
      %scan3A_25 = arith.constant 0 : i32
      %scan3A_26 = arith.constant 0 : i32
      %scan3A_27 = arith.constant 256 : i32
      %scan3A_28 = arith.addi %scan3A_26, %scan3A_27 : i32
      %scan3A_29 = arith.constant 1 : i32
      %scan3A_30:2 = scf.for %scan3A_69 = %scan3A_26 to %scan3A_28 step %scan3A_29 iter_args(%scan3A_70 = %scan3A_24, %scan3A_71 = %scan3A_25) -> (i32, i32)  : i32 {
        %get3A = arith.index_cast %scan3A_70 : i32 to index
        %get3A_72 = tpu.vector_load %arg6[%get3A] {strides = array<i32>} : memref<4096xi32, #tpu.memory_space<vmem>>, vector<16xi32>,
        %get3A_73 = arith.index_cast %scan3A_70 : i32 to index
        %get3A_74 = tpu.vector_load %arg7[%get3A_73] {strides = array<i32>} : memref<4096xf32, #tpu.memory_space<vmem>>, vector<16xf32>,
        %ge3A = vector.broadcast %multiple_of3A : i32 to vector<16xi32>
        %ge3A_75 = arith.cmpi sge, %get3A_72, %ge3A : vector<16xi32>
        %lt3A = vector.broadcast %add3A_4 : i32 to vector<16xi32>
        %lt3A_76 = arith.cmpi slt, %get3A_72, %lt3A : vector<16xi32>
        %and3A_77 = arith.andi %ge3A_75, %lt3A_76 : vector<16xi1>
        %gt3A = arith.constant 5.000000e-01 : f32
        %gt3A_78 = vector.broadcast %gt3A : f32 to vector<16xf32>
        %gt3A_79 = arith.cmpf ogt, %get3A_74, %gt3A_78 : vector<16xf32>
        %and3A_80 = arith.andi %and3A_77, %gt3A_79 : vector<16xi1>
        %convert_element_type3A = arith.extui %and3A_80 : vector<16xi1> to vector<16xi32>
        %broadcast_in_dim3A_81 = arith.constant true
        %broadcast_in_dim3A_82 = vector.broadcast %broadcast_in_dim3A_81 : i1 to vector<16xi1>
        %masked_cumsum3A = tpu.scan <sum>, %convert_element_type3A masked %broadcast_in_dim3A_82 : vector<16xi32>, vector<16xi1> -> vector<16xi32>
        %add3A_83 = vector.broadcast %scan3A_71 : i32 to vector<16xi32>
        %add3A_84 = arith.addi %add3A_83, %masked_cumsum3A : vector<16xi32>
        %sub3A_85 = arith.constant 1 : i32
        %sub3A_86 = vector.broadcast %sub3A_85 : i32 to vector<16xi32>
        %sub3A_87 = arith.subi %add3A_84, %sub3A_86 : vector<16xi32>
        %add3A_88 = arith.addi %multiple_of3A_23, %scan3A_70 : i32
        %add3A_89 = vector.broadcast %add3A_88 : i32 to vector<16xi32>
        %add3A_90 = arith.addi %iota3A, %add3A_89 : vector<16xi32>
        %shift_right_logical3A = arith.constant 1 : i32
        %shift_right_logical3A_91 = vector.broadcast %shift_right_logical3A : i32 to vector<16xi32>
        %shift_right_logical3A_92 = arith.shrui %add3A_90, %shift_right_logical3A_91 : vector<16xi32>
        tpu.vector_store_idx %arg8[%sub3A_87], %shift_right_logical3A_92 masked %and3A_80 : memref<4224xi32, #tpu.memory_space<vmem>>[vector<16xi32>], vector<16xi32>, vector<16xi1>
        %sub3A_93 = vector.broadcast %multiple_of3A : i32 to vector<16xi32>
        %sub3A_94 = arith.subi %get3A_72, %sub3A_93 : vector<16xi32>
        tpu.vector_store_idx %arg9[%sub3A_87], %sub3A_94 masked %and3A_80 : memref<4240xi32, #tpu.memory_space<vmem>>[vector<16xi32>], vector<16xi32>, vector<16xi1>
        %and3A_95 = arith.constant 1 : i32
        %and3A_96 = vector.broadcast %and3A_95 : i32 to vector<16xi32>
        %and3A_97 = arith.andi %add3A_90, %and3A_96 : vector<16xi32>
        %mul3A_98 = arith.constant 64 : i32
        %mul3A_99 = vector.broadcast %mul3A_98 : i32 to vector<16xi32>
        %mul3A_100 = arith.muli %and3A_97, %mul3A_99 : vector<16xi32>
        tpu.vector_store_idx %arg10[%sub3A_87], %mul3A_100 masked %and3A_80 : memref<4240xi32, #tpu.memory_space<vmem>>[vector<16xi32>], vector<16xi32>, vector<16xi1>
        %add3A_101 = arith.constant 16 : i32
        %add3A_102 = arith.addi %scan3A_70, %add3A_101 : i32
        %slice3A = vector.extract_strided_slice %sub3A_87 {offsets = [15], sizes = [1], strides = [1]} : vector<16xi32> to vector<1xi32>
        %squeeze3A = vector.extract %slice3A[0] : i32 from vector<1xi32>
        %add3A_103 = arith.constant 1 : i32
        %add3A_104 = arith.addi %squeeze3A, %add3A_103 : i32
        scf.yield %add3A_102, %add3A_104 : i32, i32
      }
      %scan3A_31 = arith.constant 256 : i32
      %scan3A_32 = arith.constant 0 : i32
      %scan3A_33 = arith.constant 8 : i32
      %scan3A_34 = arith.addi %scan3A_32, %scan3A_33 : i32
      %scan3A_35 = arith.constant 1 : i32
      %scan3A_36 = scf.for %scan3A_69 = %scan3A_32 to %scan3A_34 step %scan3A_35 iter_args(%scan3A_70 = %scan3A_30#1) -> (i32)  : i32 {
        %add3A_71 = vector.broadcast %scan3A_70 : i32 to vector<16xi32>
        %add3A_72 = arith.addi %iota3A, %add3A_71 : vector<16xi32>
        %broadcast_in_dim3A_73 = arith.constant 0 : i32
        %broadcast_in_dim3A_74 = vector.broadcast %broadcast_in_dim3A_73 : i32 to vector<16xi32>
        tpu.vector_store_idx %arg8[%add3A_72], %broadcast_in_dim3A_74 masked %broadcast_in_dim3A_7 : memref<4224xi32, #tpu.memory_space<vmem>>[vector<16xi32>], vector<16xi32>, vector<16xi1>
        %broadcast_in_dim3A_75 = arith.constant 327 : i32
        %broadcast_in_dim3A_76 = vector.broadcast %broadcast_in_dim3A_75 : i32 to vector<16xi32>
        tpu.vector_store_idx %arg9[%add3A_72], %broadcast_in_dim3A_76 masked %broadcast_in_dim3A_7 : memref<4240xi32, #tpu.memory_space<vmem>>[vector<16xi32>], vector<16xi32>, vector<16xi1>
        tpu.vector_store_idx %arg10[%add3A_72], %broadcast_in_dim3A_74 masked %broadcast_in_dim3A_7 : memref<4240xi32, #tpu.memory_space<vmem>>[vector<16xi32>], vector<16xi32>, vector<16xi1>
        %add3A_77 = arith.constant 16 : i32
        %add3A_78 = arith.addi %scan3A_70, %add3A_77 : i32
        scf.yield %add3A_78 : i32
      }
      %scan3A_37 = arith.constant 8 : i32
      %add3A_38 = arith.constant 127 : i32
      %add3A_39 = arith.addi %scan3A_30#1, %add3A_38 : i32
      %jit3A = arith.constant 128 : i32
      %div3A = arith.divsi %add3A_39, %jit3A : i32
      %sign3A = arith.constant 0 : i32
      %sign3A_40 = arith.cmpi sgt, %add3A_39, %sign3A : i32
      %sign3A_41 = arith.extui %sign3A_40 : i1 to i32
      %sign3A_42 = arith.constant 0 : i32
      %sign3A_43 = arith.cmpi slt, %add3A_39, %sign3A_42 : i32
      %sign3A_44 = arith.extui %sign3A_43 : i1 to i32
      %sign3A_45 = arith.subi %sign3A_41, %sign3A_44 : i32
      %sign3A_46 = arith.constant 0 : i32
      %sign3A_47 = arith.cmpi sgt, %jit3A, %sign3A_46 : i32
      %sign3A_48 = arith.extui %sign3A_47 : i1 to i32
      %sign3A_49 = arith.constant 0 : i32
      %sign3A_50 = arith.cmpi slt, %jit3A, %sign3A_49 : i32
      %sign3A_51 = arith.extui %sign3A_50 : i1 to i32
      %sign3A_52 = arith.subi %sign3A_48, %sign3A_51 : i32
      %ne3A = arith.cmpi ne, %sign3A_45, %sign3A_52 : i32
      %rem3A = arith.remsi %add3A_39, %jit3A : i32
      %ne3A_53 = arith.constant 0 : i32
      %ne3A_54 = arith.cmpi ne, %rem3A, %ne3A_53 : i32
      %and3A = arith.andi %ne3A, %ne3A_54 : i1
      %sub3A = arith.constant 1 : i32
      %sub3A_55 = arith.subi %div3A, %sub3A : i32
      %select_n3A = arith.select %and3A, %sub3A_55, %div3A : i32
      %while3A = arith.constant 0 : i32
      %while3A_56 = arith.constant 0 : i32
      %while3A_57 = arith.subi %select_n3A, %while3A : i32
      %while3A_58 = arith.addi %while3A, %while3A_57 : i32
      %while3A_59 = arith.constant 1 : i32
      %while3A_60 = arith.divsi %while3A_57, %while3A_59 : i32
      %while3A_61 = arith.muli %while3A_60, %while3A_59 : i32
      %while3A_62 = arith.addi %while3A, %while3A_61 : i32
      %while3A_63 = arith.constant 1 : i32
      %while3A_64 = scf.for %while3A_69 = %while3A to %while3A_62 step %while3A_63 iter_args(%while3A_70 = %while3A_56) -> (i32)  : i32 {
        %multiple_of3A_71 = tpu.assume_multiple %while3A_70, 128 : i32
        %dma_start3A = tpu.memref_slice %arg8[%multiple_of3A_71] : memref<4224xi32, #tpu.memory_space<vmem>> -> memref<128xi32, #tpu.memory_space<vmem>>
        %dma_start3A_72 = arith.constant 0 : i32
        %dma_start3A_73 = arith.constant 0 : i32
        %dma_start3A_74 = tpu.memref_slice %arg4[%dma_start3A_72, %dma_start3A_73] : memref<165888x128xf32, #tpu.memory_space<hbm>> -> memref<165888x128xf32, #tpu.memory_space<hbm>>
        tpu.enqueue_indirect_dma source(%dma_start3A_74 : memref<165888x128xf32, #tpu.memory_space<hbm>>) target(%arg11 : memref<128x128xf32, #tpu.memory_space<vmem>>) offsets(%dma_start3A : memref<128xi32, #tpu.memory_space<vmem>>) semaphore(%arg13 : memref<!tpu.dma_semaphore, #tpu.memory_space<semaphore_mem>>)
        %dma_wait3A = tpu.memref_slice %arg8[%multiple_of3A_71] : memref<4224xi32, #tpu.memory_space<vmem>> -> memref<128xi32, #tpu.memory_space<vmem>>
        %dma_wait3A_75 = arith.constant 0 : i32
        %dma_wait3A_76 = arith.constant 0 : i32
        %dma_wait3A_77 = tpu.memref_slice %arg4[%dma_wait3A_75, %dma_wait3A_76] : memref<165888x128xf32, #tpu.memory_space<hbm>> -> memref<165888x128xf32, #tpu.memory_space<hbm>>
        tpu.wait_indirect_dma semaphore(%arg13 : memref<!tpu.dma_semaphore, #tpu.memory_space<semaphore_mem>>) src(%dma_wait3A_77 : memref<165888x128xf32, #tpu.memory_space<hbm>>) dst(%arg11 : memref<128x128xf32, #tpu.memory_space<vmem>>)
        %sub3A_78 = arith.subi %scan3A_30#1, %multiple_of3A_71 : i32
        %min3A = arith.constant 128 : i32
        %min3A_79 = arith.minsi %sub3A_78, %min3A : i32
        %while3A_80 = arith.constant 0 : i32
        %while3A_81 = arith.constant 0 : i32
        %while3A_82 = arith.subi %min3A_79, %while3A_80 : i32
        %while3A_83 = arith.addi %while3A_80, %while3A_82 : i32
        %while3A_84 = arith.constant 1 : i32
        %while3A_85 = arith.divsi %while3A_82, %while3A_84 : i32
        %while3A_86 = arith.muli %while3A_85, %while3A_84 : i32
        %while3A_87 = arith.addi %while3A_80, %while3A_86 : i32
        %while3A_88 = arith.constant 1 : i32
        %while3A_89 = scf.for %while3A_94 = %while3A_80 to %while3A_87 step %while3A_88 iter_args(%while3A_95 = %while3A_81) -> (i32)  : i32 {
          %add3A_96 = arith.addi %multiple_of3A_71, %while3A_95 : i32
          %get3A = arith.index_cast %add3A_96 : i32 to index
          %get3A_97 = tpu.vector_load %arg9[%get3A] {strides = array<i32>} : memref<4240xi32, #tpu.memory_space<vmem>>, vector<16xi32>,
          %slice3A = vector.extract_strided_slice %get3A_97 {offsets = [0], sizes = [1], strides = [1]} : vector<16xi32> to vector<1xi32>
          %squeeze3A = vector.extract %slice3A[0] : i32 from vector<1xi32>
          %add3A_98 = arith.addi %multiple_of3A_71, %while3A_95 : i32
          %get3A_99 = arith.index_cast %add3A_98 : i32 to index
          %get3A_100 = tpu.vector_load %arg10[%get3A_99] {strides = array<i32>} : memref<4240xi32, #tpu.memory_space<vmem>>, vector<16xi32>,
          %slice3A_101 = vector.extract_strided_slice %get3A_100 {offsets = [0], sizes = [1], strides = [1]} : vector<16xi32> to vector<1xi32>
          %squeeze3A_102 = vector.extract %slice3A_101[0] : i32 from vector<1xi32>
          %multiple_of3A_103 = tpu.assume_multiple %squeeze3A_102, 64 : i32
          %get3A_104 = arith.index_cast %squeeze3A : i32 to index
          %get3A_105 = arith.constant 0 : index
          %get3A_106 = tpu.vector_load %arg12[%get3A_104, %get3A_105] {strides = array<i32>} : memref<328x64xf32, #tpu.memory_space<vmem>>, vector<16xf32>,
          %add3A_107 = arith.constant 0 : i32
          %add3A_108 = arith.addi %multiple_of3A_103, %add3A_107 : i32
          %get3A_109 = arith.index_cast %while3A_95 : i32 to index
          %get3A_110 = arith.index_cast %add3A_108 : i32 to index
          %get3A_111 = tpu.vector_load %arg11[%get3A_109, %get3A_110] {strides = array<i32>} : memref<128x128xf32, #tpu.memory_space<vmem>>, vector<16xf32>,
          %max3A = arith.maximumf %get3A_106, %get3A_111 : vector<16xf32>
          %swap3A = arith.index_cast %squeeze3A : i32 to index
          %swap3A_112 = arith.constant 0 : index
          %swap3A_113 = tpu.vector_load %arg12[%swap3A, %swap3A_112] {strides = array<i32>} : memref<328x64xf32, #tpu.memory_space<vmem>>, vector<16xf32>,
          tpu.vector_store %arg12[%swap3A, %swap3A_112], %max3A {strides = array<i32>} : memref<328x64xf32, #tpu.memory_space<vmem>>, vector<16xf32>,
          %get3A_114 = arith.index_cast %squeeze3A : i32 to index
          %get3A_115 = arith.constant 16 : index
          %get3A_116 = tpu.vector_load %arg12[%get3A_114, %get3A_115] {strides = array<i32>} : memref<328x64xf32, #tpu.memory_space<vmem>>, vector<16xf32>,
          %add3A_117 = arith.constant 16 : i32
          %add3A_118 = arith.addi %multiple_of3A_103, %add3A_117 : i32
          %get3A_119 = arith.index_cast %while3A_95 : i32 to index
          %get3A_120 = arith.index_cast %add3A_118 : i32 to index
          %get3A_121 = tpu.vector_load %arg11[%get3A_119, %get3A_120] {strides = array<i32>} : memref<128x128xf32, #tpu.memory_space<vmem>>, vector<16xf32>,
          %max3A_122 = arith.maximumf %get3A_116, %get3A_121 : vector<16xf32>
          %swap3A_123 = arith.index_cast %squeeze3A : i32 to index
          %swap3A_124 = arith.constant 16 : index
          %swap3A_125 = tpu.vector_load %arg12[%swap3A_123, %swap3A_124] {strides = array<i32>} : memref<328x64xf32, #tpu.memory_space<vmem>>, vector<16xf32>,
          tpu.vector_store %arg12[%swap3A_123, %swap3A_124], %max3A_122 {strides = array<i32>} : memref<328x64xf32, #tpu.memory_space<vmem>>, vector<16xf32>,
          %get3A_126 = arith.index_cast %squeeze3A : i32 to index
          %get3A_127 = arith.constant 32 : index
          %get3A_128 = tpu.vector_load %arg12[%get3A_126, %get3A_127] {strides = array<i32>} : memref<328x64xf32, #tpu.memory_space<vmem>>, vector<16xf32>,
          %add3A_129 = arith.constant 32 : i32
          %add3A_130 = arith.addi %multiple_of3A_103, %add3A_129 : i32
          %get3A_131 = arith.index_cast %while3A_95 : i32 to index
          %get3A_132 = arith.index_cast %add3A_130 : i32 to index
          %get3A_133 = tpu.vector_load %arg11[%get3A_131, %get3A_132] {strides = array<i32>} : memref<128x128xf32, #tpu.memory_space<vmem>>, vector<16xf32>,
          %max3A_134 = arith.maximumf %get3A_128, %get3A_133 : vector<16xf32>
          %swap3A_135 = arith.index_cast %squeeze3A : i32 to index
          %swap3A_136 = arith.constant 32 : index
          %swap3A_137 = tpu.vector_load %arg12[%swap3A_135, %swap3A_136] {strides = array<i32>} : memref<328x64xf32, #tpu.memory_space<vmem>>, vector<16xf32>,
          tpu.vector_store %arg12[%swap3A_135, %swap3A_136], %max3A_134 {strides = array<i32>} : memref<328x64xf32, #tpu.memory_space<vmem>>, vector<16xf32>,
          %get3A_138 = arith.index_cast %squeeze3A : i32 to index
          %get3A_139 = arith.constant 48 : index
          %get3A_140 = tpu.vector_load %arg12[%get3A_138, %get3A_139] {strides = array<i32>} : memref<328x64xf32, #tpu.memory_space<vmem>>, vector<16xf32>,
          %add3A_141 = arith.constant 48 : i32
          %add3A_142 = arith.addi %multiple_of3A_103, %add3A_141 : i32
          %get3A_143 = arith.index_cast %while3A_95 : i32 to index
          %get3A_144 = arith.index_cast %add3A_142 : i32 to index
          %get3A_145 = tpu.vector_load %arg11[%get3A_143, %get3A_144] {strides = array<i32>} : memref<128x128xf32, #tpu.memory_space<vmem>>, vector<16xf32>,
          %max3A_146 = arith.maximumf %get3A_140, %get3A_145 : vector<16xf32>
          %swap3A_147 = arith.index_cast %squeeze3A : i32 to index
          %swap3A_148 = arith.constant 48 : index
          %swap3A_149 = tpu.vector_load %arg12[%swap3A_147, %swap3A_148] {strides = array<i32>} : memref<328x64xf32, #tpu.memory_space<vmem>>, vector<16xf32>,
          tpu.vector_store %arg12[%swap3A_147, %swap3A_148], %max3A_146 {strides = array<i32>} : memref<328x64xf32, #tpu.memory_space<vmem>>, vector<16xf32>,
          %add3A_150 = arith.constant 1 : i32
          %add3A_151 = arith.addi %while3A_95, %add3A_150 : i32
          scf.yield %add3A_151 : i32
        }
        %while3A_90 = arith.constant 1 : i32
        %while3A_91 = scf.for %while3A_94 = %while3A_87 to %while3A_83 step %while3A_90 iter_args(%while3A_95 = %while3A_89) -> (i32)  : i32 {
          %add3A_96 = arith.addi %multiple_of3A_71, %while3A_95 : i32
          %get3A = arith.index_cast %add3A_96 : i32 to index
          %get3A_97 = tpu.vector_load %arg9[%get3A] {strides = array<i32>} : memref<4240xi32, #tpu.memory_space<vmem>>, vector<16xi32>,
          %slice3A = vector.extract_strided_slice %get3A_97 {offsets = [0], sizes = [1], strides = [1]} : vector<16xi32> to vector<1xi32>
          %squeeze3A = vector.extract %slice3A[0] : i32 from vector<1xi32>
          %add3A_98 = arith.addi %multiple_of3A_71, %while3A_95 : i32
          %get3A_99 = arith.index_cast %add3A_98 : i32 to index
          %get3A_100 = tpu.vector_load %arg10[%get3A_99] {strides = array<i32>} : memref<4240xi32, #tpu.memory_space<vmem>>, vector<16xi32>,
          %slice3A_101 = vector.extract_strided_slice %get3A_100 {offsets = [0], sizes = [1], strides = [1]} : vector<16xi32> to vector<1xi32>
          %squeeze3A_102 = vector.extract %slice3A_101[0] : i32 from vector<1xi32>
          %multiple_of3A_103 = tpu.assume_multiple %squeeze3A_102, 64 : i32
          %get3A_104 = arith.index_cast %squeeze3A : i32 to index
          %get3A_105 = arith.constant 0 : index
          %get3A_106 = tpu.vector_load %arg12[%get3A_104, %get3A_105] {strides = array<i32>} : memref<328x64xf32, #tpu.memory_space<vmem>>, vector<16xf32>,
          %add3A_107 = arith.constant 0 : i32
          %add3A_108 = arith.addi %multiple_of3A_103, %add3A_107 : i32
          %get3A_109 = arith.index_cast %while3A_95 : i32 to index
          %get3A_110 = arith.index_cast %add3A_108 : i32 to index
          %get3A_111 = tpu.vector_load %arg11[%get3A_109, %get3A_110] {strides = array<i32>} : memref<128x128xf32, #tpu.memory_space<vmem>>, vector<16xf32>,
          %max3A = arith.maximumf %get3A_106, %get3A_111 : vector<16xf32>
          %swap3A = arith.index_cast %squeeze3A : i32 to index
          %swap3A_112 = arith.constant 0 : index
          %swap3A_113 = tpu.vector_load %arg12[%swap3A, %swap3A_112] {strides = array<i32>} : memref<328x64xf32, #tpu.memory_space<vmem>>, vector<16xf32>,
          tpu.vector_store %arg12[%swap3A, %swap3A_112], %max3A {strides = array<i32>} : memref<328x64xf32, #tpu.memory_space<vmem>>, vector<16xf32>,
          %get3A_114 = arith.index_cast %squeeze3A : i32 to index
          %get3A_115 = arith.constant 16 : index
          %get3A_116 = tpu.vector_load %arg12[%get3A_114, %get3A_115] {strides = array<i32>} : memref<328x64xf32, #tpu.memory_space<vmem>>, vector<16xf32>,
          %add3A_117 = arith.constant 16 : i32
          %add3A_118 = arith.addi %multiple_of3A_103, %add3A_117 : i32
          %get3A_119 = arith.index_cast %while3A_95 : i32 to index
          %get3A_120 = arith.index_cast %add3A_118 : i32 to index
          %get3A_121 = tpu.vector_load %arg11[%get3A_119, %get3A_120] {strides = array<i32>} : memref<128x128xf32, #tpu.memory_space<vmem>>, vector<16xf32>,
          %max3A_122 = arith.maximumf %get3A_116, %get3A_121 : vector<16xf32>
          %swap3A_123 = arith.index_cast %squeeze3A : i32 to index
          %swap3A_124 = arith.constant 16 : index
          %swap3A_125 = tpu.vector_load %arg12[%swap3A_123, %swap3A_124] {strides = array<i32>} : memref<328x64xf32, #tpu.memory_space<vmem>>, vector<16xf32>,
          tpu.vector_store %arg12[%swap3A_123, %swap3A_124], %max3A_122 {strides = array<i32>} : memref<328x64xf32, #tpu.memory_space<vmem>>, vector<16xf32>,
          %get3A_126 = arith.index_cast %squeeze3A : i32 to index
          %get3A_127 = arith.constant 32 : index
          %get3A_128 = tpu.vector_load %arg12[%get3A_126, %get3A_127] {strides = array<i32>} : memref<328x64xf32, #tpu.memory_space<vmem>>, vector<16xf32>,
          %add3A_129 = arith.constant 32 : i32
          %add3A_130 = arith.addi %multiple_of3A_103, %add3A_129 : i32
          %get3A_131 = arith.index_cast %while3A_95 : i32 to index
          %get3A_132 = arith.index_cast %add3A_130 : i32 to index
          %get3A_133 = tpu.vector_load %arg11[%get3A_131, %get3A_132] {strides = array<i32>} : memref<128x128xf32, #tpu.memory_space<vmem>>, vector<16xf32>,
          %max3A_134 = arith.maximumf %get3A_128, %get3A_133 : vector<16xf32>
          %swap3A_135 = arith.index_cast %squeeze3A : i32 to index
          %swap3A_136 = arith.constant 32 : index
          %swap3A_137 = tpu.vector_load %arg12[%swap3A_135, %swap3A_136] {strides = array<i32>} : memref<328x64xf32, #tpu.memory_space<vmem>>, vector<16xf32>,
          tpu.vector_store %arg12[%swap3A_135, %swap3A_136], %max3A_134 {strides = array<i32>} : memref<328x64xf32, #tpu.memory_space<vmem>>, vector<16xf32>,
          %get3A_138 = arith.index_cast %squeeze3A : i32 to index
          %get3A_139 = arith.constant 48 : index
          %get3A_140 = tpu.vector_load %arg12[%get3A_138, %get3A_139] {strides = array<i32>} : memref<328x64xf32, #tpu.memory_space<vmem>>, vector<16xf32>,
          %add3A_141 = arith.constant 48 : i32
          %add3A_142 = arith.addi %multiple_of3A_103, %add3A_141 : i32
          %get3A_143 = arith.index_cast %while3A_95 : i32 to index
          %get3A_144 = arith.index_cast %add3A_142 : i32 to index
          %get3A_145 = tpu.vector_load %arg11[%get3A_143, %get3A_144] {strides = array<i32>} : memref<128x128xf32, #tpu.memory_space<vmem>>, vector<16xf32>,
          %max3A_146 = arith.maximumf %get3A_140, %get3A_145 : vector<16xf32>
          %swap3A_147 = arith.index_cast %squeeze3A : i32 to index
          %swap3A_148 = arith.constant 48 : index
          %swap3A_149 = tpu.vector_load %arg12[%swap3A_147, %swap3A_148] {strides = array<i32>} : memref<328x64xf32, #tpu.memory_space<vmem>>, vector<16xf32>,
          tpu.vector_store %arg12[%swap3A_147, %swap3A_148], %max3A_146 {strides = array<i32>} : memref<328x64xf32, #tpu.memory_space<vmem>>, vector<16xf32>,
          %add3A_150 = arith.constant 1 : i32
          %add3A_151 = arith.addi %while3A_95, %add3A_150 : i32
          scf.yield %add3A_151 : i32
        }
        %add3A_92 = arith.constant 128 : i32
        %add3A_93 = arith.addi %multiple_of3A_71, %add3A_92 : i32
        scf.yield %add3A_93 : i32
      }
      %while3A_65 = arith.constant 1 : i32
      %while3A_66 = scf.for %while3A_69 = %while3A_62 to %while3A_58 step %while3A_65 iter_args(%while3A_70 = %while3A_64) -> (i32)  : i32 {
        %multiple_of3A_71 = tpu.assume_multiple %while3A_70, 128 : i32
        %dma_start3A = tpu.memref_slice %arg8[%multiple_of3A_71] : memref<4224xi32, #tpu.memory_space<vmem>> -> memref<128xi32, #tpu.memory_space<vmem>>
        %dma_start3A_72 = arith.constant 0 : i32
        %dma_start3A_73 = arith.constant 0 : i32
        %dma_start3A_74 = tpu.memref_slice %arg4[%dma_start3A_72, %dma_start3A_73] : memref<165888x128xf32, #tpu.memory_space<hbm>> -> memref<165888x128xf32, #tpu.memory_space<hbm>>
        tpu.enqueue_indirect_dma source(%dma_start3A_74 : memref<165888x128xf32, #tpu.memory_space<hbm>>) target(%arg11 : memref<128x128xf32, #tpu.memory_space<vmem>>) offsets(%dma_start3A : memref<128xi32, #tpu.memory_space<vmem>>) semaphore(%arg13 : memref<!tpu.dma_semaphore, #tpu.memory_space<semaphore_mem>>)
        %dma_wait3A = tpu.memref_slice %arg8[%multiple_of3A_71] : memref<4224xi32, #tpu.memory_space<vmem>> -> memref<128xi32, #tpu.memory_space<vmem>>
        %dma_wait3A_75 = arith.constant 0 : i32
        %dma_wait3A_76 = arith.constant 0 : i32
        %dma_wait3A_77 = tpu.memref_slice %arg4[%dma_wait3A_75, %dma_wait3A_76] : memref<165888x128xf32, #tpu.memory_space<hbm>> -> memref<165888x128xf32, #tpu.memory_space<hbm>>
        tpu.wait_indirect_dma semaphore(%arg13 : memref<!tpu.dma_semaphore, #tpu.memory_space<semaphore_mem>>) src(%dma_wait3A_77 : memref<165888x128xf32, #tpu.memory_space<hbm>>) dst(%arg11 : memref<128x128xf32, #tpu.memory_space<vmem>>)
        %sub3A_78 = arith.subi %scan3A_30#1, %multiple_of3A_71 : i32
        %min3A = arith.constant 128 : i32
        %min3A_79 = arith.minsi %sub3A_78, %min3A : i32
        %while3A_80 = arith.constant 0 : i32
        %while3A_81 = arith.constant 0 : i32
        %while3A_82 = arith.subi %min3A_79, %while3A_80 : i32
        %while3A_83 = arith.addi %while3A_80, %while3A_82 : i32
        %while3A_84 = arith.constant 1 : i32
        %while3A_85 = arith.divsi %while3A_82, %while3A_84 : i32
        %while3A_86 = arith.muli %while3A_85, %while3A_84 : i32
        %while3A_87 = arith.addi %while3A_80, %while3A_86 : i32
        %while3A_88 = arith.constant 1 : i32
        %while3A_89 = scf.for %while3A_94 = %while3A_80 to %while3A_87 step %while3A_88 iter_args(%while3A_95 = %while3A_81) -> (i32)  : i32 {
          %add3A_96 = arith.addi %multiple_of3A_71, %while3A_95 : i32
          %get3A = arith.index_cast %add3A_96 : i32 to index
          %get3A_97 = tpu.vector_load %arg9[%get3A] {strides = array<i32>} : memref<4240xi32, #tpu.memory_space<vmem>>, vector<16xi32>,
          %slice3A = vector.extract_strided_slice %get3A_97 {offsets = [0], sizes = [1], strides = [1]} : vector<16xi32> to vector<1xi32>
          %squeeze3A = vector.extract %slice3A[0] : i32 from vector<1xi32>
          %add3A_98 = arith.addi %multiple_of3A_71, %while3A_95 : i32
          %get3A_99 = arith.index_cast %add3A_98 : i32 to index
          %get3A_100 = tpu.vector_load %arg10[%get3A_99] {strides = array<i32>} : memref<4240xi32, #tpu.memory_space<vmem>>, vector<16xi32>,
          %slice3A_101 = vector.extract_strided_slice %get3A_100 {offsets = [0], sizes = [1], strides = [1]} : vector<16xi32> to vector<1xi32>
          %squeeze3A_102 = vector.extract %slice3A_101[0] : i32 from vector<1xi32>
          %multiple_of3A_103 = tpu.assume_multiple %squeeze3A_102, 64 : i32
          %get3A_104 = arith.index_cast %squeeze3A : i32 to index
          %get3A_105 = arith.constant 0 : index
          %get3A_106 = tpu.vector_load %arg12[%get3A_104, %get3A_105] {strides = array<i32>} : memref<328x64xf32, #tpu.memory_space<vmem>>, vector<16xf32>,
          %add3A_107 = arith.constant 0 : i32
          %add3A_108 = arith.addi %multiple_of3A_103, %add3A_107 : i32
          %get3A_109 = arith.index_cast %while3A_95 : i32 to index
          %get3A_110 = arith.index_cast %add3A_108 : i32 to index
          %get3A_111 = tpu.vector_load %arg11[%get3A_109, %get3A_110] {strides = array<i32>} : memref<128x128xf32, #tpu.memory_space<vmem>>, vector<16xf32>,
          %max3A = arith.maximumf %get3A_106, %get3A_111 : vector<16xf32>
          %swap3A = arith.index_cast %squeeze3A : i32 to index
          %swap3A_112 = arith.constant 0 : index
          %swap3A_113 = tpu.vector_load %arg12[%swap3A, %swap3A_112] {strides = array<i32>} : memref<328x64xf32, #tpu.memory_space<vmem>>, vector<16xf32>,
          tpu.vector_store %arg12[%swap3A, %swap3A_112], %max3A {strides = array<i32>} : memref<328x64xf32, #tpu.memory_space<vmem>>, vector<16xf32>,
          %get3A_114 = arith.index_cast %squeeze3A : i32 to index
          %get3A_115 = arith.constant 16 : index
          %get3A_116 = tpu.vector_load %arg12[%get3A_114, %get3A_115] {strides = array<i32>} : memref<328x64xf32, #tpu.memory_space<vmem>>, vector<16xf32>,
          %add3A_117 = arith.constant 16 : i32
          %add3A_118 = arith.addi %multiple_of3A_103, %add3A_117 : i32
          %get3A_119 = arith.index_cast %while3A_95 : i32 to index
          %get3A_120 = arith.index_cast %add3A_118 : i32 to index
          %get3A_121 = tpu.vector_load %arg11[%get3A_119, %get3A_120] {strides = array<i32>} : memref<128x128xf32, #tpu.memory_space<vmem>>, vector<16xf32>,
          %max3A_122 = arith.maximumf %get3A_116, %get3A_121 : vector<16xf32>
          %swap3A_123 = arith.index_cast %squeeze3A : i32 to index
          %swap3A_124 = arith.constant 16 : index
          %swap3A_125 = tpu.vector_load %arg12[%swap3A_123, %swap3A_124] {strides = array<i32>} : memref<328x64xf32, #tpu.memory_space<vmem>>, vector<16xf32>,
          tpu.vector_store %arg12[%swap3A_123, %swap3A_124], %max3A_122 {strides = array<i32>} : memref<328x64xf32, #tpu.memory_space<vmem>>, vector<16xf32>,
          %get3A_126 = arith.index_cast %squeeze3A : i32 to index
          %get3A_127 = arith.constant 32 : index
          %get3A_128 = tpu.vector_load %arg12[%get3A_126, %get3A_127] {strides = array<i32>} : memref<328x64xf32, #tpu.memory_space<vmem>>, vector<16xf32>,
          %add3A_129 = arith.constant 32 : i32
          %add3A_130 = arith.addi %multiple_of3A_103, %add3A_129 : i32
          %get3A_131 = arith.index_cast %while3A_95 : i32 to index
          %get3A_132 = arith.index_cast %add3A_130 : i32 to index
          %get3A_133 = tpu.vector_load %arg11[%get3A_131, %get3A_132] {strides = array<i32>} : memref<128x128xf32, #tpu.memory_space<vmem>>, vector<16xf32>,
          %max3A_134 = arith.maximumf %get3A_128, %get3A_133 : vector<16xf32>
          %swap3A_135 = arith.index_cast %squeeze3A : i32 to index
          %swap3A_136 = arith.constant 32 : index
          %swap3A_137 = tpu.vector_load %arg12[%swap3A_135, %swap3A_136] {strides = array<i32>} : memref<328x64xf32, #tpu.memory_space<vmem>>, vector<16xf32>,
          tpu.vector_store %arg12[%swap3A_135, %swap3A_136], %max3A_134 {strides = array<i32>} : memref<328x64xf32, #tpu.memory_space<vmem>>, vector<16xf32>,
          %get3A_138 = arith.index_cast %squeeze3A : i32 to index
          %get3A_139 = arith.constant 48 : index
          %get3A_140 = tpu.vector_load %arg12[%get3A_138, %get3A_139] {strides = array<i32>} : memref<328x64xf32, #tpu.memory_space<vmem>>, vector<16xf32>,
          %add3A_141 = arith.constant 48 : i32
          %add3A_142 = arith.addi %multiple_of3A_103, %add3A_141 : i32
          %get3A_143 = arith.index_cast %while3A_95 : i32 to index
          %get3A_144 = arith.index_cast %add3A_142 : i32 to index
          %get3A_145 = tpu.vector_load %arg11[%get3A_143, %get3A_144] {strides = array<i32>} : memref<128x128xf32, #tpu.memory_space<vmem>>, vector<16xf32>,
          %max3A_146 = arith.maximumf %get3A_140, %get3A_145 : vector<16xf32>
          %swap3A_147 = arith.index_cast %squeeze3A : i32 to index
          %swap3A_148 = arith.constant 48 : index
          %swap3A_149 = tpu.vector_load %arg12[%swap3A_147, %swap3A_148] {strides = array<i32>} : memref<328x64xf32, #tpu.memory_space<vmem>>, vector<16xf32>,
          tpu.vector_store %arg12[%swap3A_147, %swap3A_148], %max3A_146 {strides = array<i32>} : memref<328x64xf32, #tpu.memory_space<vmem>>, vector<16xf32>,
          %add3A_150 = arith.constant 1 : i32
          %add3A_151 = arith.addi %while3A_95, %add3A_150 : i32
          scf.yield %add3A_151 : i32
        }
        %while3A_90 = arith.constant 1 : i32
        %while3A_91 = scf.for %while3A_94 = %while3A_87 to %while3A_83 step %while3A_90 iter_args(%while3A_95 = %while3A_89) -> (i32)  : i32 {
          %add3A_96 = arith.addi %multiple_of3A_71, %while3A_95 : i32
          %get3A = arith.index_cast %add3A_96 : i32 to index
          %get3A_97 = tpu.vector_load %arg9[%get3A] {strides = array<i32>} : memref<4240xi32, #tpu.memory_space<vmem>>, vector<16xi32>,
          %slice3A = vector.extract_strided_slice %get3A_97 {offsets = [0], sizes = [1], strides = [1]} : vector<16xi32> to vector<1xi32>
          %squeeze3A = vector.extract %slice3A[0] : i32 from vector<1xi32>
          %add3A_98 = arith.addi %multiple_of3A_71, %while3A_95 : i32
          %get3A_99 = arith.index_cast %add3A_98 : i32 to index
          %get3A_100 = tpu.vector_load %arg10[%get3A_99] {strides = array<i32>} : memref<4240xi32, #tpu.memory_space<vmem>>, vector<16xi32>,
          %slice3A_101 = vector.extract_strided_slice %get3A_100 {offsets = [0], sizes = [1], strides = [1]} : vector<16xi32> to vector<1xi32>
          %squeeze3A_102 = vector.extract %slice3A_101[0] : i32 from vector<1xi32>
          %multiple_of3A_103 = tpu.assume_multiple %squeeze3A_102, 64 : i32
          %get3A_104 = arith.index_cast %squeeze3A : i32 to index
          %get3A_105 = arith.constant 0 : index
          %get3A_106 = tpu.vector_load %arg12[%get3A_104, %get3A_105] {strides = array<i32>} : memref<328x64xf32, #tpu.memory_space<vmem>>, vector<16xf32>,
          %add3A_107 = arith.constant 0 : i32
          %add3A_108 = arith.addi %multiple_of3A_103, %add3A_107 : i32
          %get3A_109 = arith.index_cast %while3A_95 : i32 to index
          %get3A_110 = arith.index_cast %add3A_108 : i32 to index
          %get3A_111 = tpu.vector_load %arg11[%get3A_109, %get3A_110] {strides = array<i32>} : memref<128x128xf32, #tpu.memory_space<vmem>>, vector<16xf32>,
          %max3A = arith.maximumf %get3A_106, %get3A_111 : vector<16xf32>
          %swap3A = arith.index_cast %squeeze3A : i32 to index
          %swap3A_112 = arith.constant 0 : index
          %swap3A_113 = tpu.vector_load %arg12[%swap3A, %swap3A_112] {strides = array<i32>} : memref<328x64xf32, #tpu.memory_space<vmem>>, vector<16xf32>,
          tpu.vector_store %arg12[%swap3A, %swap3A_112], %max3A {strides = array<i32>} : memref<328x64xf32, #tpu.memory_space<vmem>>, vector<16xf32>,
          %get3A_114 = arith.index_cast %squeeze3A : i32 to index
          %get3A_115 = arith.constant 16 : index
          %get3A_116 = tpu.vector_load %arg12[%get3A_114, %get3A_115] {strides = array<i32>} : memref<328x64xf32, #tpu.memory_space<vmem>>, vector<16xf32>,
          %add3A_117 = arith.constant 16 : i32
          %add3A_118 = arith.addi %multiple_of3A_103, %add3A_117 : i32
          %get3A_119 = arith.index_cast %while3A_95 : i32 to index
          %get3A_120 = arith.index_cast %add3A_118 : i32 to index
          %get3A_121 = tpu.vector_load %arg11[%get3A_119, %get3A_120] {strides = array<i32>} : memref<128x128xf32, #tpu.memory_space<vmem>>, vector<16xf32>,
          %max3A_122 = arith.maximumf %get3A_116, %get3A_121 : vector<16xf32>
          %swap3A_123 = arith.index_cast %squeeze3A : i32 to index
          %swap3A_124 = arith.constant 16 : index
          %swap3A_125 = tpu.vector_load %arg12[%swap3A_123, %swap3A_124] {strides = array<i32>} : memref<328x64xf32, #tpu.memory_space<vmem>>, vector<16xf32>,
          tpu.vector_store %arg12[%swap3A_123, %swap3A_124], %max3A_122 {strides = array<i32>} : memref<328x64xf32, #tpu.memory_space<vmem>>, vector<16xf32>,
          %get3A_126 = arith.index_cast %squeeze3A : i32 to index
          %get3A_127 = arith.constant 32 : index
          %get3A_128 = tpu.vector_load %arg12[%get3A_126, %get3A_127] {strides = array<i32>} : memref<328x64xf32, #tpu.memory_space<vmem>>, vector<16xf32>,
          %add3A_129 = arith.constant 32 : i32
          %add3A_130 = arith.addi %multiple_of3A_103, %add3A_129 : i32
          %get3A_131 = arith.index_cast %while3A_95 : i32 to index
          %get3A_132 = arith.index_cast %add3A_130 : i32 to index
          %get3A_133 = tpu.vector_load %arg11[%get3A_131, %get3A_132] {strides = array<i32>} : memref<128x128xf32, #tpu.memory_space<vmem>>, vector<16xf32>,
          %max3A_134 = arith.maximumf %get3A_128, %get3A_133 : vector<16xf32>
          %swap3A_135 = arith.index_cast %squeeze3A : i32 to index
          %swap3A_136 = arith.constant 32 : index
          %swap3A_137 = tpu.vector_load %arg12[%swap3A_135, %swap3A_136] {strides = array<i32>} : memref<328x64xf32, #tpu.memory_space<vmem>>, vector<16xf32>,
          tpu.vector_store %arg12[%swap3A_135, %swap3A_136], %max3A_134 {strides = array<i32>} : memref<328x64xf32, #tpu.memory_space<vmem>>, vector<16xf32>,
          %get3A_138 = arith.index_cast %squeeze3A : i32 to index
          %get3A_139 = arith.constant 48 : index
          %get3A_140 = tpu.vector_load %arg12[%get3A_138, %get3A_139] {strides = array<i32>} : memref<328x64xf32, #tpu.memory_space<vmem>>, vector<16xf32>,
          %add3A_141 = arith.constant 48 : i32
          %add3A_142 = arith.addi %multiple_of3A_103, %add3A_141 : i32
          %get3A_143 = arith.index_cast %while3A_95 : i32 to index
          %get3A_144 = arith.index_cast %add3A_142 : i32 to index
          %get3A_145 = tpu.vector_load %arg11[%get3A_143, %get3A_144] {strides = array<i32>} : memref<128x128xf32, #tpu.memory_space<vmem>>, vector<16xf32>,
          %max3A_146 = arith.maximumf %get3A_140, %get3A_145 : vector<16xf32>
          %swap3A_147 = arith.index_cast %squeeze3A : i32 to index
          %swap3A_148 = arith.constant 48 : index
          %swap3A_149 = tpu.vector_load %arg12[%swap3A_147, %swap3A_148] {strides = array<i32>} : memref<328x64xf32, #tpu.memory_space<vmem>>, vector<16xf32>,
          tpu.vector_store %arg12[%swap3A_147, %swap3A_148], %max3A_146 {strides = array<i32>} : memref<328x64xf32, #tpu.memory_space<vmem>>, vector<16xf32>,
          %add3A_150 = arith.constant 1 : i32
          %add3A_151 = arith.addi %while3A_95, %add3A_150 : i32
          scf.yield %add3A_151 : i32
        }
        %add3A_92 = arith.constant 128 : i32
        %add3A_93 = arith.addi %multiple_of3A_71, %add3A_92 : i32
        scf.yield %add3A_93 : i32
      }
      %add3A_67 = arith.constant 4096 : i32
      %add3A_68 = arith.addi %multiple_of3A_23, %add3A_67 : i32
      scf.yield %add3A_68 : i32
    }
    %scan3A_20 = arith.constant 81 : i32
    "tpu.region"() ({
      %run_scoped3A = tpu.sem_alloc : memref<!tpu.dma_semaphore, #tpu.memory_space<semaphore_mem>>
      %dma_start3A = arith.constant 0 : i32
      %dma_start3A_21 = arith.constant 0 : i32
      %dma_start3A_22 = tpu.memref_slice %arg12[%dma_start3A, %dma_start3A_21] : memref<328x64xf32, #tpu.memory_space<vmem>> -> memref<320x64xf32, #tpu.memory_space<vmem>>
      %dma_start3A_23 = arith.constant 0 : i32
      %dma_start3A_24 = tpu.memref_slice %arg5[%multiple_of3A, %dma_start3A_23] : memref<10240x64xf32, #tpu.memory_space<hbm>> -> memref<320x64xf32, #tpu.memory_space<hbm>>
      %dma_start3A_25 = arith.constant 0 : i32
      %dma_start3A_26 = tpu.memref_slice %arg5[%multiple_of3A, %dma_start3A_25] : memref<10240x64xf32, #tpu.memory_space<hbm>> -> memref<320x64xf32, #tpu.memory_space<hbm>>
      %dma_start3A_27 = arith.constant 0 : i32
      %dma_start3A_28 = arith.constant 0 : i32
      %dma_start3A_29 = tpu.memref_slice %arg12[%dma_start3A_27, %dma_start3A_28] : memref<328x64xf32, #tpu.memory_space<vmem>> -> memref<320x64xf32, #tpu.memory_space<vmem>>
      tpu.enqueue_dma source(%dma_start3A_29 : memref<320x64xf32, #tpu.memory_space<vmem>>) target(%dma_start3A_26 : memref<320x64xf32, #tpu.memory_space<hbm>>) target_semaphore(%run_scoped3A : memref<!tpu.dma_semaphore, #tpu.memory_space<semaphore_mem>>)
      %dma_wait3A = arith.constant 0 : i32
      %dma_wait3A_30 = arith.constant 0 : i32
      %dma_wait3A_31 = tpu.memref_slice %arg12[%dma_wait3A, %dma_wait3A_30] : memref<328x64xf32, #tpu.memory_space<vmem>> -> memref<320x64xf32, #tpu.memory_space<vmem>>
      %dma_wait3A_32 = arith.constant 0 : i32
      %dma_wait3A_33 = tpu.memref_slice %arg5[%multiple_of3A, %dma_wait3A_32] : memref<10240x64xf32, #tpu.memory_space<hbm>> -> memref<320x64xf32, #tpu.memory_space<hbm>>
      %dma_wait3A_34 = arith.constant 0 : i32
      %dma_wait3A_35 = tpu.memref_slice %arg5[%multiple_of3A, %dma_wait3A_34] : memref<10240x64xf32, #tpu.memory_space<hbm>> -> memref<320x64xf32, #tpu.memory_space<hbm>>
      %dma_wait3A_36 = arith.constant 0 : i32
      %dma_wait3A_37 = arith.constant 0 : i32
      %dma_wait3A_38 = tpu.memref_slice %arg12[%dma_wait3A_36, %dma_wait3A_37] : memref<328x64xf32, #tpu.memory_space<vmem>> -> memref<320x64xf32, #tpu.memory_space<vmem>>
      tpu.wait_dma2 semaphore(%run_scoped3A : memref<!tpu.dma_semaphore, #tpu.memory_space<semaphore_mem>>) src(%dma_wait3A_38 : memref<320x64xf32, #tpu.memory_space<vmem>>) dst(%dma_wait3A_35 : memref<320x64xf32, #tpu.memory_space<hbm>>)
      tpu.yield
    }) : () -> ()
    return
  }
}

#map = affine_map<(d0, d1) -> (0, 0)>
#map1 = affine_map<(d0, d1) -> (0)>
module attributes {stable_mosaic.version = 14 : i64} {
  func.func @_sc_gather(%arg0: i32, %arg1: i32, %arg2: memref<64x10000xf32, #tpu.memory_space<hbm>>, %arg3: memref<64x10000xf32, #tpu.memory_space<hbm>>, %arg4: memref<331776xi32, #tpu.memory_space<hbm>>, %arg5: memref<331776xi32, #tpu.memory_space<hbm>>, %arg6: memref<331776xf32, #tpu.memory_space<hbm>>, %arg7: memref<64x331776xf32, #tpu.memory_space<hbm>>, %arg8: memref<10000xf32, #tpu.memory_space<vmem>>, %arg9: memref<10000xf32, #tpu.memory_space<vmem>>, %arg10: memref<10000xf32, #tpu.memory_space<vmem>>, %arg11: memref<10000xf32, #tpu.memory_space<vmem>>, %arg12: memref<10000xf32, #tpu.memory_space<vmem>>, %arg13: memref<10000xf32, #tpu.memory_space<vmem>>, %arg14: memref<10000xf32, #tpu.memory_space<vmem>>, %arg15: memref<10000xf32, #tpu.memory_space<vmem>>, %arg16: memref<2048xi32, #tpu.memory_space<vmem>>, %arg17: memref<2048xi32, #tpu.memory_space<vmem>>, %arg18: memref<2048xf32, #tpu.memory_space<vmem>>, %arg19: memref<2048xf32, #tpu.memory_space<vmem>>, %arg20: memref<2048xf32, #tpu.memory_space<vmem>>, %arg21: memref<2048xf32, #tpu.memory_space<vmem>>, %arg22: memref<2048xf32, #tpu.memory_space<vmem>>) attributes {dimension_semantics = [#tpu.dimension_semantics<core_parallel>, #tpu.dimension_semantics<subcore_parallel>], iteration_bounds = array<i64: 2, 16>, scalar_prefetch = 0 : i64, scratch_operands = 15 : i64, tpu.core_type = #tpu.core_type<sc_vector_subcore>, window_params = [{transform_indices = #map}, {transform_indices = #map}, {transform_indices = #map1}, {transform_indices = #map1}, {transform_indices = #map1}, {transform_indices = #map}]} {
    %mul3A = arith.constant 2 : i32
    %mul3A_0 = arith.muli %arg1, %mul3A : i32
    %add3A = arith.addi %mul3A_0, %arg0 : i32
    %jit3A = arith.constant 2 : i32
    %div3A = arith.divsi %add3A, %jit3A : i32
    %sign3A = arith.constant 0 : i32
    %sign3A_1 = arith.cmpi sgt, %add3A, %sign3A : i32
    %sign3A_2 = arith.extui %sign3A_1 : i1 to i32
    %sign3A_3 = arith.constant 0 : i32
    %sign3A_4 = arith.cmpi slt, %add3A, %sign3A_3 : i32
    %sign3A_5 = arith.extui %sign3A_4 : i1 to i32
    %sign3A_6 = arith.subi %sign3A_2, %sign3A_5 : i32
    %sign3A_7 = arith.constant 0 : i32
    %sign3A_8 = arith.cmpi sgt, %jit3A, %sign3A_7 : i32
    %sign3A_9 = arith.extui %sign3A_8 : i1 to i32
    %sign3A_10 = arith.constant 0 : i32
    %sign3A_11 = arith.cmpi slt, %jit3A, %sign3A_10 : i32
    %sign3A_12 = arith.extui %sign3A_11 : i1 to i32
    %sign3A_13 = arith.subi %sign3A_9, %sign3A_12 : i32
    %ne3A = arith.cmpi ne, %sign3A_6, %sign3A_13 : i32
    %rem3A = arith.remsi %add3A, %jit3A : i32
    %ne3A_14 = arith.constant 0 : i32
    %ne3A_15 = arith.cmpi ne, %rem3A, %ne3A_14 : i32
    %and3A = arith.andi %ne3A, %ne3A_15 : i1
    %sub3A = arith.constant 1 : i32
    %sub3A_16 = arith.subi %div3A, %sub3A : i32
    %select_n3A = arith.select %and3A, %sub3A_16, %div3A : i32
    %jit3A_17 = arith.constant 2 : i32
    %eq3A = arith.constant 0 : i32
    %eq3A_18 = arith.cmpi eq, %jit3A_17, %eq3A : i32
    %jit3A_19 = arith.constant 1 : i32
    %select_n3A_20 = arith.select %eq3A_18, %jit3A_19, %jit3A_17 : i32
    %rem3A_21 = arith.remsi %add3A, %select_n3A_20 : i32
    %ne3A_22 = arith.constant 0 : i32
    %ne3A_23 = arith.cmpi ne, %rem3A_21, %ne3A_22 : i32
    %lt3A = arith.constant 0 : i32
    %lt3A_24 = arith.cmpi slt, %rem3A_21, %lt3A : i32
    %lt3A_25 = arith.constant 0 : i32
    %lt3A_26 = arith.cmpi slt, %select_n3A_20, %lt3A_25 : i32
    %ne3A_27 = arith.xori %lt3A_24, %lt3A_26 : i1
    %and3A_28 = arith.andi %ne3A_27, %ne3A_23 : i1
    %add3A_29 = arith.addi %rem3A_21, %select_n3A_20 : i32
    %select_n3A_30 = arith.select %and3A_28, %add3A_29, %rem3A_21 : i32
    %mul3A_31 = arith.constant 4 : i32
    %mul3A_32 = arith.muli %select_n3A, %mul3A_31 : i32
    %add3A_33 = arith.constant 0 : i32
    %add3A_34 = arith.addi %mul3A_32, %add3A_33 : i32
    "tpu.region"() ({
      %run_scoped3A = tpu.sem_alloc : memref<!tpu.dma_semaphore, #tpu.memory_space<semaphore_mem>>
      %dma_start3A = arith.constant 0 : i32
      %dma_start3A_56 = tpu.memref_slice %arg2[%add3A_34, %dma_start3A] : memref<64x10000xf32, #tpu.memory_space<hbm>> -> memref<1x10000xf32, #tpu.memory_space<hbm>>
      %dma_start3A_57 = tpu.memref_squeeze %dma_start3A_56 : memref<1x10000xf32, #tpu.memory_space<hbm>> -> memref<10000xf32, #tpu.memory_space<hbm>>
      %dma_start3A_58 = arith.constant 0 : i32
      %dma_start3A_59 = tpu.memref_slice %arg2[%add3A_34, %dma_start3A_58] : memref<64x10000xf32, #tpu.memory_space<hbm>> -> memref<1x10000xf32, #tpu.memory_space<hbm>>
      %dma_start3A_60 = tpu.memref_squeeze %dma_start3A_59 : memref<1x10000xf32, #tpu.memory_space<hbm>> -> memref<10000xf32, #tpu.memory_space<hbm>>
      tpu.enqueue_dma source(%dma_start3A_60 : memref<10000xf32, #tpu.memory_space<hbm>>) target(%arg8 : memref<10000xf32, #tpu.memory_space<vmem>>) target_semaphore(%run_scoped3A : memref<!tpu.dma_semaphore, #tpu.memory_space<semaphore_mem>>)
      %dma_wait3A = arith.constant 0 : i32
      %dma_wait3A_61 = tpu.memref_slice %arg2[%add3A_34, %dma_wait3A] : memref<64x10000xf32, #tpu.memory_space<hbm>> -> memref<1x10000xf32, #tpu.memory_space<hbm>>
      %dma_wait3A_62 = tpu.memref_squeeze %dma_wait3A_61 : memref<1x10000xf32, #tpu.memory_space<hbm>> -> memref<10000xf32, #tpu.memory_space<hbm>>
      %dma_wait3A_63 = arith.constant 0 : i32
      %dma_wait3A_64 = tpu.memref_slice %arg2[%add3A_34, %dma_wait3A_63] : memref<64x10000xf32, #tpu.memory_space<hbm>> -> memref<1x10000xf32, #tpu.memory_space<hbm>>
      %dma_wait3A_65 = tpu.memref_squeeze %dma_wait3A_64 : memref<1x10000xf32, #tpu.memory_space<hbm>> -> memref<10000xf32, #tpu.memory_space<hbm>>
      tpu.wait_dma2 semaphore(%run_scoped3A : memref<!tpu.dma_semaphore, #tpu.memory_space<semaphore_mem>>) src(%dma_wait3A_65 : memref<10000xf32, #tpu.memory_space<hbm>>) dst(%arg8 : memref<10000xf32, #tpu.memory_space<vmem>>)
      tpu.yield
    }) : () -> ()
    %add3A_35 = arith.constant 0 : i32
    %add3A_36 = arith.addi %mul3A_32, %add3A_35 : i32
    "tpu.region"() ({
      %run_scoped3A = tpu.sem_alloc : memref<!tpu.dma_semaphore, #tpu.memory_space<semaphore_mem>>
      %dma_start3A = arith.constant 0 : i32
      %dma_start3A_56 = tpu.memref_slice %arg3[%add3A_36, %dma_start3A] : memref<64x10000xf32, #tpu.memory_space<hbm>> -> memref<1x10000xf32, #tpu.memory_space<hbm>>
      %dma_start3A_57 = tpu.memref_squeeze %dma_start3A_56 : memref<1x10000xf32, #tpu.memory_space<hbm>> -> memref<10000xf32, #tpu.memory_space<hbm>>
      %dma_start3A_58 = arith.constant 0 : i32
      %dma_start3A_59 = tpu.memref_slice %arg3[%add3A_36, %dma_start3A_58] : memref<64x10000xf32, #tpu.memory_space<hbm>> -> memref<1x10000xf32, #tpu.memory_space<hbm>>
      %dma_start3A_60 = tpu.memref_squeeze %dma_start3A_59 : memref<1x10000xf32, #tpu.memory_space<hbm>> -> memref<10000xf32, #tpu.memory_space<hbm>>
      tpu.enqueue_dma source(%dma_start3A_60 : memref<10000xf32, #tpu.memory_space<hbm>>) target(%arg12 : memref<10000xf32, #tpu.memory_space<vmem>>) target_semaphore(%run_scoped3A : memref<!tpu.dma_semaphore, #tpu.memory_space<semaphore_mem>>)
      %dma_wait3A = arith.constant 0 : i32
      %dma_wait3A_61 = tpu.memref_slice %arg3[%add3A_36, %dma_wait3A] : memref<64x10000xf32, #tpu.memory_space<hbm>> -> memref<1x10000xf32, #tpu.memory_space<hbm>>
      %dma_wait3A_62 = tpu.memref_squeeze %dma_wait3A_61 : memref<1x10000xf32, #tpu.memory_space<hbm>> -> memref<10000xf32, #tpu.memory_space<hbm>>
      %dma_wait3A_63 = arith.constant 0 : i32
      %dma_wait3A_64 = tpu.memref_slice %arg3[%add3A_36, %dma_wait3A_63] : memref<64x10000xf32, #tpu.memory_space<hbm>> -> memref<1x10000xf32, #tpu.memory_space<hbm>>
      %dma_wait3A_65 = tpu.memref_squeeze %dma_wait3A_64 : memref<1x10000xf32, #tpu.memory_space<hbm>> -> memref<10000xf32, #tpu.memory_space<hbm>>
      tpu.wait_dma2 semaphore(%run_scoped3A : memref<!tpu.dma_semaphore, #tpu.memory_space<semaphore_mem>>) src(%dma_wait3A_65 : memref<10000xf32, #tpu.memory_space<hbm>>) dst(%arg12 : memref<10000xf32, #tpu.memory_space<vmem>>)
      tpu.yield
    }) : () -> ()
    %add3A_37 = arith.constant 1 : i32
    %add3A_38 = arith.addi %mul3A_32, %add3A_37 : i32
    "tpu.region"() ({
      %run_scoped3A = tpu.sem_alloc : memref<!tpu.dma_semaphore, #tpu.memory_space<semaphore_mem>>
      %dma_start3A = arith.constant 0 : i32
      %dma_start3A_56 = tpu.memref_slice %arg2[%add3A_38, %dma_start3A] : memref<64x10000xf32, #tpu.memory_space<hbm>> -> memref<1x10000xf32, #tpu.memory_space<hbm>>
      %dma_start3A_57 = tpu.memref_squeeze %dma_start3A_56 : memref<1x10000xf32, #tpu.memory_space<hbm>> -> memref<10000xf32, #tpu.memory_space<hbm>>
      %dma_start3A_58 = arith.constant 0 : i32
      %dma_start3A_59 = tpu.memref_slice %arg2[%add3A_38, %dma_start3A_58] : memref<64x10000xf32, #tpu.memory_space<hbm>> -> memref<1x10000xf32, #tpu.memory_space<hbm>>
      %dma_start3A_60 = tpu.memref_squeeze %dma_start3A_59 : memref<1x10000xf32, #tpu.memory_space<hbm>> -> memref<10000xf32, #tpu.memory_space<hbm>>
      tpu.enqueue_dma source(%dma_start3A_60 : memref<10000xf32, #tpu.memory_space<hbm>>) target(%arg9 : memref<10000xf32, #tpu.memory_space<vmem>>) target_semaphore(%run_scoped3A : memref<!tpu.dma_semaphore, #tpu.memory_space<semaphore_mem>>)
      %dma_wait3A = arith.constant 0 : i32
      %dma_wait3A_61 = tpu.memref_slice %arg2[%add3A_38, %dma_wait3A] : memref<64x10000xf32, #tpu.memory_space<hbm>> -> memref<1x10000xf32, #tpu.memory_space<hbm>>
      %dma_wait3A_62 = tpu.memref_squeeze %dma_wait3A_61 : memref<1x10000xf32, #tpu.memory_space<hbm>> -> memref<10000xf32, #tpu.memory_space<hbm>>
      %dma_wait3A_63 = arith.constant 0 : i32
      %dma_wait3A_64 = tpu.memref_slice %arg2[%add3A_38, %dma_wait3A_63] : memref<64x10000xf32, #tpu.memory_space<hbm>> -> memref<1x10000xf32, #tpu.memory_space<hbm>>
      %dma_wait3A_65 = tpu.memref_squeeze %dma_wait3A_64 : memref<1x10000xf32, #tpu.memory_space<hbm>> -> memref<10000xf32, #tpu.memory_space<hbm>>
      tpu.wait_dma2 semaphore(%run_scoped3A : memref<!tpu.dma_semaphore, #tpu.memory_space<semaphore_mem>>) src(%dma_wait3A_65 : memref<10000xf32, #tpu.memory_space<hbm>>) dst(%arg9 : memref<10000xf32, #tpu.memory_space<vmem>>)
      tpu.yield
    }) : () -> ()
    %add3A_39 = arith.constant 1 : i32
    %add3A_40 = arith.addi %mul3A_32, %add3A_39 : i32
    "tpu.region"() ({
      %run_scoped3A = tpu.sem_alloc : memref<!tpu.dma_semaphore, #tpu.memory_space<semaphore_mem>>
      %dma_start3A = arith.constant 0 : i32
      %dma_start3A_56 = tpu.memref_slice %arg3[%add3A_40, %dma_start3A] : memref<64x10000xf32, #tpu.memory_space<hbm>> -> memref<1x10000xf32, #tpu.memory_space<hbm>>
      %dma_start3A_57 = tpu.memref_squeeze %dma_start3A_56 : memref<1x10000xf32, #tpu.memory_space<hbm>> -> memref<10000xf32, #tpu.memory_space<hbm>>
      %dma_start3A_58 = arith.constant 0 : i32
      %dma_start3A_59 = tpu.memref_slice %arg3[%add3A_40, %dma_start3A_58] : memref<64x10000xf32, #tpu.memory_space<hbm>> -> memref<1x10000xf32, #tpu.memory_space<hbm>>
      %dma_start3A_60 = tpu.memref_squeeze %dma_start3A_59 : memref<1x10000xf32, #tpu.memory_space<hbm>> -> memref<10000xf32, #tpu.memory_space<hbm>>
      tpu.enqueue_dma source(%dma_start3A_60 : memref<10000xf32, #tpu.memory_space<hbm>>) target(%arg13 : memref<10000xf32, #tpu.memory_space<vmem>>) target_semaphore(%run_scoped3A : memref<!tpu.dma_semaphore, #tpu.memory_space<semaphore_mem>>)
      %dma_wait3A = arith.constant 0 : i32
      %dma_wait3A_61 = tpu.memref_slice %arg3[%add3A_40, %dma_wait3A] : memref<64x10000xf32, #tpu.memory_space<hbm>> -> memref<1x10000xf32, #tpu.memory_space<hbm>>
      %dma_wait3A_62 = tpu.memref_squeeze %dma_wait3A_61 : memref<1x10000xf32, #tpu.memory_space<hbm>> -> memref<10000xf32, #tpu.memory_space<hbm>>
      %dma_wait3A_63 = arith.constant 0 : i32
      %dma_wait3A_64 = tpu.memref_slice %arg3[%add3A_40, %dma_wait3A_63] : memref<64x10000xf32, #tpu.memory_space<hbm>> -> memref<1x10000xf32, #tpu.memory_space<hbm>>
      %dma_wait3A_65 = tpu.memref_squeeze %dma_wait3A_64 : memref<1x10000xf32, #tpu.memory_space<hbm>> -> memref<10000xf32, #tpu.memory_space<hbm>>
      tpu.wait_dma2 semaphore(%run_scoped3A : memref<!tpu.dma_semaphore, #tpu.memory_space<semaphore_mem>>) src(%dma_wait3A_65 : memref<10000xf32, #tpu.memory_space<hbm>>) dst(%arg13 : memref<10000xf32, #tpu.memory_space<vmem>>)
      tpu.yield
    }) : () -> ()
    %add3A_41 = arith.constant 2 : i32
    %add3A_42 = arith.addi %mul3A_32, %add3A_41 : i32
    "tpu.region"() ({
      %run_scoped3A = tpu.sem_alloc : memref<!tpu.dma_semaphore, #tpu.memory_space<semaphore_mem>>
      %dma_start3A = arith.constant 0 : i32
      %dma_start3A_56 = tpu.memref_slice %arg2[%add3A_42, %dma_start3A] : memref<64x10000xf32, #tpu.memory_space<hbm>> -> memref<1x10000xf32, #tpu.memory_space<hbm>>
      %dma_start3A_57 = tpu.memref_squeeze %dma_start3A_56 : memref<1x10000xf32, #tpu.memory_space<hbm>> -> memref<10000xf32, #tpu.memory_space<hbm>>
      %dma_start3A_58 = arith.constant 0 : i32
      %dma_start3A_59 = tpu.memref_slice %arg2[%add3A_42, %dma_start3A_58] : memref<64x10000xf32, #tpu.memory_space<hbm>> -> memref<1x10000xf32, #tpu.memory_space<hbm>>
      %dma_start3A_60 = tpu.memref_squeeze %dma_start3A_59 : memref<1x10000xf32, #tpu.memory_space<hbm>> -> memref<10000xf32, #tpu.memory_space<hbm>>
      tpu.enqueue_dma source(%dma_start3A_60 : memref<10000xf32, #tpu.memory_space<hbm>>) target(%arg10 : memref<10000xf32, #tpu.memory_space<vmem>>) target_semaphore(%run_scoped3A : memref<!tpu.dma_semaphore, #tpu.memory_space<semaphore_mem>>)
      %dma_wait3A = arith.constant 0 : i32
      %dma_wait3A_61 = tpu.memref_slice %arg2[%add3A_42, %dma_wait3A] : memref<64x10000xf32, #tpu.memory_space<hbm>> -> memref<1x10000xf32, #tpu.memory_space<hbm>>
      %dma_wait3A_62 = tpu.memref_squeeze %dma_wait3A_61 : memref<1x10000xf32, #tpu.memory_space<hbm>> -> memref<10000xf32, #tpu.memory_space<hbm>>
      %dma_wait3A_63 = arith.constant 0 : i32
      %dma_wait3A_64 = tpu.memref_slice %arg2[%add3A_42, %dma_wait3A_63] : memref<64x10000xf32, #tpu.memory_space<hbm>> -> memref<1x10000xf32, #tpu.memory_space<hbm>>
      %dma_wait3A_65 = tpu.memref_squeeze %dma_wait3A_64 : memref<1x10000xf32, #tpu.memory_space<hbm>> -> memref<10000xf32, #tpu.memory_space<hbm>>
      tpu.wait_dma2 semaphore(%run_scoped3A : memref<!tpu.dma_semaphore, #tpu.memory_space<semaphore_mem>>) src(%dma_wait3A_65 : memref<10000xf32, #tpu.memory_space<hbm>>) dst(%arg10 : memref<10000xf32, #tpu.memory_space<vmem>>)
      tpu.yield
    }) : () -> ()
    %add3A_43 = arith.constant 2 : i32
    %add3A_44 = arith.addi %mul3A_32, %add3A_43 : i32
    "tpu.region"() ({
      %run_scoped3A = tpu.sem_alloc : memref<!tpu.dma_semaphore, #tpu.memory_space<semaphore_mem>>
      %dma_start3A = arith.constant 0 : i32
      %dma_start3A_56 = tpu.memref_slice %arg3[%add3A_44, %dma_start3A] : memref<64x10000xf32, #tpu.memory_space<hbm>> -> memref<1x10000xf32, #tpu.memory_space<hbm>>
      %dma_start3A_57 = tpu.memref_squeeze %dma_start3A_56 : memref<1x10000xf32, #tpu.memory_space<hbm>> -> memref<10000xf32, #tpu.memory_space<hbm>>
      %dma_start3A_58 = arith.constant 0 : i32
      %dma_start3A_59 = tpu.memref_slice %arg3[%add3A_44, %dma_start3A_58] : memref<64x10000xf32, #tpu.memory_space<hbm>> -> memref<1x10000xf32, #tpu.memory_space<hbm>>
      %dma_start3A_60 = tpu.memref_squeeze %dma_start3A_59 : memref<1x10000xf32, #tpu.memory_space<hbm>> -> memref<10000xf32, #tpu.memory_space<hbm>>
      tpu.enqueue_dma source(%dma_start3A_60 : memref<10000xf32, #tpu.memory_space<hbm>>) target(%arg14 : memref<10000xf32, #tpu.memory_space<vmem>>) target_semaphore(%run_scoped3A : memref<!tpu.dma_semaphore, #tpu.memory_space<semaphore_mem>>)
      %dma_wait3A = arith.constant 0 : i32
      %dma_wait3A_61 = tpu.memref_slice %arg3[%add3A_44, %dma_wait3A] : memref<64x10000xf32, #tpu.memory_space<hbm>> -> memref<1x10000xf32, #tpu.memory_space<hbm>>
      %dma_wait3A_62 = tpu.memref_squeeze %dma_wait3A_61 : memref<1x10000xf32, #tpu.memory_space<hbm>> -> memref<10000xf32, #tpu.memory_space<hbm>>
      %dma_wait3A_63 = arith.constant 0 : i32
      %dma_wait3A_64 = tpu.memref_slice %arg3[%add3A_44, %dma_wait3A_63] : memref<64x10000xf32, #tpu.memory_space<hbm>> -> memref<1x10000xf32, #tpu.memory_space<hbm>>
      %dma_wait3A_65 = tpu.memref_squeeze %dma_wait3A_64 : memref<1x10000xf32, #tpu.memory_space<hbm>> -> memref<10000xf32, #tpu.memory_space<hbm>>
      tpu.wait_dma2 semaphore(%run_scoped3A : memref<!tpu.dma_semaphore, #tpu.memory_space<semaphore_mem>>) src(%dma_wait3A_65 : memref<10000xf32, #tpu.memory_space<hbm>>) dst(%arg14 : memref<10000xf32, #tpu.memory_space<vmem>>)
      tpu.yield
    }) : () -> ()
    %add3A_45 = arith.constant 3 : i32
    %add3A_46 = arith.addi %mul3A_32, %add3A_45 : i32
    "tpu.region"() ({
      %run_scoped3A = tpu.sem_alloc : memref<!tpu.dma_semaphore, #tpu.memory_space<semaphore_mem>>
      %dma_start3A = arith.constant 0 : i32
      %dma_start3A_56 = tpu.memref_slice %arg2[%add3A_46, %dma_start3A] : memref<64x10000xf32, #tpu.memory_space<hbm>> -> memref<1x10000xf32, #tpu.memory_space<hbm>>
      %dma_start3A_57 = tpu.memref_squeeze %dma_start3A_56 : memref<1x10000xf32, #tpu.memory_space<hbm>> -> memref<10000xf32, #tpu.memory_space<hbm>>
      %dma_start3A_58 = arith.constant 0 : i32
      %dma_start3A_59 = tpu.memref_slice %arg2[%add3A_46, %dma_start3A_58] : memref<64x10000xf32, #tpu.memory_space<hbm>> -> memref<1x10000xf32, #tpu.memory_space<hbm>>
      %dma_start3A_60 = tpu.memref_squeeze %dma_start3A_59 : memref<1x10000xf32, #tpu.memory_space<hbm>> -> memref<10000xf32, #tpu.memory_space<hbm>>
      tpu.enqueue_dma source(%dma_start3A_60 : memref<10000xf32, #tpu.memory_space<hbm>>) target(%arg11 : memref<10000xf32, #tpu.memory_space<vmem>>) target_semaphore(%run_scoped3A : memref<!tpu.dma_semaphore, #tpu.memory_space<semaphore_mem>>)
      %dma_wait3A = arith.constant 0 : i32
      %dma_wait3A_61 = tpu.memref_slice %arg2[%add3A_46, %dma_wait3A] : memref<64x10000xf32, #tpu.memory_space<hbm>> -> memref<1x10000xf32, #tpu.memory_space<hbm>>
      %dma_wait3A_62 = tpu.memref_squeeze %dma_wait3A_61 : memref<1x10000xf32, #tpu.memory_space<hbm>> -> memref<10000xf32, #tpu.memory_space<hbm>>
      %dma_wait3A_63 = arith.constant 0 : i32
      %dma_wait3A_64 = tpu.memref_slice %arg2[%add3A_46, %dma_wait3A_63] : memref<64x10000xf32, #tpu.memory_space<hbm>> -> memref<1x10000xf32, #tpu.memory_space<hbm>>
      %dma_wait3A_65 = tpu.memref_squeeze %dma_wait3A_64 : memref<1x10000xf32, #tpu.memory_space<hbm>> -> memref<10000xf32, #tpu.memory_space<hbm>>
      tpu.wait_dma2 semaphore(%run_scoped3A : memref<!tpu.dma_semaphore, #tpu.memory_space<semaphore_mem>>) src(%dma_wait3A_65 : memref<10000xf32, #tpu.memory_space<hbm>>) dst(%arg11 : memref<10000xf32, #tpu.memory_space<vmem>>)
      tpu.yield
    }) : () -> ()
    %add3A_47 = arith.constant 3 : i32
    %add3A_48 = arith.addi %mul3A_32, %add3A_47 : i32
    "tpu.region"() ({
      %run_scoped3A = tpu.sem_alloc : memref<!tpu.dma_semaphore, #tpu.memory_space<semaphore_mem>>
      %dma_start3A = arith.constant 0 : i32
      %dma_start3A_56 = tpu.memref_slice %arg3[%add3A_48, %dma_start3A] : memref<64x10000xf32, #tpu.memory_space<hbm>> -> memref<1x10000xf32, #tpu.memory_space<hbm>>
      %dma_start3A_57 = tpu.memref_squeeze %dma_start3A_56 : memref<1x10000xf32, #tpu.memory_space<hbm>> -> memref<10000xf32, #tpu.memory_space<hbm>>
      %dma_start3A_58 = arith.constant 0 : i32
      %dma_start3A_59 = tpu.memref_slice %arg3[%add3A_48, %dma_start3A_58] : memref<64x10000xf32, #tpu.memory_space<hbm>> -> memref<1x10000xf32, #tpu.memory_space<hbm>>
      %dma_start3A_60 = tpu.memref_squeeze %dma_start3A_59 : memref<1x10000xf32, #tpu.memory_space<hbm>> -> memref<10000xf32, #tpu.memory_space<hbm>>
      tpu.enqueue_dma source(%dma_start3A_60 : memref<10000xf32, #tpu.memory_space<hbm>>) target(%arg15 : memref<10000xf32, #tpu.memory_space<vmem>>) target_semaphore(%run_scoped3A : memref<!tpu.dma_semaphore, #tpu.memory_space<semaphore_mem>>)
      %dma_wait3A = arith.constant 0 : i32
      %dma_wait3A_61 = tpu.memref_slice %arg3[%add3A_48, %dma_wait3A] : memref<64x10000xf32, #tpu.memory_space<hbm>> -> memref<1x10000xf32, #tpu.memory_space<hbm>>
      %dma_wait3A_62 = tpu.memref_squeeze %dma_wait3A_61 : memref<1x10000xf32, #tpu.memory_space<hbm>> -> memref<10000xf32, #tpu.memory_space<hbm>>
      %dma_wait3A_63 = arith.constant 0 : i32
      %dma_wait3A_64 = tpu.memref_slice %arg3[%add3A_48, %dma_wait3A_63] : memref<64x10000xf32, #tpu.memory_space<hbm>> -> memref<1x10000xf32, #tpu.memory_space<hbm>>
      %dma_wait3A_65 = tpu.memref_squeeze %dma_wait3A_64 : memref<1x10000xf32, #tpu.memory_space<hbm>> -> memref<10000xf32, #tpu.memory_space<hbm>>
      tpu.wait_dma2 semaphore(%run_scoped3A : memref<!tpu.dma_semaphore, #tpu.memory_space<semaphore_mem>>) src(%dma_wait3A_65 : memref<10000xf32, #tpu.memory_space<hbm>>) dst(%arg15 : memref<10000xf32, #tpu.memory_space<vmem>>)
      tpu.yield
    }) : () -> ()
    %mul3A_49 = arith.constant 165888 : i32
    %mul3A_50 = arith.muli %select_n3A_30, %mul3A_49 : i32
    %scan3A = arith.constant 0 : i32
    %scan3A_51 = arith.constant 81 : i32
    %scan3A_52 = arith.addi %scan3A, %scan3A_51 : i32
    %scan3A_53 = arith.constant 1 : i32
    %scan3A_54 = scf.for %scan3A_56 = %scan3A to %scan3A_52 step %scan3A_53 iter_args(%scan3A_57 = %mul3A_50) -> (i32)  : i32 {
      %multiple_of3A = tpu.assume_multiple %scan3A_57, 2048 : i32
      "tpu.region"() ({
        %run_scoped3A = tpu.sem_alloc : memref<!tpu.dma_semaphore, #tpu.memory_space<semaphore_mem>>
        %dma_start3A = tpu.memref_slice %arg4[%multiple_of3A] : memref<331776xi32, #tpu.memory_space<hbm>> -> memref<2048xi32, #tpu.memory_space<hbm>>
        %dma_start3A_75 = tpu.memref_slice %arg4[%multiple_of3A] : memref<331776xi32, #tpu.memory_space<hbm>> -> memref<2048xi32, #tpu.memory_space<hbm>>
        tpu.enqueue_dma source(%dma_start3A_75 : memref<2048xi32, #tpu.memory_space<hbm>>) target(%arg16 : memref<2048xi32, #tpu.memory_space<vmem>>) target_semaphore(%run_scoped3A : memref<!tpu.dma_semaphore, #tpu.memory_space<semaphore_mem>>)
        %dma_wait3A = tpu.memref_slice %arg4[%multiple_of3A] : memref<331776xi32, #tpu.memory_space<hbm>> -> memref<2048xi32, #tpu.memory_space<hbm>>
        %dma_wait3A_76 = tpu.memref_slice %arg4[%multiple_of3A] : memref<331776xi32, #tpu.memory_space<hbm>> -> memref<2048xi32, #tpu.memory_space<hbm>>
        tpu.wait_dma2 semaphore(%run_scoped3A : memref<!tpu.dma_semaphore, #tpu.memory_space<semaphore_mem>>) src(%dma_wait3A_76 : memref<2048xi32, #tpu.memory_space<hbm>>) dst(%arg16 : memref<2048xi32, #tpu.memory_space<vmem>>)
        tpu.yield
      }) : () -> ()
      "tpu.region"() ({
        %run_scoped3A = tpu.sem_alloc : memref<!tpu.dma_semaphore, #tpu.memory_space<semaphore_mem>>
        %dma_start3A = tpu.memref_slice %arg5[%multiple_of3A] : memref<331776xi32, #tpu.memory_space<hbm>> -> memref<2048xi32, #tpu.memory_space<hbm>>
        %dma_start3A_75 = tpu.memref_slice %arg5[%multiple_of3A] : memref<331776xi32, #tpu.memory_space<hbm>> -> memref<2048xi32, #tpu.memory_space<hbm>>
        tpu.enqueue_dma source(%dma_start3A_75 : memref<2048xi32, #tpu.memory_space<hbm>>) target(%arg17 : memref<2048xi32, #tpu.memory_space<vmem>>) target_semaphore(%run_scoped3A : memref<!tpu.dma_semaphore, #tpu.memory_space<semaphore_mem>>)
        %dma_wait3A = tpu.memref_slice %arg5[%multiple_of3A] : memref<331776xi32, #tpu.memory_space<hbm>> -> memref<2048xi32, #tpu.memory_space<hbm>>
        %dma_wait3A_76 = tpu.memref_slice %arg5[%multiple_of3A] : memref<331776xi32, #tpu.memory_space<hbm>> -> memref<2048xi32, #tpu.memory_space<hbm>>
        tpu.wait_dma2 semaphore(%run_scoped3A : memref<!tpu.dma_semaphore, #tpu.memory_space<semaphore_mem>>) src(%dma_wait3A_76 : memref<2048xi32, #tpu.memory_space<hbm>>) dst(%arg17 : memref<2048xi32, #tpu.memory_space<vmem>>)
        tpu.yield
      }) : () -> ()
      "tpu.region"() ({
        %run_scoped3A = tpu.sem_alloc : memref<!tpu.dma_semaphore, #tpu.memory_space<semaphore_mem>>
        %dma_start3A = tpu.memref_slice %arg6[%multiple_of3A] : memref<331776xf32, #tpu.memory_space<hbm>> -> memref<2048xf32, #tpu.memory_space<hbm>>
        %dma_start3A_75 = tpu.memref_slice %arg6[%multiple_of3A] : memref<331776xf32, #tpu.memory_space<hbm>> -> memref<2048xf32, #tpu.memory_space<hbm>>
        tpu.enqueue_dma source(%dma_start3A_75 : memref<2048xf32, #tpu.memory_space<hbm>>) target(%arg18 : memref<2048xf32, #tpu.memory_space<vmem>>) target_semaphore(%run_scoped3A : memref<!tpu.dma_semaphore, #tpu.memory_space<semaphore_mem>>)
        %dma_wait3A = tpu.memref_slice %arg6[%multiple_of3A] : memref<331776xf32, #tpu.memory_space<hbm>> -> memref<2048xf32, #tpu.memory_space<hbm>>
        %dma_wait3A_76 = tpu.memref_slice %arg6[%multiple_of3A] : memref<331776xf32, #tpu.memory_space<hbm>> -> memref<2048xf32, #tpu.memory_space<hbm>>
        tpu.wait_dma2 semaphore(%run_scoped3A : memref<!tpu.dma_semaphore, #tpu.memory_space<semaphore_mem>>) src(%dma_wait3A_76 : memref<2048xf32, #tpu.memory_space<hbm>>) dst(%arg18 : memref<2048xf32, #tpu.memory_space<vmem>>)
        tpu.yield
      }) : () -> ()
      %scan3A_58 = arith.constant 0 : i32
      %scan3A_59 = arith.constant 0 : i32
      %scan3A_60 = arith.constant 128 : i32
      %scan3A_61 = arith.addi %scan3A_59, %scan3A_60 : i32
      %scan3A_62 = arith.constant 1 : i32
      %scan3A_63 = scf.for %scan3A_75 = %scan3A_59 to %scan3A_61 step %scan3A_62 iter_args(%scan3A_76 = %scan3A_58) -> (i32)  : i32 {
        %get3A = arith.index_cast %scan3A_76 : i32 to index
        %get3A_77 = tpu.vector_load %arg16[%get3A] {strides = array<i32>} : memref<2048xi32, #tpu.memory_space<vmem>>, vector<16xi32>,
        %get3A_78 = arith.index_cast %scan3A_76 : i32 to index
        %get3A_79 = tpu.vector_load %arg17[%get3A_78] {strides = array<i32>} : memref<2048xi32, #tpu.memory_space<vmem>>, vector<16xi32>,
        %get3A_80 = arith.index_cast %scan3A_76 : i32 to index
        %get3A_81 = tpu.vector_load %arg18[%get3A_80] {strides = array<i32>} : memref<2048xf32, #tpu.memory_space<vmem>>, vector<16xf32>,
        %gather3A = tpu.vector_load_idx %arg8[%get3A_79] : memref<10000xf32, #tpu.memory_space<vmem>>[vector<16xi32>], vector<16xf32>,
        %gather3A_82 = tpu.vector_load_idx %arg12[%get3A_77] : memref<10000xf32, #tpu.memory_space<vmem>>[vector<16xi32>], vector<16xf32>,
        %add3A_83 = arith.addf %gather3A, %gather3A_82 : vector<16xf32>
        %max3A = arith.constant 0.000000e+00 : f32
        %max3A_84 = vector.broadcast %max3A : f32 to vector<16xf32>
        %max3A_85 = arith.maximumf %add3A_83, %max3A_84 : vector<16xf32>
        %mul3A_86 = arith.mulf %max3A_85, %get3A_81 : vector<16xf32>
        %swap3A = arith.index_cast %scan3A_76 : i32 to index
        %swap3A_87 = tpu.vector_load %arg19[%swap3A] {strides = array<i32>} : memref<2048xf32, #tpu.memory_space<vmem>>, vector<16xf32>,
        tpu.vector_store %arg19[%swap3A], %mul3A_86 {strides = array<i32>} : memref<2048xf32, #tpu.memory_space<vmem>>, vector<16xf32>,
        %gather3A_88 = tpu.vector_load_idx %arg9[%get3A_79] : memref<10000xf32, #tpu.memory_space<vmem>>[vector<16xi32>], vector<16xf32>,
        %gather3A_89 = tpu.vector_load_idx %arg13[%get3A_77] : memref<10000xf32, #tpu.memory_space<vmem>>[vector<16xi32>], vector<16xf32>,
        %add3A_90 = arith.addf %gather3A_88, %gather3A_89 : vector<16xf32>
        %max3A_91 = arith.constant 0.000000e+00 : f32
        %max3A_92 = vector.broadcast %max3A_91 : f32 to vector<16xf32>
        %max3A_93 = arith.maximumf %add3A_90, %max3A_92 : vector<16xf32>
        %mul3A_94 = arith.mulf %max3A_93, %get3A_81 : vector<16xf32>
        %swap3A_95 = arith.index_cast %scan3A_76 : i32 to index
        %swap3A_96 = tpu.vector_load %arg20[%swap3A_95] {strides = array<i32>} : memref<2048xf32, #tpu.memory_space<vmem>>, vector<16xf32>,
        tpu.vector_store %arg20[%swap3A_95], %mul3A_94 {strides = array<i32>} : memref<2048xf32, #tpu.memory_space<vmem>>, vector<16xf32>,
        %gather3A_97 = tpu.vector_load_idx %arg10[%get3A_79] : memref<10000xf32, #tpu.memory_space<vmem>>[vector<16xi32>], vector<16xf32>,
        %gather3A_98 = tpu.vector_load_idx %arg14[%get3A_77] : memref<10000xf32, #tpu.memory_space<vmem>>[vector<16xi32>], vector<16xf32>,
        %add3A_99 = arith.addf %gather3A_97, %gather3A_98 : vector<16xf32>
        %max3A_100 = arith.constant 0.000000e+00 : f32
        %max3A_101 = vector.broadcast %max3A_100 : f32 to vector<16xf32>
        %max3A_102 = arith.maximumf %add3A_99, %max3A_101 : vector<16xf32>
        %mul3A_103 = arith.mulf %max3A_102, %get3A_81 : vector<16xf32>
        %swap3A_104 = arith.index_cast %scan3A_76 : i32 to index
        %swap3A_105 = tpu.vector_load %arg21[%swap3A_104] {strides = array<i32>} : memref<2048xf32, #tpu.memory_space<vmem>>, vector<16xf32>,
        tpu.vector_store %arg21[%swap3A_104], %mul3A_103 {strides = array<i32>} : memref<2048xf32, #tpu.memory_space<vmem>>, vector<16xf32>,
        %gather3A_106 = tpu.vector_load_idx %arg11[%get3A_79] : memref<10000xf32, #tpu.memory_space<vmem>>[vector<16xi32>], vector<16xf32>,
        %gather3A_107 = tpu.vector_load_idx %arg15[%get3A_77] : memref<10000xf32, #tpu.memory_space<vmem>>[vector<16xi32>], vector<16xf32>,
        %add3A_108 = arith.addf %gather3A_106, %gather3A_107 : vector<16xf32>
        %max3A_109 = arith.constant 0.000000e+00 : f32
        %max3A_110 = vector.broadcast %max3A_109 : f32 to vector<16xf32>
        %max3A_111 = arith.maximumf %add3A_108, %max3A_110 : vector<16xf32>
        %mul3A_112 = arith.mulf %max3A_111, %get3A_81 : vector<16xf32>
        %swap3A_113 = arith.index_cast %scan3A_76 : i32 to index
        %swap3A_114 = tpu.vector_load %arg22[%swap3A_113] {strides = array<i32>} : memref<2048xf32, #tpu.memory_space<vmem>>, vector<16xf32>,
        tpu.vector_store %arg22[%swap3A_113], %mul3A_112 {strides = array<i32>} : memref<2048xf32, #tpu.memory_space<vmem>>, vector<16xf32>,
        %add3A_115 = arith.constant 16 : i32
        %add3A_116 = arith.addi %scan3A_76, %add3A_115 : i32
        scf.yield %add3A_116 : i32
      }
      %scan3A_64 = arith.constant 128 : i32
      %add3A_65 = arith.constant 0 : i32
      %add3A_66 = arith.addi %mul3A_32, %add3A_65 : i32
      "tpu.region"() ({
        %run_scoped3A = tpu.sem_alloc : memref<!tpu.dma_semaphore, #tpu.memory_space<semaphore_mem>>
        %dma_start3A = tpu.memref_slice %arg7[%add3A_66, %multiple_of3A] : memref<64x331776xf32, #tpu.memory_space<hbm>> -> memref<1x2048xf32, #tpu.memory_space<hbm>>
        %dma_start3A_75 = tpu.memref_squeeze %dma_start3A : memref<1x2048xf32, #tpu.memory_space<hbm>> -> memref<2048xf32, #tpu.memory_space<hbm>>
        %dma_start3A_76 = tpu.memref_slice %arg7[%add3A_66, %multiple_of3A] : memref<64x331776xf32, #tpu.memory_space<hbm>> -> memref<1x2048xf32, #tpu.memory_space<hbm>>
        %dma_start3A_77 = tpu.memref_squeeze %dma_start3A_76 : memref<1x2048xf32, #tpu.memory_space<hbm>> -> memref<2048xf32, #tpu.memory_space<hbm>>
        tpu.enqueue_dma source(%arg19 : memref<2048xf32, #tpu.memory_space<vmem>>) target(%dma_start3A_77 : memref<2048xf32, #tpu.memory_space<hbm>>) target_semaphore(%run_scoped3A : memref<!tpu.dma_semaphore, #tpu.memory_space<semaphore_mem>>)
        %dma_wait3A = tpu.memref_slice %arg7[%add3A_66, %multiple_of3A] : memref<64x331776xf32, #tpu.memory_space<hbm>> -> memref<1x2048xf32, #tpu.memory_space<hbm>>
        %dma_wait3A_78 = tpu.memref_squeeze %dma_wait3A : memref<1x2048xf32, #tpu.memory_space<hbm>> -> memref<2048xf32, #tpu.memory_space<hbm>>
        %dma_wait3A_79 = tpu.memref_slice %arg7[%add3A_66, %multiple_of3A] : memref<64x331776xf32, #tpu.memory_space<hbm>> -> memref<1x2048xf32, #tpu.memory_space<hbm>>
        %dma_wait3A_80 = tpu.memref_squeeze %dma_wait3A_79 : memref<1x2048xf32, #tpu.memory_space<hbm>> -> memref<2048xf32, #tpu.memory_space<hbm>>
        tpu.wait_dma2 semaphore(%run_scoped3A : memref<!tpu.dma_semaphore, #tpu.memory_space<semaphore_mem>>) src(%arg19 : memref<2048xf32, #tpu.memory_space<vmem>>) dst(%dma_wait3A_80 : memref<2048xf32, #tpu.memory_space<hbm>>)
        tpu.yield
      }) : () -> ()
      %add3A_67 = arith.constant 1 : i32
      %add3A_68 = arith.addi %mul3A_32, %add3A_67 : i32
      "tpu.region"() ({
        %run_scoped3A = tpu.sem_alloc : memref<!tpu.dma_semaphore, #tpu.memory_space<semaphore_mem>>
        %dma_start3A = tpu.memref_slice %arg7[%add3A_68, %multiple_of3A] : memref<64x331776xf32, #tpu.memory_space<hbm>> -> memref<1x2048xf32, #tpu.memory_space<hbm>>
        %dma_start3A_75 = tpu.memref_squeeze %dma_start3A : memref<1x2048xf32, #tpu.memory_space<hbm>> -> memref<2048xf32, #tpu.memory_space<hbm>>
        %dma_start3A_76 = tpu.memref_slice %arg7[%add3A_68, %multiple_of3A] : memref<64x331776xf32, #tpu.memory_space<hbm>> -> memref<1x2048xf32, #tpu.memory_space<hbm>>
        %dma_start3A_77 = tpu.memref_squeeze %dma_start3A_76 : memref<1x2048xf32, #tpu.memory_space<hbm>> -> memref<2048xf32, #tpu.memory_space<hbm>>
        tpu.enqueue_dma source(%arg20 : memref<2048xf32, #tpu.memory_space<vmem>>) target(%dma_start3A_77 : memref<2048xf32, #tpu.memory_space<hbm>>) target_semaphore(%run_scoped3A : memref<!tpu.dma_semaphore, #tpu.memory_space<semaphore_mem>>)
        %dma_wait3A = tpu.memref_slice %arg7[%add3A_68, %multiple_of3A] : memref<64x331776xf32, #tpu.memory_space<hbm>> -> memref<1x2048xf32, #tpu.memory_space<hbm>>
        %dma_wait3A_78 = tpu.memref_squeeze %dma_wait3A : memref<1x2048xf32, #tpu.memory_space<hbm>> -> memref<2048xf32, #tpu.memory_space<hbm>>
        %dma_wait3A_79 = tpu.memref_slice %arg7[%add3A_68, %multiple_of3A] : memref<64x331776xf32, #tpu.memory_space<hbm>> -> memref<1x2048xf32, #tpu.memory_space<hbm>>
        %dma_wait3A_80 = tpu.memref_squeeze %dma_wait3A_79 : memref<1x2048xf32, #tpu.memory_space<hbm>> -> memref<2048xf32, #tpu.memory_space<hbm>>
        tpu.wait_dma2 semaphore(%run_scoped3A : memref<!tpu.dma_semaphore, #tpu.memory_space<semaphore_mem>>) src(%arg20 : memref<2048xf32, #tpu.memory_space<vmem>>) dst(%dma_wait3A_80 : memref<2048xf32, #tpu.memory_space<hbm>>)
        tpu.yield
      }) : () -> ()
      %add3A_69 = arith.constant 2 : i32
      %add3A_70 = arith.addi %mul3A_32, %add3A_69 : i32
      "tpu.region"() ({
        %run_scoped3A = tpu.sem_alloc : memref<!tpu.dma_semaphore, #tpu.memory_space<semaphore_mem>>
        %dma_start3A = tpu.memref_slice %arg7[%add3A_70, %multiple_of3A] : memref<64x331776xf32, #tpu.memory_space<hbm>> -> memref<1x2048xf32, #tpu.memory_space<hbm>>
        %dma_start3A_75 = tpu.memref_squeeze %dma_start3A : memref<1x2048xf32, #tpu.memory_space<hbm>> -> memref<2048xf32, #tpu.memory_space<hbm>>
        %dma_start3A_76 = tpu.memref_slice %arg7[%add3A_70, %multiple_of3A] : memref<64x331776xf32, #tpu.memory_space<hbm>> -> memref<1x2048xf32, #tpu.memory_space<hbm>>
        %dma_start3A_77 = tpu.memref_squeeze %dma_start3A_76 : memref<1x2048xf32, #tpu.memory_space<hbm>> -> memref<2048xf32, #tpu.memory_space<hbm>>
        tpu.enqueue_dma source(%arg21 : memref<2048xf32, #tpu.memory_space<vmem>>) target(%dma_start3A_77 : memref<2048xf32, #tpu.memory_space<hbm>>) target_semaphore(%run_scoped3A : memref<!tpu.dma_semaphore, #tpu.memory_space<semaphore_mem>>)
        %dma_wait3A = tpu.memref_slice %arg7[%add3A_70, %multiple_of3A] : memref<64x331776xf32, #tpu.memory_space<hbm>> -> memref<1x2048xf32, #tpu.memory_space<hbm>>
        %dma_wait3A_78 = tpu.memref_squeeze %dma_wait3A : memref<1x2048xf32, #tpu.memory_space<hbm>> -> memref<2048xf32, #tpu.memory_space<hbm>>
        %dma_wait3A_79 = tpu.memref_slice %arg7[%add3A_70, %multiple_of3A] : memref<64x331776xf32, #tpu.memory_space<hbm>> -> memref<1x2048xf32, #tpu.memory_space<hbm>>
        %dma_wait3A_80 = tpu.memref_squeeze %dma_wait3A_79 : memref<1x2048xf32, #tpu.memory_space<hbm>> -> memref<2048xf32, #tpu.memory_space<hbm>>
        tpu.wait_dma2 semaphore(%run_scoped3A : memref<!tpu.dma_semaphore, #tpu.memory_space<semaphore_mem>>) src(%arg21 : memref<2048xf32, #tpu.memory_space<vmem>>) dst(%dma_wait3A_80 : memref<2048xf32, #tpu.memory_space<hbm>>)
        tpu.yield
      }) : () -> ()
      %add3A_71 = arith.constant 3 : i32
      %add3A_72 = arith.addi %mul3A_32, %add3A_71 : i32
      "tpu.region"() ({
        %run_scoped3A = tpu.sem_alloc : memref<!tpu.dma_semaphore, #tpu.memory_space<semaphore_mem>>
        %dma_start3A = tpu.memref_slice %arg7[%add3A_72, %multiple_of3A] : memref<64x331776xf32, #tpu.memory_space<hbm>> -> memref<1x2048xf32, #tpu.memory_space<hbm>>
        %dma_start3A_75 = tpu.memref_squeeze %dma_start3A : memref<1x2048xf32, #tpu.memory_space<hbm>> -> memref<2048xf32, #tpu.memory_space<hbm>>
        %dma_start3A_76 = tpu.memref_slice %arg7[%add3A_72, %multiple_of3A] : memref<64x331776xf32, #tpu.memory_space<hbm>> -> memref<1x2048xf32, #tpu.memory_space<hbm>>
        %dma_start3A_77 = tpu.memref_squeeze %dma_start3A_76 : memref<1x2048xf32, #tpu.memory_space<hbm>> -> memref<2048xf32, #tpu.memory_space<hbm>>
        tpu.enqueue_dma source(%arg22 : memref<2048xf32, #tpu.memory_space<vmem>>) target(%dma_start3A_77 : memref<2048xf32, #tpu.memory_space<hbm>>) target_semaphore(%run_scoped3A : memref<!tpu.dma_semaphore, #tpu.memory_space<semaphore_mem>>)
        %dma_wait3A = tpu.memref_slice %arg7[%add3A_72, %multiple_of3A] : memref<64x331776xf32, #tpu.memory_space<hbm>> -> memref<1x2048xf32, #tpu.memory_space<hbm>>
        %dma_wait3A_78 = tpu.memref_squeeze %dma_wait3A : memref<1x2048xf32, #tpu.memory_space<hbm>> -> memref<2048xf32, #tpu.memory_space<hbm>>
        %dma_wait3A_79 = tpu.memref_slice %arg7[%add3A_72, %multiple_of3A] : memref<64x331776xf32, #tpu.memory_space<hbm>> -> memref<1x2048xf32, #tpu.memory_space<hbm>>
        %dma_wait3A_80 = tpu.memref_squeeze %dma_wait3A_79 : memref<1x2048xf32, #tpu.memory_space<hbm>> -> memref<2048xf32, #tpu.memory_space<hbm>>
        tpu.wait_dma2 semaphore(%run_scoped3A : memref<!tpu.dma_semaphore, #tpu.memory_space<semaphore_mem>>) src(%arg22 : memref<2048xf32, #tpu.memory_space<vmem>>) dst(%dma_wait3A_80 : memref<2048xf32, #tpu.memory_space<hbm>>)
        tpu.yield
      }) : () -> ()
      %add3A_73 = arith.constant 2048 : i32
      %add3A_74 = arith.addi %multiple_of3A, %add3A_73 : i32
      scf.yield %add3A_74 : i32
    }
    %scan3A_55 = arith.constant 81 : i32
    return
  }
}

#map = affine_map<(d0, d1) -> (0)>
#map1 = affine_map<(d0, d1) -> (0, 0)>
module attributes {stable_mosaic.version = 14 : i64} {
  func.func @_sc_scatter_max(%arg0: i32, %arg1: i32, %arg2: memref<331776xi32, #tpu.memory_space<hbm>>, %arg3: memref<331776xf32, #tpu.memory_space<hbm>>, %arg4: memref<165888x128xf32, #tpu.memory_space<hbm>>, %arg5: memref<10240x64xf32, #tpu.memory_space<hbm>>, %arg6: memref<4096xi32, #tpu.memory_space<vmem>>, %arg7: memref<4096xf32, #tpu.memory_space<vmem>>, %arg8: memref<4224xi32, #tpu.memory_space<vmem>>, %arg9: memref<4240xi32, #tpu.memory_space<vmem>>, %arg10: memref<4240xi32, #tpu.memory_space<vmem>>, %arg11: memref<128x128xf32, #tpu.memory_space<vmem>>, %arg12: memref<328x64xf32, #tpu.memory_space<vmem>>, %arg13: memref<!tpu.dma_semaphore, #tpu.memory_space<semaphore_mem>>) attributes {dimension_semantics = [#tpu.dimension_semantics<core_parallel>, #tpu.dimension_semantics<subcore_parallel>], iteration_bounds = array<i64: 2, 16>, scalar_prefetch = 0 : i64, scratch_operands = 8 : i64, tpu.core_type = #tpu.core_type<sc_vector_subcore>, window_params = [{transform_indices = #map}, {transform_indices = #map}, {transform_indices = #map1}, {transform_indices = #map1}]} {
    %mul3A = arith.constant 2 : i32
    %mul3A_0 = arith.muli %arg1, %mul3A : i32
    %add3A = arith.addi %mul3A_0, %arg0 : i32
    %mul3A_1 = arith.constant 320 : i32
    %mul3A_2 = arith.muli %add3A, %mul3A_1 : i32
    %multiple_of3A = tpu.assume_multiple %mul3A_2, 320 : i32
    %add3A_3 = arith.constant 320 : i32
    %add3A_4 = arith.addi %multiple_of3A, %add3A_3 : i32
    %iota3A = tpu.iota {dimensions = array<i32: 0>} : vector<16xi32>
    %broadcast_in_dim3A = arith.constant 0xFF800000 : f32
    %broadcast_in_dim3A_5 = vector.broadcast %broadcast_in_dim3A : f32 to vector<16xf32>
    %broadcast_in_dim3A_6 = arith.constant true
    %broadcast_in_dim3A_7 = vector.broadcast %broadcast_in_dim3A_6 : i1 to vector<16xi1>
    %scan3A = arith.constant 0 : i32
    %scan3A_8 = arith.constant 0 : i32
    %scan3A_9 = arith.constant 328 : i32
    %scan3A_10 = arith.addi %scan3A_8, %scan3A_9 : i32
    %scan3A_11 = arith.constant 1 : i32
    %scan3A_12 = scf.for %scan3A_21 = %scan3A_8 to %scan3A_10 step %scan3A_11 iter_args(%scan3A_22 = %scan3A) -> (i32)  : i32 {
      %swap3A = arith.index_cast %scan3A_22 : i32 to index
      %swap3A_23 = arith.constant 0 : index
      %swap3A_24 = tpu.vector_load %arg12[%swap3A, %swap3A_23] {strides = array<i32>} : memref<328x64xf32, #tpu.memory_space<vmem>>, vector<16xf32>,
      tpu.vector_store %arg12[%swap3A, %swap3A_23], %broadcast_in_dim3A_5 {strides = array<i32>} : memref<328x64xf32, #tpu.memory_space<vmem>>, vector<16xf32>,
      %swap3A_25 = arith.index_cast %scan3A_22 : i32 to index
      %swap3A_26 = arith.constant 16 : index
      %swap3A_27 = tpu.vector_load %arg12[%swap3A_25, %swap3A_26] {strides = array<i32>} : memref<328x64xf32, #tpu.memory_space<vmem>>, vector<16xf32>,
      tpu.vector_store %arg12[%swap3A_25, %swap3A_26], %broadcast_in_dim3A_5 {strides = array<i32>} : memref<328x64xf32, #tpu.memory_space<vmem>>, vector<16xf32>,
      %swap3A_28 = arith.index_cast %scan3A_22 : i32 to index
      %swap3A_29 = arith.constant 32 : index
      %swap3A_30 = tpu.vector_load %arg12[%swap3A_28, %swap3A_29] {strides = array<i32>} : memref<328x64xf32, #tpu.memory_space<vmem>>, vector<16xf32>,
      tpu.vector_store %arg12[%swap3A_28, %swap3A_29], %broadcast_in_dim3A_5 {strides = array<i32>} : memref<328x64xf32, #tpu.memory_space<vmem>>, vector<16xf32>,
      %swap3A_31 = arith.index_cast %scan3A_22 : i32 to index
      %swap3A_32 = arith.constant 48 : index
      %swap3A_33 = tpu.vector_load %arg12[%swap3A_31, %swap3A_32] {strides = array<i32>} : memref<328x64xf32, #tpu.memory_space<vmem>>, vector<16xf32>,
      tpu.vector_store %arg12[%swap3A_31, %swap3A_32], %broadcast_in_dim3A_5 {strides = array<i32>} : memref<328x64xf32, #tpu.memory_space<vmem>>, vector<16xf32>,
      %add3A_34 = arith.constant 1 : i32
      %add3A_35 = arith.addi %scan3A_22, %add3A_34 : i32
      scf.yield %add3A_35 : i32
    }
    %scan3A_13 = arith.constant 328 : i32
    %scan3A_14 = arith.constant 0 : i32
    %scan3A_15 = arith.constant 0 : i32
    %scan3A_16 = arith.constant 81 : i32
    %scan3A_17 = arith.addi %scan3A_15, %scan3A_16 : i32
    %scan3A_18 = arith.constant 1 : i32
    %scan3A_19 = scf.for %scan3A_21 = %scan3A_15 to %scan3A_17 step %scan3A_18 iter_args(%scan3A_22 = %scan3A_14) -> (i32)  : i32 {
      %multiple_of3A_23 = tpu.assume_multiple %scan3A_22, 4096 : i32
      "tpu.region"() ({
        %run_scoped3A = tpu.sem_alloc : memref<!tpu.dma_semaphore, #tpu.memory_space<semaphore_mem>>
        %dma_start3A = tpu.memref_slice %arg2[%multiple_of3A_23] : memref<331776xi32, #tpu.memory_space<hbm>> -> memref<4096xi32, #tpu.memory_space<hbm>>
        %dma_start3A_69 = tpu.memref_slice %arg2[%multiple_of3A_23] : memref<331776xi32, #tpu.memory_space<hbm>> -> memref<4096xi32, #tpu.memory_space<hbm>>
        tpu.enqueue_dma source(%dma_start3A_69 : memref<4096xi32, #tpu.memory_space<hbm>>) target(%arg6 : memref<4096xi32, #tpu.memory_space<vmem>>) target_semaphore(%run_scoped3A : memref<!tpu.dma_semaphore, #tpu.memory_space<semaphore_mem>>)
        %dma_wait3A = tpu.memref_slice %arg2[%multiple_of3A_23] : memref<331776xi32, #tpu.memory_space<hbm>> -> memref<4096xi32, #tpu.memory_space<hbm>>
        %dma_wait3A_70 = tpu.memref_slice %arg2[%multiple_of3A_23] : memref<331776xi32, #tpu.memory_space<hbm>> -> memref<4096xi32, #tpu.memory_space<hbm>>
        tpu.wait_dma2 semaphore(%run_scoped3A : memref<!tpu.dma_semaphore, #tpu.memory_space<semaphore_mem>>) src(%dma_wait3A_70 : memref<4096xi32, #tpu.memory_space<hbm>>) dst(%arg6 : memref<4096xi32, #tpu.memory_space<vmem>>)
        tpu.yield
      }) : () -> ()
      "tpu.region"() ({
        %run_scoped3A = tpu.sem_alloc : memref<!tpu.dma_semaphore, #tpu.memory_space<semaphore_mem>>
        %dma_start3A = tpu.memref_slice %arg3[%multiple_of3A_23] : memref<331776xf32, #tpu.memory_space<hbm>> -> memref<4096xf32, #tpu.memory_space<hbm>>
        %dma_start3A_69 = tpu.memref_slice %arg3[%multiple_of3A_23] : memref<331776xf32, #tpu.memory_space<hbm>> -> memref<4096xf32, #tpu.memory_space<hbm>>
        tpu.enqueue_dma source(%dma_start3A_69 : memref<4096xf32, #tpu.memory_space<hbm>>) target(%arg7 : memref<4096xf32, #tpu.memory_space<vmem>>) target_semaphore(%run_scoped3A : memref<!tpu.dma_semaphore, #tpu.memory_space<semaphore_mem>>)
        %dma_wait3A = tpu.memref_slice %arg3[%multiple_of3A_23] : memref<331776xf32, #tpu.memory_space<hbm>> -> memref<4096xf32, #tpu.memory_space<hbm>>
        %dma_wait3A_70 = tpu.memref_slice %arg3[%multiple_of3A_23] : memref<331776xf32, #tpu.memory_space<hbm>> -> memref<4096xf32, #tpu.memory_space<hbm>>
        tpu.wait_dma2 semaphore(%run_scoped3A : memref<!tpu.dma_semaphore, #tpu.memory_space<semaphore_mem>>) src(%dma_wait3A_70 : memref<4096xf32, #tpu.memory_space<hbm>>) dst(%arg7 : memref<4096xf32, #tpu.memory_space<vmem>>)
        tpu.yield
      }) : () -> ()
      %scan3A_24 = arith.constant 0 : i32
      %scan3A_25 = arith.constant 0 : i32
      %scan3A_26 = arith.constant 0 : i32
      %scan3A_27 = arith.constant 256 : i32
      %scan3A_28 = arith.addi %scan3A_26, %scan3A_27 : i32
      %scan3A_29 = arith.constant 1 : i32
      %scan3A_30:2 = scf.for %scan3A_69 = %scan3A_26 to %scan3A_28 step %scan3A_29 iter_args(%scan3A_70 = %scan3A_24, %scan3A_71 = %scan3A_25) -> (i32, i32)  : i32 {
        %get3A = arith.index_cast %scan3A_70 : i32 to index
        %get3A_72 = tpu.vector_load %arg6[%get3A] {strides = array<i32>} : memref<4096xi32, #tpu.memory_space<vmem>>, vector<16xi32>,
        %get3A_73 = arith.index_cast %scan3A_70 : i32 to index
        %get3A_74 = tpu.vector_load %arg7[%get3A_73] {strides = array<i32>} : memref<4096xf32, #tpu.memory_space<vmem>>, vector<16xf32>,
        %ge3A = vector.broadcast %multiple_of3A : i32 to vector<16xi32>
        %ge3A_75 = arith.cmpi sge, %get3A_72, %ge3A : vector<16xi32>
        %lt3A = vector.broadcast %add3A_4 : i32 to vector<16xi32>
        %lt3A_76 = arith.cmpi slt, %get3A_72, %lt3A : vector<16xi32>
        %and3A_77 = arith.andi %ge3A_75, %lt3A_76 : vector<16xi1>
        %gt3A = arith.constant 5.000000e-01 : f32
        %gt3A_78 = vector.broadcast %gt3A : f32 to vector<16xf32>
        %gt3A_79 = arith.cmpf ogt, %get3A_74, %gt3A_78 : vector<16xf32>
        %and3A_80 = arith.andi %and3A_77, %gt3A_79 : vector<16xi1>
        %convert_element_type3A = arith.extui %and3A_80 : vector<16xi1> to vector<16xi32>
        %broadcast_in_dim3A_81 = arith.constant true
        %broadcast_in_dim3A_82 = vector.broadcast %broadcast_in_dim3A_81 : i1 to vector<16xi1>
        %masked_cumsum3A = tpu.scan <sum>, %convert_element_type3A masked %broadcast_in_dim3A_82 : vector<16xi32>, vector<16xi1> -> vector<16xi32>
        %add3A_83 = vector.broadcast %scan3A_71 : i32 to vector<16xi32>
        %add3A_84 = arith.addi %add3A_83, %masked_cumsum3A : vector<16xi32>
        %sub3A_85 = arith.constant 1 : i32
        %sub3A_86 = vector.broadcast %sub3A_85 : i32 to vector<16xi32>
        %sub3A_87 = arith.subi %add3A_84, %sub3A_86 : vector<16xi32>
        %add3A_88 = arith.addi %multiple_of3A_23, %scan3A_70 : i32
        %add3A_89 = vector.broadcast %add3A_88 : i32 to vector<16xi32>
        %add3A_90 = arith.addi %iota3A, %add3A_89 : vector<16xi32>
        %shift_right_logical3A = arith.constant 1 : i32
        %shift_right_logical3A_91 = vector.broadcast %shift_right_logical3A : i32 to vector<16xi32>
        %shift_right_logical3A_92 = arith.shrui %add3A_90, %shift_right_logical3A_91 : vector<16xi32>
        tpu.vector_store_idx %arg8[%sub3A_87], %shift_right_logical3A_92 masked %and3A_80 : memref<4224xi32, #tpu.memory_space<vmem>>[vector<16xi32>], vector<16xi32>, vector<16xi1>
        %sub3A_93 = vector.broadcast %multiple_of3A : i32 to vector<16xi32>
        %sub3A_94 = arith.subi %get3A_72, %sub3A_93 : vector<16xi32>
        tpu.vector_store_idx %arg9[%sub3A_87], %sub3A_94 masked %and3A_80 : memref<4240xi32, #tpu.memory_space<vmem>>[vector<16xi32>], vector<16xi32>, vector<16xi1>
        %and3A_95 = arith.constant 1 : i32
        %and3A_96 = vector.broadcast %and3A_95 : i32 to vector<16xi32>
        %and3A_97 = arith.andi %add3A_90, %and3A_96 : vector<16xi32>
        %mul3A_98 = arith.constant 64 : i32
        %mul3A_99 = vector.broadcast %mul3A_98 : i32 to vector<16xi32>
        %mul3A_100 = arith.muli %and3A_97, %mul3A_99 : vector<16xi32>
        tpu.vector_store_idx %arg10[%sub3A_87], %mul3A_100 masked %and3A_80 : memref<4240xi32, #tpu.memory_space<vmem>>[vector<16xi32>], vector<16xi32>, vector<16xi1>
        %add3A_101 = arith.constant 16 : i32
        %add3A_102 = arith.addi %scan3A_70, %add3A_101 : i32
        %slice3A = vector.extract_strided_slice %sub3A_87 {offsets = [15], sizes = [1], strides = [1]} : vector<16xi32> to vector<1xi32>
        %squeeze3A = vector.extract %slice3A[0] : i32 from vector<1xi32>
        %add3A_103 = arith.constant 1 : i32
        %add3A_104 = arith.addi %squeeze3A, %add3A_103 : i32
        scf.yield %add3A_102, %add3A_104 : i32, i32
      }
      %scan3A_31 = arith.constant 256 : i32
      %scan3A_32 = arith.constant 0 : i32
      %scan3A_33 = arith.constant 8 : i32
      %scan3A_34 = arith.addi %scan3A_32, %scan3A_33 : i32
      %scan3A_35 = arith.constant 1 : i32
      %scan3A_36 = scf.for %scan3A_69 = %scan3A_32 to %scan3A_34 step %scan3A_35 iter_args(%scan3A_70 = %scan3A_30#1) -> (i32)  : i32 {
        %add3A_71 = vector.broadcast %scan3A_70 : i32 to vector<16xi32>
        %add3A_72 = arith.addi %iota3A, %add3A_71 : vector<16xi32>
        %broadcast_in_dim3A_73 = arith.constant 0 : i32
        %broadcast_in_dim3A_74 = vector.broadcast %broadcast_in_dim3A_73 : i32 to vector<16xi32>
        tpu.vector_store_idx %arg8[%add3A_72], %broadcast_in_dim3A_74 masked %broadcast_in_dim3A_7 : memref<4224xi32, #tpu.memory_space<vmem>>[vector<16xi32>], vector<16xi32>, vector<16xi1>
        %broadcast_in_dim3A_75 = arith.constant 327 : i32
        %broadcast_in_dim3A_76 = vector.broadcast %broadcast_in_dim3A_75 : i32 to vector<16xi32>
        tpu.vector_store_idx %arg9[%add3A_72], %broadcast_in_dim3A_76 masked %broadcast_in_dim3A_7 : memref<4240xi32, #tpu.memory_space<vmem>>[vector<16xi32>], vector<16xi32>, vector<16xi1>
        tpu.vector_store_idx %arg10[%add3A_72], %broadcast_in_dim3A_74 masked %broadcast_in_dim3A_7 : memref<4240xi32, #tpu.memory_space<vmem>>[vector<16xi32>], vector<16xi32>, vector<16xi1>
        %add3A_77 = arith.constant 16 : i32
        %add3A_78 = arith.addi %scan3A_70, %add3A_77 : i32
        scf.yield %add3A_78 : i32
      }
      %scan3A_37 = arith.constant 8 : i32
      %add3A_38 = arith.constant 127 : i32
      %add3A_39 = arith.addi %scan3A_30#1, %add3A_38 : i32
      %jit3A = arith.constant 128 : i32
      %div3A = arith.divsi %add3A_39, %jit3A : i32
      %sign3A = arith.constant 0 : i32
      %sign3A_40 = arith.cmpi sgt, %add3A_39, %sign3A : i32
      %sign3A_41 = arith.extui %sign3A_40 : i1 to i32
      %sign3A_42 = arith.constant 0 : i32
      %sign3A_43 = arith.cmpi slt, %add3A_39, %sign3A_42 : i32
      %sign3A_44 = arith.extui %sign3A_43 : i1 to i32
      %sign3A_45 = arith.subi %sign3A_41, %sign3A_44 : i32
      %sign3A_46 = arith.constant 0 : i32
      %sign3A_47 = arith.cmpi sgt, %jit3A, %sign3A_46 : i32
      %sign3A_48 = arith.extui %sign3A_47 : i1 to i32
      %sign3A_49 = arith.constant 0 : i32
      %sign3A_50 = arith.cmpi slt, %jit3A, %sign3A_49 : i32
      %sign3A_51 = arith.extui %sign3A_50 : i1 to i32
      %sign3A_52 = arith.subi %sign3A_48, %sign3A_51 : i32
      %ne3A = arith.cmpi ne, %sign3A_45, %sign3A_52 : i32
      %rem3A = arith.remsi %add3A_39, %jit3A : i32
      %ne3A_53 = arith.constant 0 : i32
      %ne3A_54 = arith.cmpi ne, %rem3A, %ne3A_53 : i32
      %and3A = arith.andi %ne3A, %ne3A_54 : i1
      %sub3A = arith.constant 1 : i32
      %sub3A_55 = arith.subi %div3A, %sub3A : i32
      %select_n3A = arith.select %and3A, %sub3A_55, %div3A : i32
      %while3A = arith.constant 0 : i32
      %while3A_56 = arith.constant 0 : i32
      %while3A_57 = arith.subi %select_n3A, %while3A : i32
      %while3A_58 = arith.addi %while3A, %while3A_57 : i32
      %while3A_59 = arith.constant 1 : i32
      %while3A_60 = arith.divsi %while3A_57, %while3A_59 : i32
      %while3A_61 = arith.muli %while3A_60, %while3A_59 : i32
      %while3A_62 = arith.addi %while3A, %while3A_61 : i32
      %while3A_63 = arith.constant 1 : i32
      %while3A_64 = scf.for %while3A_69 = %while3A to %while3A_62 step %while3A_63 iter_args(%while3A_70 = %while3A_56) -> (i32)  : i32 {
        %multiple_of3A_71 = tpu.assume_multiple %while3A_70, 128 : i32
        %dma_start3A = tpu.memref_slice %arg8[%multiple_of3A_71] : memref<4224xi32, #tpu.memory_space<vmem>> -> memref<128xi32, #tpu.memory_space<vmem>>
        %dma_start3A_72 = arith.constant 0 : i32
        %dma_start3A_73 = arith.constant 0 : i32
        %dma_start3A_74 = tpu.memref_slice %arg4[%dma_start3A_72, %dma_start3A_73] : memref<165888x128xf32, #tpu.memory_space<hbm>> -> memref<165888x128xf32, #tpu.memory_space<hbm>>
        tpu.enqueue_indirect_dma source(%dma_start3A_74 : memref<165888x128xf32, #tpu.memory_space<hbm>>) target(%arg11 : memref<128x128xf32, #tpu.memory_space<vmem>>) offsets(%dma_start3A : memref<128xi32, #tpu.memory_space<vmem>>) semaphore(%arg13 : memref<!tpu.dma_semaphore, #tpu.memory_space<semaphore_mem>>)
        %dma_wait3A = tpu.memref_slice %arg8[%multiple_of3A_71] : memref<4224xi32, #tpu.memory_space<vmem>> -> memref<128xi32, #tpu.memory_space<vmem>>
        %dma_wait3A_75 = arith.constant 0 : i32
        %dma_wait3A_76 = arith.constant 0 : i32
        %dma_wait3A_77 = tpu.memref_slice %arg4[%dma_wait3A_75, %dma_wait3A_76] : memref<165888x128xf32, #tpu.memory_space<hbm>> -> memref<165888x128xf32, #tpu.memory_space<hbm>>
        tpu.wait_indirect_dma semaphore(%arg13 : memref<!tpu.dma_semaphore, #tpu.memory_space<semaphore_mem>>) src(%dma_wait3A_77 : memref<165888x128xf32, #tpu.memory_space<hbm>>) dst(%arg11 : memref<128x128xf32, #tpu.memory_space<vmem>>)
        %sub3A_78 = arith.subi %scan3A_30#1, %multiple_of3A_71 : i32
        %min3A = arith.constant 128 : i32
        %min3A_79 = arith.minsi %sub3A_78, %min3A : i32
        %while3A_80 = arith.constant 0 : i32
        %while3A_81 = arith.constant 0 : i32
        %while3A_82 = arith.subi %min3A_79, %while3A_80 : i32
        %while3A_83 = arith.addi %while3A_80, %while3A_82 : i32
        %while3A_84 = arith.constant 1 : i32
        %while3A_85 = arith.divsi %while3A_82, %while3A_84 : i32
        %while3A_86 = arith.muli %while3A_85, %while3A_84 : i32
        %while3A_87 = arith.addi %while3A_80, %while3A_86 : i32
        %while3A_88 = arith.constant 1 : i32
        %while3A_89 = scf.for %while3A_94 = %while3A_80 to %while3A_87 step %while3A_88 iter_args(%while3A_95 = %while3A_81) -> (i32)  : i32 {
          %add3A_96 = arith.addi %multiple_of3A_71, %while3A_95 : i32
          %get3A = arith.index_cast %add3A_96 : i32 to index
          %get3A_97 = tpu.vector_load %arg9[%get3A] {strides = array<i32>} : memref<4240xi32, #tpu.memory_space<vmem>>, vector<16xi32>,
          %slice3A = vector.extract_strided_slice %get3A_97 {offsets = [0], sizes = [1], strides = [1]} : vector<16xi32> to vector<1xi32>
          %squeeze3A = vector.extract %slice3A[0] : i32 from vector<1xi32>
          %add3A_98 = arith.addi %multiple_of3A_71, %while3A_95 : i32
          %get3A_99 = arith.index_cast %add3A_98 : i32 to index
          %get3A_100 = tpu.vector_load %arg10[%get3A_99] {strides = array<i32>} : memref<4240xi32, #tpu.memory_space<vmem>>, vector<16xi32>,
          %slice3A_101 = vector.extract_strided_slice %get3A_100 {offsets = [0], sizes = [1], strides = [1]} : vector<16xi32> to vector<1xi32>
          %squeeze3A_102 = vector.extract %slice3A_101[0] : i32 from vector<1xi32>
          %multiple_of3A_103 = tpu.assume_multiple %squeeze3A_102, 64 : i32
          %get3A_104 = arith.index_cast %squeeze3A : i32 to index
          %get3A_105 = arith.constant 0 : index
          %get3A_106 = tpu.vector_load %arg12[%get3A_104, %get3A_105] {strides = array<i32>} : memref<328x64xf32, #tpu.memory_space<vmem>>, vector<16xf32>,
          %add3A_107 = arith.constant 0 : i32
          %add3A_108 = arith.addi %multiple_of3A_103, %add3A_107 : i32
          %get3A_109 = arith.index_cast %while3A_95 : i32 to index
          %get3A_110 = arith.index_cast %add3A_108 : i32 to index
          %get3A_111 = tpu.vector_load %arg11[%get3A_109, %get3A_110] {strides = array<i32>} : memref<128x128xf32, #tpu.memory_space<vmem>>, vector<16xf32>,
          %max3A = arith.maximumf %get3A_106, %get3A_111 : vector<16xf32>
          %swap3A = arith.index_cast %squeeze3A : i32 to index
          %swap3A_112 = arith.constant 0 : index
          %swap3A_113 = tpu.vector_load %arg12[%swap3A, %swap3A_112] {strides = array<i32>} : memref<328x64xf32, #tpu.memory_space<vmem>>, vector<16xf32>,
          tpu.vector_store %arg12[%swap3A, %swap3A_112], %max3A {strides = array<i32>} : memref<328x64xf32, #tpu.memory_space<vmem>>, vector<16xf32>,
          %get3A_114 = arith.index_cast %squeeze3A : i32 to index
          %get3A_115 = arith.constant 16 : index
          %get3A_116 = tpu.vector_load %arg12[%get3A_114, %get3A_115] {strides = array<i32>} : memref<328x64xf32, #tpu.memory_space<vmem>>, vector<16xf32>,
          %add3A_117 = arith.constant 16 : i32
          %add3A_118 = arith.addi %multiple_of3A_103, %add3A_117 : i32
          %get3A_119 = arith.index_cast %while3A_95 : i32 to index
          %get3A_120 = arith.index_cast %add3A_118 : i32 to index
          %get3A_121 = tpu.vector_load %arg11[%get3A_119, %get3A_120] {strides = array<i32>} : memref<128x128xf32, #tpu.memory_space<vmem>>, vector<16xf32>,
          %max3A_122 = arith.maximumf %get3A_116, %get3A_121 : vector<16xf32>
          %swap3A_123 = arith.index_cast %squeeze3A : i32 to index
          %swap3A_124 = arith.constant 16 : index
          %swap3A_125 = tpu.vector_load %arg12[%swap3A_123, %swap3A_124] {strides = array<i32>} : memref<328x64xf32, #tpu.memory_space<vmem>>, vector<16xf32>,
          tpu.vector_store %arg12[%swap3A_123, %swap3A_124], %max3A_122 {strides = array<i32>} : memref<328x64xf32, #tpu.memory_space<vmem>>, vector<16xf32>,
          %get3A_126 = arith.index_cast %squeeze3A : i32 to index
          %get3A_127 = arith.constant 32 : index
          %get3A_128 = tpu.vector_load %arg12[%get3A_126, %get3A_127] {strides = array<i32>} : memref<328x64xf32, #tpu.memory_space<vmem>>, vector<16xf32>,
          %add3A_129 = arith.constant 32 : i32
          %add3A_130 = arith.addi %multiple_of3A_103, %add3A_129 : i32
          %get3A_131 = arith.index_cast %while3A_95 : i32 to index
          %get3A_132 = arith.index_cast %add3A_130 : i32 to index
          %get3A_133 = tpu.vector_load %arg11[%get3A_131, %get3A_132] {strides = array<i32>} : memref<128x128xf32, #tpu.memory_space<vmem>>, vector<16xf32>,
          %max3A_134 = arith.maximumf %get3A_128, %get3A_133 : vector<16xf32>
          %swap3A_135 = arith.index_cast %squeeze3A : i32 to index
          %swap3A_136 = arith.constant 32 : index
          %swap3A_137 = tpu.vector_load %arg12[%swap3A_135, %swap3A_136] {strides = array<i32>} : memref<328x64xf32, #tpu.memory_space<vmem>>, vector<16xf32>,
          tpu.vector_store %arg12[%swap3A_135, %swap3A_136], %max3A_134 {strides = array<i32>} : memref<328x64xf32, #tpu.memory_space<vmem>>, vector<16xf32>,
          %get3A_138 = arith.index_cast %squeeze3A : i32 to index
          %get3A_139 = arith.constant 48 : index
          %get3A_140 = tpu.vector_load %arg12[%get3A_138, %get3A_139] {strides = array<i32>} : memref<328x64xf32, #tpu.memory_space<vmem>>, vector<16xf32>,
          %add3A_141 = arith.constant 48 : i32
          %add3A_142 = arith.addi %multiple_of3A_103, %add3A_141 : i32
          %get3A_143 = arith.index_cast %while3A_95 : i32 to index
          %get3A_144 = arith.index_cast %add3A_142 : i32 to index
          %get3A_145 = tpu.vector_load %arg11[%get3A_143, %get3A_144] {strides = array<i32>} : memref<128x128xf32, #tpu.memory_space<vmem>>, vector<16xf32>,
          %max3A_146 = arith.maximumf %get3A_140, %get3A_145 : vector<16xf32>
          %swap3A_147 = arith.index_cast %squeeze3A : i32 to index
          %swap3A_148 = arith.constant 48 : index
          %swap3A_149 = tpu.vector_load %arg12[%swap3A_147, %swap3A_148] {strides = array<i32>} : memref<328x64xf32, #tpu.memory_space<vmem>>, vector<16xf32>,
          tpu.vector_store %arg12[%swap3A_147, %swap3A_148], %max3A_146 {strides = array<i32>} : memref<328x64xf32, #tpu.memory_space<vmem>>, vector<16xf32>,
          %add3A_150 = arith.constant 1 : i32
          %add3A_151 = arith.addi %while3A_95, %add3A_150 : i32
          scf.yield %add3A_151 : i32
        }
        %while3A_90 = arith.constant 1 : i32
        %while3A_91 = scf.for %while3A_94 = %while3A_87 to %while3A_83 step %while3A_90 iter_args(%while3A_95 = %while3A_89) -> (i32)  : i32 {
          %add3A_96 = arith.addi %multiple_of3A_71, %while3A_95 : i32
          %get3A = arith.index_cast %add3A_96 : i32 to index
          %get3A_97 = tpu.vector_load %arg9[%get3A] {strides = array<i32>} : memref<4240xi32, #tpu.memory_space<vmem>>, vector<16xi32>,
          %slice3A = vector.extract_strided_slice %get3A_97 {offsets = [0], sizes = [1], strides = [1]} : vector<16xi32> to vector<1xi32>
          %squeeze3A = vector.extract %slice3A[0] : i32 from vector<1xi32>
          %add3A_98 = arith.addi %multiple_of3A_71, %while3A_95 : i32
          %get3A_99 = arith.index_cast %add3A_98 : i32 to index
          %get3A_100 = tpu.vector_load %arg10[%get3A_99] {strides = array<i32>} : memref<4240xi32, #tpu.memory_space<vmem>>, vector<16xi32>,
          %slice3A_101 = vector.extract_strided_slice %get3A_100 {offsets = [0], sizes = [1], strides = [1]} : vector<16xi32> to vector<1xi32>
          %squeeze3A_102 = vector.extract %slice3A_101[0] : i32 from vector<1xi32>
          %multiple_of3A_103 = tpu.assume_multiple %squeeze3A_102, 64 : i32
          %get3A_104 = arith.index_cast %squeeze3A : i32 to index
          %get3A_105 = arith.constant 0 : index
          %get3A_106 = tpu.vector_load %arg12[%get3A_104, %get3A_105] {strides = array<i32>} : memref<328x64xf32, #tpu.memory_space<vmem>>, vector<16xf32>,
          %add3A_107 = arith.constant 0 : i32
          %add3A_108 = arith.addi %multiple_of3A_103, %add3A_107 : i32
          %get3A_109 = arith.index_cast %while3A_95 : i32 to index
          %get3A_110 = arith.index_cast %add3A_108 : i32 to index
          %get3A_111 = tpu.vector_load %arg11[%get3A_109, %get3A_110] {strides = array<i32>} : memref<128x128xf32, #tpu.memory_space<vmem>>, vector<16xf32>,
          %max3A = arith.maximumf %get3A_106, %get3A_111 : vector<16xf32>
          %swap3A = arith.index_cast %squeeze3A : i32 to index
          %swap3A_112 = arith.constant 0 : index
          %swap3A_113 = tpu.vector_load %arg12[%swap3A, %swap3A_112] {strides = array<i32>} : memref<328x64xf32, #tpu.memory_space<vmem>>, vector<16xf32>,
          tpu.vector_store %arg12[%swap3A, %swap3A_112], %max3A {strides = array<i32>} : memref<328x64xf32, #tpu.memory_space<vmem>>, vector<16xf32>,
          %get3A_114 = arith.index_cast %squeeze3A : i32 to index
          %get3A_115 = arith.constant 16 : index
          %get3A_116 = tpu.vector_load %arg12[%get3A_114, %get3A_115] {strides = array<i32>} : memref<328x64xf32, #tpu.memory_space<vmem>>, vector<16xf32>,
          %add3A_117 = arith.constant 16 : i32
          %add3A_118 = arith.addi %multiple_of3A_103, %add3A_117 : i32
          %get3A_119 = arith.index_cast %while3A_95 : i32 to index
          %get3A_120 = arith.index_cast %add3A_118 : i32 to index
          %get3A_121 = tpu.vector_load %arg11[%get3A_119, %get3A_120] {strides = array<i32>} : memref<128x128xf32, #tpu.memory_space<vmem>>, vector<16xf32>,
          %max3A_122 = arith.maximumf %get3A_116, %get3A_121 : vector<16xf32>
          %swap3A_123 = arith.index_cast %squeeze3A : i32 to index
          %swap3A_124 = arith.constant 16 : index
          %swap3A_125 = tpu.vector_load %arg12[%swap3A_123, %swap3A_124] {strides = array<i32>} : memref<328x64xf32, #tpu.memory_space<vmem>>, vector<16xf32>,
          tpu.vector_store %arg12[%swap3A_123, %swap3A_124], %max3A_122 {strides = array<i32>} : memref<328x64xf32, #tpu.memory_space<vmem>>, vector<16xf32>,
          %get3A_126 = arith.index_cast %squeeze3A : i32 to index
          %get3A_127 = arith.constant 32 : index
          %get3A_128 = tpu.vector_load %arg12[%get3A_126, %get3A_127] {strides = array<i32>} : memref<328x64xf32, #tpu.memory_space<vmem>>, vector<16xf32>,
          %add3A_129 = arith.constant 32 : i32
          %add3A_130 = arith.addi %multiple_of3A_103, %add3A_129 : i32
          %get3A_131 = arith.index_cast %while3A_95 : i32 to index
          %get3A_132 = arith.index_cast %add3A_130 : i32 to index
          %get3A_133 = tpu.vector_load %arg11[%get3A_131, %get3A_132] {strides = array<i32>} : memref<128x128xf32, #tpu.memory_space<vmem>>, vector<16xf32>,
          %max3A_134 = arith.maximumf %get3A_128, %get3A_133 : vector<16xf32>
          %swap3A_135 = arith.index_cast %squeeze3A : i32 to index
          %swap3A_136 = arith.constant 32 : index
          %swap3A_137 = tpu.vector_load %arg12[%swap3A_135, %swap3A_136] {strides = array<i32>} : memref<328x64xf32, #tpu.memory_space<vmem>>, vector<16xf32>,
          tpu.vector_store %arg12[%swap3A_135, %swap3A_136], %max3A_134 {strides = array<i32>} : memref<328x64xf32, #tpu.memory_space<vmem>>, vector<16xf32>,
          %get3A_138 = arith.index_cast %squeeze3A : i32 to index
          %get3A_139 = arith.constant 48 : index
          %get3A_140 = tpu.vector_load %arg12[%get3A_138, %get3A_139] {strides = array<i32>} : memref<328x64xf32, #tpu.memory_space<vmem>>, vector<16xf32>,
          %add3A_141 = arith.constant 48 : i32
          %add3A_142 = arith.addi %multiple_of3A_103, %add3A_141 : i32
          %get3A_143 = arith.index_cast %while3A_95 : i32 to index
          %get3A_144 = arith.index_cast %add3A_142 : i32 to index
          %get3A_145 = tpu.vector_load %arg11[%get3A_143, %get3A_144] {strides = array<i32>} : memref<128x128xf32, #tpu.memory_space<vmem>>, vector<16xf32>,
          %max3A_146 = arith.maximumf %get3A_140, %get3A_145 : vector<16xf32>
          %swap3A_147 = arith.index_cast %squeeze3A : i32 to index
          %swap3A_148 = arith.constant 48 : index
          %swap3A_149 = tpu.vector_load %arg12[%swap3A_147, %swap3A_148] {strides = array<i32>} : memref<328x64xf32, #tpu.memory_space<vmem>>, vector<16xf32>,
          tpu.vector_store %arg12[%swap3A_147, %swap3A_148], %max3A_146 {strides = array<i32>} : memref<328x64xf32, #tpu.memory_space<vmem>>, vector<16xf32>,
          %add3A_150 = arith.constant 1 : i32
          %add3A_151 = arith.addi %while3A_95, %add3A_150 : i32
          scf.yield %add3A_151 : i32
        }
        %add3A_92 = arith.constant 128 : i32
        %add3A_93 = arith.addi %multiple_of3A_71, %add3A_92 : i32
        scf.yield %add3A_93 : i32
      }
      %while3A_65 = arith.constant 1 : i32
      %while3A_66 = scf.for %while3A_69 = %while3A_62 to %while3A_58 step %while3A_65 iter_args(%while3A_70 = %while3A_64) -> (i32)  : i32 {
        %multiple_of3A_71 = tpu.assume_multiple %while3A_70, 128 : i32
        %dma_start3A = tpu.memref_slice %arg8[%multiple_of3A_71] : memref<4224xi32, #tpu.memory_space<vmem>> -> memref<128xi32, #tpu.memory_space<vmem>>
        %dma_start3A_72 = arith.constant 0 : i32
        %dma_start3A_73 = arith.constant 0 : i32
        %dma_start3A_74 = tpu.memref_slice %arg4[%dma_start3A_72, %dma_start3A_73] : memref<165888x128xf32, #tpu.memory_space<hbm>> -> memref<165888x128xf32, #tpu.memory_space<hbm>>
        tpu.enqueue_indirect_dma source(%dma_start3A_74 : memref<165888x128xf32, #tpu.memory_space<hbm>>) target(%arg11 : memref<128x128xf32, #tpu.memory_space<vmem>>) offsets(%dma_start3A : memref<128xi32, #tpu.memory_space<vmem>>) semaphore(%arg13 : memref<!tpu.dma_semaphore, #tpu.memory_space<semaphore_mem>>)
        %dma_wait3A = tpu.memref_slice %arg8[%multiple_of3A_71] : memref<4224xi32, #tpu.memory_space<vmem>> -> memref<128xi32, #tpu.memory_space<vmem>>
        %dma_wait3A_75 = arith.constant 0 : i32
        %dma_wait3A_76 = arith.constant 0 : i32
        %dma_wait3A_77 = tpu.memref_slice %arg4[%dma_wait3A_75, %dma_wait3A_76] : memref<165888x128xf32, #tpu.memory_space<hbm>> -> memref<165888x128xf32, #tpu.memory_space<hbm>>
        tpu.wait_indirect_dma semaphore(%arg13 : memref<!tpu.dma_semaphore, #tpu.memory_space<semaphore_mem>>) src(%dma_wait3A_77 : memref<165888x128xf32, #tpu.memory_space<hbm>>) dst(%arg11 : memref<128x128xf32, #tpu.memory_space<vmem>>)
        %sub3A_78 = arith.subi %scan3A_30#1, %multiple_of3A_71 : i32
        %min3A = arith.constant 128 : i32
        %min3A_79 = arith.minsi %sub3A_78, %min3A : i32
        %while3A_80 = arith.constant 0 : i32
        %while3A_81 = arith.constant 0 : i32
        %while3A_82 = arith.subi %min3A_79, %while3A_80 : i32
        %while3A_83 = arith.addi %while3A_80, %while3A_82 : i32
        %while3A_84 = arith.constant 1 : i32
        %while3A_85 = arith.divsi %while3A_82, %while3A_84 : i32
        %while3A_86 = arith.muli %while3A_85, %while3A_84 : i32
        %while3A_87 = arith.addi %while3A_80, %while3A_86 : i32
        %while3A_88 = arith.constant 1 : i32
        %while3A_89 = scf.for %while3A_94 = %while3A_80 to %while3A_87 step %while3A_88 iter_args(%while3A_95 = %while3A_81) -> (i32)  : i32 {
          %add3A_96 = arith.addi %multiple_of3A_71, %while3A_95 : i32
          %get3A = arith.index_cast %add3A_96 : i32 to index
          %get3A_97 = tpu.vector_load %arg9[%get3A] {strides = array<i32>} : memref<4240xi32, #tpu.memory_space<vmem>>, vector<16xi32>,
          %slice3A = vector.extract_strided_slice %get3A_97 {offsets = [0], sizes = [1], strides = [1]} : vector<16xi32> to vector<1xi32>
          %squeeze3A = vector.extract %slice3A[0] : i32 from vector<1xi32>
          %add3A_98 = arith.addi %multiple_of3A_71, %while3A_95 : i32
          %get3A_99 = arith.index_cast %add3A_98 : i32 to index
          %get3A_100 = tpu.vector_load %arg10[%get3A_99] {strides = array<i32>} : memref<4240xi32, #tpu.memory_space<vmem>>, vector<16xi32>,
          %slice3A_101 = vector.extract_strided_slice %get3A_100 {offsets = [0], sizes = [1], strides = [1]} : vector<16xi32> to vector<1xi32>
          %squeeze3A_102 = vector.extract %slice3A_101[0] : i32 from vector<1xi32>
          %multiple_of3A_103 = tpu.assume_multiple %squeeze3A_102, 64 : i32
          %get3A_104 = arith.index_cast %squeeze3A : i32 to index
          %get3A_105 = arith.constant 0 : index
          %get3A_106 = tpu.vector_load %arg12[%get3A_104, %get3A_105] {strides = array<i32>} : memref<328x64xf32, #tpu.memory_space<vmem>>, vector<16xf32>,
          %add3A_107 = arith.constant 0 : i32
          %add3A_108 = arith.addi %multiple_of3A_103, %add3A_107 : i32
          %get3A_109 = arith.index_cast %while3A_95 : i32 to index
          %get3A_110 = arith.index_cast %add3A_108 : i32 to index
          %get3A_111 = tpu.vector_load %arg11[%get3A_109, %get3A_110] {strides = array<i32>} : memref<128x128xf32, #tpu.memory_space<vmem>>, vector<16xf32>,
          %max3A = arith.maximumf %get3A_106, %get3A_111 : vector<16xf32>
          %swap3A = arith.index_cast %squeeze3A : i32 to index
          %swap3A_112 = arith.constant 0 : index
          %swap3A_113 = tpu.vector_load %arg12[%swap3A, %swap3A_112] {strides = array<i32>} : memref<328x64xf32, #tpu.memory_space<vmem>>, vector<16xf32>,
          tpu.vector_store %arg12[%swap3A, %swap3A_112], %max3A {strides = array<i32>} : memref<328x64xf32, #tpu.memory_space<vmem>>, vector<16xf32>,
          %get3A_114 = arith.index_cast %squeeze3A : i32 to index
          %get3A_115 = arith.constant 16 : index
          %get3A_116 = tpu.vector_load %arg12[%get3A_114, %get3A_115] {strides = array<i32>} : memref<328x64xf32, #tpu.memory_space<vmem>>, vector<16xf32>,
          %add3A_117 = arith.constant 16 : i32
          %add3A_118 = arith.addi %multiple_of3A_103, %add3A_117 : i32
          %get3A_119 = arith.index_cast %while3A_95 : i32 to index
          %get3A_120 = arith.index_cast %add3A_118 : i32 to index
          %get3A_121 = tpu.vector_load %arg11[%get3A_119, %get3A_120] {strides = array<i32>} : memref<128x128xf32, #tpu.memory_space<vmem>>, vector<16xf32>,
          %max3A_122 = arith.maximumf %get3A_116, %get3A_121 : vector<16xf32>
          %swap3A_123 = arith.index_cast %squeeze3A : i32 to index
          %swap3A_124 = arith.constant 16 : index
          %swap3A_125 = tpu.vector_load %arg12[%swap3A_123, %swap3A_124] {strides = array<i32>} : memref<328x64xf32, #tpu.memory_space<vmem>>, vector<16xf32>,
          tpu.vector_store %arg12[%swap3A_123, %swap3A_124], %max3A_122 {strides = array<i32>} : memref<328x64xf32, #tpu.memory_space<vmem>>, vector<16xf32>,
          %get3A_126 = arith.index_cast %squeeze3A : i32 to index
          %get3A_127 = arith.constant 32 : index
          %get3A_128 = tpu.vector_load %arg12[%get3A_126, %get3A_127] {strides = array<i32>} : memref<328x64xf32, #tpu.memory_space<vmem>>, vector<16xf32>,
          %add3A_129 = arith.constant 32 : i32
          %add3A_130 = arith.addi %multiple_of3A_103, %add3A_129 : i32
          %get3A_131 = arith.index_cast %while3A_95 : i32 to index
          %get3A_132 = arith.index_cast %add3A_130 : i32 to index
          %get3A_133 = tpu.vector_load %arg11[%get3A_131, %get3A_132] {strides = array<i32>} : memref<128x128xf32, #tpu.memory_space<vmem>>, vector<16xf32>,
          %max3A_134 = arith.maximumf %get3A_128, %get3A_133 : vector<16xf32>
          %swap3A_135 = arith.index_cast %squeeze3A : i32 to index
          %swap3A_136 = arith.constant 32 : index
          %swap3A_137 = tpu.vector_load %arg12[%swap3A_135, %swap3A_136] {strides = array<i32>} : memref<328x64xf32, #tpu.memory_space<vmem>>, vector<16xf32>,
          tpu.vector_store %arg12[%swap3A_135, %swap3A_136], %max3A_134 {strides = array<i32>} : memref<328x64xf32, #tpu.memory_space<vmem>>, vector<16xf32>,
          %get3A_138 = arith.index_cast %squeeze3A : i32 to index
          %get3A_139 = arith.constant 48 : index
          %get3A_140 = tpu.vector_load %arg12[%get3A_138, %get3A_139] {strides = array<i32>} : memref<328x64xf32, #tpu.memory_space<vmem>>, vector<16xf32>,
          %add3A_141 = arith.constant 48 : i32
          %add3A_142 = arith.addi %multiple_of3A_103, %add3A_141 : i32
          %get3A_143 = arith.index_cast %while3A_95 : i32 to index
          %get3A_144 = arith.index_cast %add3A_142 : i32 to index
          %get3A_145 = tpu.vector_load %arg11[%get3A_143, %get3A_144] {strides = array<i32>} : memref<128x128xf32, #tpu.memory_space<vmem>>, vector<16xf32>,
          %max3A_146 = arith.maximumf %get3A_140, %get3A_145 : vector<16xf32>
          %swap3A_147 = arith.index_cast %squeeze3A : i32 to index
          %swap3A_148 = arith.constant 48 : index
          %swap3A_149 = tpu.vector_load %arg12[%swap3A_147, %swap3A_148] {strides = array<i32>} : memref<328x64xf32, #tpu.memory_space<vmem>>, vector<16xf32>,
          tpu.vector_store %arg12[%swap3A_147, %swap3A_148], %max3A_146 {strides = array<i32>} : memref<328x64xf32, #tpu.memory_space<vmem>>, vector<16xf32>,
          %add3A_150 = arith.constant 1 : i32
          %add3A_151 = arith.addi %while3A_95, %add3A_150 : i32
          scf.yield %add3A_151 : i32
        }
        %while3A_90 = arith.constant 1 : i32
        %while3A_91 = scf.for %while3A_94 = %while3A_87 to %while3A_83 step %while3A_90 iter_args(%while3A_95 = %while3A_89) -> (i32)  : i32 {
          %add3A_96 = arith.addi %multiple_of3A_71, %while3A_95 : i32
          %get3A = arith.index_cast %add3A_96 : i32 to index
          %get3A_97 = tpu.vector_load %arg9[%get3A] {strides = array<i32>} : memref<4240xi32, #tpu.memory_space<vmem>>, vector<16xi32>,
          %slice3A = vector.extract_strided_slice %get3A_97 {offsets = [0], sizes = [1], strides = [1]} : vector<16xi32> to vector<1xi32>
          %squeeze3A = vector.extract %slice3A[0] : i32 from vector<1xi32>
          %add3A_98 = arith.addi %multiple_of3A_71, %while3A_95 : i32
          %get3A_99 = arith.index_cast %add3A_98 : i32 to index
          %get3A_100 = tpu.vector_load %arg10[%get3A_99] {strides = array<i32>} : memref<4240xi32, #tpu.memory_space<vmem>>, vector<16xi32>,
          %slice3A_101 = vector.extract_strided_slice %get3A_100 {offsets = [0], sizes = [1], strides = [1]} : vector<16xi32> to vector<1xi32>
          %squeeze3A_102 = vector.extract %slice3A_101[0] : i32 from vector<1xi32>
          %multiple_of3A_103 = tpu.assume_multiple %squeeze3A_102, 64 : i32
          %get3A_104 = arith.index_cast %squeeze3A : i32 to index
          %get3A_105 = arith.constant 0 : index
          %get3A_106 = tpu.vector_load %arg12[%get3A_104, %get3A_105] {strides = array<i32>} : memref<328x64xf32, #tpu.memory_space<vmem>>, vector<16xf32>,
          %add3A_107 = arith.constant 0 : i32
          %add3A_108 = arith.addi %multiple_of3A_103, %add3A_107 : i32
          %get3A_109 = arith.index_cast %while3A_95 : i32 to index
          %get3A_110 = arith.index_cast %add3A_108 : i32 to index
          %get3A_111 = tpu.vector_load %arg11[%get3A_109, %get3A_110] {strides = array<i32>} : memref<128x128xf32, #tpu.memory_space<vmem>>, vector<16xf32>,
          %max3A = arith.maximumf %get3A_106, %get3A_111 : vector<16xf32>
          %swap3A = arith.index_cast %squeeze3A : i32 to index
          %swap3A_112 = arith.constant 0 : index
          %swap3A_113 = tpu.vector_load %arg12[%swap3A, %swap3A_112] {strides = array<i32>} : memref<328x64xf32, #tpu.memory_space<vmem>>, vector<16xf32>,
          tpu.vector_store %arg12[%swap3A, %swap3A_112], %max3A {strides = array<i32>} : memref<328x64xf32, #tpu.memory_space<vmem>>, vector<16xf32>,
          %get3A_114 = arith.index_cast %squeeze3A : i32 to index
          %get3A_115 = arith.constant 16 : index
          %get3A_116 = tpu.vector_load %arg12[%get3A_114, %get3A_115] {strides = array<i32>} : memref<328x64xf32, #tpu.memory_space<vmem>>, vector<16xf32>,
          %add3A_117 = arith.constant 16 : i32
          %add3A_118 = arith.addi %multiple_of3A_103, %add3A_117 : i32
          %get3A_119 = arith.index_cast %while3A_95 : i32 to index
          %get3A_120 = arith.index_cast %add3A_118 : i32 to index
          %get3A_121 = tpu.vector_load %arg11[%get3A_119, %get3A_120] {strides = array<i32>} : memref<128x128xf32, #tpu.memory_space<vmem>>, vector<16xf32>,
          %max3A_122 = arith.maximumf %get3A_116, %get3A_121 : vector<16xf32>
          %swap3A_123 = arith.index_cast %squeeze3A : i32 to index
          %swap3A_124 = arith.constant 16 : index
          %swap3A_125 = tpu.vector_load %arg12[%swap3A_123, %swap3A_124] {strides = array<i32>} : memref<328x64xf32, #tpu.memory_space<vmem>>, vector<16xf32>,
          tpu.vector_store %arg12[%swap3A_123, %swap3A_124], %max3A_122 {strides = array<i32>} : memref<328x64xf32, #tpu.memory_space<vmem>>, vector<16xf32>,
          %get3A_126 = arith.index_cast %squeeze3A : i32 to index
          %get3A_127 = arith.constant 32 : index
          %get3A_128 = tpu.vector_load %arg12[%get3A_126, %get3A_127] {strides = array<i32>} : memref<328x64xf32, #tpu.memory_space<vmem>>, vector<16xf32>,
          %add3A_129 = arith.constant 32 : i32
          %add3A_130 = arith.addi %multiple_of3A_103, %add3A_129 : i32
          %get3A_131 = arith.index_cast %while3A_95 : i32 to index
          %get3A_132 = arith.index_cast %add3A_130 : i32 to index
          %get3A_133 = tpu.vector_load %arg11[%get3A_131, %get3A_132] {strides = array<i32>} : memref<128x128xf32, #tpu.memory_space<vmem>>, vector<16xf32>,
          %max3A_134 = arith.maximumf %get3A_128, %get3A_133 : vector<16xf32>
          %swap3A_135 = arith.index_cast %squeeze3A : i32 to index
          %swap3A_136 = arith.constant 32 : index
          %swap3A_137 = tpu.vector_load %arg12[%swap3A_135, %swap3A_136] {strides = array<i32>} : memref<328x64xf32, #tpu.memory_space<vmem>>, vector<16xf32>,
          tpu.vector_store %arg12[%swap3A_135, %swap3A_136], %max3A_134 {strides = array<i32>} : memref<328x64xf32, #tpu.memory_space<vmem>>, vector<16xf32>,
          %get3A_138 = arith.index_cast %squeeze3A : i32 to index
          %get3A_139 = arith.constant 48 : index
          %get3A_140 = tpu.vector_load %arg12[%get3A_138, %get3A_139] {strides = array<i32>} : memref<328x64xf32, #tpu.memory_space<vmem>>, vector<16xf32>,
          %add3A_141 = arith.constant 48 : i32
          %add3A_142 = arith.addi %multiple_of3A_103, %add3A_141 : i32
          %get3A_143 = arith.index_cast %while3A_95 : i32 to index
          %get3A_144 = arith.index_cast %add3A_142 : i32 to index
          %get3A_145 = tpu.vector_load %arg11[%get3A_143, %get3A_144] {strides = array<i32>} : memref<128x128xf32, #tpu.memory_space<vmem>>, vector<16xf32>,
          %max3A_146 = arith.maximumf %get3A_140, %get3A_145 : vector<16xf32>
          %swap3A_147 = arith.index_cast %squeeze3A : i32 to index
          %swap3A_148 = arith.constant 48 : index
          %swap3A_149 = tpu.vector_load %arg12[%swap3A_147, %swap3A_148] {strides = array<i32>} : memref<328x64xf32, #tpu.memory_space<vmem>>, vector<16xf32>,
          tpu.vector_store %arg12[%swap3A_147, %swap3A_148], %max3A_146 {strides = array<i32>} : memref<328x64xf32, #tpu.memory_space<vmem>>, vector<16xf32>,
          %add3A_150 = arith.constant 1 : i32
          %add3A_151 = arith.addi %while3A_95, %add3A_150 : i32
          scf.yield %add3A_151 : i32
        }
        %add3A_92 = arith.constant 128 : i32
        %add3A_93 = arith.addi %multiple_of3A_71, %add3A_92 : i32
        scf.yield %add3A_93 : i32
      }
      %add3A_67 = arith.constant 4096 : i32
      %add3A_68 = arith.addi %multiple_of3A_23, %add3A_67 : i32
      scf.yield %add3A_68 : i32
    }
    %scan3A_20 = arith.constant 81 : i32
    "tpu.region"() ({
      %run_scoped3A = tpu.sem_alloc : memref<!tpu.dma_semaphore, #tpu.memory_space<semaphore_mem>>
      %dma_start3A = arith.constant 0 : i32
      %dma_start3A_21 = arith.constant 0 : i32
      %dma_start3A_22 = tpu.memref_slice %arg12[%dma_start3A, %dma_start3A_21] : memref<328x64xf32, #tpu.memory_space<vmem>> -> memref<320x64xf32, #tpu.memory_space<vmem>>
      %dma_start3A_23 = arith.constant 0 : i32
      %dma_start3A_24 = tpu.memref_slice %arg5[%multiple_of3A, %dma_start3A_23] : memref<10240x64xf32, #tpu.memory_space<hbm>> -> memref<320x64xf32, #tpu.memory_space<hbm>>
      %dma_start3A_25 = arith.constant 0 : i32
      %dma_start3A_26 = tpu.memref_slice %arg5[%multiple_of3A, %dma_start3A_25] : memref<10240x64xf32, #tpu.memory_space<hbm>> -> memref<320x64xf32, #tpu.memory_space<hbm>>
      %dma_start3A_27 = arith.constant 0 : i32
      %dma_start3A_28 = arith.constant 0 : i32
      %dma_start3A_29 = tpu.memref_slice %arg12[%dma_start3A_27, %dma_start3A_28] : memref<328x64xf32, #tpu.memory_space<vmem>> -> memref<320x64xf32, #tpu.memory_space<vmem>>
      tpu.enqueue_dma source(%dma_start3A_29 : memref<320x64xf32, #tpu.memory_space<vmem>>) target(%dma_start3A_26 : memref<320x64xf32, #tpu.memory_space<hbm>>) target_semaphore(%run_scoped3A : memref<!tpu.dma_semaphore, #tpu.memory_space<semaphore_mem>>)
      %dma_wait3A = arith.constant 0 : i32
      %dma_wait3A_30 = arith.constant 0 : i32
      %dma_wait3A_31 = tpu.memref_slice %arg12[%dma_wait3A, %dma_wait3A_30] : memref<328x64xf32, #tpu.memory_space<vmem>> -> memref<320x64xf32, #tpu.memory_space<vmem>>
      %dma_wait3A_32 = arith.constant 0 : i32
      %dma_wait3A_33 = tpu.memref_slice %arg5[%multiple_of3A, %dma_wait3A_32] : memref<10240x64xf32, #tpu.memory_space<hbm>> -> memref<320x64xf32, #tpu.memory_space<hbm>>
      %dma_wait3A_34 = arith.constant 0 : i32
      %dma_wait3A_35 = tpu.memref_slice %arg5[%multiple_of3A, %dma_wait3A_34] : memref<10240x64xf32, #tpu.memory_space<hbm>> -> memref<320x64xf32, #tpu.memory_space<hbm>>
      %dma_wait3A_36 = arith.constant 0 : i32
      %dma_wait3A_37 = arith.constant 0 : i32
      %dma_wait3A_38 = tpu.memref_slice %arg12[%dma_wait3A_36, %dma_wait3A_37] : memref<328x64xf32, #tpu.memory_space<vmem>> -> memref<320x64xf32, #tpu.memory_space<vmem>>
      tpu.wait_dma2 semaphore(%run_scoped3A : memref<!tpu.dma_semaphore, #tpu.memory_space<semaphore_mem>>) src(%dma_wait3A_38 : memref<320x64xf32, #tpu.memory_space<vmem>>) dst(%dma_wait3A_35 : memref<320x64xf32, #tpu.memory_space<hbm>>)
      tpu.yield
    }) : () -> ()
    return
  }
}

#map = affine_map<(d0, d1) -> (0, 0)>
#map1 = affine_map<(d0, d1) -> (0)>
module attributes {stable_mosaic.version = 14 : i64} {
  func.func @_sc_gather(%arg0: i32, %arg1: i32, %arg2: memref<64x10000xf32, #tpu.memory_space<hbm>>, %arg3: memref<64x10000xf32, #tpu.memory_space<hbm>>, %arg4: memref<331776xi32, #tpu.memory_space<hbm>>, %arg5: memref<331776xi32, #tpu.memory_space<hbm>>, %arg6: memref<331776xf32, #tpu.memory_space<hbm>>, %arg7: memref<64x331776xf32, #tpu.memory_space<hbm>>, %arg8: memref<10000xf32, #tpu.memory_space<vmem>>, %arg9: memref<10000xf32, #tpu.memory_space<vmem>>, %arg10: memref<10000xf32, #tpu.memory_space<vmem>>, %arg11: memref<10000xf32, #tpu.memory_space<vmem>>, %arg12: memref<10000xf32, #tpu.memory_space<vmem>>, %arg13: memref<10000xf32, #tpu.memory_space<vmem>>, %arg14: memref<10000xf32, #tpu.memory_space<vmem>>, %arg15: memref<10000xf32, #tpu.memory_space<vmem>>, %arg16: memref<2048xi32, #tpu.memory_space<vmem>>, %arg17: memref<2048xi32, #tpu.memory_space<vmem>>, %arg18: memref<2048xf32, #tpu.memory_space<vmem>>, %arg19: memref<2048xf32, #tpu.memory_space<vmem>>, %arg20: memref<2048xf32, #tpu.memory_space<vmem>>, %arg21: memref<2048xf32, #tpu.memory_space<vmem>>, %arg22: memref<2048xf32, #tpu.memory_space<vmem>>) attributes {dimension_semantics = [#tpu.dimension_semantics<core_parallel>, #tpu.dimension_semantics<subcore_parallel>], iteration_bounds = array<i64: 2, 16>, scalar_prefetch = 0 : i64, scratch_operands = 15 : i64, tpu.core_type = #tpu.core_type<sc_vector_subcore>, window_params = [{transform_indices = #map}, {transform_indices = #map}, {transform_indices = #map1}, {transform_indices = #map1}, {transform_indices = #map1}, {transform_indices = #map}]} {
    %mul3A = arith.constant 2 : i32
    %mul3A_0 = arith.muli %arg1, %mul3A : i32
    %add3A = arith.addi %mul3A_0, %arg0 : i32
    %jit3A = arith.constant 2 : i32
    %div3A = arith.divsi %add3A, %jit3A : i32
    %sign3A = arith.constant 0 : i32
    %sign3A_1 = arith.cmpi sgt, %add3A, %sign3A : i32
    %sign3A_2 = arith.extui %sign3A_1 : i1 to i32
    %sign3A_3 = arith.constant 0 : i32
    %sign3A_4 = arith.cmpi slt, %add3A, %sign3A_3 : i32
    %sign3A_5 = arith.extui %sign3A_4 : i1 to i32
    %sign3A_6 = arith.subi %sign3A_2, %sign3A_5 : i32
    %sign3A_7 = arith.constant 0 : i32
    %sign3A_8 = arith.cmpi sgt, %jit3A, %sign3A_7 : i32
    %sign3A_9 = arith.extui %sign3A_8 : i1 to i32
    %sign3A_10 = arith.constant 0 : i32
    %sign3A_11 = arith.cmpi slt, %jit3A, %sign3A_10 : i32
    %sign3A_12 = arith.extui %sign3A_11 : i1 to i32
    %sign3A_13 = arith.subi %sign3A_9, %sign3A_12 : i32
    %ne3A = arith.cmpi ne, %sign3A_6, %sign3A_13 : i32
    %rem3A = arith.remsi %add3A, %jit3A : i32
    %ne3A_14 = arith.constant 0 : i32
    %ne3A_15 = arith.cmpi ne, %rem3A, %ne3A_14 : i32
    %and3A = arith.andi %ne3A, %ne3A_15 : i1
    %sub3A = arith.constant 1 : i32
    %sub3A_16 = arith.subi %div3A, %sub3A : i32
    %select_n3A = arith.select %and3A, %sub3A_16, %div3A : i32
    %jit3A_17 = arith.constant 2 : i32
    %eq3A = arith.constant 0 : i32
    %eq3A_18 = arith.cmpi eq, %jit3A_17, %eq3A : i32
    %jit3A_19 = arith.constant 1 : i32
    %select_n3A_20 = arith.select %eq3A_18, %jit3A_19, %jit3A_17 : i32
    %rem3A_21 = arith.remsi %add3A, %select_n3A_20 : i32
    %ne3A_22 = arith.constant 0 : i32
    %ne3A_23 = arith.cmpi ne, %rem3A_21, %ne3A_22 : i32
    %lt3A = arith.constant 0 : i32
    %lt3A_24 = arith.cmpi slt, %rem3A_21, %lt3A : i32
    %lt3A_25 = arith.constant 0 : i32
    %lt3A_26 = arith.cmpi slt, %select_n3A_20, %lt3A_25 : i32
    %ne3A_27 = arith.xori %lt3A_24, %lt3A_26 : i1
    %and3A_28 = arith.andi %ne3A_27, %ne3A_23 : i1
    %add3A_29 = arith.addi %rem3A_21, %select_n3A_20 : i32
    %select_n3A_30 = arith.select %and3A_28, %add3A_29, %rem3A_21 : i32
    %mul3A_31 = arith.constant 4 : i32
    %mul3A_32 = arith.muli %select_n3A, %mul3A_31 : i32
    %add3A_33 = arith.constant 0 : i32
    %add3A_34 = arith.addi %mul3A_32, %add3A_33 : i32
    "tpu.region"() ({
      %run_scoped3A = tpu.sem_alloc : memref<!tpu.dma_semaphore, #tpu.memory_space<semaphore_mem>>
      %dma_start3A = arith.constant 0 : i32
      %dma_start3A_56 = tpu.memref_slice %arg2[%add3A_34, %dma_start3A] : memref<64x10000xf32, #tpu.memory_space<hbm>> -> memref<1x10000xf32, #tpu.memory_space<hbm>>
      %dma_start3A_57 = tpu.memref_squeeze %dma_start3A_56 : memref<1x10000xf32, #tpu.memory_space<hbm>> -> memref<10000xf32, #tpu.memory_space<hbm>>
      %dma_start3A_58 = arith.constant 0 : i32
      %dma_start3A_59 = tpu.memref_slice %arg2[%add3A_34, %dma_start3A_58] : memref<64x10000xf32, #tpu.memory_space<hbm>> -> memref<1x10000xf32, #tpu.memory_space<hbm>>
      %dma_start3A_60 = tpu.memref_squeeze %dma_start3A_59 : memref<1x10000xf32, #tpu.memory_space<hbm>> -> memref<10000xf32, #tpu.memory_space<hbm>>
      tpu.enqueue_dma source(%dma_start3A_60 : memref<10000xf32, #tpu.memory_space<hbm>>) target(%arg8 : memref<10000xf32, #tpu.memory_space<vmem>>) target_semaphore(%run_scoped3A : memref<!tpu.dma_semaphore, #tpu.memory_space<semaphore_mem>>)
      %dma_wait3A = arith.constant 0 : i32
      %dma_wait3A_61 = tpu.memref_slice %arg2[%add3A_34, %dma_wait3A] : memref<64x10000xf32, #tpu.memory_space<hbm>> -> memref<1x10000xf32, #tpu.memory_space<hbm>>
      %dma_wait3A_62 = tpu.memref_squeeze %dma_wait3A_61 : memref<1x10000xf32, #tpu.memory_space<hbm>> -> memref<10000xf32, #tpu.memory_space<hbm>>
      %dma_wait3A_63 = arith.constant 0 : i32
      %dma_wait3A_64 = tpu.memref_slice %arg2[%add3A_34, %dma_wait3A_63] : memref<64x10000xf32, #tpu.memory_space<hbm>> -> memref<1x10000xf32, #tpu.memory_space<hbm>>
      %dma_wait3A_65 = tpu.memref_squeeze %dma_wait3A_64 : memref<1x10000xf32, #tpu.memory_space<hbm>> -> memref<10000xf32, #tpu.memory_space<hbm>>
      tpu.wait_dma2 semaphore(%run_scoped3A : memref<!tpu.dma_semaphore, #tpu.memory_space<semaphore_mem>>) src(%dma_wait3A_65 : memref<10000xf32, #tpu.memory_space<hbm>>) dst(%arg8 : memref<10000xf32, #tpu.memory_space<vmem>>)
      tpu.yield
    }) : () -> ()
    %add3A_35 = arith.constant 0 : i32
    %add3A_36 = arith.addi %mul3A_32, %add3A_35 : i32
    "tpu.region"() ({
      %run_scoped3A = tpu.sem_alloc : memref<!tpu.dma_semaphore, #tpu.memory_space<semaphore_mem>>
      %dma_start3A = arith.constant 0 : i32
      %dma_start3A_56 = tpu.memref_slice %arg3[%add3A_36, %dma_start3A] : memref<64x10000xf32, #tpu.memory_space<hbm>> -> memref<1x10000xf32, #tpu.memory_space<hbm>>
      %dma_start3A_57 = tpu.memref_squeeze %dma_start3A_56 : memref<1x10000xf32, #tpu.memory_space<hbm>> -> memref<10000xf32, #tpu.memory_space<hbm>>
      %dma_start3A_58 = arith.constant 0 : i32
      %dma_start3A_59 = tpu.memref_slice %arg3[%add3A_36, %dma_start3A_58] : memref<64x10000xf32, #tpu.memory_space<hbm>> -> memref<1x10000xf32, #tpu.memory_space<hbm>>
      %dma_start3A_60 = tpu.memref_squeeze %dma_start3A_59 : memref<1x10000xf32, #tpu.memory_space<hbm>> -> memref<10000xf32, #tpu.memory_space<hbm>>
      tpu.enqueue_dma source(%dma_start3A_60 : memref<10000xf32, #tpu.memory_space<hbm>>) target(%arg12 : memref<10000xf32, #tpu.memory_space<vmem>>) target_semaphore(%run_scoped3A : memref<!tpu.dma_semaphore, #tpu.memory_space<semaphore_mem>>)
      %dma_wait3A = arith.constant 0 : i32
      %dma_wait3A_61 = tpu.memref_slice %arg3[%add3A_36, %dma_wait3A] : memref<64x10000xf32, #tpu.memory_space<hbm>> -> memref<1x10000xf32, #tpu.memory_space<hbm>>
      %dma_wait3A_62 = tpu.memref_squeeze %dma_wait3A_61 : memref<1x10000xf32, #tpu.memory_space<hbm>> -> memref<10000xf32, #tpu.memory_space<hbm>>
      %dma_wait3A_63 = arith.constant 0 : i32
      %dma_wait3A_64 = tpu.memref_slice %arg3[%add3A_36, %dma_wait3A_63] : memref<64x10000xf32, #tpu.memory_space<hbm>> -> memref<1x10000xf32, #tpu.memory_space<hbm>>
      %dma_wait3A_65 = tpu.memref_squeeze %dma_wait3A_64 : memref<1x10000xf32, #tpu.memory_space<hbm>> -> memref<10000xf32, #tpu.memory_space<hbm>>
      tpu.wait_dma2 semaphore(%run_scoped3A : memref<!tpu.dma_semaphore, #tpu.memory_space<semaphore_mem>>) src(%dma_wait3A_65 : memref<10000xf32, #tpu.memory_space<hbm>>) dst(%arg12 : memref<10000xf32, #tpu.memory_space<vmem>>)
      tpu.yield
    }) : () -> ()
    %add3A_37 = arith.constant 1 : i32
    %add3A_38 = arith.addi %mul3A_32, %add3A_37 : i32
    "tpu.region"() ({
      %run_scoped3A = tpu.sem_alloc : memref<!tpu.dma_semaphore, #tpu.memory_space<semaphore_mem>>
      %dma_start3A = arith.constant 0 : i32
      %dma_start3A_56 = tpu.memref_slice %arg2[%add3A_38, %dma_start3A] : memref<64x10000xf32, #tpu.memory_space<hbm>> -> memref<1x10000xf32, #tpu.memory_space<hbm>>
      %dma_start3A_57 = tpu.memref_squeeze %dma_start3A_56 : memref<1x10000xf32, #tpu.memory_space<hbm>> -> memref<10000xf32, #tpu.memory_space<hbm>>
      %dma_start3A_58 = arith.constant 0 : i32
      %dma_start3A_59 = tpu.memref_slice %arg2[%add3A_38, %dma_start3A_58] : memref<64x10000xf32, #tpu.memory_space<hbm>> -> memref<1x10000xf32, #tpu.memory_space<hbm>>
      %dma_start3A_60 = tpu.memref_squeeze %dma_start3A_59 : memref<1x10000xf32, #tpu.memory_space<hbm>> -> memref<10000xf32, #tpu.memory_space<hbm>>
      tpu.enqueue_dma source(%dma_start3A_60 : memref<10000xf32, #tpu.memory_space<hbm>>) target(%arg9 : memref<10000xf32, #tpu.memory_space<vmem>>) target_semaphore(%run_scoped3A : memref<!tpu.dma_semaphore, #tpu.memory_space<semaphore_mem>>)
      %dma_wait3A = arith.constant 0 : i32
      %dma_wait3A_61 = tpu.memref_slice %arg2[%add3A_38, %dma_wait3A] : memref<64x10000xf32, #tpu.memory_space<hbm>> -> memref<1x10000xf32, #tpu.memory_space<hbm>>
      %dma_wait3A_62 = tpu.memref_squeeze %dma_wait3A_61 : memref<1x10000xf32, #tpu.memory_space<hbm>> -> memref<10000xf32, #tpu.memory_space<hbm>>
      %dma_wait3A_63 = arith.constant 0 : i32
      %dma_wait3A_64 = tpu.memref_slice %arg2[%add3A_38, %dma_wait3A_63] : memref<64x10000xf32, #tpu.memory_space<hbm>> -> memref<1x10000xf32, #tpu.memory_space<hbm>>
      %dma_wait3A_65 = tpu.memref_squeeze %dma_wait3A_64 : memref<1x10000xf32, #tpu.memory_space<hbm>> -> memref<10000xf32, #tpu.memory_space<hbm>>
      tpu.wait_dma2 semaphore(%run_scoped3A : memref<!tpu.dma_semaphore, #tpu.memory_space<semaphore_mem>>) src(%dma_wait3A_65 : memref<10000xf32, #tpu.memory_space<hbm>>) dst(%arg9 : memref<10000xf32, #tpu.memory_space<vmem>>)
      tpu.yield
    }) : () -> ()
    %add3A_39 = arith.constant 1 : i32
    %add3A_40 = arith.addi %mul3A_32, %add3A_39 : i32
    "tpu.region"() ({
      %run_scoped3A = tpu.sem_alloc : memref<!tpu.dma_semaphore, #tpu.memory_space<semaphore_mem>>
      %dma_start3A = arith.constant 0 : i32
      %dma_start3A_56 = tpu.memref_slice %arg3[%add3A_40, %dma_start3A] : memref<64x10000xf32, #tpu.memory_space<hbm>> -> memref<1x10000xf32, #tpu.memory_space<hbm>>
      %dma_start3A_57 = tpu.memref_squeeze %dma_start3A_56 : memref<1x10000xf32, #tpu.memory_space<hbm>> -> memref<10000xf32, #tpu.memory_space<hbm>>
      %dma_start3A_58 = arith.constant 0 : i32
      %dma_start3A_59 = tpu.memref_slice %arg3[%add3A_40, %dma_start3A_58] : memref<64x10000xf32, #tpu.memory_space<hbm>> -> memref<1x10000xf32, #tpu.memory_space<hbm>>
      %dma_start3A_60 = tpu.memref_squeeze %dma_start3A_59 : memref<1x10000xf32, #tpu.memory_space<hbm>> -> memref<10000xf32, #tpu.memory_space<hbm>>
      tpu.enqueue_dma source(%dma_start3A_60 : memref<10000xf32, #tpu.memory_space<hbm>>) target(%arg13 : memref<10000xf32, #tpu.memory_space<vmem>>) target_semaphore(%run_scoped3A : memref<!tpu.dma_semaphore, #tpu.memory_space<semaphore_mem>>)
      %dma_wait3A = arith.constant 0 : i32
      %dma_wait3A_61 = tpu.memref_slice %arg3[%add3A_40, %dma_wait3A] : memref<64x10000xf32, #tpu.memory_space<hbm>> -> memref<1x10000xf32, #tpu.memory_space<hbm>>
      %dma_wait3A_62 = tpu.memref_squeeze %dma_wait3A_61 : memref<1x10000xf32, #tpu.memory_space<hbm>> -> memref<10000xf32, #tpu.memory_space<hbm>>
      %dma_wait3A_63 = arith.constant 0 : i32
      %dma_wait3A_64 = tpu.memref_slice %arg3[%add3A_40, %dma_wait3A_63] : memref<64x10000xf32, #tpu.memory_space<hbm>> -> memref<1x10000xf32, #tpu.memory_space<hbm>>
      %dma_wait3A_65 = tpu.memref_squeeze %dma_wait3A_64 : memref<1x10000xf32, #tpu.memory_space<hbm>> -> memref<10000xf32, #tpu.memory_space<hbm>>
      tpu.wait_dma2 semaphore(%run_scoped3A : memref<!tpu.dma_semaphore, #tpu.memory_space<semaphore_mem>>) src(%dma_wait3A_65 : memref<10000xf32, #tpu.memory_space<hbm>>) dst(%arg13 : memref<10000xf32, #tpu.memory_space<vmem>>)
      tpu.yield
    }) : () -> ()
    %add3A_41 = arith.constant 2 : i32
    %add3A_42 = arith.addi %mul3A_32, %add3A_41 : i32
    "tpu.region"() ({
      %run_scoped3A = tpu.sem_alloc : memref<!tpu.dma_semaphore, #tpu.memory_space<semaphore_mem>>
      %dma_start3A = arith.constant 0 : i32
      %dma_start3A_56 = tpu.memref_slice %arg2[%add3A_42, %dma_start3A] : memref<64x10000xf32, #tpu.memory_space<hbm>> -> memref<1x10000xf32, #tpu.memory_space<hbm>>
      %dma_start3A_57 = tpu.memref_squeeze %dma_start3A_56 : memref<1x10000xf32, #tpu.memory_space<hbm>> -> memref<10000xf32, #tpu.memory_space<hbm>>
      %dma_start3A_58 = arith.constant 0 : i32
      %dma_start3A_59 = tpu.memref_slice %arg2[%add3A_42, %dma_start3A_58] : memref<64x10000xf32, #tpu.memory_space<hbm>> -> memref<1x10000xf32, #tpu.memory_space<hbm>>
      %dma_start3A_60 = tpu.memref_squeeze %dma_start3A_59 : memref<1x10000xf32, #tpu.memory_space<hbm>> -> memref<10000xf32, #tpu.memory_space<hbm>>
      tpu.enqueue_dma source(%dma_start3A_60 : memref<10000xf32, #tpu.memory_space<hbm>>) target(%arg10 : memref<10000xf32, #tpu.memory_space<vmem>>) target_semaphore(%run_scoped3A : memref<!tpu.dma_semaphore, #tpu.memory_space<semaphore_mem>>)
      %dma_wait3A = arith.constant 0 : i32
      %dma_wait3A_61 = tpu.memref_slice %arg2[%add3A_42, %dma_wait3A] : memref<64x10000xf32, #tpu.memory_space<hbm>> -> memref<1x10000xf32, #tpu.memory_space<hbm>>
      %dma_wait3A_62 = tpu.memref_squeeze %dma_wait3A_61 : memref<1x10000xf32, #tpu.memory_space<hbm>> -> memref<10000xf32, #tpu.memory_space<hbm>>
      %dma_wait3A_63 = arith.constant 0 : i32
      %dma_wait3A_64 = tpu.memref_slice %arg2[%add3A_42, %dma_wait3A_63] : memref<64x10000xf32, #tpu.memory_space<hbm>> -> memref<1x10000xf32, #tpu.memory_space<hbm>>
      %dma_wait3A_65 = tpu.memref_squeeze %dma_wait3A_64 : memref<1x10000xf32, #tpu.memory_space<hbm>> -> memref<10000xf32, #tpu.memory_space<hbm>>
      tpu.wait_dma2 semaphore(%run_scoped3A : memref<!tpu.dma_semaphore, #tpu.memory_space<semaphore_mem>>) src(%dma_wait3A_65 : memref<10000xf32, #tpu.memory_space<hbm>>) dst(%arg10 : memref<10000xf32, #tpu.memory_space<vmem>>)
      tpu.yield
    }) : () -> ()
    %add3A_43 = arith.constant 2 : i32
    %add3A_44 = arith.addi %mul3A_32, %add3A_43 : i32
    "tpu.region"() ({
      %run_scoped3A = tpu.sem_alloc : memref<!tpu.dma_semaphore, #tpu.memory_space<semaphore_mem>>
      %dma_start3A = arith.constant 0 : i32
      %dma_start3A_56 = tpu.memref_slice %arg3[%add3A_44, %dma_start3A] : memref<64x10000xf32, #tpu.memory_space<hbm>> -> memref<1x10000xf32, #tpu.memory_space<hbm>>
      %dma_start3A_57 = tpu.memref_squeeze %dma_start3A_56 : memref<1x10000xf32, #tpu.memory_space<hbm>> -> memref<10000xf32, #tpu.memory_space<hbm>>
      %dma_start3A_58 = arith.constant 0 : i32
      %dma_start3A_59 = tpu.memref_slice %arg3[%add3A_44, %dma_start3A_58] : memref<64x10000xf32, #tpu.memory_space<hbm>> -> memref<1x10000xf32, #tpu.memory_space<hbm>>
      %dma_start3A_60 = tpu.memref_squeeze %dma_start3A_59 : memref<1x10000xf32, #tpu.memory_space<hbm>> -> memref<10000xf32, #tpu.memory_space<hbm>>
      tpu.enqueue_dma source(%dma_start3A_60 : memref<10000xf32, #tpu.memory_space<hbm>>) target(%arg14 : memref<10000xf32, #tpu.memory_space<vmem>>) target_semaphore(%run_scoped3A : memref<!tpu.dma_semaphore, #tpu.memory_space<semaphore_mem>>)
      %dma_wait3A = arith.constant 0 : i32
      %dma_wait3A_61 = tpu.memref_slice %arg3[%add3A_44, %dma_wait3A] : memref<64x10000xf32, #tpu.memory_space<hbm>> -> memref<1x10000xf32, #tpu.memory_space<hbm>>
      %dma_wait3A_62 = tpu.memref_squeeze %dma_wait3A_61 : memref<1x10000xf32, #tpu.memory_space<hbm>> -> memref<10000xf32, #tpu.memory_space<hbm>>
      %dma_wait3A_63 = arith.constant 0 : i32
      %dma_wait3A_64 = tpu.memref_slice %arg3[%add3A_44, %dma_wait3A_63] : memref<64x10000xf32, #tpu.memory_space<hbm>> -> memref<1x10000xf32, #tpu.memory_space<hbm>>
      %dma_wait3A_65 = tpu.memref_squeeze %dma_wait3A_64 : memref<1x10000xf32, #tpu.memory_space<hbm>> -> memref<10000xf32, #tpu.memory_space<hbm>>
      tpu.wait_dma2 semaphore(%run_scoped3A : memref<!tpu.dma_semaphore, #tpu.memory_space<semaphore_mem>>) src(%dma_wait3A_65 : memref<10000xf32, #tpu.memory_space<hbm>>) dst(%arg14 : memref<10000xf32, #tpu.memory_space<vmem>>)
      tpu.yield
    }) : () -> ()
    %add3A_45 = arith.constant 3 : i32
    %add3A_46 = arith.addi %mul3A_32, %add3A_45 : i32
    "tpu.region"() ({
      %run_scoped3A = tpu.sem_alloc : memref<!tpu.dma_semaphore, #tpu.memory_space<semaphore_mem>>
      %dma_start3A = arith.constant 0 : i32
      %dma_start3A_56 = tpu.memref_slice %arg2[%add3A_46, %dma_start3A] : memref<64x10000xf32, #tpu.memory_space<hbm>> -> memref<1x10000xf32, #tpu.memory_space<hbm>>
      %dma_start3A_57 = tpu.memref_squeeze %dma_start3A_56 : memref<1x10000xf32, #tpu.memory_space<hbm>> -> memref<10000xf32, #tpu.memory_space<hbm>>
      %dma_start3A_58 = arith.constant 0 : i32
      %dma_start3A_59 = tpu.memref_slice %arg2[%add3A_46, %dma_start3A_58] : memref<64x10000xf32, #tpu.memory_space<hbm>> -> memref<1x10000xf32, #tpu.memory_space<hbm>>
      %dma_start3A_60 = tpu.memref_squeeze %dma_start3A_59 : memref<1x10000xf32, #tpu.memory_space<hbm>> -> memref<10000xf32, #tpu.memory_space<hbm>>
      tpu.enqueue_dma source(%dma_start3A_60 : memref<10000xf32, #tpu.memory_space<hbm>>) target(%arg11 : memref<10000xf32, #tpu.memory_space<vmem>>) target_semaphore(%run_scoped3A : memref<!tpu.dma_semaphore, #tpu.memory_space<semaphore_mem>>)
      %dma_wait3A = arith.constant 0 : i32
      %dma_wait3A_61 = tpu.memref_slice %arg2[%add3A_46, %dma_wait3A] : memref<64x10000xf32, #tpu.memory_space<hbm>> -> memref<1x10000xf32, #tpu.memory_space<hbm>>
      %dma_wait3A_62 = tpu.memref_squeeze %dma_wait3A_61 : memref<1x10000xf32, #tpu.memory_space<hbm>> -> memref<10000xf32, #tpu.memory_space<hbm>>
      %dma_wait3A_63 = arith.constant 0 : i32
      %dma_wait3A_64 = tpu.memref_slice %arg2[%add3A_46, %dma_wait3A_63] : memref<64x10000xf32, #tpu.memory_space<hbm>> -> memref<1x10000xf32, #tpu.memory_space<hbm>>
      %dma_wait3A_65 = tpu.memref_squeeze %dma_wait3A_64 : memref<1x10000xf32, #tpu.memory_space<hbm>> -> memref<10000xf32, #tpu.memory_space<hbm>>
      tpu.wait_dma2 semaphore(%run_scoped3A : memref<!tpu.dma_semaphore, #tpu.memory_space<semaphore_mem>>) src(%dma_wait3A_65 : memref<10000xf32, #tpu.memory_space<hbm>>) dst(%arg11 : memref<10000xf32, #tpu.memory_space<vmem>>)
      tpu.yield
    }) : () -> ()
    %add3A_47 = arith.constant 3 : i32
    %add3A_48 = arith.addi %mul3A_32, %add3A_47 : i32
    "tpu.region"() ({
      %run_scoped3A = tpu.sem_alloc : memref<!tpu.dma_semaphore, #tpu.memory_space<semaphore_mem>>
      %dma_start3A = arith.constant 0 : i32
      %dma_start3A_56 = tpu.memref_slice %arg3[%add3A_48, %dma_start3A] : memref<64x10000xf32, #tpu.memory_space<hbm>> -> memref<1x10000xf32, #tpu.memory_space<hbm>>
      %dma_start3A_57 = tpu.memref_squeeze %dma_start3A_56 : memref<1x10000xf32, #tpu.memory_space<hbm>> -> memref<10000xf32, #tpu.memory_space<hbm>>
      %dma_start3A_58 = arith.constant 0 : i32
      %dma_start3A_59 = tpu.memref_slice %arg3[%add3A_48, %dma_start3A_58] : memref<64x10000xf32, #tpu.memory_space<hbm>> -> memref<1x10000xf32, #tpu.memory_space<hbm>>
      %dma_start3A_60 = tpu.memref_squeeze %dma_start3A_59 : memref<1x10000xf32, #tpu.memory_space<hbm>> -> memref<10000xf32, #tpu.memory_space<hbm>>
      tpu.enqueue_dma source(%dma_start3A_60 : memref<10000xf32, #tpu.memory_space<hbm>>) target(%arg15 : memref<10000xf32, #tpu.memory_space<vmem>>) target_semaphore(%run_scoped3A : memref<!tpu.dma_semaphore, #tpu.memory_space<semaphore_mem>>)
      %dma_wait3A = arith.constant 0 : i32
      %dma_wait3A_61 = tpu.memref_slice %arg3[%add3A_48, %dma_wait3A] : memref<64x10000xf32, #tpu.memory_space<hbm>> -> memref<1x10000xf32, #tpu.memory_space<hbm>>
      %dma_wait3A_62 = tpu.memref_squeeze %dma_wait3A_61 : memref<1x10000xf32, #tpu.memory_space<hbm>> -> memref<10000xf32, #tpu.memory_space<hbm>>
      %dma_wait3A_63 = arith.constant 0 : i32
      %dma_wait3A_64 = tpu.memref_slice %arg3[%add3A_48, %dma_wait3A_63] : memref<64x10000xf32, #tpu.memory_space<hbm>> -> memref<1x10000xf32, #tpu.memory_space<hbm>>
      %dma_wait3A_65 = tpu.memref_squeeze %dma_wait3A_64 : memref<1x10000xf32, #tpu.memory_space<hbm>> -> memref<10000xf32, #tpu.memory_space<hbm>>
      tpu.wait_dma2 semaphore(%run_scoped3A : memref<!tpu.dma_semaphore, #tpu.memory_space<semaphore_mem>>) src(%dma_wait3A_65 : memref<10000xf32, #tpu.memory_space<hbm>>) dst(%arg15 : memref<10000xf32, #tpu.memory_space<vmem>>)
      tpu.yield
    }) : () -> ()
    %mul3A_49 = arith.constant 165888 : i32
    %mul3A_50 = arith.muli %select_n3A_30, %mul3A_49 : i32
    %scan3A = arith.constant 0 : i32
    %scan3A_51 = arith.constant 81 : i32
    %scan3A_52 = arith.addi %scan3A, %scan3A_51 : i32
    %scan3A_53 = arith.constant 1 : i32
    %scan3A_54 = scf.for %scan3A_56 = %scan3A to %scan3A_52 step %scan3A_53 iter_args(%scan3A_57 = %mul3A_50) -> (i32)  : i32 {
      %multiple_of3A = tpu.assume_multiple %scan3A_57, 2048 : i32
      "tpu.region"() ({
        %run_scoped3A = tpu.sem_alloc : memref<!tpu.dma_semaphore, #tpu.memory_space<semaphore_mem>>
        %dma_start3A = tpu.memref_slice %arg4[%multiple_of3A] : memref<331776xi32, #tpu.memory_space<hbm>> -> memref<2048xi32, #tpu.memory_space<hbm>>
        %dma_start3A_75 = tpu.memref_slice %arg4[%multiple_of3A] : memref<331776xi32, #tpu.memory_space<hbm>> -> memref<2048xi32, #tpu.memory_space<hbm>>
        tpu.enqueue_dma source(%dma_start3A_75 : memref<2048xi32, #tpu.memory_space<hbm>>) target(%arg16 : memref<2048xi32, #tpu.memory_space<vmem>>) target_semaphore(%run_scoped3A : memref<!tpu.dma_semaphore, #tpu.memory_space<semaphore_mem>>)
        %dma_wait3A = tpu.memref_slice %arg4[%multiple_of3A] : memref<331776xi32, #tpu.memory_space<hbm>> -> memref<2048xi32, #tpu.memory_space<hbm>>
        %dma_wait3A_76 = tpu.memref_slice %arg4[%multiple_of3A] : memref<331776xi32, #tpu.memory_space<hbm>> -> memref<2048xi32, #tpu.memory_space<hbm>>
        tpu.wait_dma2 semaphore(%run_scoped3A : memref<!tpu.dma_semaphore, #tpu.memory_space<semaphore_mem>>) src(%dma_wait3A_76 : memref<2048xi32, #tpu.memory_space<hbm>>) dst(%arg16 : memref<2048xi32, #tpu.memory_space<vmem>>)
        tpu.yield
      }) : () -> ()
      "tpu.region"() ({
        %run_scoped3A = tpu.sem_alloc : memref<!tpu.dma_semaphore, #tpu.memory_space<semaphore_mem>>
        %dma_start3A = tpu.memref_slice %arg5[%multiple_of3A] : memref<331776xi32, #tpu.memory_space<hbm>> -> memref<2048xi32, #tpu.memory_space<hbm>>
        %dma_start3A_75 = tpu.memref_slice %arg5[%multiple_of3A] : memref<331776xi32, #tpu.memory_space<hbm>> -> memref<2048xi32, #tpu.memory_space<hbm>>
        tpu.enqueue_dma source(%dma_start3A_75 : memref<2048xi32, #tpu.memory_space<hbm>>) target(%arg17 : memref<2048xi32, #tpu.memory_space<vmem>>) target_semaphore(%run_scoped3A : memref<!tpu.dma_semaphore, #tpu.memory_space<semaphore_mem>>)
        %dma_wait3A = tpu.memref_slice %arg5[%multiple_of3A] : memref<331776xi32, #tpu.memory_space<hbm>> -> memref<2048xi32, #tpu.memory_space<hbm>>
        %dma_wait3A_76 = tpu.memref_slice %arg5[%multiple_of3A] : memref<331776xi32, #tpu.memory_space<hbm>> -> memref<2048xi32, #tpu.memory_space<hbm>>
        tpu.wait_dma2 semaphore(%run_scoped3A : memref<!tpu.dma_semaphore, #tpu.memory_space<semaphore_mem>>) src(%dma_wait3A_76 : memref<2048xi32, #tpu.memory_space<hbm>>) dst(%arg17 : memref<2048xi32, #tpu.memory_space<vmem>>)
        tpu.yield
      }) : () -> ()
      "tpu.region"() ({
        %run_scoped3A = tpu.sem_alloc : memref<!tpu.dma_semaphore, #tpu.memory_space<semaphore_mem>>
        %dma_start3A = tpu.memref_slice %arg6[%multiple_of3A] : memref<331776xf32, #tpu.memory_space<hbm>> -> memref<2048xf32, #tpu.memory_space<hbm>>
        %dma_start3A_75 = tpu.memref_slice %arg6[%multiple_of3A] : memref<331776xf32, #tpu.memory_space<hbm>> -> memref<2048xf32, #tpu.memory_space<hbm>>
        tpu.enqueue_dma source(%dma_start3A_75 : memref<2048xf32, #tpu.memory_space<hbm>>) target(%arg18 : memref<2048xf32, #tpu.memory_space<vmem>>) target_semaphore(%run_scoped3A : memref<!tpu.dma_semaphore, #tpu.memory_space<semaphore_mem>>)
        %dma_wait3A = tpu.memref_slice %arg6[%multiple_of3A] : memref<331776xf32, #tpu.memory_space<hbm>> -> memref<2048xf32, #tpu.memory_space<hbm>>
        %dma_wait3A_76 = tpu.memref_slice %arg6[%multiple_of3A] : memref<331776xf32, #tpu.memory_space<hbm>> -> memref<2048xf32, #tpu.memory_space<hbm>>
        tpu.wait_dma2 semaphore(%run_scoped3A : memref<!tpu.dma_semaphore, #tpu.memory_space<semaphore_mem>>) src(%dma_wait3A_76 : memref<2048xf32, #tpu.memory_space<hbm>>) dst(%arg18 : memref<2048xf32, #tpu.memory_space<vmem>>)
        tpu.yield
      }) : () -> ()
      %scan3A_58 = arith.constant 0 : i32
      %scan3A_59 = arith.constant 0 : i32
      %scan3A_60 = arith.constant 128 : i32
      %scan3A_61 = arith.addi %scan3A_59, %scan3A_60 : i32
      %scan3A_62 = arith.constant 1 : i32
      %scan3A_63 = scf.for %scan3A_75 = %scan3A_59 to %scan3A_61 step %scan3A_62 iter_args(%scan3A_76 = %scan3A_58) -> (i32)  : i32 {
        %get3A = arith.index_cast %scan3A_76 : i32 to index
        %get3A_77 = tpu.vector_load %arg16[%get3A] {strides = array<i32>} : memref<2048xi32, #tpu.memory_space<vmem>>, vector<16xi32>,
        %get3A_78 = arith.index_cast %scan3A_76 : i32 to index
        %get3A_79 = tpu.vector_load %arg17[%get3A_78] {strides = array<i32>} : memref<2048xi32, #tpu.memory_space<vmem>>, vector<16xi32>,
        %get3A_80 = arith.index_cast %scan3A_76 : i32 to index
        %get3A_81 = tpu.vector_load %arg18[%get3A_80] {strides = array<i32>} : memref<2048xf32, #tpu.memory_space<vmem>>, vector<16xf32>,
        %gather3A = tpu.vector_load_idx %arg8[%get3A_79] : memref<10000xf32, #tpu.memory_space<vmem>>[vector<16xi32>], vector<16xf32>,
        %gather3A_82 = tpu.vector_load_idx %arg12[%get3A_77] : memref<10000xf32, #tpu.memory_space<vmem>>[vector<16xi32>], vector<16xf32>,
        %add3A_83 = arith.addf %gather3A, %gather3A_82 : vector<16xf32>
        %max3A = arith.constant 0.000000e+00 : f32
        %max3A_84 = vector.broadcast %max3A : f32 to vector<16xf32>
        %max3A_85 = arith.maximumf %add3A_83, %max3A_84 : vector<16xf32>
        %mul3A_86 = arith.mulf %max3A_85, %get3A_81 : vector<16xf32>
        %swap3A = arith.index_cast %scan3A_76 : i32 to index
        %swap3A_87 = tpu.vector_load %arg19[%swap3A] {strides = array<i32>} : memref<2048xf32, #tpu.memory_space<vmem>>, vector<16xf32>,
        tpu.vector_store %arg19[%swap3A], %mul3A_86 {strides = array<i32>} : memref<2048xf32, #tpu.memory_space<vmem>>, vector<16xf32>,
        %gather3A_88 = tpu.vector_load_idx %arg9[%get3A_79] : memref<10000xf32, #tpu.memory_space<vmem>>[vector<16xi32>], vector<16xf32>,
        %gather3A_89 = tpu.vector_load_idx %arg13[%get3A_77] : memref<10000xf32, #tpu.memory_space<vmem>>[vector<16xi32>], vector<16xf32>,
        %add3A_90 = arith.addf %gather3A_88, %gather3A_89 : vector<16xf32>
        %max3A_91 = arith.constant 0.000000e+00 : f32
        %max3A_92 = vector.broadcast %max3A_91 : f32 to vector<16xf32>
        %max3A_93 = arith.maximumf %add3A_90, %max3A_92 : vector<16xf32>
        %mul3A_94 = arith.mulf %max3A_93, %get3A_81 : vector<16xf32>
        %swap3A_95 = arith.index_cast %scan3A_76 : i32 to index
        %swap3A_96 = tpu.vector_load %arg20[%swap3A_95] {strides = array<i32>} : memref<2048xf32, #tpu.memory_space<vmem>>, vector<16xf32>,
        tpu.vector_store %arg20[%swap3A_95], %mul3A_94 {strides = array<i32>} : memref<2048xf32, #tpu.memory_space<vmem>>, vector<16xf32>,
        %gather3A_97 = tpu.vector_load_idx %arg10[%get3A_79] : memref<10000xf32, #tpu.memory_space<vmem>>[vector<16xi32>], vector<16xf32>,
        %gather3A_98 = tpu.vector_load_idx %arg14[%get3A_77] : memref<10000xf32, #tpu.memory_space<vmem>>[vector<16xi32>], vector<16xf32>,
        %add3A_99 = arith.addf %gather3A_97, %gather3A_98 : vector<16xf32>
        %max3A_100 = arith.constant 0.000000e+00 : f32
        %max3A_101 = vector.broadcast %max3A_100 : f32 to vector<16xf32>
        %max3A_102 = arith.maximumf %add3A_99, %max3A_101 : vector<16xf32>
        %mul3A_103 = arith.mulf %max3A_102, %get3A_81 : vector<16xf32>
        %swap3A_104 = arith.index_cast %scan3A_76 : i32 to index
        %swap3A_105 = tpu.vector_load %arg21[%swap3A_104] {strides = array<i32>} : memref<2048xf32, #tpu.memory_space<vmem>>, vector<16xf32>,
        tpu.vector_store %arg21[%swap3A_104], %mul3A_103 {strides = array<i32>} : memref<2048xf32, #tpu.memory_space<vmem>>, vector<16xf32>,
        %gather3A_106 = tpu.vector_load_idx %arg11[%get3A_79] : memref<10000xf32, #tpu.memory_space<vmem>>[vector<16xi32>], vector<16xf32>,
        %gather3A_107 = tpu.vector_load_idx %arg15[%get3A_77] : memref<10000xf32, #tpu.memory_space<vmem>>[vector<16xi32>], vector<16xf32>,
        %add3A_108 = arith.addf %gather3A_106, %gather3A_107 : vector<16xf32>
        %max3A_109 = arith.constant 0.000000e+00 : f32
        %max3A_110 = vector.broadcast %max3A_109 : f32 to vector<16xf32>
        %max3A_111 = arith.maximumf %add3A_108, %max3A_110 : vector<16xf32>
        %mul3A_112 = arith.mulf %max3A_111, %get3A_81 : vector<16xf32>
        %swap3A_113 = arith.index_cast %scan3A_76 : i32 to index
        %swap3A_114 = tpu.vector_load %arg22[%swap3A_113] {strides = array<i32>} : memref<2048xf32, #tpu.memory_space<vmem>>, vector<16xf32>,
        tpu.vector_store %arg22[%swap3A_113], %mul3A_112 {strides = array<i32>} : memref<2048xf32, #tpu.memory_space<vmem>>, vector<16xf32>,
        %add3A_115 = arith.constant 16 : i32
        %add3A_116 = arith.addi %scan3A_76, %add3A_115 : i32
        scf.yield %add3A_116 : i32
      }
      %scan3A_64 = arith.constant 128 : i32
      %add3A_65 = arith.constant 0 : i32
      %add3A_66 = arith.addi %mul3A_32, %add3A_65 : i32
      "tpu.region"() ({
        %run_scoped3A = tpu.sem_alloc : memref<!tpu.dma_semaphore, #tpu.memory_space<semaphore_mem>>
        %dma_start3A = tpu.memref_slice %arg7[%add3A_66, %multiple_of3A] : memref<64x331776xf32, #tpu.memory_space<hbm>> -> memref<1x2048xf32, #tpu.memory_space<hbm>>
        %dma_start3A_75 = tpu.memref_squeeze %dma_start3A : memref<1x2048xf32, #tpu.memory_space<hbm>> -> memref<2048xf32, #tpu.memory_space<hbm>>
        %dma_start3A_76 = tpu.memref_slice %arg7[%add3A_66, %multiple_of3A] : memref<64x331776xf32, #tpu.memory_space<hbm>> -> memref<1x2048xf32, #tpu.memory_space<hbm>>
        %dma_start3A_77 = tpu.memref_squeeze %dma_start3A_76 : memref<1x2048xf32, #tpu.memory_space<hbm>> -> memref<2048xf32, #tpu.memory_space<hbm>>
        tpu.enqueue_dma source(%arg19 : memref<2048xf32, #tpu.memory_space<vmem>>) target(%dma_start3A_77 : memref<2048xf32, #tpu.memory_space<hbm>>) target_semaphore(%run_scoped3A : memref<!tpu.dma_semaphore, #tpu.memory_space<semaphore_mem>>)
        %dma_wait3A = tpu.memref_slice %arg7[%add3A_66, %multiple_of3A] : memref<64x331776xf32, #tpu.memory_space<hbm>> -> memref<1x2048xf32, #tpu.memory_space<hbm>>
        %dma_wait3A_78 = tpu.memref_squeeze %dma_wait3A : memref<1x2048xf32, #tpu.memory_space<hbm>> -> memref<2048xf32, #tpu.memory_space<hbm>>
        %dma_wait3A_79 = tpu.memref_slice %arg7[%add3A_66, %multiple_of3A] : memref<64x331776xf32, #tpu.memory_space<hbm>> -> memref<1x2048xf32, #tpu.memory_space<hbm>>
        %dma_wait3A_80 = tpu.memref_squeeze %dma_wait3A_79 : memref<1x2048xf32, #tpu.memory_space<hbm>> -> memref<2048xf32, #tpu.memory_space<hbm>>
        tpu.wait_dma2 semaphore(%run_scoped3A : memref<!tpu.dma_semaphore, #tpu.memory_space<semaphore_mem>>) src(%arg19 : memref<2048xf32, #tpu.memory_space<vmem>>) dst(%dma_wait3A_80 : memref<2048xf32, #tpu.memory_space<hbm>>)
        tpu.yield
      }) : () -> ()
      %add3A_67 = arith.constant 1 : i32
      %add3A_68 = arith.addi %mul3A_32, %add3A_67 : i32
      "tpu.region"() ({
        %run_scoped3A = tpu.sem_alloc : memref<!tpu.dma_semaphore, #tpu.memory_space<semaphore_mem>>
        %dma_start3A = tpu.memref_slice %arg7[%add3A_68, %multiple_of3A] : memref<64x331776xf32, #tpu.memory_space<hbm>> -> memref<1x2048xf32, #tpu.memory_space<hbm>>
        %dma_start3A_75 = tpu.memref_squeeze %dma_start3A : memref<1x2048xf32, #tpu.memory_space<hbm>> -> memref<2048xf32, #tpu.memory_space<hbm>>
        %dma_start3A_76 = tpu.memref_slice %arg7[%add3A_68, %multiple_of3A] : memref<64x331776xf32, #tpu.memory_space<hbm>> -> memref<1x2048xf32, #tpu.memory_space<hbm>>
        %dma_start3A_77 = tpu.memref_squeeze %dma_start3A_76 : memref<1x2048xf32, #tpu.memory_space<hbm>> -> memref<2048xf32, #tpu.memory_space<hbm>>
        tpu.enqueue_dma source(%arg20 : memref<2048xf32, #tpu.memory_space<vmem>>) target(%dma_start3A_77 : memref<2048xf32, #tpu.memory_space<hbm>>) target_semaphore(%run_scoped3A : memref<!tpu.dma_semaphore, #tpu.memory_space<semaphore_mem>>)
        %dma_wait3A = tpu.memref_slice %arg7[%add3A_68, %multiple_of3A] : memref<64x331776xf32, #tpu.memory_space<hbm>> -> memref<1x2048xf32, #tpu.memory_space<hbm>>
        %dma_wait3A_78 = tpu.memref_squeeze %dma_wait3A : memref<1x2048xf32, #tpu.memory_space<hbm>> -> memref<2048xf32, #tpu.memory_space<hbm>>
        %dma_wait3A_79 = tpu.memref_slice %arg7[%add3A_68, %multiple_of3A] : memref<64x331776xf32, #tpu.memory_space<hbm>> -> memref<1x2048xf32, #tpu.memory_space<hbm>>
        %dma_wait3A_80 = tpu.memref_squeeze %dma_wait3A_79 : memref<1x2048xf32, #tpu.memory_space<hbm>> -> memref<2048xf32, #tpu.memory_space<hbm>>
        tpu.wait_dma2 semaphore(%run_scoped3A : memref<!tpu.dma_semaphore, #tpu.memory_space<semaphore_mem>>) src(%arg20 : memref<2048xf32, #tpu.memory_space<vmem>>) dst(%dma_wait3A_80 : memref<2048xf32, #tpu.memory_space<hbm>>)
        tpu.yield
      }) : () -> ()
      %add3A_69 = arith.constant 2 : i32
      %add3A_70 = arith.addi %mul3A_32, %add3A_69 : i32
      "tpu.region"() ({
        %run_scoped3A = tpu.sem_alloc : memref<!tpu.dma_semaphore, #tpu.memory_space<semaphore_mem>>
        %dma_start3A = tpu.memref_slice %arg7[%add3A_70, %multiple_of3A] : memref<64x331776xf32, #tpu.memory_space<hbm>> -> memref<1x2048xf32, #tpu.memory_space<hbm>>
        %dma_start3A_75 = tpu.memref_squeeze %dma_start3A : memref<1x2048xf32, #tpu.memory_space<hbm>> -> memref<2048xf32, #tpu.memory_space<hbm>>
        %dma_start3A_76 = tpu.memref_slice %arg7[%add3A_70, %multiple_of3A] : memref<64x331776xf32, #tpu.memory_space<hbm>> -> memref<1x2048xf32, #tpu.memory_space<hbm>>
        %dma_start3A_77 = tpu.memref_squeeze %dma_start3A_76 : memref<1x2048xf32, #tpu.memory_space<hbm>> -> memref<2048xf32, #tpu.memory_space<hbm>>
        tpu.enqueue_dma source(%arg21 : memref<2048xf32, #tpu.memory_space<vmem>>) target(%dma_start3A_77 : memref<2048xf32, #tpu.memory_space<hbm>>) target_semaphore(%run_scoped3A : memref<!tpu.dma_semaphore, #tpu.memory_space<semaphore_mem>>)
        %dma_wait3A = tpu.memref_slice %arg7[%add3A_70, %multiple_of3A] : memref<64x331776xf32, #tpu.memory_space<hbm>> -> memref<1x2048xf32, #tpu.memory_space<hbm>>
        %dma_wait3A_78 = tpu.memref_squeeze %dma_wait3A : memref<1x2048xf32, #tpu.memory_space<hbm>> -> memref<2048xf32, #tpu.memory_space<hbm>>
        %dma_wait3A_79 = tpu.memref_slice %arg7[%add3A_70, %multiple_of3A] : memref<64x331776xf32, #tpu.memory_space<hbm>> -> memref<1x2048xf32, #tpu.memory_space<hbm>>
        %dma_wait3A_80 = tpu.memref_squeeze %dma_wait3A_79 : memref<1x2048xf32, #tpu.memory_space<hbm>> -> memref<2048xf32, #tpu.memory_space<hbm>>
        tpu.wait_dma2 semaphore(%run_scoped3A : memref<!tpu.dma_semaphore, #tpu.memory_space<semaphore_mem>>) src(%arg21 : memref<2048xf32, #tpu.memory_space<vmem>>) dst(%dma_wait3A_80 : memref<2048xf32, #tpu.memory_space<hbm>>)
        tpu.yield
      }) : () -> ()
      %add3A_71 = arith.constant 3 : i32
      %add3A_72 = arith.addi %mul3A_32, %add3A_71 : i32
      "tpu.region"() ({
        %run_scoped3A = tpu.sem_alloc : memref<!tpu.dma_semaphore, #tpu.memory_space<semaphore_mem>>
        %dma_start3A = tpu.memref_slice %arg7[%add3A_72, %multiple_of3A] : memref<64x331776xf32, #tpu.memory_space<hbm>> -> memref<1x2048xf32, #tpu.memory_space<hbm>>
        %dma_start3A_75 = tpu.memref_squeeze %dma_start3A : memref<1x2048xf32, #tpu.memory_space<hbm>> -> memref<2048xf32, #tpu.memory_space<hbm>>
        %dma_start3A_76 = tpu.memref_slice %arg7[%add3A_72, %multiple_of3A] : memref<64x331776xf32, #tpu.memory_space<hbm>> -> memref<1x2048xf32, #tpu.memory_space<hbm>>
        %dma_start3A_77 = tpu.memref_squeeze %dma_start3A_76 : memref<1x2048xf32, #tpu.memory_space<hbm>> -> memref<2048xf32, #tpu.memory_space<hbm>>
        tpu.enqueue_dma source(%arg22 : memref<2048xf32, #tpu.memory_space<vmem>>) target(%dma_start3A_77 : memref<2048xf32, #tpu.memory_space<hbm>>) target_semaphore(%run_scoped3A : memref<!tpu.dma_semaphore, #tpu.memory_space<semaphore_mem>>)
        %dma_wait3A = tpu.memref_slice %arg7[%add3A_72, %multiple_of3A] : memref<64x331776xf32, #tpu.memory_space<hbm>> -> memref<1x2048xf32, #tpu.memory_space<hbm>>
        %dma_wait3A_78 = tpu.memref_squeeze %dma_wait3A : memref<1x2048xf32, #tpu.memory_space<hbm>> -> memref<2048xf32, #tpu.memory_space<hbm>>
        %dma_wait3A_79 = tpu.memref_slice %arg7[%add3A_72, %multiple_of3A] : memref<64x331776xf32, #tpu.memory_space<hbm>> -> memref<1x2048xf32, #tpu.memory_space<hbm>>
        %dma_wait3A_80 = tpu.memref_squeeze %dma_wait3A_79 : memref<1x2048xf32, #tpu.memory_space<hbm>> -> memref<2048xf32, #tpu.memory_space<hbm>>
        tpu.wait_dma2 semaphore(%run_scoped3A : memref<!tpu.dma_semaphore, #tpu.memory_space<semaphore_mem>>) src(%arg22 : memref<2048xf32, #tpu.memory_space<vmem>>) dst(%dma_wait3A_80 : memref<2048xf32, #tpu.memory_space<hbm>>)
        tpu.yield
      }) : () -> ()
      %add3A_73 = arith.constant 2048 : i32
      %add3A_74 = arith.addi %multiple_of3A, %add3A_73 : i32
      scf.yield %add3A_74 : i32
    }
    %scan3A_55 = arith.constant 81 : i32
    return
  }
}

module attributes {stable_mosaic.version = 14 : i64} {
  func.func @_uv_body(%arg0: memref<128x256xf32, #tpu.memory_space<vmem>>, %arg1: memref<10000x128xf32, #tpu.memory_space<vmem>>, %arg2: memref<256x128xf32, #tpu.memory_space<vmem>>, %arg3: memref<256x10000xf32, #tpu.memory_space<vmem>>) attributes {dimension_semantics = [], scalar_prefetch = 0 : i64, scratch_operands = 0 : i64, tpu.core_type = #tpu.core_type<tc>} {
    %get3A = arith.constant 0 : index
    %get3A_0 = arith.constant 0 : index
    %get3A_1 = vector.load %arg0[%get3A, %get3A_0] : memref<128x256xf32, #tpu.memory_space<vmem>>, vector<128x256xf32>
    %get3A_2 = arith.constant 0 : index
    %get3A_3 = arith.constant 0 : index
    %get3A_4 = vector.load %arg1[%get3A_2, %get3A_3] : memref<10000x128xf32, #tpu.memory_space<vmem>>, vector<10000x128xf32>
    %dot_general3A = arith.constant dense<0.000000e+00> : vector<256x10000xf32>
    %dot_general3A_5 = tpu.matmul %get3A_1, %get3A_4, %dot_general3A {dimension_numbers = #tpu.dot_dimension_numbers<[0], [1], [1], [0], [0, 1, 1, 0], [], []>, precision = #tpu.contract_precision<fp32>, transpose_lhs_hint = false} : vector<128x256xf32>, vector<10000x128xf32>, vector<256x10000xf32> -> vector<256x10000xf32>
    %get3A_6 = arith.constant 0 : index
    %get3A_7 = arith.constant 0 : index
    %get3A_8 = vector.load %arg2[%get3A_6, %get3A_7] : memref<256x128xf32, #tpu.memory_space<vmem>>, vector<256x1xf32>
    %add3A = vector.broadcast %get3A_8 : vector<256x1xf32> to vector<256x10000xf32>
    %add3A_9 = arith.addf %dot_general3A_5, %add3A : vector<256x10000xf32>
    %swap3A = arith.constant 0 : index
    %swap3A_10 = arith.constant 0 : index
    %swap3A_11 = vector.load %arg3[%swap3A, %swap3A_10] : memref<256x10000xf32, #tpu.memory_space<vmem>>, vector<256x10000xf32>
    tpu.vector_store %arg3[%swap3A, %swap3A_10], %add3A_9 {strides = array<i32>} : memref<256x10000xf32, #tpu.memory_space<vmem>>, vector<256x10000xf32>,
    return
  }
}

module attributes {stable_mosaic.version = 14 : i64} {
  func.func @_stats_body(%arg0: i32, %arg1: memref<64x2048xf32, #tpu.memory_space<vmem>>, %arg2: memref<16x128xf32, #tpu.memory_space<vmem>>, %arg3: memref<64x128xf32, #tpu.memory_space<vmem>>, %arg4: memref<64x128xf32, #tpu.memory_space<vmem>>, %arg5: memref<8x128xf32, #tpu.memory_space<vmem>>) attributes {dimension_semantics = [#tpu.dimension_semantics<arbitrary>], iteration_bounds = array<i64: 162>, scalar_prefetch = 0 : i64, scratch_operands = 0 : i64, tpu.core_type = #tpu.core_type<tc>, window_params = [{transform_indices = @transform_0, window_bounds = array<i64: 64, 2048>}, {transform_indices = @transform_1, window_bounds = array<i64: 16, 128>}, {pipeline_mode = #tpu.pipeline_mode<synchronous>, transform_indices = @transform_2, window_bounds = array<i64: 64, 128>}, {pipeline_mode = #tpu.pipeline_mode<synchronous>, transform_indices = @transform_3, window_bounds = array<i64: 64, 128>}, {pipeline_mode = #tpu.pipeline_mode<synchronous>, transform_indices = @transform_4, window_bounds = array<i64: 8, 128>}]} {
    %eq3A = arith.constant 0 : i32
    %eq3A_0 = arith.cmpi eq, %arg0, %eq3A : i32
    %convert_element_type3A = arith.extui %eq3A_0 : i1 to i32
    %cond3A = arith.constant 0 : i32
    %cond3A_1 = arith.cmpi ne, %convert_element_type3A, %cond3A : i32
    scf.if %cond3A_1 {
      %broadcast_in_dim3A_40 = arith.constant 0.000000e+00 : f32
      %broadcast_in_dim3A_41 = vector.broadcast %broadcast_in_dim3A_40 : f32 to vector<64x128xf32>
      %swap3A_42 = arith.constant 0 : index
      %swap3A_43 = arith.constant 0 : index
      %swap3A_44 = vector.load %arg3[%swap3A_42, %swap3A_43] : memref<64x128xf32, #tpu.memory_space<vmem>>, vector<64x128xf32>
      tpu.vector_store %arg3[%swap3A_42, %swap3A_43], %broadcast_in_dim3A_41 {strides = array<i32>} : memref<64x128xf32, #tpu.memory_space<vmem>>, vector<64x128xf32>,
      %broadcast_in_dim3A_45 = arith.constant 0.000000e+00 : f32
      %broadcast_in_dim3A_46 = vector.broadcast %broadcast_in_dim3A_45 : f32 to vector<64x128xf32>
      %swap3A_47 = arith.constant 0 : index
      %swap3A_48 = arith.constant 0 : index
      %swap3A_49 = vector.load %arg4[%swap3A_47, %swap3A_48] : memref<64x128xf32, #tpu.memory_space<vmem>>, vector<64x128xf32>
      tpu.vector_store %arg4[%swap3A_47, %swap3A_48], %broadcast_in_dim3A_46 {strides = array<i32>} : memref<64x128xf32, #tpu.memory_space<vmem>>, vector<64x128xf32>,
      %broadcast_in_dim3A_50 = arith.constant 0.000000e+00 : f32
      %broadcast_in_dim3A_51 = vector.broadcast %broadcast_in_dim3A_50 : f32 to vector<8x128xf32>
      %swap3A_52 = arith.constant 0 : index
      %swap3A_53 = arith.constant 0 : index
      %swap3A_54 = vector.load %arg5[%swap3A_52, %swap3A_53] : memref<8x128xf32, #tpu.memory_space<vmem>>, vector<8x128xf32>
      tpu.vector_store %arg5[%swap3A_52, %swap3A_53], %broadcast_in_dim3A_51 {strides = array<i32>} : memref<8x128xf32, #tpu.memory_space<vmem>>, vector<8x128xf32>,
    } else {
    }
    %get3A = arith.constant 0 : index
    %get3A_2 = arith.constant 0 : index
    %get3A_3 = vector.load %arg1[%get3A, %get3A_2] : memref<64x2048xf32, #tpu.memory_space<vmem>>, vector<64x2048xf32>
    %get3A_4 = arith.constant 0 : index
    %get3A_5 = arith.constant 0 : index
    %get3A_6 = vector.load %arg3[%get3A_4, %get3A_5] : memref<64x128xf32, #tpu.memory_space<vmem>>, vector<64x128xf32>
    %reduce_sum3A = arith.constant dense<0.000000e+00> : vector<64xf32>
    %reduce_sum3A_7 = vector.multi_reduction <add>, %get3A_3, %reduce_sum3A [1] : vector<64x2048xf32> to vector<64xf32>
    %broadcast_in_dim3A = vector.shape_cast %reduce_sum3A_7 : vector<64xf32> to vector<64x1xf32>
    %broadcast_in_dim3A_8 = vector.shape_cast %broadcast_in_dim3A : vector<64x1xf32> to vector<64x1xf32>
    %broadcast_in_dim3A_9 = vector.broadcast %broadcast_in_dim3A_8 : vector<64x1xf32> to vector<64x128xf32>
    %add3A = arith.addf %get3A_6, %broadcast_in_dim3A_9 : vector<64x128xf32>
    %swap3A = arith.constant 0 : index
    %swap3A_10 = arith.constant 0 : index
    %swap3A_11 = vector.load %arg3[%swap3A, %swap3A_10] : memref<64x128xf32, #tpu.memory_space<vmem>>, vector<64x128xf32>
    tpu.vector_store %arg3[%swap3A, %swap3A_10], %add3A {strides = array<i32>} : memref<64x128xf32, #tpu.memory_space<vmem>>, vector<64x128xf32>,
    %get3A_12 = arith.constant 0 : index
    %get3A_13 = arith.constant 0 : index
    %get3A_14 = vector.load %arg4[%get3A_12, %get3A_13] : memref<64x128xf32, #tpu.memory_space<vmem>>, vector<64x128xf32>
    %mul3A = arith.mulf %get3A_3, %get3A_3 : vector<64x2048xf32>
    %reduce_sum3A_15 = arith.constant dense<0.000000e+00> : vector<64xf32>
    %reduce_sum3A_16 = vector.multi_reduction <add>, %mul3A, %reduce_sum3A_15 [1] : vector<64x2048xf32> to vector<64xf32>
    %broadcast_in_dim3A_17 = vector.shape_cast %reduce_sum3A_16 : vector<64xf32> to vector<64x1xf32>
    %broadcast_in_dim3A_18 = vector.shape_cast %broadcast_in_dim3A_17 : vector<64x1xf32> to vector<64x1xf32>
    %broadcast_in_dim3A_19 = vector.broadcast %broadcast_in_dim3A_18 : vector<64x1xf32> to vector<64x128xf32>
    %add3A_20 = arith.addf %get3A_14, %broadcast_in_dim3A_19 : vector<64x128xf32>
    %swap3A_21 = arith.constant 0 : index
    %swap3A_22 = arith.constant 0 : index
    %swap3A_23 = vector.load %arg4[%swap3A_21, %swap3A_22] : memref<64x128xf32, #tpu.memory_space<vmem>>, vector<64x128xf32>
    tpu.vector_store %arg4[%swap3A_21, %swap3A_22], %add3A_20 {strides = array<i32>} : memref<64x128xf32, #tpu.memory_space<vmem>>, vector<64x128xf32>,
    %get3A_24 = arith.constant 0 : index
    %get3A_25 = arith.constant 0 : index
    %get3A_26 = vector.load %arg5[%get3A_24, %get3A_25] : memref<8x128xf32, #tpu.memory_space<vmem>>, vector<8x128xf32>
    %get3A_27 = arith.constant 0 : index
    %get3A_28 = arith.constant 0 : index
    %get3A_29 = vector.load %arg2[%get3A_27, %get3A_28] : memref<16x128xf32, #tpu.memory_space<vmem>>, vector<16x128xf32>
    %reduce_sum3A_30 = vector.shape_cast %get3A_29 : vector<16x128xf32> to vector<1x16x128xf32>
    %reduce_sum3A_31 = arith.constant dense<0.000000e+00> : vector<1xf32>
    %reduce_sum3A_32 = vector.multi_reduction <add>, %reduce_sum3A_30, %reduce_sum3A_31 [1, 2] : vector<1x16x128xf32> to vector<1xf32>
    %reduce_sum3A_33 = vector.shape_cast %reduce_sum3A_32 : vector<1xf32> to vector<1x1x1xf32>
    %reduce_sum3A_34 = vector.extract %reduce_sum3A_33[0, 0, 0] : f32 from vector<1x1x1xf32>
    %add3A_35 = vector.broadcast %reduce_sum3A_34 : f32 to vector<8x128xf32>
    %add3A_36 = arith.addf %get3A_26, %add3A_35 : vector<8x128xf32>
    %swap3A_37 = arith.constant 0 : index
    %swap3A_38 = arith.constant 0 : index
    %swap3A_39 = vector.load %arg5[%swap3A_37, %swap3A_38] : memref<8x128xf32, #tpu.memory_space<vmem>>, vector<8x128xf32>
    tpu.vector_store %arg5[%swap3A_37, %swap3A_38], %add3A_36 {strides = array<i32>} : memref<8x128xf32, #tpu.memory_space<vmem>>, vector<8x128xf32>,
    return
  }
  func.func @transform_0(%arg0: i32) -> (i32, i32) {
    %c0_i32 = arith.constant 0 : i32
    %c0_i32_0 = arith.constant 0 : i32
    return %c0_i32, %arg0 : i32, i32
  }
  func.func @transform_1(%arg0: i32) -> (i32, i32) {
    %c0_i32 = arith.constant 0 : i32
    %c0_i32_0 = arith.constant 0 : i32
    return %arg0, %c0_i32 : i32, i32
  }
  func.func @transform_2(%arg0: i32) -> (i32, i32) {
    %c0_i32 = arith.constant 0 : i32
    %c0_i32_0 = arith.constant 0 : i32
    %c0_i32_1 = arith.constant 0 : i32
    return %c0_i32, %c0_i32_0 : i32, i32
  }
  func.func @transform_3(%arg0: i32) -> (i32, i32) {
    %c0_i32 = arith.constant 0 : i32
    %c0_i32_0 = arith.constant 0 : i32
    %c0_i32_1 = arith.constant 0 : i32
    return %c0_i32, %c0_i32_0 : i32, i32
  }
  func.func @transform_4(%arg0: i32) -> (i32, i32) {
    %c0_i32 = arith.constant 0 : i32
    %c0_i32_0 = arith.constant 0 : i32
    %c0_i32_1 = arith.constant 0 : i32
    return %c0_i32, %c0_i32_0 : i32, i32
  }
}

module attributes {stable_mosaic.version = 14 : i64} {
  func.func @_layer2_body(%arg0: i32, %arg1: memref<64x2048xf32, #tpu.memory_space<vmem>>, %arg2: memref<64x128xf32, #tpu.memory_space<vmem>>, %arg3: memref<64x128xf32, #tpu.memory_space<vmem>>, %arg4: memref<64x64xf32, #tpu.memory_space<vmem>>, %arg5: memref<8x64xf32, #tpu.memory_space<vmem>>, %arg6: memref<2048x64xf32, #tpu.memory_space<vmem>>, %arg7: memref<8x64xf32, #tpu.memory_space<vmem>>, %arg8: memref<8x64xf32, #tpu.memory_space<vmem>>) attributes {dimension_semantics = [#tpu.dimension_semantics<arbitrary>], iteration_bounds = array<i64: 162>, scalar_prefetch = 0 : i64, scratch_operands = 0 : i64, tpu.core_type = #tpu.core_type<tc>, window_params = [{transform_indices = @transform_0, window_bounds = array<i64: 64, 2048>}, {pipeline_mode = #tpu.pipeline_mode<synchronous>, transform_indices = @transform_1, window_bounds = array<i64: 64, 128>}, {pipeline_mode = #tpu.pipeline_mode<synchronous>, transform_indices = @transform_2, window_bounds = array<i64: 64, 128>}, {pipeline_mode = #tpu.pipeline_mode<synchronous>, transform_indices = @transform_3, window_bounds = array<i64: 64, 64>}, {pipeline_mode = #tpu.pipeline_mode<synchronous>, transform_indices = @transform_4, window_bounds = array<i64: 8, 64>}, {transform_indices = @transform_5, window_bounds = array<i64: 2048, 64>}, {pipeline_mode = #tpu.pipeline_mode<synchronous>, transform_indices = @transform_6, window_bounds = array<i64: 8, 64>}, {pipeline_mode = #tpu.pipeline_mode<synchronous>, transform_indices = @transform_7, window_bounds = array<i64: 8, 64>}]} {
    %eq3A = arith.constant 0 : i32
    %eq3A_0 = arith.cmpi eq, %arg0, %eq3A : i32
    %convert_element_type3A = arith.extui %eq3A_0 : i1 to i32
    %cond3A = arith.constant 0 : i32
    %cond3A_1 = arith.cmpi ne, %convert_element_type3A, %cond3A : i32
    scf.if %cond3A_1 {
      %broadcast_in_dim3A_48 = arith.constant 0.000000e+00 : f32
      %broadcast_in_dim3A_49 = vector.broadcast %broadcast_in_dim3A_48 : f32 to vector<8x64xf32>
      %swap3A_50 = arith.constant 0 : index
      %swap3A_51 = arith.constant 0 : index
      %swap3A_52 = vector.load %arg7[%swap3A_50, %swap3A_51] : memref<8x64xf32, #tpu.memory_space<vmem>>, vector<8x64xf32>
      tpu.vector_store %arg7[%swap3A_50, %swap3A_51], %broadcast_in_dim3A_49 {strides = array<i32>} : memref<8x64xf32, #tpu.memory_space<vmem>>, vector<8x64xf32>,
      %broadcast_in_dim3A_53 = arith.constant 0.000000e+00 : f32
      %broadcast_in_dim3A_54 = vector.broadcast %broadcast_in_dim3A_53 : f32 to vector<8x64xf32>
      %swap3A_55 = arith.constant 0 : index
      %swap3A_56 = arith.constant 0 : index
      %swap3A_57 = vector.load %arg8[%swap3A_55, %swap3A_56] : memref<8x64xf32, #tpu.memory_space<vmem>>, vector<8x64xf32>
      tpu.vector_store %arg8[%swap3A_55, %swap3A_56], %broadcast_in_dim3A_54 {strides = array<i32>} : memref<8x64xf32, #tpu.memory_space<vmem>>, vector<8x64xf32>,
    } else {
    }
    %get3A = arith.constant 0 : index
    %get3A_2 = arith.constant 0 : index
    %get3A_3 = vector.load %arg1[%get3A, %get3A_2] : memref<64x2048xf32, #tpu.memory_space<vmem>>, vector<64x2048xf32>
    %get3A_4 = arith.constant 0 : index
    %get3A_5 = arith.constant 0 : index
    %get3A_6 = vector.load %arg2[%get3A_4, %get3A_5] : memref<64x128xf32, #tpu.memory_space<vmem>>, vector<64x1xf32>
    %mul3A = vector.broadcast %get3A_6 : vector<64x1xf32> to vector<64x2048xf32>
    %mul3A_7 = arith.mulf %get3A_3, %mul3A : vector<64x2048xf32>
    %get3A_8 = arith.constant 0 : index
    %get3A_9 = arith.constant 0 : index
    %get3A_10 = vector.load %arg3[%get3A_8, %get3A_9] : memref<64x128xf32, #tpu.memory_space<vmem>>, vector<64x1xf32>
    %add3A = vector.broadcast %get3A_10 : vector<64x1xf32> to vector<64x2048xf32>
    %add3A_11 = arith.addf %mul3A_7, %add3A : vector<64x2048xf32>
    %get3A_12 = arith.constant 0 : index
    %get3A_13 = arith.constant 0 : index
    %get3A_14 = vector.load %arg4[%get3A_12, %get3A_13] : memref<64x64xf32, #tpu.memory_space<vmem>>, vector<64x64xf32>
    %dot_general3A = arith.constant dense<0.000000e+00> : vector<2048x64xf32>
    %dot_general3A_15 = tpu.matmul %add3A_11, %get3A_14, %dot_general3A {dimension_numbers = #tpu.dot_dimension_numbers<[0], [0], [1], [1], [0, 1, 1, 1], [], []>, precision = #tpu.contract_precision<fp32>, transpose_lhs_hint = false} : vector<64x2048xf32>, vector<64x64xf32>, vector<2048x64xf32> -> vector<2048x64xf32>
    %get3A_16 = arith.constant 0 : index
    %get3A_17 = arith.constant 0 : index
    %get3A_18 = vector.load %arg5[%get3A_16, %get3A_17] : memref<8x64xf32, #tpu.memory_space<vmem>>, vector<1x64xf32>
    %add3A_19 = vector.broadcast %get3A_18 : vector<1x64xf32> to vector<2048x64xf32>
    %add3A_20 = arith.addf %dot_general3A_15, %add3A_19 : vector<2048x64xf32>
    %max3A = arith.constant 0.000000e+00 : f32
    %max3A_21 = vector.broadcast %max3A : f32 to vector<2048x64xf32>
    %max3A_22 = arith.maximumf %add3A_20, %max3A_21 : vector<2048x64xf32>
    %swap3A = arith.constant 0 : index
    %swap3A_23 = arith.constant 0 : index
    %swap3A_24 = vector.load %arg6[%swap3A, %swap3A_23] : memref<2048x64xf32, #tpu.memory_space<vmem>>, vector<2048x64xf32>
    tpu.vector_store %arg6[%swap3A, %swap3A_23], %max3A_22 {strides = array<i32>} : memref<2048x64xf32, #tpu.memory_space<vmem>>, vector<2048x64xf32>,
    %get3A_25 = arith.constant 0 : index
    %get3A_26 = arith.constant 0 : index
    %get3A_27 = vector.load %arg7[%get3A_25, %get3A_26] : memref<8x64xf32, #tpu.memory_space<vmem>>, vector<8x64xf32>
    %reduce_sum3A = arith.constant dense<0.000000e+00> : vector<64xf32>
    %reduce_sum3A_28 = vector.multi_reduction <add>, %max3A_22, %reduce_sum3A [0] : vector<2048x64xf32> to vector<64xf32>
    %broadcast_in_dim3A = vector.shape_cast %reduce_sum3A_28 : vector<64xf32> to vector<1x64xf32>
    %broadcast_in_dim3A_29 = vector.shape_cast %broadcast_in_dim3A : vector<1x64xf32> to vector<1x64xf32>
    %broadcast_in_dim3A_30 = vector.broadcast %broadcast_in_dim3A_29 : vector<1x64xf32> to vector<8x64xf32>
    %add3A_31 = arith.addf %get3A_27, %broadcast_in_dim3A_30 : vector<8x64xf32>
    %swap3A_32 = arith.constant 0 : index
    %swap3A_33 = arith.constant 0 : index
    %swap3A_34 = vector.load %arg7[%swap3A_32, %swap3A_33] : memref<8x64xf32, #tpu.memory_space<vmem>>, vector<8x64xf32>
    tpu.vector_store %arg7[%swap3A_32, %swap3A_33], %add3A_31 {strides = array<i32>} : memref<8x64xf32, #tpu.memory_space<vmem>>, vector<8x64xf32>,
    %get3A_35 = arith.constant 0 : index
    %get3A_36 = arith.constant 0 : index
    %get3A_37 = vector.load %arg8[%get3A_35, %get3A_36] : memref<8x64xf32, #tpu.memory_space<vmem>>, vector<8x64xf32>
    %mul3A_38 = arith.mulf %max3A_22, %max3A_22 : vector<2048x64xf32>
    %reduce_sum3A_39 = arith.constant dense<0.000000e+00> : vector<64xf32>
    %reduce_sum3A_40 = vector.multi_reduction <add>, %mul3A_38, %reduce_sum3A_39 [0] : vector<2048x64xf32> to vector<64xf32>
    %broadcast_in_dim3A_41 = vector.shape_cast %reduce_sum3A_40 : vector<64xf32> to vector<1x64xf32>
    %broadcast_in_dim3A_42 = vector.shape_cast %broadcast_in_dim3A_41 : vector<1x64xf32> to vector<1x64xf32>
    %broadcast_in_dim3A_43 = vector.broadcast %broadcast_in_dim3A_42 : vector<1x64xf32> to vector<8x64xf32>
    %add3A_44 = arith.addf %get3A_37, %broadcast_in_dim3A_43 : vector<8x64xf32>
    %swap3A_45 = arith.constant 0 : index
    %swap3A_46 = arith.constant 0 : index
    %swap3A_47 = vector.load %arg8[%swap3A_45, %swap3A_46] : memref<8x64xf32, #tpu.memory_space<vmem>>, vector<8x64xf32>
    tpu.vector_store %arg8[%swap3A_45, %swap3A_46], %add3A_44 {strides = array<i32>} : memref<8x64xf32, #tpu.memory_space<vmem>>, vector<8x64xf32>,
    return
  }
  func.func @transform_0(%arg0: i32) -> (i32, i32) {
    %c0_i32 = arith.constant 0 : i32
    %c0_i32_0 = arith.constant 0 : i32
    return %c0_i32, %arg0 : i32, i32
  }
  func.func @transform_1(%arg0: i32) -> (i32, i32) {
    %c0_i32 = arith.constant 0 : i32
    %c0_i32_0 = arith.constant 0 : i32
    %c0_i32_1 = arith.constant 0 : i32
    return %c0_i32, %c0_i32_0 : i32, i32
  }
  func.func @transform_2(%arg0: i32) -> (i32, i32) {
    %c0_i32 = arith.constant 0 : i32
    %c0_i32_0 = arith.constant 0 : i32
    %c0_i32_1 = arith.constant 0 : i32
    return %c0_i32, %c0_i32_0 : i32, i32
  }
  func.func @transform_3(%arg0: i32) -> (i32, i32) {
    %c0_i32 = arith.constant 0 : i32
    %c0_i32_0 = arith.constant 0 : i32
    %c0_i32_1 = arith.constant 0 : i32
    return %c0_i32, %c0_i32_0 : i32, i32
  }
  func.func @transform_4(%arg0: i32) -> (i32, i32) {
    %c0_i32 = arith.constant 0 : i32
    %c0_i32_0 = arith.constant 0 : i32
    %c0_i32_1 = arith.constant 0 : i32
    return %c0_i32, %c0_i32_0 : i32, i32
  }
  func.func @transform_5(%arg0: i32) -> (i32, i32) {
    %c0_i32 = arith.constant 0 : i32
    %c0_i32_0 = arith.constant 0 : i32
    return %arg0, %c0_i32 : i32, i32
  }
  func.func @transform_6(%arg0: i32) -> (i32, i32) {
    %c0_i32 = arith.constant 0 : i32
    %c0_i32_0 = arith.constant 0 : i32
    %c0_i32_1 = arith.constant 0 : i32
    return %c0_i32, %c0_i32_0 : i32, i32
  }
  func.func @transform_7(%arg0: i32) -> (i32, i32) {
    %c0_i32 = arith.constant 0 : i32
    %c0_i32_0 = arith.constant 0 : i32
    %c0_i32_1 = arith.constant 0 : i32
    return %c0_i32, %c0_i32_0 : i32, i32
  }
}

module attributes {stable_mosaic.version = 14 : i64} {
  func.func @_outmlp_body(%arg0: i32, %arg1: memref<2000x64xf32, #tpu.memory_space<vmem>>, %arg2: memref<2000x64xf32, #tpu.memory_space<vmem>>, %arg3: memref<8x64xf32, #tpu.memory_space<vmem>>, %arg4: memref<8x64xf32, #tpu.memory_space<vmem>>, %arg5: memref<8x64xf32, #tpu.memory_space<vmem>>, %arg6: memref<8x64xf32, #tpu.memory_space<vmem>>, %arg7: memref<64x128xf32, #tpu.memory_space<vmem>>, %arg8: memref<64x128xf32, #tpu.memory_space<vmem>>, %arg9: memref<8x128xf32, #tpu.memory_space<vmem>>, %arg10: memref<2000x128xf32, #tpu.memory_space<vmem>>, %arg11: memref<8x128xf32, #tpu.memory_space<vmem>>, %arg12: memref<8x128xf32, #tpu.memory_space<vmem>>) attributes {dimension_semantics = [#tpu.dimension_semantics<arbitrary>], iteration_bounds = array<i64: 5>, scalar_prefetch = 0 : i64, scratch_operands = 0 : i64, tpu.core_type = #tpu.core_type<tc>, window_params = [{transform_indices = @transform_0, window_bounds = array<i64: 2000, 64>}, {transform_indices = @transform_1, window_bounds = array<i64: 2000, 64>}, {pipeline_mode = #tpu.pipeline_mode<synchronous>, transform_indices = @transform_2, window_bounds = array<i64: 8, 64>}, {pipeline_mode = #tpu.pipeline_mode<synchronous>, transform_indices = @transform_3, window_bounds = array<i64: 8, 64>}, {pipeline_mode = #tpu.pipeline_mode<synchronous>, transform_indices = @transform_4, window_bounds = array<i64: 8, 64>}, {pipeline_mode = #tpu.pipeline_mode<synchronous>, transform_indices = @transform_5, window_bounds = array<i64: 8, 64>}, {pipeline_mode = #tpu.pipeline_mode<synchronous>, transform_indices = @transform_6, window_bounds = array<i64: 64, 128>}, {pipeline_mode = #tpu.pipeline_mode<synchronous>, transform_indices = @transform_7, window_bounds = array<i64: 64, 128>}, {pipeline_mode = #tpu.pipeline_mode<synchronous>, transform_indices = @transform_8, window_bounds = array<i64: 8, 128>}, {transform_indices = @transform_9, window_bounds = array<i64: 2000, 128>}, {pipeline_mode = #tpu.pipeline_mode<synchronous>, transform_indices = @transform_10, window_bounds = array<i64: 8, 128>}, {pipeline_mode = #tpu.pipeline_mode<synchronous>, transform_indices = @transform_11, window_bounds = array<i64: 8, 128>}]} {
    %eq3A = arith.constant 0 : i32
    %eq3A_0 = arith.cmpi eq, %arg0, %eq3A : i32
    %convert_element_type3A = arith.extui %eq3A_0 : i1 to i32
    %cond3A = arith.constant 0 : i32
    %cond3A_1 = arith.cmpi ne, %convert_element_type3A, %cond3A : i32
    scf.if %cond3A_1 {
      %broadcast_in_dim3A_67 = arith.constant 0.000000e+00 : f32
      %broadcast_in_dim3A_68 = vector.broadcast %broadcast_in_dim3A_67 : f32 to vector<8x128xf32>
      %swap3A_69 = arith.constant 0 : index
      %swap3A_70 = arith.constant 0 : index
      %swap3A_71 = vector.load %arg11[%swap3A_69, %swap3A_70] : memref<8x128xf32, #tpu.memory_space<vmem>>, vector<8x128xf32>
      tpu.vector_store %arg11[%swap3A_69, %swap3A_70], %broadcast_in_dim3A_68 {strides = array<i32>} : memref<8x128xf32, #tpu.memory_space<vmem>>, vector<8x128xf32>,
      %broadcast_in_dim3A_72 = arith.constant 0.000000e+00 : f32
      %broadcast_in_dim3A_73 = vector.broadcast %broadcast_in_dim3A_72 : f32 to vector<8x128xf32>
      %swap3A_74 = arith.constant 0 : index
      %swap3A_75 = arith.constant 0 : index
      %swap3A_76 = vector.load %arg12[%swap3A_74, %swap3A_75] : memref<8x128xf32, #tpu.memory_space<vmem>>, vector<8x128xf32>
      tpu.vector_store %arg12[%swap3A_74, %swap3A_75], %broadcast_in_dim3A_73 {strides = array<i32>} : memref<8x128xf32, #tpu.memory_space<vmem>>, vector<8x128xf32>,
    } else {
    }
    %get3A = arith.constant 0 : index
    %get3A_2 = arith.constant 0 : index
    %get3A_3 = vector.load %arg1[%get3A, %get3A_2] : memref<2000x64xf32, #tpu.memory_space<vmem>>, vector<2000x64xf32>
    %get3A_4 = arith.constant 0 : index
    %get3A_5 = arith.constant 0 : index
    %get3A_6 = vector.load %arg3[%get3A_4, %get3A_5] : memref<8x64xf32, #tpu.memory_space<vmem>>, vector<1x64xf32>
    %mul3A = vector.broadcast %get3A_6 : vector<1x64xf32> to vector<2000x64xf32>
    %mul3A_7 = arith.mulf %get3A_3, %mul3A : vector<2000x64xf32>
    %get3A_8 = arith.constant 0 : index
    %get3A_9 = arith.constant 0 : index
    %get3A_10 = vector.load %arg4[%get3A_8, %get3A_9] : memref<8x64xf32, #tpu.memory_space<vmem>>, vector<1x64xf32>
    %add3A = vector.broadcast %get3A_10 : vector<1x64xf32> to vector<2000x64xf32>
    %add3A_11 = arith.addf %mul3A_7, %add3A : vector<2000x64xf32>
    %get3A_12 = arith.constant 0 : index
    %get3A_13 = arith.constant 0 : index
    %get3A_14 = vector.load %arg2[%get3A_12, %get3A_13] : memref<2000x64xf32, #tpu.memory_space<vmem>>, vector<2000x64xf32>
    %get3A_15 = arith.constant 0 : index
    %get3A_16 = arith.constant 0 : index
    %get3A_17 = vector.load %arg5[%get3A_15, %get3A_16] : memref<8x64xf32, #tpu.memory_space<vmem>>, vector<1x64xf32>
    %mul3A_18 = vector.broadcast %get3A_17 : vector<1x64xf32> to vector<2000x64xf32>
    %mul3A_19 = arith.mulf %get3A_14, %mul3A_18 : vector<2000x64xf32>
    %get3A_20 = arith.constant 0 : index
    %get3A_21 = arith.constant 0 : index
    %get3A_22 = vector.load %arg6[%get3A_20, %get3A_21] : memref<8x64xf32, #tpu.memory_space<vmem>>, vector<1x64xf32>
    %add3A_23 = vector.broadcast %get3A_22 : vector<1x64xf32> to vector<2000x64xf32>
    %add3A_24 = arith.addf %mul3A_19, %add3A_23 : vector<2000x64xf32>
    %get3A_25 = arith.constant 0 : index
    %get3A_26 = arith.constant 0 : index
    %get3A_27 = vector.load %arg7[%get3A_25, %get3A_26] : memref<64x128xf32, #tpu.memory_space<vmem>>, vector<64x128xf32>
    %dot_general3A = arith.constant dense<0.000000e+00> : vector<2000x128xf32>
    %dot_general3A_28 = tpu.matmul %add3A_11, %get3A_27, %dot_general3A {dimension_numbers = #tpu.dot_dimension_numbers<[1], [0], [0], [1], [0, 0, 1, 1], [], []>, precision = #tpu.contract_precision<fp32>, transpose_lhs_hint = false} : vector<2000x64xf32>, vector<64x128xf32>, vector<2000x128xf32> -> vector<2000x128xf32>
    %get3A_29 = arith.constant 0 : index
    %get3A_30 = arith.constant 0 : index
    %get3A_31 = vector.load %arg8[%get3A_29, %get3A_30] : memref<64x128xf32, #tpu.memory_space<vmem>>, vector<64x128xf32>
    %dot_general3A_32 = arith.constant dense<0.000000e+00> : vector<2000x128xf32>
    %dot_general3A_33 = tpu.matmul %add3A_24, %get3A_31, %dot_general3A_32 {dimension_numbers = #tpu.dot_dimension_numbers<[1], [0], [0], [1], [0, 0, 1, 1], [], []>, precision = #tpu.contract_precision<fp32>, transpose_lhs_hint = false} : vector<2000x64xf32>, vector<64x128xf32>, vector<2000x128xf32> -> vector<2000x128xf32>
    %add3A_34 = arith.addf %dot_general3A_28, %dot_general3A_33 : vector<2000x128xf32>
    %get3A_35 = arith.constant 0 : index
    %get3A_36 = arith.constant 0 : index
    %get3A_37 = vector.load %arg9[%get3A_35, %get3A_36] : memref<8x128xf32, #tpu.memory_space<vmem>>, vector<1x128xf32>
    %add3A_38 = vector.broadcast %get3A_37 : vector<1x128xf32> to vector<2000x128xf32>
    %add3A_39 = arith.addf %add3A_34, %add3A_38 : vector<2000x128xf32>
    %max3A = arith.constant 0.000000e+00 : f32
    %max3A_40 = vector.broadcast %max3A : f32 to vector<2000x128xf32>
    %max3A_41 = arith.maximumf %add3A_39, %max3A_40 : vector<2000x128xf32>
    %swap3A = arith.constant 0 : index
    %swap3A_42 = arith.constant 0 : index
    %swap3A_43 = vector.load %arg10[%swap3A, %swap3A_42] : memref<2000x128xf32, #tpu.memory_space<vmem>>, vector<2000x128xf32>
    tpu.vector_store %arg10[%swap3A, %swap3A_42], %max3A_41 {strides = array<i32>} : memref<2000x128xf32, #tpu.memory_space<vmem>>, vector<2000x128xf32>,
    %get3A_44 = arith.constant 0 : index
    %get3A_45 = arith.constant 0 : index
    %get3A_46 = vector.load %arg11[%get3A_44, %get3A_45] : memref<8x128xf32, #tpu.memory_space<vmem>>, vector<8x128xf32>
    %reduce_sum3A = arith.constant dense<0.000000e+00> : vector<128xf32>
    %reduce_sum3A_47 = vector.multi_reduction <add>, %max3A_41, %reduce_sum3A [0] : vector<2000x128xf32> to vector<128xf32>
    %broadcast_in_dim3A = vector.shape_cast %reduce_sum3A_47 : vector<128xf32> to vector<1x128xf32>
    %broadcast_in_dim3A_48 = vector.shape_cast %broadcast_in_dim3A : vector<1x128xf32> to vector<1x128xf32>
    %broadcast_in_dim3A_49 = vector.broadcast %broadcast_in_dim3A_48 : vector<1x128xf32> to vector<8x128xf32>
    %add3A_50 = arith.addf %get3A_46, %broadcast_in_dim3A_49 : vector<8x128xf32>
    %swap3A_51 = arith.constant 0 : index
    %swap3A_52 = arith.constant 0 : index
    %swap3A_53 = vector.load %arg11[%swap3A_51, %swap3A_52] : memref<8x128xf32, #tpu.memory_space<vmem>>, vector<8x128xf32>
    tpu.vector_store %arg11[%swap3A_51, %swap3A_52], %add3A_50 {strides = array<i32>} : memref<8x128xf32, #tpu.memory_space<vmem>>, vector<8x128xf32>,
    %get3A_54 = arith.constant 0 : index
    %get3A_55 = arith.constant 0 : index
    %get3A_56 = vector.load %arg12[%get3A_54, %get3A_55] : memref<8x128xf32, #tpu.memory_space<vmem>>, vector<8x128xf32>
    %mul3A_57 = arith.mulf %max3A_41, %max3A_41 : vector<2000x128xf32>
    %reduce_sum3A_58 = arith.constant dense<0.000000e+00> : vector<128xf32>
    %reduce_sum3A_59 = vector.multi_reduction <add>, %mul3A_57, %reduce_sum3A_58 [0] : vector<2000x128xf32> to vector<128xf32>
    %broadcast_in_dim3A_60 = vector.shape_cast %reduce_sum3A_59 : vector<128xf32> to vector<1x128xf32>
    %broadcast_in_dim3A_61 = vector.shape_cast %broadcast_in_dim3A_60 : vector<1x128xf32> to vector<1x128xf32>
    %broadcast_in_dim3A_62 = vector.broadcast %broadcast_in_dim3A_61 : vector<1x128xf32> to vector<8x128xf32>
    %add3A_63 = arith.addf %get3A_56, %broadcast_in_dim3A_62 : vector<8x128xf32>
    %swap3A_64 = arith.constant 0 : index
    %swap3A_65 = arith.constant 0 : index
    %swap3A_66 = vector.load %arg12[%swap3A_64, %swap3A_65] : memref<8x128xf32, #tpu.memory_space<vmem>>, vector<8x128xf32>
    tpu.vector_store %arg12[%swap3A_64, %swap3A_65], %add3A_63 {strides = array<i32>} : memref<8x128xf32, #tpu.memory_space<vmem>>, vector<8x128xf32>,
    return
  }
  func.func @transform_0(%arg0: i32) -> (i32, i32) {
    %c0_i32 = arith.constant 0 : i32
    %c0_i32_0 = arith.constant 0 : i32
    return %arg0, %c0_i32 : i32, i32
  }
  func.func @transform_1(%arg0: i32) -> (i32, i32) {
    %c0_i32 = arith.constant 0 : i32
    %c0_i32_0 = arith.constant 0 : i32
    return %arg0, %c0_i32 : i32, i32
  }
  func.func @transform_2(%arg0: i32) -> (i32, i32) {
    %c0_i32 = arith.constant 0 : i32
    %c0_i32_0 = arith.constant 0 : i32
    %c0_i32_1 = arith.constant 0 : i32
    return %c0_i32, %c0_i32_0 : i32, i32
  }
  func.func @transform_3(%arg0: i32) -> (i32, i32) {
    %c0_i32 = arith.constant 0 : i32
    %c0_i32_0 = arith.constant 0 : i32
    %c0_i32_1 = arith.constant 0 : i32
    return %c0_i32, %c0_i32_0 : i32, i32
  }
  func.func @transform_4(%arg0: i32) -> (i32, i32) {
    %c0_i32 = arith.constant 0 : i32
    %c0_i32_0 = arith.constant 0 : i32
    %c0_i32_1 = arith.constant 0 : i32
    return %c0_i32, %c0_i32_0 : i32, i32
  }
  func.func @transform_5(%arg0: i32) -> (i32, i32) {
    %c0_i32 = arith.constant 0 : i32
    %c0_i32_0 = arith.constant 0 : i32
    %c0_i32_1 = arith.constant 0 : i32
    return %c0_i32, %c0_i32_0 : i32, i32
  }
  func.func @transform_6(%arg0: i32) -> (i32, i32) {
    %c0_i32 = arith.constant 0 : i32
    %c0_i32_0 = arith.constant 0 : i32
    %c0_i32_1 = arith.constant 0 : i32
    return %c0_i32, %c0_i32_0 : i32, i32
  }
  func.func @transform_7(%arg0: i32) -> (i32, i32) {
    %c0_i32 = arith.constant 0 : i32
    %c0_i32_0 = arith.constant 0 : i32
    %c0_i32_1 = arith.constant 0 : i32
    return %c0_i32, %c0_i32_0 : i32, i32
  }
  func.func @transform_8(%arg0: i32) -> (i32, i32) {
    %c0_i32 = arith.constant 0 : i32
    %c0_i32_0 = arith.constant 0 : i32
    %c0_i32_1 = arith.constant 0 : i32
    return %c0_i32, %c0_i32_0 : i32, i32
  }
  func.func @transform_9(%arg0: i32) -> (i32, i32) {
    %c0_i32 = arith.constant 0 : i32
    %c0_i32_0 = arith.constant 0 : i32
    return %arg0, %c0_i32 : i32, i32
  }
  func.func @transform_10(%arg0: i32) -> (i32, i32) {
    %c0_i32 = arith.constant 0 : i32
    %c0_i32_0 = arith.constant 0 : i32
    %c0_i32_1 = arith.constant 0 : i32
    return %c0_i32, %c0_i32_0 : i32, i32
  }
  func.func @transform_11(%arg0: i32) -> (i32, i32) {
    %c0_i32 = arith.constant 0 : i32
    %c0_i32_0 = arith.constant 0 : i32
    %c0_i32_1 = arith.constant 0 : i32
    return %c0_i32, %c0_i32_0 : i32, i32
  }
}

module attributes {stable_mosaic.version = 14 : i64} {
  func.func @_affine_body(%arg0: i32, %arg1: memref<2000x128xf32, #tpu.memory_space<vmem>>, %arg2: memref<8x128xf32, #tpu.memory_space<vmem>>, %arg3: memref<8x128xf32, #tpu.memory_space<vmem>>, %arg4: memref<2000x128xf32, #tpu.memory_space<vmem>>) attributes {dimension_semantics = [#tpu.dimension_semantics<arbitrary>], iteration_bounds = array<i64: 5>, scalar_prefetch = 0 : i64, scratch_operands = 0 : i64, tpu.core_type = #tpu.core_type<tc>, window_params = [{transform_indices = @transform_0, window_bounds = array<i64: 2000, 128>}, {pipeline_mode = #tpu.pipeline_mode<synchronous>, transform_indices = @transform_1, window_bounds = array<i64: 8, 128>}, {pipeline_mode = #tpu.pipeline_mode<synchronous>, transform_indices = @transform_2, window_bounds = array<i64: 8, 128>}, {transform_indices = @transform_3, window_bounds = array<i64: 2000, 128>}]} {
    %get3A = arith.constant 0 : index
    %get3A_0 = arith.constant 0 : index
    %get3A_1 = vector.load %arg1[%get3A, %get3A_0] : memref<2000x128xf32, #tpu.memory_space<vmem>>, vector<2000x128xf32>
    %get3A_2 = arith.constant 0 : index
    %get3A_3 = arith.constant 0 : index
    %get3A_4 = vector.load %arg2[%get3A_2, %get3A_3] : memref<8x128xf32, #tpu.memory_space<vmem>>, vector<1x128xf32>
    %mul3A = vector.broadcast %get3A_4 : vector<1x128xf32> to vector<2000x128xf32>
    %mul3A_5 = arith.mulf %get3A_1, %mul3A : vector<2000x128xf32>
    %get3A_6 = arith.constant 0 : index
    %get3A_7 = arith.constant 0 : index
    %get3A_8 = vector.load %arg3[%get3A_6, %get3A_7] : memref<8x128xf32, #tpu.memory_space<vmem>>, vector<1x128xf32>
    %add3A = vector.broadcast %get3A_8 : vector<1x128xf32> to vector<2000x128xf32>
    %add3A_9 = arith.addf %mul3A_5, %add3A : vector<2000x128xf32>
    %swap3A = arith.constant 0 : index
    %swap3A_10 = arith.constant 0 : index
    %swap3A_11 = vector.load %arg4[%swap3A, %swap3A_10] : memref<2000x128xf32, #tpu.memory_space<vmem>>, vector<2000x128xf32>
    tpu.vector_store %arg4[%swap3A, %swap3A_10], %add3A_9 {strides = array<i32>} : memref<2000x128xf32, #tpu.memory_space<vmem>>, vector<2000x128xf32>,
    return
  }
  func.func @transform_0(%arg0: i32) -> (i32, i32) {
    %c0_i32 = arith.constant 0 : i32
    %c0_i32_0 = arith.constant 0 : i32
    return %arg0, %c0_i32 : i32, i32
  }
  func.func @transform_1(%arg0: i32) -> (i32, i32) {
    %c0_i32 = arith.constant 0 : i32
    %c0_i32_0 = arith.constant 0 : i32
    %c0_i32_1 = arith.constant 0 : i32
    return %c0_i32, %c0_i32_0 : i32, i32
  }
  func.func @transform_2(%arg0: i32) -> (i32, i32) {
    %c0_i32 = arith.constant 0 : i32
    %c0_i32_0 = arith.constant 0 : i32
    %c0_i32_1 = arith.constant 0 : i32
    return %c0_i32, %c0_i32_0 : i32, i32
  }
  func.func @transform_3(%arg0: i32) -> (i32, i32) {
    %c0_i32 = arith.constant 0 : i32
    %c0_i32_0 = arith.constant 0 : i32
    return %arg0, %c0_i32 : i32, i32
  }
}

</mosaic_0001>

<sc_bundles>
// kernel: kernel.13.cloned.1.call-start
scs
__scs_entry_jumppad:
0x0: {  	(pc) =	sbr.rel $0x88, $3  }
0x1: {  	(tag) =	ssettag $0x0;
	lr =	simm.s32 $0x1  }
0x2: {  	[smem:$0x3F8A] =	sst lr;
	_ =	strace $0xD0000000  }
0x3: {  	_ = 	snop  }
0x4: {  	_ = 	snop  }
0x5: {  	_ = 	snop  }
0x6: {  	_ = 	snop  }
0x7: {  	_ = 	snop  }
__scs_overlays_trampoline_lowered:
0x8: {  	[smem:$0x3F99] =	sst s0  }
0x9: {  	[smem:$0x3F9A] =	sst s1  }
0xa: {  	[smem:$0x3F9B] =	sst s2  }
0xb: {  	[smem:$0x3F9C] =	sst s3  }
0xc: {  	[smem:$0x3F9D] =	sst s4  }
0xd: {  	[smem:$0x3F9E] =	sst s5  }
0xe: {  	[smem:$0x3F9F] =	sst s6  }
0xf: {  	[smem:$0x3FA0] =	sst s7  }
0x10: {  	[smem:$0x3FA1] =	sst s8  }
0x11: {  	[smem:$0x3FA2] =	sst s9;
	s0 =	simm.s32 @!p0 $0x0  }
0x12: {  	s1 =	sld [smem:$0x3F88];
	s0 =	simm.s32 @p0 $0x1  }
0x13: {  	[smem:$0x3FA3] =	sst s0;
	s0 =	simm.s32 @!p1 $0x0  }
0x14: {  	s2 =	sld [smem:$0x3F87];
	s0 =	simm.s32 @p1 $0x1  }
0x15: {  	[smem:$0x3FA4] =	sst s0;
	s0 =	simm.s32 @!p2 $0x0  }
0x16: {  	s3 =	sld [smem:$0x3FDB];
	s0 =	simm.s32 @p2 $0x1  }
0x17: {  	s4 =	simm.s32 $0x1BF5;
	[smem:$0x3FA6] =	sst s0  }
0x18: {  	s0 =	sld [smem:$0x3F89];
	_ =	swait.ge [sflag:s4], $0x0  }
0x19: {  	s7 =	sld [smem:$0x3F8A]  }
0x1a: {  	s8 =	sadd.s32 $0xFFFFE003, lr  }
0x1b: {  	s9 =	sadd.s32 $0xFFFFFEF7, lr;
	s5 =	simm.s32 $0xFFFFFFFF;
	p2 =	slt.u32 s8, $0xFFFFF086  }
0x1c: {  	p1 =	slt.u32 s9, $0xF7A;
	s5 =	simm.s32 @!p2 $0x0  }
0x1d: {  	s5 =	simm.s32 @p1 $0x1;
	p0 =	seq.s32 s7, s2  }
0x1e: {  	s7 =	smul.u32 @!p0 $0xF7A, s2;
	p2 =	seq.s32 @!p0 s5, $0x0  }
0x1f: {  	s9 =	smul.u32 $0xF7A, s1;
	s8 =	simm.s32 @!p0 $0x1BF5;
	p2 =	por !p2, p0  }
0x20: {  	[sflag:s8] =	ssyncset.s32 @!p0 $0xFFFFF086;
	s6 =	sadd.s32 @!p0 s3, s7;
	s7 =	simm.s32 @!p0 $0x108  }
0x21: {  	s3 =	sadd.s32 s3, s9;
	s6 =	sadd.s32 @!p0 $0x88, s6;
	s7 =	simm.s32 @p2 $0x1082  }
0x22: {  	[simem:s7], [sflag:s8] =	dma.local @!p0 [hbm:s6], $0xF7A  }
0x23: {  	s9 =	sor.u32 $0xD0000000, s2;
	s6 =	simm.s32 $0x108;
	_ =	swait.ge @!p0 [sflag:s8], $0x0  }
0x24: {  	s3 =	sadd.s32 $0x88, s3;
	s6 =	simm.s32 @!p1 $0x1082;
	[sflag:s4] =	ssyncset.s32 $0xFFFFF086  }
0x25: {  	[simem:s6], [sflag:s4] =	dma.local [hbm:s3], $0xF7A  }
0x26: {  	[smem:$0x3F8A] =	sst s1;
	(tag) =	ssettag s2;
	_ =	strace s9  }
0x27: {  	s1 =	sld [smem:$0x3F9A]  }
0x28: {  	s2 =	sld [smem:$0x3F9B]  }
0x29: {  	s4 =	sld [smem:$0x3F9D]  }
0x2a: {  	p0 =	seq.s32 s5, $0x0;
	s5 =	sld [smem:$0x3F9E]  }
0x2b: {  	s6 =	sld [smem:$0x3F9F]  }
0x2c: {  	s7 =	sld [smem:$0x3FA0]  }
0x2d: {  	s3 =	simm.s32 $0x108;
	s8 =	sld [smem:$0x3FA1]  }
0x2e: {  	s3 =	simm.s32 @!p0 $0x1082;
	s9 =	sld [smem:$0x3FA2]  }
0x2f: {  	lr =	sadd.s32 s0, s3;
	s0 =	sld [smem:$0x3F99]  }
0x30: {  	s3 =	sld [smem:$0x3F9C]  }
0x31: {  	[smem:$0x3FA5] =	sst s10  }
0x32: {  	s10 =	sld [smem:$0x3FA3];
	_ =	sdelay $0x3  }
0x33: {  	p0 =	seq.s32 s10, $0x1;
	s10 =	sld [smem:$0x3FA5];
	_ =	sdelay $0x3  }
0x34: {  	[smem:$0x3FA5] =	sst s10  }
0x35: {  	s10 =	sld [smem:$0x3FA4];
	_ =	sdelay $0x3  }
0x36: {  	p1 =	seq.s32 s10, $0x1;
	s10 =	sld [smem:$0x3FA5];
	_ =	sdelay $0x3  }
0x37: {  	[smem:$0x3FA5] =	sst s10  }
0x38: {  	s10 =	sld [smem:$0x3FA6]  }
0x39: {  	_ = 	snop;
	(pc) =	sbr.ind lr, $3  }
0x3a: {  	_ = 	snop  }
0x3b: {  	_ = 	snop  }
0x3c: {  	p2 =	seq.s32 s10, $0x1;
	s10 =	sld [smem:$0x3FA5]  }
0x3d: {  	_ =	shalt  }
0x3e: {  	_ =	shalt  }
0x3f: {  	_ =	shalt  }
0x40: {  	_ =	shalt  }
0x41: {  	_ =	shalt  }
0x42: {  	_ =	shalt  }
0x43: {  	_ =	shalt  }
0x44: {  	_ =	shalt  }
0x45: {  	_ =	shalt  }
0x46: {  	_ =	shalt  }
0x47: {  	_ =	shalt  }
0x48: {  	_ =	shalt  }
0x49: {  	_ =	shalt  }
0x4a: {  	_ =	shalt  }
0x4b: {  	_ =	shalt  }
0x4c: {  	_ =	shalt  }
0x4d: {  	_ =	shalt  }
0x4e: {  	_ =	shalt  }
0x4f: {  	_ =	shalt  }
0x50: {  	_ =	shalt  }
0x51: {  	_ =	shalt  }
0x52: {  	_ =	shalt  }
0x53: {  	_ =	shalt  }
0x54: {  	_ =	shalt  }
0x55: {  	_ =	shalt  }
0x56: {  	_ =	shalt  }
0x57: {  	_ =	shalt  }
0x58: {  	_ =	shalt  }
0x59: {  	_ =	shalt  }
0x5a: {  	_ =	shalt  }
0x5b: {  	_ =	shalt  }
0x5c: {  	_ =	shalt  }
0x5d: {  	_ =	shalt  }
0x5e: {  	_ =	shalt  }
0x5f: {  	_ =	shalt  }
0x60: {  	_ =	shalt  }
0x61: {  	_ =	shalt  }
0x62: {  	_ =	shalt  }
0x63: {  	_ =	shalt  }
0x64: {  	_ =	shalt  }
0x65: {  	_ =	shalt  }
0x66: {  	_ =	shalt  }
0x67: {  	_ =	shalt  }
0x68: {  	_ =	shalt  }
0x69: {  	_ =	shalt  }
0x6a: {  	_ =	shalt  }
0x6b: {  	_ =	shalt  }
0x6c: {  	_ =	shalt  }
0x6d: {  	_ =	shalt  }
0x6e: {  	_ =	shalt  }
0x6f: {  	_ =	shalt  }
0x70: {  	_ =	shalt  }
0x71: {  	_ =	shalt  }
0x72: {  	_ =	shalt  }
0x73: {  	_ =	shalt  }
0x74: {  	_ =	shalt  }
0x75: {  	_ =	shalt  }
0x76: {  	_ =	shalt  }
0x77: {  	_ =	shalt  }
0x78: {  	_ =	shalt  }
0x79: {  	_ =	shalt  }
0x7a: {  	_ =	shalt  }
0x7b: {  	_ =	shalt  }
0x7c: {  	_ =	shalt  }
0x7d: {  	_ =	shalt  }
0x7e: {  	_ =	shalt  }
0x7f: {  	_ =	shalt  }
0x80: {  	_ =	shalt  }
0x81: {  	_ =	shalt  }
0x82: {  	_ =	shalt  }
0x83: {  	_ =	shalt  }
0x84: {  	_ =	shalt  }
0x85: {  	_ =	shalt  }
0x86: {  	_ =	shalt  }
0x87: {  	_ =	shalt  }
.Lfunc_end0:
.L_simem_size_0:
called_computation_lowered:
.L_overlay_start_0:
0x88: {  	s2 =	sld [smem:$0x3FD9]  }
0x89: {  	s3 =	sld [smem:$0x3FFE];
	_ =	sdelay $0x1  }
0x8a: {  	s1 =	srdreg.scid  }
0x8b: {  	s0 =	sand.u32 $0x1, s1  }
0x8c: {  	s17 =	sshll.u32 s0, $0xA;
	s2 =	sadd.s32 s3, s2  }
0x8d: {  	s2 =	sadd.s32 s2, s17  }
0x8e: {  	[smem:$0x3FB1] =	sst s2  }
0x8f: {  	_ = 	snop  }
0x90: {  	(tm) =	ssettm $0x1  }
0x91: {  	s18 =	sld [smem:$0x3FFB];
	_ =	sdelay $0x3  }
0x92: {  	_ =	strace s18  }
0x93: {  	s2 =	sld [smem:$0x3FFC];
	_ =	sdelay $0x3  }
0x94: {  	_ =	strace s2  }
0x95: {  	s2 =	sld [smem:$0x3FFD];
	_ =	sdelay $0x3  }
0x96: {  	_ =	strace s2  }
0x97: {  	_ =	strace $0x8FFFFFFF  }
0x98: {  	s19 =	sld [smem:$0x3FDB];
	_ =	sdelay $0x1  }
0x99: {  	s20 =	simm.s32 $_scs_section_size  }
0x9a: {  	s4 =	simm.s32 $_size__tile_overlayer_lowered;
	s5 =	simm.s32 $_tile_overlayer_lowered  }
0x9b: {  	s6 =	simm.s32 $0x1BFF;
	s21 =	sshll.u32 s5, $0x1;
	s3 =	sadd.s32 s20, s19  }
0x9c: {  	s22 =	simm.s32 $0x0;
	s4 =	sshll.u32 s4, $0x1;
	s5 =	sadd.s32 s21, s3  }
0x9d: {  	[timem:s22], [sflag:s6] =	dma.local [hbm:s5], s4  }
0x9e: {  	_ =	swait.ge [sflag:s6], s4  }
0x9f: {  	s4 =	ssub.s32 $0x0, s4;
	[sflag:s6] =	ssyncset.done $0x0  }
0xa0: {  	[sflag:s6] =	ssyncadd.s32 s4;
	_ =	sdelay $0x1  }
0xa1: {  	s23 =	simm.s32 $0x1B8B  }
0xa2: {  	_ =	swait.ge [sflag:s23], $0x1  }
0xa3: {  	[sflag:s23] =	ssyncset.done $0x0  }
0xa4: {  	[sflag:s23] =	ssyncadd.s32 $0xFFFFFFFF  }
0xa5: {  	s4 =	sld [smem:$0x0]  }
0xa6: {  	s5 =	sand.u32 $0xFFFFFFFE, s1  }
0xa7: {  	p0 =	sne.s32 s1, s5  }
0xa8: {  	s5 =	sshll.u32 @p0 s5, $0xE  }
0xa9: {  	s5 =	sadd.s32 @p0 $0x11B8D, s5;
	s6 =	sshll.u32 @p0 s4, $0x11  }
0xaa: {  	s5 =	sor.u32 @p0 s6, s5  }
0xab: {  	[sflag:s5] =	ssyncadd.remote.s32 @p0 $0x1;
	_ =	sdelay $0x1  }
0xac: {  	s5 =	simm.s32 @p0 $0x1B8D  }
0xad: {  	_ =	swait.eq @p0 [sflag:s5], $0x1  }
0xae: {  	[sflag:s5] =	ssyncadd.s32 @p0 $0xFFFFFFFF  }
0xaf: {  	s6 =	sshll.u32 @!p0 s1, $0xE  }
0xb0: {  	s6 =	sor.u32 @!p0 $0x4000, s6;
	s5 =	simm.s32 @!p0 $0x1B8D  }
0xb1: {  	s4 =	sshll.u32 @!p0 s4, $0x11;
	s6 =	sadd.s32 @!p0 $0x11B8D, s6;
	_ =	swait.eq @!p0 [sflag:s5], $0x1  }
0xb2: {  	s4 =	sor.u32 @!p0 s4, s6;
	[sflag:s5] =	ssyncadd.s32 @!p0 $0xFFFFFFFF  }
0xb3: {  	s25 =	simm.s32 $0x1B8E;
	s24 =	sld [smem:$0x3FFE];
	[sflag:s4] =	ssyncadd.remote.s32 @!p0 $0x1  }
0xb4: {  	s26 =	simm.s32 $execute0_lowered;
	[smem:$0x3FD2] =	sst s25  }
0xb5: {  	s5 =	sshll.u32 s26, $0x1;
	_ =	strace $0x80000049;
	[dreg:$0x1] =	wrdreg $0xFFFFFFFF  }
0xb6: {  	s28 =	simm.s32 $_size_execute0_lowered;
	s3 =	sadd.s32 s3, s5;
	[dreg:$0x0] =	wrdreg $0x0  }
0xb7: {  	s5 =	sshll.u32 s28, $0x1;
	[dreg:$0x2] =	wrdreg s3  }
0xb8: {  	[dreg:$0x3] =	wrdreg s5  }
0xb9: {  	[dreg:$0x4] =	wrdreg $0xC0  }
0xba: {  	_ =	task [dreg:s22], $0x5FFFF  }
0xbb: {  	[dreg:$0x1] =	wrdreg $0xFFFFFFFF  }
0xbc: {  	[dreg:$0x0] =	wrdreg $0x60  }
0xbd: {  	[dreg:$0x2] =	wrdreg s24  }
0xbe: {  	[dreg:$0x3] =	wrdreg $0x9  }
0xbf: {  	_ =	task.clear_ibuf [dreg:s22], $0x4FFFF;
	_ =	strace $0x90000049  }
0xc0: {  	s29 =	simm.s32 $0x9;
	_ =	strace $0x8000004B  }
0xc1: {  	_ =	swait.ge [sflag:s29], $0x1  }
0xc2: {  	[sflag:s29] =	ssyncadd.s32 $0xFFFFFFFF  }
0xc3: {  	_ =	strace $0x9000004B  }
0xc4: {  	_ =	sfence  }
0xc5: {  	s30 =	sld [smem:$0x0];
	_ =	sdelay $0x2  }
0xc6: {  	s31 =	sshll.u32 s1, $0xD;
	s1 =	sshrl.u32 s1, $0x2  }
0xc7: {  	s4 =	sand.u32 $0x4000, s31;
	s1 =	sadd.s32 s1, s30  }
0xc8: {  	s0 =	sor.u32 s4, s0;
	s1 =	sshll.u32 s1, $0x11  }
0xc9: {  	s0 =	sor.u32 s1, s0  }
0xca: {  	s0 =	sadd.s32 $0x8F2B, s0  }
0xcb: {  	[sflag:s0] =	ssyncadd.remote.s32 $0x1  }
0xcc: {  	_ =	sfence.sel $0xFFFF  }
0xcd: {  	[dreg:$0x0] =	wrdreg $0xFFFFFFFF;
	(pc) =	sbr.abs _section_cstart, $3  }
0xce: {  	[dreg:$0x1] =	wrdreg $0xFFFFFFFF  }
0xcf: {  	_ =	task.clear_ibuf [dreg:s22], $0x2FFFF;
	_ =	strace $0x9FFFFFFF  }
0xd0: {  	(tm) =	ssettm $0x7FFFFFFF  }
0xd1: {  	_ =	shalt  }
tec
execute0_lowered:
.L_overlay_start_1:
0x0: {  	(tag) =	ssettag $0x1  }
0x1: {  	s0 =	srdreg.scid  }
0x2: {  	s5 =	stileid.u32;
	s21 =	rddreg [dreg:$0x0];
	s3 =	simm.s32 $0x1  }
0x3: {  	s2 =	simm.s32 $0x0;
	s28 =	simm.s32 $0xC580;
	s0 =	sand.u32 $0x1, s0  }
0x4: {  	s29 =	simm.s32 $0x4F00;
	s30 =	simm.s32 $0xED00;
	s1 =	sor.u32 s0, s5  }
0x5: {  	s31 =	simm.s32 $0x7680;
	p0 =	seq.s32 s0, $0x1;
	p1 =	seq.s32 s1, $0x0  }
0x6: {  	[smem:$0x7FF] =	sst s2;
	s9 =	sadd.s32 $0x3EE00, s21;
	p1 =	por !p1, !p0  }
0x7: {  	s11 =	sadd.s32 $0x2B200, s21;
	s6 =	sadd.s32 $0x2F9000, s21;
	p1 =	por !p1, !p1  }
0x8: {  	s7 =	sadd.s32 $0x303200, s21;
	s0 =	ssub.s32 $0x2, s0;
	s3 =	simm.s32 @!p1 $0x0  }
0x9: {  	_ =	strace $0x8000004A;
	s8 =	sshrl.u32 s0, $0x1;
	s4 =	ssub.s32 s5, s3  }
0xa: {  	s0 =	ssub.s32 s0, s8;
	s8 =	simm.s32 $0x1;
	s4 =	sshrl.u32 s4, $0x1  }
0xb: {  	s0 =	smax.u32 s0, $0x1;
	s5 =	sadd.s32 s3, s5;
	s14 =	sand.u32 $0x1FFFFFFF, s4  }
0xc: {  	s3 =	sadd.s32 $0x2EEE00, s21;
	s5 =	sshll.u32 s5, $0x9;
	s15 =	smul.u32 $0x13C00, s14  }
0xd: {  	[dreg:$0xb] =	wrdreg s0;
	s4 =	sadd.s32 $0x2E4C00, s21;
	s5 =	sand.u32 $0x200, s5  }
0xe: {  	s12 =	sor.u32 $0x100, s5;
	s13 =	sor.u32 $0x180, s5;
	s10 =	sor.u32 s5, s15  }
0xf: {  	s21 =	smul.u32 $0x288000, s14;
	s16 =	sor.u32 s12, s15;
	s22 =	sshrl.u32 s10, $0x3  }
0x10: {  	s14 =	simm.s32 $0x15400;
	s16 =	sshrl.u32 s16, $0x3;
	s10 =	sadd.s32 s9, s22  }
0x11: {  	s1 =	sadd.s32 s11, s22;
	s24 =	sadd.s32 s9, s16;
	[dreg:$0x2] =	wrdreg s10  }
0x12: {  	s26 =	sadd.s32 s11, s16;
	s10 =	sor.u32 $0x80, s5;
	[dreg:$0x3] =	wrdreg s1  }
0x13: {  	s16 =	simm.s32 $0x16400;
	[dreg:$0x6] =	wrdreg s24;
	s23 =	sor.u32 s10, s15  }
0x14: {  	[dreg:$0x7] =	wrdreg s26;
	s24 =	simm.s32 $0x400;
	s1 =	sshrl.u32 s23, $0x3  }
0x15: {  	s26 =	simm.s32 $0x2780;
	s15 =	sor.u32 s13, s15;
	s17 =	sadd.s32 s9, s1  }
0x16: {  	s25 =	sshrl.u32 s15, $0x3;
	s1 =	sadd.s32 s11, s1;
	[dreg:$0x4] =	wrdreg s17  }
0x17: {  	s23 =	simm.s32 $0x80;
	s9 =	sadd.s32 s9, s25;
	[dreg:$0x5] =	wrdreg s1  }
0x18: {  	s15 =	simm.s32 $0x15C00;
	[dreg:$0x8] =	wrdreg s9;
	s9 =	simm.s32 $0x28800  }
0x19: {  	s1 =	sadd.s32 s11, s25;
	s25 =	simm.s32 $0x9E00;
	s11 =	simm.s32 $0x14C00  }
0x1a: {  	s17 =	simm.s32 $0x16C00;
	[dreg:$0xa] =	wrdreg s1;
	s9 =	simm.s32 @!p0 $0x0  }
0x1b: {  	s1 =	simm.s32 $0x11480;
	[dreg:$0x9] =	wrdreg s9;
	s9 =	simm.s32 $0x0  }
.LBB2_1:
0x1c: {  	[dreg:$0xc] =	wrdreg s9  }
0x1d: {  	s0 =	rddreg [dreg:$0x2]  }
0x1e: {  	[tilespmem:s2], [sflag:$0x1] =	stream.strided.gather [hbm4b:s0+s23], $0x2780, s24, s23, $0x38;
	[tilespmem:$0x17400] =	vst v63  }
0x1f: {  	_ =	swait.ge [sflag:s8], $0x2780  }
0x20: {  	[sflag:s8] =	ssyncset.done $0x0  }
0x21: {  	s20 =	rddreg [dreg:$0x3];
	[sflag:s8] =	ssyncadd.s32 $0xFFFFD880  }
0x22: {  	[tilespmem:s25], [sflag:$0x1] =	stream.strided.gather [hbm4b:s20+s23], $0x2780, s24, s23, $0x38;
	[tilespmem:$0x17400] =	vst v63  }
0x23: {  	_ =	swait.ge [sflag:s8], $0x2780  }
0x24: {  	[sflag:s8] =	ssyncset.done $0x0  }
0x25: {  	s22 =	rddreg [dreg:$0x4];
	[sflag:s8] =	ssyncadd.s32 $0xFFFFD880  }
0x26: {  	[tilespmem:s26], [sflag:$0x1] =	stream.strided.gather [hbm4b:s22+s23], $0x2780, s24, s23, $0x38;
	[tilespmem:$0x17400] =	vst v63  }
0x27: {  	_ =	swait.ge [sflag:s8], $0x2780  }
0x28: {  	[sflag:s8] =	ssyncset.done $0x0  }
0x29: {  	s9 =	rddreg [dreg:$0x5];
	[sflag:s8] =	ssyncadd.s32 $0xFFFFD880  }
0x2a: {  	[tilespmem:s28], [sflag:$0x1] =	stream.strided.gather [hbm4b:s9+s23], $0x2780, s24, s23, $0x38;
	[tilespmem:$0x17400] =	vst v63  }
0x2b: {  	_ =	swait.ge [sflag:s8], $0x2780  }
0x2c: {  	[sflag:s8] =	ssyncset.done $0x0  }
0x2d: {  	s18 =	rddreg [dreg:$0x6];
	[sflag:s8] =	ssyncadd.s32 $0xFFFFD880  }
0x2e: {  	[tilespmem:s29], [sflag:$0x1] =	stream.strided.gather [hbm4b:s18+s23], $0x2780, s24, s23, $0x38;
	[tilespmem:$0x17400] =	vst v63  }
0x2f: {  	_ =	swait.ge [sflag:s8], $0x2780  }
0x30: {  	[sflag:s8] =	ssyncset.done $0x0  }
0x31: {  	s19 =	rddreg [dreg:$0x7];
	[sflag:s8] =	ssyncadd.s32 $0xFFFFD880  }
0x32: {  	[tilespmem:s30], [sflag:$0x1] =	stream.strided.gather [hbm4b:s19+s23], $0x2780, s24, s23, $0x38;
	[tilespmem:$0x17400] =	vst v63  }
0x33: {  	_ =	swait.ge [sflag:s8], $0x2780  }
0x34: {  	[sflag:s8] =	ssyncset.done $0x0  }
0x35: {  	s20 =	rddreg [dreg:$0x8];
	[sflag:s8] =	ssyncadd.s32 $0xFFFFD880  }
0x36: {  	[tilespmem:s31], [sflag:$0x1] =	stream.strided.gather [hbm4b:s20+s23], $0x2780, s24, s23, $0x38;
	[tilespmem:$0x17400] =	vst v63  }
0x37: {  	_ =	swait.ge [sflag:s8], $0x2780  }
0x38: {  	[sflag:s8] =	ssyncset.done $0x0  }
0x39: {  	s22 =	rddreg [dreg:$0xa];
	[sflag:s8] =	ssyncadd.s32 $0xFFFFD880  }
0x3a: {  	[tilespmem:s1], [sflag:$0x1] =	stream.strided.gather [hbm4b:s22+s23], $0x2780, s24, s23, $0x38;
	[tilespmem:$0x17400] =	vst v63  }
0x3b: {  	_ =	swait.ge [sflag:s8], $0x2780  }
0x3c: {  	[sflag:s8] =	ssyncset.done $0x0  }
0x3d: {  	s22 =	simm.s32 $0x0;
	s19 =	rddreg [dreg:$0x9];
	[sflag:s8] =	ssyncadd.s32 $0xFFFFD880  }
.LBB2_2:
0x3e: {  	s0 =	sshrl.u32 s19, $0x3  }
0x3f: {  	s18 =	simm.s32 $0x0;
	s20 =	simm.s32 $0x13C00;
	s9 =	sadd.s32 s3, s0  }
0x40: {  	[tilespmem:s20], [sflag:$0x1] =	stream.linear.gather [hbm4b:s9+s18], $0x800, $0x38;
	[tilespmem:$0x17400] =	vst v63  }
0x41: {  	_ =	swait.ge [sflag:s8], $0x800  }
0x42: {  	[sflag:s8] =	ssyncset.done $0x0  }
0x43: {  	s9 =	sadd.s32 s4, s0;
	s20 =	simm.s32 $0x14400;
	[sflag:s8] =	ssyncadd.s32 $0xFFFFF800  }
0x44: {  	[tilespmem:s20], [sflag:$0x1] =	stream.linear.gather [hbm4b:s9+s18], $0x800, $0x38;
	[tilespmem:$0x17400] =	vst v63  }
0x45: {  	_ =	swait.ge [sflag:s8], $0x800  }
0x46: {  	[sflag:s8] =	ssyncset.done $0x0  }
0x47: {  	s0 =	sadd.s32 s6, s0;
	[sflag:s8] =	ssyncadd.s32 $0xFFFFF800  }
0x48: {  	[tilespmem:s11], [sflag:$0x1] =	stream.linear.gather [hbm4b:s0+s18], $0x800, $0x38;
	[tilespmem:$0x17400] =	vst v63  }
0x49: {  	_ =	swait.ge [sflag:s8], $0x800  }
0x4a: {  	[sflag:s8] =	ssyncset.done $0x0  }
0x4b: {  	s20 =	simm.s32 $0x0;
	[sflag:s8] =	ssyncadd.s32 $0xFFFFF800  }
0x4c: {  	v0 =	vld [tilespmem:s20+$0x13C00]  }
0x4d: {  	v1 =	vld [tilespmem:s20+$0x14400];
	_ =	sdelay $0x6  }
0x4e: {  	v3 =	vld.idx.msk [tilespmem:v0+s25+$0x0], $0xffff  }
0x4f: {  	v4 =	vld.idx.msk [tilespmem:v1+s2+$0x0], $0xffff;
	_ =	sdelay $0x2  }
0x50: {  	v2 =	vld [tilespmem:s20+$0x14C00];
	_ =	sdelay $0x1  }
0x51: {  	v3 =	vadd.f32 v3, v4;
	_ =	sdelay $0x1  }
0x52: {  	v3 =	vmax.f32 v3, $0.0e+00  }
0x53: {  	v3 =	vmul.f32 v3, v2;
	_ =	sdelay $0x1  }
0x54: {  	[tilespmem:s20+$0x15400] =	vst v3  }
0x55: {  	v3 =	vld.idx.msk [tilespmem:v1+s26+$0x0], $0xffff  }
0x56: {  	v4 =	vld.idx.msk [tilespmem:v0+s28+$0x0], $0xffff;
	_ =	sdelay $0x4  }
0x57: {  	v3 =	vadd.f32 v4, v3;
	_ =	sdelay $0x1  }
0x58: {  	v3 =	vmax.f32 v3, $0.0e+00  }
0x59: {  	v3 =	vmul.f32 v3, v2;
	_ =	sdelay $0x1  }
0x5a: {  	[tilespmem:s20+$0x15C00] =	vst v3  }
0x5b: {  	v3 =	vld.idx.msk [tilespmem:v1+s29+$0x0], $0xffff  }
0x5c: {  	v4 =	vld.idx.msk [tilespmem:v0+s30+$0x0], $0xffff;
	_ =	sdelay $0x4  }
0x5d: {  	v3 =	vadd.f32 v4, v3;
	_ =	sdelay $0x1  }
0x5e: {  	v3 =	vmax.f32 v3, $0.0e+00  }
0x5f: {  	v3 =	vmul.f32 v3, v2;
	_ =	sdelay $0x1  }
0x60: {  	[tilespmem:s20+$0x16400] =	vst v3  }
0x61: {  	v3 =	vld.idx.msk [tilespmem:v1+s31+$0x0], $0xffff  }
0x62: {  	v4 =	vld.idx.msk [tilespmem:v0+s1+$0x0], $0xffff;
	_ =	sdelay $0x1  }
0x63: {  	s9 =	simm.s32 $0x10  }
0x64: {  	v0 =	vld [tilespmem:s9+$0x13C00]  }
0x65: {  	v1 =	vld [tilespmem:s9+$0x14400]  }
0x66: {  	s18 =	simm.s32 $0x80;
	v3 =	vadd.f32 v4, v3  }
.LBB2_3:
0x67: {  	p0 =	sne.s32 s18, $0x1FC0;
	s0 =	smov.u32 s18;
	s18 =	sadd.s32 $0x40, s18  }
0x68: {  	v3 =	vmax.f32 v3, $0.0e+00  }
0x69: {  	v2 =	vmul.f32 v3, v2;
	_ =	sdelay $0x1  }
0x6a: {  	[tilespmem:s20+$0x16C00] =	vst v2;
	s20 =	smov.u32 s9  }
0x6b: {  	v3 =	vld.idx.msk [tilespmem:v0+s25+$0x0], $0xffff  }
0x6c: {  	v4 =	vld.idx.msk [tilespmem:v1+s2+$0x0], $0xffff;
	_ =	sdelay $0x2  }
0x6d: {  	v2 =	vld [tilespmem:s20+$0x14C00];
	_ =	sdelay $0x2  }
0x6e: {  	v3 =	vadd.f32 v3, v4;
	_ =	sdelay $0x1  }
0x6f: {  	v3 =	vmax.f32 v3, $0.0e+00  }
0x70: {  	v3 =	vmul.f32 v3, v2;
	_ =	sdelay $0x1  }
0x71: {  	[tilespmem:s20+$0x15400] =	vst v3  }
0x72: {  	v3 =	vld.idx.msk [tilespmem:v1+s26+$0x0], $0xffff  }
0x73: {  	v4 =	vld.idx.msk [tilespmem:v0+s28+$0x0], $0xffff;
	_ =	sdelay $0x5  }
0x74: {  	v3 =	vadd.f32 v4, v3;
	_ =	sdelay $0x1  }
0x75: {  	v3 =	vmax.f32 v3, $0.0e+00  }
0x76: {  	v3 =	vmul.f32 v3, v2;
	_ =	sdelay $0x1  }
0x77: {  	[tilespmem:s20+$0x15C00] =	vst v3  }
0x78: {  	v3 =	vld.idx.msk [tilespmem:v1+s29+$0x0], $0xffff  }
0x79: {  	v4 =	vld.idx.msk [tilespmem:v0+s30+$0x0], $0xffff;
	_ =	sdelay $0x5  }
0x7a: {  	v3 =	vadd.f32 v4, v3;
	_ =	sdelay $0x1  }
0x7b: {  	v3 =	vmax.f32 v3, $0.0e+00  }
0x7c: {  	v3 =	vmul.f32 v3, v2;
	_ =	sdelay $0x1  }
0x7d: {  	[tilespmem:s20+$0x16400] =	vst v3  }
0x7e: {  	v3 =	vld.idx.msk [tilespmem:v1+s31+$0x0], $0xffff  }
0x7f: {  	v4 =	vld.idx.msk [tilespmem:v0+s1+$0x0], $0xffff;
	_ =	sdelay $0x1  }
.Ltmp0:
0x80: {  	(pc) =	sbr.rel @p0 .LBB2_3-.Ltmp0, $4  }
0x81: {  	s9 =	sshra.s32 s0, $0x2  }
0x82: {  	v0 =	vld [tilespmem:s9+$0x13C00]  }
0x83: {  	v1 =	vld [tilespmem:s9+$0x14400]  }
0x84: {  	v3 =	vadd.f32 v4, v3  }
0x85: {  	_ =	sdelay $0x1  }
0x86: {  	v3 =	vmax.f32 v3, $0.0e+00  }
0x87: {  	v2 =	vmul.f32 v3, v2;
	_ =	sdelay $0x1  }
0x88: {  	[tilespmem:s20+$0x16C00] =	vst v2  }
0x89: {  	v2 =	vld.idx.msk [tilespmem:v0+s25+$0x0], $0xffff  }
0x8a: {  	v59 =	vld.idx.msk [tilespmem:v1+s2+$0x0], $0xffff;
	_ =	sdelay $0x2  }
0x8b: {  	v4 =	vld [tilespmem:s9+$0x14C00];
	_ =	sdelay $0x1  }
0x8c: {  	v2 =	vadd.f32 v2, v59;
	_ =	sdelay $0x1  }
0x8d: {  	v2 =	vmax.f32 v2, $0.0e+00  }
0x8e: {  	v2 =	vmul.f32 v2, v4;
	_ =	sdelay $0x1  }
0x8f: {  	[tilespmem:s9+$0x15400] =	vst v2  }
0x90: {  	v2 =	vld.idx.msk [tilespmem:v1+s26+$0x0], $0xffff  }
0x91: {  	v60 =	vld.idx.msk [tilespmem:v0+s28+$0x0], $0xffff;
	_ =	sdelay $0x4  }
0x92: {  	v2 =	vadd.f32 v60, v2;
	_ =	sdelay $0x1  }
0x93: {  	v2 =	vmax.f32 v2, $0.0e+00  }
0x94: {  	v2 =	vmul.f32 v2, v4;
	_ =	sdelay $0x1  }
0x95: {  	[tilespmem:s9+$0x15C00] =	vst v2  }
0x96: {  	v2 =	vld.idx.msk [tilespmem:v1+s29+$0x0], $0xffff  }
0x97: {  	v61 =	vld.idx.msk [tilespmem:v0+s30+$0x0], $0xffff;
	_ =	sdelay $0x4  }
0x98: {  	v2 =	vadd.f32 v61, v2;
	_ =	sdelay $0x1  }
0x99: {  	v2 =	vmax.f32 v2, $0.0e+00  }
0x9a: {  	v2 =	vmul.f32 v2, v4;
	_ =	sdelay $0x1  }
0x9b: {  	[tilespmem:s9+$0x16400] =	vst v2  }
0x9c: {  	v62 =	vld.idx.msk [tilespmem:v1+s31+$0x0], $0xffff  }
0x9d: {  	v63 =	vld.idx.msk [tilespmem:v0+s1+$0x0], $0xffff;
	_ =	sdelay $0x4  }
0x9e: {  	v0 =	vadd.f32 v63, v62  }
0x9f: {  	s0 =	sshll.u32 s19, $0x3  }
0xa0: {  	s0 =	sadd.s32 s21, s0;
	v0 =	vmax.f32 v0, $0.0e+00  }
0xa1: {  	s18 =	sor.u32 s5, s0;
	v0 =	vmul.f32 v0, v4  }
0xa2: {  	s18 =	sshrl.u32 s18, $0x3  }
0xa3: {  	s20 =	sadd.s32 s7, s18;
	[tilespmem:s9+$0x16C00] =	vst v0  }
0xa4: {  	[hbm4b:s20+s23] =	stream.strided.scatter [tilespmem:s14], [sflag:$0x1], $0x800, s24, s23, $0x38;
	[tilespmem:$0x17400] =	vst v63  }
0xa5: {  	s18 =	sor.u32 s10, s0;
	_ =	swait.ge [sflag:s8], $0x800  }
0xa6: {  	s9 =	sshrl.u32 s18, $0x3;
	[sflag:s8] =	ssyncset.done $0x0  }
0xa7: {  	s9 =	sadd.s32 s7, s9;
	[sflag:s8] =	ssyncadd.s32 $0xFFFFF800  }
0xa8: {  	[hbm4b:s9+s23] =	stream.strided.scatter [tilespmem:s15], [sflag:$0x1], $0x800, s24, s23, $0x38;
	[tilespmem:$0x17400] =	vst v63  }
0xa9: {  	s20 =	sor.u32 s12, s0;
	_ =	swait.ge [sflag:s8], $0x800  }
0xaa: {  	s9 =	sshrl.u32 s20, $0x3;
	[sflag:s8] =	ssyncset.done $0x0  }
0xab: {  	s9 =	sadd.s32 s7, s9;
	[sflag:s8] =	ssyncadd.s32 $0xFFFFF800  }
0xac: {  	[hbm4b:s9+s23] =	stream.strided.scatter [tilespmem:s16], [sflag:$0x1], $0x800, s24, s23, $0x38;
	[tilespmem:$0x17400] =	vst v63  }
0xad: {  	s22 =	sadd.s32 $0x1, s22;
	s0 =	sor.u32 s13, s0;
	_ =	swait.ge [sflag:s8], $0x800  }
0xae: {  	p0 =	sne.s32 s22, $0x51;
	s0 =	sshrl.u32 s0, $0x3;
	[sflag:s8] =	ssyncset.done $0x0  }
.Ltmp1:
0xaf: {  	s0 =	sadd.s32 s7, s0;
	[sflag:s8] =	ssyncadd.s32 $0xFFFFF800;
	(pc) =	sbr.rel @p0 .LBB2_2-.Ltmp1, $4  }
0xb0: {  	[hbm4b:s0+s23] =	stream.strided.scatter [tilespmem:s17], [sflag:$0x1], $0x800, s24, s23, $0x38;
	[tilespmem:$0x17400] =	vst v63  }
0xb1: {  	_ =	swait.ge [sflag:s8], $0x800  }
0xb2: {  	[sflag:s8] =	ssyncset.done $0x0  }
0xb3: {  	s19 =	sadd.s32 $0x800, s19;
	[sflag:s8] =	ssyncadd.s32 $0xFFFFF800  }
0xb4: {  	s9 =	rddreg [dreg:$0xc]  }
0xb5: {  	s0 =	rddreg [dreg:$0xb];
	s9 =	sadd.s32 $0x1, s9  }
0xb6: {  	p0 =	sne.s32 s9, s0  }
.Ltmp2:
0xb7: {  	_ = 	snop;
	(pc) =	sbr.rel @p0 .LBB2_1-.Ltmp2, $1  }
0xb8: {  	_ =	sdelay $0x3  }
0xb9: {  	_ =	sfence.sel $0x180000  }
0xba: {  	[bflag:$0x0] =	sbarrier.arrive $0xFFFF  }
0xbb: {  	_ =	strace $0x9000004A  }
0xbc: {  	s0 =	stileid.u32;
	[bflag:$0x2] =	sbarrier.arrive $0xFFFF  }
0xbd: {  	p0 =	sne.s32 s0, $0x0;
	s0 =	rddreg [dreg:$0x1]  }
0xbe: {  	s0 =	sadd.s32 @!p0 $0x100000, s0  }
0xbf: {  	[sflag:s0] =	ssyncadd.tile.s32 @!p0 $0x1;
	_ =	shalt  }
.Lfunc_end2:
_tile_overlayer_lowered:
.L_overlay_start_2:
0xc0: {  	(tag) =	ssettag $0x2  }
0xc1: {  	s0 =	rddreg [dreg:$0x0];
	s2 =	stileid.u32  }
0xc2: {  	s1 =	rddreg [dreg:$0x1];
	p0 =	sne.s32 s2, $0x0  }
0xc3: {  	s3 =	rddreg [dreg:$0x2];
	[bflag:$0x3] =	sbarrier.arrive $0xFFFF;
	s2 =	simm.s32 @!p0 $0x1C01  }
0xc4: {  	[timem:s3], [sflag:s2] =	dma.local @!p0 [hbm:s0], s1  }
0xc5: {  	s0 =	simm.s32 @!p0 $0x1  }
0xc6: {  	_ =	swait.ge @!p0 [sflag:s0], s1  }
0xc7: {  	s1 =	ssub.s32 @!p0 $0x0, s1;
	[sflag:s0] =	ssyncset.done @!p0 $0x0  }
0xc8: {  	[sflag:s0] =	ssyncadd.s32 @!p0 s1  }
0xc9: {  	[bflag:$0x3] =	sbarrier.arrive $0xFFFF  }
0xca: {  	_ =	shalt  }

// kernel: kernel.16.cloned.1.call-start
scs
__scs_entry_jumppad:
0x0: {  	(pc) =	sbr.rel $0x88, $3  }
0x1: {  	(tag) =	ssettag $0x0;
	lr =	simm.s32 $0x1  }
0x2: {  	[smem:$0x3F8A] =	sst lr;
	_ =	strace $0xD0000000  }
0x3: {  	_ = 	snop  }
0x4: {  	_ = 	snop  }
0x5: {  	_ = 	snop  }
0x6: {  	_ = 	snop  }
0x7: {  	_ = 	snop  }
__scs_overlays_trampoline_lowered:
0x8: {  	[smem:$0x3F99] =	sst s0  }
0x9: {  	[smem:$0x3F9A] =	sst s1  }
0xa: {  	[smem:$0x3F9B] =	sst s2  }
0xb: {  	[smem:$0x3F9C] =	sst s3  }
0xc: {  	[smem:$0x3F9D] =	sst s4  }
0xd: {  	[smem:$0x3F9E] =	sst s5  }
0xe: {  	[smem:$0x3F9F] =	sst s6  }
0xf: {  	[smem:$0x3FA0] =	sst s7  }
0x10: {  	[smem:$0x3FA1] =	sst s8  }
0x11: {  	[smem:$0x3FA2] =	sst s9;
	s0 =	simm.s32 @!p0 $0x0  }
0x12: {  	s1 =	sld [smem:$0x3F88];
	s0 =	simm.s32 @p0 $0x1  }
0x13: {  	[smem:$0x3FA3] =	sst s0;
	s0 =	simm.s32 @!p1 $0x0  }
0x14: {  	s2 =	sld [smem:$0x3F87];
	s0 =	simm.s32 @p1 $0x1  }
0x15: {  	[smem:$0x3FA4] =	sst s0;
	s0 =	simm.s32 @!p2 $0x0  }
0x16: {  	s3 =	sld [smem:$0x3FDB];
	s0 =	simm.s32 @p2 $0x1  }
0x17: {  	s4 =	simm.s32 $0x1BF5;
	[smem:$0x3FA6] =	sst s0  }
0x18: {  	s0 =	sld [smem:$0x3F89];
	_ =	swait.ge [sflag:s4], $0x0  }
0x19: {  	s7 =	sld [smem:$0x3F8A]  }
0x1a: {  	s8 =	sadd.s32 $0xFFFFE003, lr  }
0x1b: {  	s9 =	sadd.s32 $0xFFFFFEF7, lr;
	s5 =	simm.s32 $0xFFFFFFFF;
	p2 =	slt.u32 s8, $0xFFFFF086  }
0x1c: {  	p1 =	slt.u32 s9, $0xF7A;
	s5 =	simm.s32 @!p2 $0x0  }
0x1d: {  	s5 =	simm.s32 @p1 $0x1;
	p0 =	seq.s32 s7, s2  }
0x1e: {  	s7 =	smul.u32 @!p0 $0xF7A, s2;
	p2 =	seq.s32 @!p0 s5, $0x0  }
0x1f: {  	s9 =	smul.u32 $0xF7A, s1;
	s8 =	simm.s32 @!p0 $0x1BF5;
	p2 =	por !p2, p0  }
0x20: {  	[sflag:s8] =	ssyncset.s32 @!p0 $0xFFFFF086;
	s6 =	sadd.s32 @!p0 s3, s7;
	s7 =	simm.s32 @!p0 $0x108  }
0x21: {  	s3 =	sadd.s32 s3, s9;
	s6 =	sadd.s32 @!p0 $0x88, s6;
	s7 =	simm.s32 @p2 $0x1082  }
0x22: {  	[simem:s7], [sflag:s8] =	dma.local @!p0 [hbm:s6], $0xF7A  }
0x23: {  	s9 =	sor.u32 $0xD0000000, s2;
	s6 =	simm.s32 $0x108;
	_ =	swait.ge @!p0 [sflag:s8], $0x0  }
0x24: {  	s3 =	sadd.s32 $0x88, s3;
	s6 =	simm.s32 @!p1 $0x1082;
	[sflag:s4] =	ssyncset.s32 $0xFFFFF086  }
0x25: {  	[simem:s6], [sflag:s4] =	dma.local [hbm:s3], $0xF7A  }
0x26: {  	[smem:$0x3F8A] =	sst s1;
	(tag) =	ssettag s2;
	_ =	strace s9  }
0x27: {  	s1 =	sld [smem:$0x3F9A]  }
0x28: {  	s2 =	sld [smem:$0x3F9B]  }
0x29: {  	s4 =	sld [smem:$0x3F9D]  }
0x2a: {  	p0 =	seq.s32 s5, $0x0;
	s5 =	sld [smem:$0x3F9E]  }
0x2b: {  	s6 =	sld [smem:$0x3F9F]  }
0x2c: {  	s7 =	sld [smem:$0x3FA0]  }
0x2d: {  	s3 =	simm.s32 $0x108;
	s8 =	sld [smem:$0x3FA1]  }
0x2e: {  	s3 =	simm.s32 @!p0 $0x1082;
	s9 =	sld [smem:$0x3FA2]  }
0x2f: {  	lr =	sadd.s32 s0, s3;
	s0 =	sld [smem:$0x3F99]  }
0x30: {  	s3 =	sld [smem:$0x3F9C]  }
0x31: {  	[smem:$0x3FA5] =	sst s10  }
0x32: {  	s10 =	sld [smem:$0x3FA3];
	_ =	sdelay $0x3  }
0x33: {  	p0 =	seq.s32 s10, $0x1;
	s10 =	sld [smem:$0x3FA5];
	_ =	sdelay $0x3  }
0x34: {  	[smem:$0x3FA5] =	sst s10  }
0x35: {  	s10 =	sld [smem:$0x3FA4];
	_ =	sdelay $0x3  }
0x36: {  	p1 =	seq.s32 s10, $0x1;
	s10 =	sld [smem:$0x3FA5];
	_ =	sdelay $0x3  }
0x37: {  	[smem:$0x3FA5] =	sst s10  }
0x38: {  	s10 =	sld [smem:$0x3FA6]  }
0x39: {  	_ = 	snop;
	(pc) =	sbr.ind lr, $3  }
0x3a: {  	_ = 	snop  }
0x3b: {  	_ = 	snop  }
0x3c: {  	p2 =	seq.s32 s10, $0x1;
	s10 =	sld [smem:$0x3FA5]  }
0x3d: {  	_ =	shalt  }
0x3e: {  	_ =	shalt  }
0x3f: {  	_ =	shalt  }
0x40: {  	_ =	shalt  }
0x41: {  	_ =	shalt  }
0x42: {  	_ =	shalt  }
0x43: {  	_ =	shalt  }
0x44: {  	_ =	shalt  }
0x45: {  	_ =	shalt  }
0x46: {  	_ =	shalt  }
0x47: {  	_ =	shalt  }
0x48: {  	_ =	shalt  }
0x49: {  	_ =	shalt  }
0x4a: {  	_ =	shalt  }
0x4b: {  	_ =	shalt  }
0x4c: {  	_ =	shalt  }
0x4d: {  	_ =	shalt  }
0x4e: {  	_ =	shalt  }
0x4f: {  	_ =	shalt  }
0x50: {  	_ =	shalt  }
0x51: {  	_ =	shalt  }
0x52: {  	_ =	shalt  }
0x53: {  	_ =	shalt  }
0x54: {  	_ =	shalt  }
0x55: {  	_ =	shalt  }
0x56: {  	_ =	shalt  }
0x57: {  	_ =	shalt  }
0x58: {  	_ =	shalt  }
0x59: {  	_ =	shalt  }
0x5a: {  	_ =	shalt  }
0x5b: {  	_ =	shalt  }
0x5c: {  	_ =	shalt  }
0x5d: {  	_ =	shalt  }
0x5e: {  	_ =	shalt  }
0x5f: {  	_ =	shalt  }
0x60: {  	_ =	shalt  }
0x61: {  	_ =	shalt  }
0x62: {  	_ =	shalt  }
0x63: {  	_ =	shalt  }
0x64: {  	_ =	shalt  }
0x65: {  	_ =	shalt  }
0x66: {  	_ =	shalt  }
0x67: {  	_ =	shalt  }
0x68: {  	_ =	shalt  }
0x69: {  	_ =	shalt  }
0x6a: {  	_ =	shalt  }
0x6b: {  	_ =	shalt  }
0x6c: {  	_ =	shalt  }
0x6d: {  	_ =	shalt  }
0x6e: {  	_ =	shalt  }
0x6f: {  	_ =	shalt  }
0x70: {  	_ =	shalt  }
0x71: {  	_ =	shalt  }
0x72: {  	_ =	shalt  }
0x73: {  	_ =	shalt  }
0x74: {  	_ =	shalt  }
0x75: {  	_ =	shalt  }
0x76: {  	_ =	shalt  }
0x77: {  	_ =	shalt  }
0x78: {  	_ =	shalt  }
0x79: {  	_ =	shalt  }
0x7a: {  	_ =	shalt  }
0x7b: {  	_ =	shalt  }
0x7c: {  	_ =	shalt  }
0x7d: {  	_ =	shalt  }
0x7e: {  	_ =	shalt  }
0x7f: {  	_ =	shalt  }
0x80: {  	_ =	shalt  }
0x81: {  	_ =	shalt  }
0x82: {  	_ =	shalt  }
0x83: {  	_ =	shalt  }
0x84: {  	_ =	shalt  }
0x85: {  	_ =	shalt  }
0x86: {  	_ =	shalt  }
0x87: {  	_ =	shalt  }
.Lfunc_end0:
.L_simem_size_0:
called_computation.1_lowered:
.L_overlay_start_0:
0x88: {  	s2 =	sld [smem:$0x3FD9]  }
0x89: {  	s3 =	sld [smem:$0x3FFE];
	_ =	sdelay $0x1  }
0x8a: {  	s1 =	srdreg.scid  }
0x8b: {  	s0 =	sand.u32 $0x1, s1  }
0x8c: {  	s17 =	sshll.u32 s0, $0xA;
	s2 =	sadd.s32 s3, s2  }
0x8d: {  	s2 =	sadd.s32 s2, s17  }
0x8e: {  	[smem:$0x3FB1] =	sst s2  }
0x8f: {  	_ = 	snop  }
0x90: {  	s18 =	sld [smem:$0x3FD0];
	(tm) =	ssettm $0x1  }
0x91: {  	s19 =	sld [smem:$0x3FFB];
	_ =	sdelay $0x3  }
0x92: {  	_ =	strace s19  }
0x93: {  	s2 =	sld [smem:$0x3FFC];
	_ =	sdelay $0x3  }
0x94: {  	_ =	strace s2  }
0x95: {  	s2 =	sld [smem:$0x3FFD];
	_ =	sdelay $0x3  }
0x96: {  	_ =	strace s2  }
0x97: {  	_ =	strace $0x8FFFFFFF  }
0x98: {  	s20 =	sld [smem:$0x3FDB];
	_ =	sdelay $0x1  }
0x99: {  	s4 =	simm.s32 $_scs_section_size  }
0x9a: {  	s5 =	simm.s32 $_size__tile_overlayer_lowered;
	s6 =	simm.s32 $_tile_overlayer_lowered  }
0x9b: {  	s7 =	simm.s32 $0x1BFF;
	s21 =	sshll.u32 s6, $0x1;
	s4 =	sadd.s32 s4, s20  }
0x9c: {  	s22 =	simm.s32 $0x0;
	s5 =	sshll.u32 s5, $0x1;
	s6 =	sadd.s32 s21, s4  }
0x9d: {  	[timem:s22], [sflag:s7] =	dma.local [hbm:s6], s5  }
0x9e: {  	_ =	swait.ge [sflag:s7], s5  }
0x9f: {  	s5 =	ssub.s32 $0x0, s5;
	[sflag:s7] =	ssyncset.done $0x0  }
0xa0: {  	[sflag:s7] =	ssyncadd.s32 s5;
	_ =	sdelay $0x1  }
0xa1: {  	s23 =	simm.s32 $0x1B8B  }
0xa2: {  	_ =	swait.ge [sflag:s23], $0x1  }
0xa3: {  	[sflag:s23] =	ssyncset.done $0x0  }
0xa4: {  	[sflag:s23] =	ssyncadd.s32 $0xFFFFFFFF  }
0xa5: {  	s5 =	sld [smem:$0x0]  }
0xa6: {  	s6 =	sand.u32 $0xFFFFFFFE, s1  }
0xa7: {  	p0 =	sne.s32 s1, s6  }
0xa8: {  	s6 =	sshll.u32 @p0 s6, $0xE  }
0xa9: {  	s6 =	sadd.s32 @p0 $0x11B8D, s6;
	s7 =	sshll.u32 @p0 s5, $0x11  }
0xaa: {  	s6 =	sor.u32 @p0 s7, s6  }
0xab: {  	[sflag:s6] =	ssyncadd.remote.s32 @p0 $0x1;
	_ =	sdelay $0x1  }
0xac: {  	s6 =	simm.s32 @p0 $0x1B8D  }
0xad: {  	_ =	swait.eq @p0 [sflag:s6], $0x1  }
0xae: {  	[sflag:s6] =	ssyncadd.s32 @p0 $0xFFFFFFFF  }
0xaf: {  	s7 =	sshll.u32 @!p0 s1, $0xE  }
0xb0: {  	s7 =	sor.u32 @!p0 $0x4000, s7;
	s6 =	simm.s32 @!p0 $0x1B8D  }
0xb1: {  	s5 =	sshll.u32 @!p0 s5, $0x11;
	s7 =	sadd.s32 @!p0 $0x11B8D, s7;
	_ =	swait.eq @!p0 [sflag:s6], $0x1  }
0xb2: {  	s5 =	sor.u32 @!p0 s5, s7;
	[sflag:s6] =	ssyncadd.s32 @!p0 $0xFFFFFFFF  }
0xb3: {  	s25 =	simm.s32 $0x1B8E;
	s24 =	sld [smem:$0x3FFE];
	[sflag:s5] =	ssyncadd.remote.s32 @!p0 $0x1  }
0xb4: {  	s26 =	simm.s32 $execute0_lowered;
	[smem:$0x3FD2] =	sst s25  }
0xb5: {  	s6 =	sshll.u32 s26, $0x1;
	_ =	strace $0x8000004F;
	[dreg:$0x1] =	wrdreg $0xFFFFFFFF  }
0xb6: {  	s28 =	simm.s32 $_size_execute0_lowered;
	s4 =	sadd.s32 s4, s6;
	[dreg:$0x0] =	wrdreg $0x0  }
0xb7: {  	s6 =	sshll.u32 s28, $0x1;
	[dreg:$0x2] =	wrdreg s4  }
0xb8: {  	[dreg:$0x3] =	wrdreg s6  }
0xb9: {  	[dreg:$0x4] =	wrdreg $0xC0  }
0xba: {  	_ =	task [dreg:s22], $0x5FFFF  }
0xbb: {  	[dreg:$0x1] =	wrdreg $0xFFFFFFFF  }
0xbc: {  	[dreg:$0x0] =	wrdreg $0x60  }
0xbd: {  	[dreg:$0x2] =	wrdreg s24  }
0xbe: {  	[dreg:$0x3] =	wrdreg s18  }
0xbf: {  	[dreg:$0x4] =	wrdreg $0x9  }
0xc0: {  	_ =	task.clear_ibuf [dreg:s22], $0x5FFFF;
	_ =	strace $0x9000004F  }
0xc1: {  	s29 =	simm.s32 $0x9;
	_ =	strace $0x80000051  }
0xc2: {  	_ =	swait.ge [sflag:s29], $0x1  }
0xc3: {  	[sflag:s29] =	ssyncadd.s32 $0xFFFFFFFF  }
0xc4: {  	_ =	strace $0x90000051  }
0xc5: {  	_ =	sfence  }
0xc6: {  	s30 =	sld [smem:$0x0];
	_ =	sdelay $0x2  }
0xc7: {  	s31 =	sshll.u32 s1, $0xD;
	s1 =	sshrl.u32 s1, $0x2  }
0xc8: {  	s4 =	sand.u32 $0x4000, s31;
	s1 =	sadd.s32 s1, s30  }
0xc9: {  	s0 =	sor.u32 s4, s0;
	s1 =	sshll.u32 s1, $0x11  }
0xca: {  	s0 =	sor.u32 s1, s0  }
0xcb: {  	s0 =	sadd.s32 $0x8F2B, s0  }
0xcc: {  	[sflag:s0] =	ssyncadd.remote.s32 $0x1  }
0xcd: {  	_ =	sfence.sel $0xFFFF  }
0xce: {  	[dreg:$0x0] =	wrdreg $0xFFFFFFFF;
	(pc) =	sbr.abs _section_cstart, $3  }
0xcf: {  	[dreg:$0x1] =	wrdreg $0xFFFFFFFF  }
0xd0: {  	_ =	task.clear_ibuf [dreg:s22], $0x2FFFF;
	_ =	strace $0x9FFFFFFF  }
0xd1: {  	(tm) =	ssettm $0x7FFFFFFF  }
tec
execute0_lowered:
.L_overlay_start_1:
0x0: {  	(tag) =	ssettag $0x1  }
0x1: {  	s0 =	rddreg [dreg:$0x0]  }
0x2: {  	s6 =	rddreg [dreg:$0x1]  }
0x3: {  	s3 =	srdreg.scid;
	s1 =	stileid.u32  }
0x4: {  	s2 =	simm.s32 $0x0;
	s12 =	simm.s32 $0x4180;
	s13 =	simm.s32 $0x1  }
0x5: {  	s14 =	simm.s32 $0x80;
	s3 =	sand.u32 $0x1, s3;
	s4 =	sshll.u32 s1, $0x1  }
0x6: {  	s15 =	simm.s32 $0x9280;
	s16 =	simm.s32 $0x0;
	s4 =	sor.u32 s3, s4  }
0x7: {  	[smem:$0x7FF] =	sst s2;
	s5 =	sadd.s32 $0x303200, s0;
	s8 =	smul.u32 $0x140, s4  }
.Ltmp0:
0x8: {  	_ =	strace $0x80000050;
	s7 =	ssub.s32 $0x2, s3;
	(pc) =	sbr.rel .LBB2_1-.Ltmp0, $4  }
0x9: {  	s3 =	sadd.s32 $0x2E4C00, s0;
	s9 =	sshrl.u32 s7, $0x1;
	s10 =	smul.u32 $0x1400, s4  }
0xa: {  	v1 =	vlaneseq.u32;
	v3 =	vimm.f32 $-Inf;
	s4 =	sadd.s32 $0x2F9000, s0;
	s31 =	ssub.s32 s7, s9;
	s9 =	simm.s32 $0x1000  }
0xb: {  	v4 =	vimm.s32 $0x0;
	v6 =	vimm.s32 $0x147;
	v5 =	vand.u32 $0x1, v1;
	s11 =	sadd.s32 $0x140, s8;
	s6 =	sadd.s32 s6, s10;
	s7 =	smax.u32 s31, $0x1  }
0xc: {  	v5 =	vmul.u32 $0x40, v5;
	v0 =	vmov s8;
	s8 =	simm.s32 $0x2;
	s10 =	simm.s32 $0x2000;
	v2 =	vmov s11;
	s11 =	simm.s32 $0x3080  }
.LBB2_16:
0xd: {  	s16 =	sadd.s32 $0x1, s16  }
0xe: {  	p0 =	sne.s32 s16, s7  }
.Ltmp1:
0xf: {  	s0 =	simm.s32 $0x0;
	(pc) =	sbr.rel @!p0 .LBB2_17-.Ltmp1, $4  }
0x10: {  	[hbm4b:s6+s0] =	stream.linear.scatter [tilespmem:s15], [sflag:$0x2], $0xA000, $0x38;
	[tilespmem:$0x13680] =	vst v63  }
0x11: {  	_ =	swait.ge [sflag:s8], $0xA000  }
0x12: {  	[sflag:s8] =	ssyncset.done $0x0  }
0x13: {  	[sflag:s8] =	ssyncadd.s32 $0xFFFF6000  }
.LBB2_1:
0x14: {  	s17 =	simm.s32 $0x200;
	s0 =	simm.s32 $0x0  }
.LBB2_2:
0x15: {  	p0 =	sne.s32 s17, $0x28E00;
	[tilespmem:s0+$0x92B0] =	vst v3;
	s18 =	smov.u32 s17;
	s17 =	sadd.s32 $0x200, s17  }
.Ltmp2:
0x16: {  	[tilespmem:s0+$0x92A0] =	vst v3;
	(pc) =	sbr.rel @p0 .LBB2_2-.Ltmp2, $3  }
0x17: {  	[tilespmem:s0+$0x9280] =	vst v3  }
0x18: {  	[tilespmem:s0+$0x9290] =	vst v3;
	_ =	sdelay $0x1  }
0x19: {  	s0 =	sshra.s32 s18, $0x2  }
.Ltmp3:
0x1a: {  	(pc) =	sbr.rel .LBB2_4-.Ltmp3, $4  }
0x1b: {  	[tilespmem:s0+$0x92B0] =	vst v3  }
0x1c: {  	[tilespmem:s0+$0x92A0] =	vst v3  }
0x1d: {  	[tilespmem:s0+$0x9280] =	vst v3  }
0x1e: {  	s17 =	simm.s32 $0x0;
	[tilespmem:s0+$0x9290] =	vst v3;
	s18 =	simm.s32 $0x0;
	s19 =	simm.s32 $0x0  }
.LBB2_15:
0x1f: {  	s19 =	sadd.s32 $0x1, s19  }
0x20: {  	p0 =	sne.s32 s19, $0x51  }
.Ltmp4:
0x21: {  	_ = 	snop;
	(pc) =	sbr.rel @!p0 .LBB2_16-.Ltmp4, $2  }
0x22: {  	_ =	sdelay $0x2  }
0x23: {  	s18 =	sadd.s32 $0x1000, s18  }
.LBB2_4:
0x24: {  	s0 =	sshrl.u32 s18, $0x3  }
0x25: {  	s20 =	sadd.s32 s3, s0  }
0x26: {  	[tilespmem:s17], [sflag:$0x2] =	stream.linear.gather [hbm4b:s20+s17], $0x1000, $0x38;
	[tilespmem:$0x13680] =	vst v63  }
0x27: {  	_ =	swait.ge [sflag:s8], $0x1000  }
0x28: {  	[sflag:s8] =	ssyncset.done $0x0  }
0x29: {  	s0 =	sadd.s32 s4, s0;
	[sflag:s8] =	ssyncadd.s32 $0xFFFFF000  }
0x2a: {  	[tilespmem:s9], [sflag:$0x2] =	stream.linear.gather [hbm4b:s0+s17], $0x1000, $0x38;
	[tilespmem:$0x13680] =	vst v63  }
0x2b: {  	_ =	swait.ge [sflag:s8], $0x1000  }
0x2c: {  	[sflag:s8] =	ssyncset.done $0x0  }
0x2d: {  	s29 =	simm.s32 $0x0;
	[sflag:s8] =	ssyncadd.s32 $0xFFFFF000  }
0x2e: {  	v7 =	vld [tilespmem:s29+$0x0]  }
0x2f: {  	v8 =	vld [tilespmem:s29+$0x1000];
	_ =	sdelay $0x3  }
0x30: {  	vm0 =	vge.s32 v7, v0;
	vm1 =	vlt.s32 v7, v2  }
0x31: {  	vm0 =	vmand vm0, vm1;
	vm1 =	vgt.f32 v8, $5.000000000e-01  }
0x32: {  	vm0 =	vmand vm0, vm1  }
0x33: {  	v8 =	vsel vm0, $0x1, v4  }
0x34: {  	(xrf0) =	vadd.scan.msk.s32 $0xffff, v8;
	_ =	sdelay $0x2  }
0x35: {  	v8 =	vmov s17  }
0x36: {  	v8 =	vadd.s32 $0xFFFFFFFF, v8  }
0x37: {  	v8 =	vbroadcast v8, $0x0  }
0x38: {  	v9, _, _ =	vpop (xrf0)  }
0x39: {  	v8 =	vadd.s32 v9, v8;
	_ =	sdelay $0x2  }
0x3a: {  	v9 =	vor.u32 s18, v1;
	(v2sf) =	vpush v8, $0xF  }
0x3b: {  	v9 =	vshrl.u32 v9, $0x1  }
0x3c: {  	v7 =	vsub.s32 v7, v0;
	[tilespmem:v8+s10+$0x0] =	vst.idx.msk vm0, v9  }
0x3d: {  	[tilespmem:v8+s11+$0x0] =	vst.idx.msk vm0, v7  }
0x3e: {  	s30 =	simm.s32 $0x10;
	[tilespmem:v8+s12+$0x0] =	vst.idx.msk vm0, v5  }
0x3f: {  	v7 =	vld [tilespmem:s30+$0x0]  }
0x40: {  	v8 =	vld [tilespmem:s30+$0x1000];
	_ =	sdelay $0x3  }
0x41: {  	vm0 =	vge.s32 v7, v0;
	vm1 =	vlt.s32 v7, v2  }
0x42: {  	vm0 =	vmand vm0, vm1;
	vm1 =	vgt.f32 v8, $5.000000000e-01  }
0x43: {  	vm0 =	vmand vm0, vm1  }
0x44: {  	v8 =	vsel vm0, $0x1, v4  }
0x45: {  	(xrf0) =	vadd.scan.msk.s32 $0xffff, v8  }
0x46: {  	s31 =	spop (v2sf)  }
0x47: {  	s0 =	sadd.s32 $0x1, s31  }
0x48: {  	v9 =	vmov s0  }
0x49: {  	s21 =	simm.s32 $0xC0;
	s20 =	smov.u32 s18;
	s0 =	simm.s32 $0x80;
	v8 =	vadd.s32 $0xFFFFFFFF, v9  }
.LBB2_5:
0x4a: {  	p0 =	sne.s32 s21, $0x3FC0;
	v8 =	vbroadcast v8, $0x0  }
0x4b: {  	v9, _, _ =	vpop (xrf0)  }
0x4c: {  	v8 =	vadd.s32 v9, v8  }
0x4d: {  	(v2sf) =	vpush v8, $0xF  }
0x4e: {  	s20 =	sadd.s32 $0x10, s20  }
0x4f: {  	v9 =	vor.u32 s20, v1  }
0x50: {  	v9 =	vshrl.u32 v9, $0x1  }
0x51: {  	v7 =	vsub.s32 v7, v0;
	[tilespmem:v8+s10+$0x0] =	vst.idx.msk vm0, v9  }
0x52: {  	[tilespmem:v8+s11+$0x0] =	vst.idx.msk vm0, v7  }
0x53: {  	s22 =	sshra.s32 s0, $0x2;
	s0 =	smov.u32 s21;
	[tilespmem:v8+s12+$0x0] =	vst.idx.msk vm0, v5  }
0x54: {  	v7 =	vld [tilespmem:s22+$0x0]  }
0x55: {  	v8 =	vld [tilespmem:s22+$0x1000];
	_ =	sdelay $0x3  }
0x56: {  	vm0 =	vge.s32 v7, v0;
	vm1 =	vlt.s32 v7, v2  }
0x57: {  	vm0 =	vmand vm0, vm1;
	vm1 =	vgt.f32 v8, $5.000000000e-01  }
0x58: {  	vm0 =	vmand vm0, vm1  }
0x59: {  	v8 =	vsel vm0, $0x1, v4;
	s22 =	spop (v2sf)  }
.Ltmp5:
0x5a: {  	(xrf0) =	vadd.scan.msk.s32 $0xffff, v8;
	s22 =	sadd.s32 $0x1, s22;
	(pc) =	sbr.rel @p0 .LBB2_5-.Ltmp5, $3  }
0x5b: {  	_ =	sdelay $0x1  }
0x5c: {  	v8 =	vmov s22  }
0x5d: {  	s21 =	sadd.s32 $0x40, s21;
	v8 =	vadd.s32 $0xFFFFFFFF, v8  }
0x5e: {  	v8 =	vbroadcast v8, $0x0  }
0x5f: {  	v9, _, _ =	vpop (xrf0)  }
0x60: {  	v8 =	vadd.s32 v9, v8;
	_ =	sdelay $0x1  }
0x61: {  	s20 =	sadd.s32 $0x10, s20  }
0x62: {  	v9 =	vor.u32 s20, v1;
	(v2sf) =	vpush v8, $0xF  }
0x63: {  	v9 =	vshrl.u32 v9, $0x1  }
0x64: {  	v7 =	vsub.s32 v7, v0;
	[tilespmem:v8+s10+$0x0] =	vst.idx.msk vm0, v9  }
0x65: {  	[tilespmem:v8+s11+$0x0] =	vst.idx.msk vm0, v7  }
0x66: {  	s0 =	sshra.s32 s0, $0x2;
	[tilespmem:v8+s12+$0x0] =	vst.idx.msk vm0, v5  }
0x67: {  	v7 =	vld [tilespmem:s0+$0x0]  }
0x68: {  	v8 =	vld [tilespmem:s0+$0x1000];
	_ =	sdelay $0x3  }
0x69: {  	vm14 =	vge.s32 v7, v0;
	vm1 =	vlt.s32 v7, v2  }
0x6a: {  	vm15 =	vgt.f32 v8, $5.000000000e-01;
	vm0 =	vmand vm14, vm1  }
0x6b: {  	vm0 =	vmand vm0, vm15  }
0x6c: {  	v8 =	vsel vm0, $0x1, v4  }
0x6d: {  	(xrf0) =	vadd.scan.msk.s32 $0xffff, v8  }
0x6e: {  	s30 =	spop (v2sf)  }
0x6f: {  	s0 =	sadd.s32 $0x1, s30  }
0x70: {  	v8 =	vmov s0  }
0x71: {  	v8 =	vadd.s32 $0xFFFFFFFF, v8  }
0x72: {  	v8 =	vbroadcast v8, $0x0  }
0x73: {  	v9, _, _ =	vpop (xrf0)  }
0x74: {  	v9 =	vadd.s32 v9, v8  }
0x75: {  	(v2sf) =	vpush v9, $0xF;
	_ =	sdelay $0xd  }
0x76: {  	s31 =	sadd.s32 $0x10, s20  }
0x77: {  	v8 =	vor.u32 s31, v1;
	s0 =	spop (v2sf)  }
0x78: {  	v7 =	vsub.s32 v7, v0;
	v8 =	vshrl.u32 v8, $0x1;
	s20 =	sadd.s32 $0x1, s0  }
0x79: {  	[tilespmem:v9+s10+$0x0] =	vst.idx.msk vm0, v8;
	s21 =	sadd.s32 $0x0, s20  }
0x7a: {  	[tilespmem:v9+s11+$0x0] =	vst.idx.msk vm0, v7;
	v8 =	vadd.s32 s21, v1  }
0x7b: {  	[tilespmem:v9+s12+$0x0] =	vst.idx.msk vm0, v5;
	s21 =	simm.s32 $0x10;
	v7 =	vmov v8  }
.LBB2_7:
0x7c: {  	p0 =	sne.s32 s21, $0x70  }
.Ltmp6:
0x7d: {  	_ = 	snop;
	(pc) =	sbr.rel @p0 .LBB2_7-.Ltmp6, $4  }
0x7e: {  	_ = 	snop  }
0x7f: {  	s22 =	sadd.s32 s21, s20;
	[tilespmem:v8+s10+$0x0] =	vst.idx.msk $0xffff, v4  }
0x80: {  	v8 =	vadd.s32 s22, v1;
	[tilespmem:v7+s11+$0x0] =	vst.idx.msk $0xffff, v6  }
0x81: {  	s21 =	sadd.s32 $0x10, s21;
	[tilespmem:v7+s12+$0x0] =	vst.idx.msk $0xffff, v4;
	v7 =	vmov v8  }
0x82: {  	s21 =	sadd.s32 $0x80, s0;
	s30 =	sand.u32 $0x7F, s0  }
0x83: {  	s22 =	sshra.s32 s21, $0x1F;
	p0 =	slt.s32 s21, $0x1;
	p1 =	sne.s32 s30, $0x0  }
0x84: {  	s31 =	sshrl.u32 s22, $0x19;
	p0 =	por !p0, !p1  }
0x85: {  	s0 =	sadd.s32 s31, s21;
	p0 =	por !p0, !p0;
	s21 =	simm.s32 $0x1  }
0x86: {  	s0 =	sshra.s32 s0, $0x7;
	s21 =	simm.s32 @!p0 $0x0  }
0x87: {  	s21 =	ssub.s32 s0, s21  }
0x88: {  	p0 =	slt.s32 s21, $0x1  }
.Ltmp7:
0x89: {  	_ = 	snop;
	(pc) =	sbr.rel @p0 .LBB2_15-.Ltmp7, $4  }
0x8a: {  	_ = 	snop  }
0x8b: {  	[tilespmem:v8+s10+$0x0] =	vst.idx.msk $0xffff, v4  }
0x8c: {  	[tilespmem:v7+s11+$0x0] =	vst.idx.msk $0xffff, v6  }
0x8d: {  	[tilespmem:v7+s12+$0x0] =	vst.idx.msk $0xffff, v4  }
.Ltmp8:
0x8e: {  	(pc) =	sbr.rel .LBB2_10-.Ltmp8, $3  }
0x8f: {  	_ =	sdelay $0x1  }
0x90: {  	s22 =	simm.s32 $0x0;
	s23 =	simm.s32 $0x4180  }
0x91: {  	s24 =	simm.s32 $0x3080;
	s25 =	smov.u32 s20;
	s26 =	simm.s32 $0x0  }
.LBB2_13:
0x92: {  	v7 =	vmax.f32 v7, v8  }
0x93: {  	[tilespmem:s0+$0x92B0] =	vst v7  }
.LBB2_14:
0x94: {  	s26 =	sadd.s32 $0x1, s26  }
0x95: {  	p0 =	sne.s32 s26, s21  }
.Ltmp9:
0x96: {  	_ = 	snop;
	(pc) =	sbr.rel @!p0 .LBB2_15-.Ltmp9, $3  }
0x97: {  	_ =	sdelay $0x1  }
0x98: {  	s22 =	sadd.s32 $0x80, s22  }
0x99: {  	s25 =	sadd.s32 $0xFFFFFF80, s25;
	s23 =	sadd.s32 $0x80, s23;
	s24 =	sadd.s32 $0x80, s24  }
.LBB2_10:
0x9a: {  	s31 =	ssub.s32 s20, s22  }
0x9b: {  	p0 =	slt.s32 s31, $0x1  }
.Ltmp10:
0x9c: {  	s0 =	sadd.s32 $0x2000, s22;
	s28 =	simm.s32 $0x5280;
	(pc) =	sbr.rel @p0 .LBB2_14-.Ltmp10, $4  }
0x9d: {  	[tilespmem:s28], [sflag:$0x1] =	stream.indirect.gather [hbm4b:s5+s14], $0x80, s0, s14, $0xb8;
	[tilespmem:$0x13680] =	vst v63  }
0x9e: {  	_ =	swait.ge [sflag:s13], $0x4000  }
0x9f: {  	[sflag:s13] =	ssyncset.done $0x0  }
0xa0: {  	[sflag:s13] =	ssyncadd.s32 $0xFFFFC000  }
0xa1: {  	v7 =	vld [tilespmem:s23+$0x0]  }
0xa2: {  	v8 =	vld [tilespmem:s24+$0x0];
	_ =	sdelay $0x3  }
0xa3: {  	(v2sf) =	vpush v7, $0x0  }
0xa4: {  	(v2sf) =	vpush v8, $0x0;
	_ =	sdelay $0xd  }
0xa5: {  	s0 =	spop (v2sf)  }
0xa6: {  	s0 =	sshll.u32 s0, $0x2;
	s29 =	spop (v2sf)  }
0xa7: {  	s29 =	sshll.u32 s29, $0x9;
	s30 =	sshra.s32 s0, $0x2  }
0xa8: {  	s0 =	sshra.s32 s29, $0x2;
	s29 =	sand.u32 $0xFFFFFFC0, s30  }
0xa9: {  	v7 =	vld [tilespmem:s0+$0x9280];
	s30 =	sadd.s32 $0x5280, s29  }
0xaa: {  	v8 =	vld [tilespmem:s30+$0x0];
	_ =	sdelay $0x4  }
0xab: {  	v7 =	vmax.f32 v7, v8  }
0xac: {  	[tilespmem:s0+$0x9280] =	vst v7;
	v7 =	vld [tilespmem:s0+$0x9290]  }
0xad: {  	v8 =	vld [tilespmem:s30+$0x10];
	_ =	sdelay $0x4  }
0xae: {  	v7 =	vmax.f32 v7, v8  }
0xaf: {  	[tilespmem:s0+$0x9290] =	vst v7;
	v7 =	vld [tilespmem:s0+$0x92A0]  }
0xb0: {  	v8 =	vld [tilespmem:s30+$0x20];
	_ =	sdelay $0x2  }
0xb1: {  	p0 =	sgt.s32 s25, $0x1;
	s29 =	smov.u32 s25  }
0xb2: {  	s29 =	simm.s32 @!p0 $0x1  }
0xb3: {  	s29 =	smin.u32 s29, $0x80;
	v7 =	vmax.f32 v7, v8  }
0xb4: {  	p0 =	sne.s32 s29, $0x1;
	[tilespmem:s0+$0x92A0] =	vst v7;
	v7 =	vld [tilespmem:s0+$0x92B0]  }
.Ltmp11:
0xb5: {  	v8 =	vld [tilespmem:s30+$0x30];
	(pc) =	sbr.rel @!p0 .LBB2_13-.Ltmp11, $2  }
0xb6: {  	_ =	sdelay $0x2  }
0xb7: {  	s31 =	smov.u32 s24;
	s29 =	sadd.s32 $0xFFFFFFFF, s29;
	s30 =	smov.u32 s23  }
.LBB2_12:
0xb8: {  	v7 =	vmax.f32 v7, v8;
	s30 =	sadd.s32 $0x1, s30;
	s31 =	sadd.s32 $0x1, s31;
	s28 =	sadd.s32 $0x80, s28  }
0xb9: {  	p0 =	sne.s32 s29, $0x1;
	s29 =	sadd.s32 $0xFFFFFFFF, s29;
	[tilespmem:s0+$0x92B0] =	vst v7  }
0xba: {  	v7 =	vld [tilespmem:s30+$0x0]  }
0xbb: {  	v8 =	vld [tilespmem:s31+$0x0];
	_ =	sdelay $0x3  }
0xbc: {  	(v2sf) =	vpush v7, $0x0  }
0xbd: {  	(v2sf) =	vpush v8, $0x0;
	_ =	sdelay $0xd  }
0xbe: {  	s0 =	spop (v2sf)  }
0xbf: {  	s0 =	sshll.u32 s0, $0x2;
	s1 =	spop (v2sf)  }
0xc0: {  	s1 =	sshll.u32 s1, $0x9;
	s2 =	sshra.s32 s0, $0x2  }
0xc1: {  	s0 =	sshra.s32 s1, $0x2;
	s1 =	sand.u32 $0xFFFFFFC0, s2  }
0xc2: {  	v7 =	vld [tilespmem:s0+$0x9280];
	s1 =	sadd.s32 s1, s28  }
0xc3: {  	v8 =	vld [tilespmem:s1+$0x0];
	_ =	sdelay $0x4  }
0xc4: {  	v7 =	vmax.f32 v7, v8  }
0xc5: {  	[tilespmem:s0+$0x9280] =	vst v7;
	v7 =	vld [tilespmem:s0+$0x9290]  }
0xc6: {  	v8 =	vld [tilespmem:s1+$0x10];
	_ =	sdelay $0x4  }
0xc7: {  	v7 =	vmax.f32 v7, v8  }
0xc8: {  	[tilespmem:s0+$0x9290] =	vst v7;
	v7 =	vld [tilespmem:s0+$0x92A0]  }
0xc9: {  	v8 =	vld [tilespmem:s1+$0x20];
	_ =	sdelay $0x2  }
.Ltmp12:
0xca: {  	(pc) =	sbr.rel @p0 .LBB2_12-.Ltmp12, $4  }
0xcb: {  	_ = 	snop  }
0xcc: {  	v7 =	vmax.f32 v7, v8  }
0xcd: {  	[tilespmem:s0+$0x92A0] =	vst v7;
	v7 =	vld [tilespmem:s0+$0x92B0]  }
0xce: {  	v8 =	vld [tilespmem:s1+$0x30]  }
.Ltmp13:
0xcf: {  	_ = 	snop;
	(pc) =	sbr.rel .LBB2_13-.Ltmp13, $1  }
0xd0: {  	_ =	sdelay $0x3  }
.LBB2_17:
0xd1: {  	_ =	sfence.sel $0x180000  }
0xd2: {  	[bflag:$0x0] =	sbarrier.arrive $0xFFFF  }
0xd3: {  	_ =	strace $0x90000050  }
0xd4: {  	s0 =	stileid.u32;
	[bflag:$0x2] =	sbarrier.arrive $0xFFFF  }
0xd5: {  	p0 =	sne.s32 s0, $0x0;
	s0 =	rddreg [dreg:$0x2]  }
0xd6: {  	s0 =	sadd.s32 @!p0 $0x100000, s0  }
0xd7: {  	[sflag:s0] =	ssyncadd.tile.s32 @!p0 $0x1;
	_ =	shalt  }
.Lfunc_end2:
_tile_overlayer_lowered:
.L_overlay_start_2:
0xd8: {  	(tag) =	ssettag $0x2  }
0xd9: {  	s0 =	rddreg [dreg:$0x0];
	s2 =	stileid.u32  }
0xda: {  	s1 =	rddreg [dreg:$0x1];
	p0 =	sne.s32 s2, $0x0  }
0xdb: {  	s3 =	rddreg [dreg:$0x2];
	[bflag:$0x3] =	sbarrier.arrive $0xFFFF;
	s2 =	simm.s32 @!p0 $0x1C02  }
0xdc: {  	[timem:s3], [sflag:s2] =	dma.local @!p0 [hbm:s0], s1  }
0xdd: {  	s0 =	simm.s32 @!p0 $0x2  }
0xde: {  	_ =	swait.ge @!p0 [sflag:s0], s1  }
0xdf: {  	s1 =	ssub.s32 @!p0 $0x0, s1;
	[sflag:s0] =	ssyncset.done @!p0 $0x0  }
0xe0: {  	[sflag:s0] =	ssyncadd.s32 @!p0 s1  }
0xe1: {  	[bflag:$0x3] =	sbarrier.arrive $0xFFFF  }
0xe2: {  	_ =	shalt  }

// kernel: kernel.19.cloned.1.call-start
scs
__scs_entry_jumppad:
0x0: {  	(pc) =	sbr.rel $0x88, $3  }
0x1: {  	(tag) =	ssettag $0x0;
	lr =	simm.s32 $0x1  }
0x2: {  	[smem:$0x3F8A] =	sst lr;
	_ =	strace $0xD0000000  }
0x3: {  	_ = 	snop  }
0x4: {  	_ = 	snop  }
0x5: {  	_ = 	snop  }
0x6: {  	_ = 	snop  }
0x7: {  	_ = 	snop  }
__scs_overlays_trampoline_lowered:
0x8: {  	[smem:$0x3F99] =	sst s0  }
0x9: {  	[smem:$0x3F9A] =	sst s1  }
0xa: {  	[smem:$0x3F9B] =	sst s2  }
0xb: {  	[smem:$0x3F9C] =	sst s3  }
0xc: {  	[smem:$0x3F9D] =	sst s4  }
0xd: {  	[smem:$0x3F9E] =	sst s5  }
0xe: {  	[smem:$0x3F9F] =	sst s6  }
0xf: {  	[smem:$0x3FA0] =	sst s7  }
0x10: {  	[smem:$0x3FA1] =	sst s8  }
0x11: {  	[smem:$0x3FA2] =	sst s9;
	s0 =	simm.s32 @!p0 $0x0  }
0x12: {  	s1 =	sld [smem:$0x3F88];
	s0 =	simm.s32 @p0 $0x1  }
0x13: {  	[smem:$0x3FA3] =	sst s0;
	s0 =	simm.s32 @!p1 $0x0  }
0x14: {  	s2 =	sld [smem:$0x3F87];
	s0 =	simm.s32 @p1 $0x1  }
0x15: {  	[smem:$0x3FA4] =	sst s0;
	s0 =	simm.s32 @!p2 $0x0  }
0x16: {  	s3 =	sld [smem:$0x3FDB];
	s0 =	simm.s32 @p2 $0x1  }
0x17: {  	s4 =	simm.s32 $0x1BF5;
	[smem:$0x3FA6] =	sst s0  }
0x18: {  	s0 =	sld [smem:$0x3F89];
	_ =	swait.ge [sflag:s4], $0x0  }
0x19: {  	s7 =	sld [smem:$0x3F8A]  }
0x1a: {  	s8 =	sadd.s32 $0xFFFFE003, lr  }
0x1b: {  	s9 =	sadd.s32 $0xFFFFFEF7, lr;
	s5 =	simm.s32 $0xFFFFFFFF;
	p2 =	slt.u32 s8, $0xFFFFF086  }
0x1c: {  	p1 =	slt.u32 s9, $0xF7A;
	s5 =	simm.s32 @!p2 $0x0  }
0x1d: {  	s5 =	simm.s32 @p1 $0x1;
	p0 =	seq.s32 s7, s2  }
0x1e: {  	s7 =	smul.u32 @!p0 $0xF7A, s2;
	p2 =	seq.s32 @!p0 s5, $0x0  }
0x1f: {  	s9 =	smul.u32 $0xF7A, s1;
	s8 =	simm.s32 @!p0 $0x1BF5;
	p2 =	por !p2, p0  }
0x20: {  	[sflag:s8] =	ssyncset.s32 @!p0 $0xFFFFF086;
	s6 =	sadd.s32 @!p0 s3, s7;
	s7 =	simm.s32 @!p0 $0x108  }
0x21: {  	s3 =	sadd.s32 s3, s9;
	s6 =	sadd.s32 @!p0 $0x88, s6;
	s7 =	simm.s32 @p2 $0x1082  }
0x22: {  	[simem:s7], [sflag:s8] =	dma.local @!p0 [hbm:s6], $0xF7A  }
0x23: {  	s9 =	sor.u32 $0xD0000000, s2;
	s6 =	simm.s32 $0x108;
	_ =	swait.ge @!p0 [sflag:s8], $0x0  }
0x24: {  	s3 =	sadd.s32 $0x88, s3;
	s6 =	simm.s32 @!p1 $0x1082;
	[sflag:s4] =	ssyncset.s32 $0xFFFFF086  }
0x25: {  	[simem:s6], [sflag:s4] =	dma.local [hbm:s3], $0xF7A  }
0x26: {  	[smem:$0x3F8A] =	sst s1;
	(tag) =	ssettag s2;
	_ =	strace s9  }
0x27: {  	s1 =	sld [smem:$0x3F9A]  }
0x28: {  	s2 =	sld [smem:$0x3F9B]  }
0x29: {  	s4 =	sld [smem:$0x3F9D]  }
0x2a: {  	p0 =	seq.s32 s5, $0x0;
	s5 =	sld [smem:$0x3F9E]  }
0x2b: {  	s6 =	sld [smem:$0x3F9F]  }
0x2c: {  	s7 =	sld [smem:$0x3FA0]  }
0x2d: {  	s3 =	simm.s32 $0x108;
	s8 =	sld [smem:$0x3FA1]  }
0x2e: {  	s3 =	simm.s32 @!p0 $0x1082;
	s9 =	sld [smem:$0x3FA2]  }
0x2f: {  	lr =	sadd.s32 s0, s3;
	s0 =	sld [smem:$0x3F99]  }
0x30: {  	s3 =	sld [smem:$0x3F9C]  }
0x31: {  	[smem:$0x3FA5] =	sst s10  }
0x32: {  	s10 =	sld [smem:$0x3FA3];
	_ =	sdelay $0x3  }
0x33: {  	p0 =	seq.s32 s10, $0x1;
	s10 =	sld [smem:$0x3FA5];
	_ =	sdelay $0x3  }
0x34: {  	[smem:$0x3FA5] =	sst s10  }
0x35: {  	s10 =	sld [smem:$0x3FA4];
	_ =	sdelay $0x3  }
0x36: {  	p1 =	seq.s32 s10, $0x1;
	s10 =	sld [smem:$0x3FA5];
	_ =	sdelay $0x3  }
0x37: {  	[smem:$0x3FA5] =	sst s10  }
0x38: {  	s10 =	sld [smem:$0x3FA6]  }
0x39: {  	_ = 	snop;
	(pc) =	sbr.ind lr, $3  }
0x3a: {  	_ = 	snop  }
0x3b: {  	_ = 	snop  }
0x3c: {  	p2 =	seq.s32 s10, $0x1;
	s10 =	sld [smem:$0x3FA5]  }
0x3d: {  	_ =	shalt  }
0x3e: {  	_ =	shalt  }
0x3f: {  	_ =	shalt  }
0x40: {  	_ =	shalt  }
0x41: {  	_ =	shalt  }
0x42: {  	_ =	shalt  }
0x43: {  	_ =	shalt  }
0x44: {  	_ =	shalt  }
0x45: {  	_ =	shalt  }
0x46: {  	_ =	shalt  }
0x47: {  	_ =	shalt  }
0x48: {  	_ =	shalt  }
0x49: {  	_ =	shalt  }
0x4a: {  	_ =	shalt  }
0x4b: {  	_ =	shalt  }
0x4c: {  	_ =	shalt  }
0x4d: {  	_ =	shalt  }
0x4e: {  	_ =	shalt  }
0x4f: {  	_ =	shalt  }
0x50: {  	_ =	shalt  }
0x51: {  	_ =	shalt  }
0x52: {  	_ =	shalt  }
0x53: {  	_ =	shalt  }
0x54: {  	_ =	shalt  }
0x55: {  	_ =	shalt  }
0x56: {  	_ =	shalt  }
0x57: {  	_ =	shalt  }
0x58: {  	_ =	shalt  }
0x59: {  	_ =	shalt  }
0x5a: {  	_ =	shalt  }
0x5b: {  	_ =	shalt  }
0x5c: {  	_ =	shalt  }
0x5d: {  	_ =	shalt  }
0x5e: {  	_ =	shalt  }
0x5f: {  	_ =	shalt  }
0x60: {  	_ =	shalt  }
0x61: {  	_ =	shalt  }
0x62: {  	_ =	shalt  }
0x63: {  	_ =	shalt  }
0x64: {  	_ =	shalt  }
0x65: {  	_ =	shalt  }
0x66: {  	_ =	shalt  }
0x67: {  	_ =	shalt  }
0x68: {  	_ =	shalt  }
0x69: {  	_ =	shalt  }
0x6a: {  	_ =	shalt  }
0x6b: {  	_ =	shalt  }
0x6c: {  	_ =	shalt  }
0x6d: {  	_ =	shalt  }
0x6e: {  	_ =	shalt  }
0x6f: {  	_ =	shalt  }
0x70: {  	_ =	shalt  }
0x71: {  	_ =	shalt  }
0x72: {  	_ =	shalt  }
0x73: {  	_ =	shalt  }
0x74: {  	_ =	shalt  }
0x75: {  	_ =	shalt  }
0x76: {  	_ =	shalt  }
0x77: {  	_ =	shalt  }
0x78: {  	_ =	shalt  }
0x79: {  	_ =	shalt  }
0x7a: {  	_ =	shalt  }
0x7b: {  	_ =	shalt  }
0x7c: {  	_ =	shalt  }
0x7d: {  	_ =	shalt  }
0x7e: {  	_ =	shalt  }
0x7f: {  	_ =	shalt  }
0x80: {  	_ =	shalt  }
0x81: {  	_ =	shalt  }
0x82: {  	_ =	shalt  }
0x83: {  	_ =	shalt  }
0x84: {  	_ =	shalt  }
0x85: {  	_ =	shalt  }
0x86: {  	_ =	shalt  }
0x87: {  	_ =	shalt  }
.Lfunc_end0:
.L_simem_size_0:
called_computation.2_lowered:
.L_overlay_start_0:
0x88: {  	s2 =	sld [smem:$0x3FD9]  }
0x89: {  	s3 =	sld [smem:$0x3FFE];
	_ =	sdelay $0x1  }
0x8a: {  	s1 =	srdreg.scid  }
0x8b: {  	s0 =	sand.u32 $0x1, s1  }
0x8c: {  	s17 =	sshll.u32 s0, $0xA;
	s2 =	sadd.s32 s3, s2  }
0x8d: {  	s2 =	sadd.s32 s2, s17  }
0x8e: {  	[smem:$0x3FB1] =	sst s2  }
0x8f: {  	_ = 	snop  }
0x90: {  	s2 =	sld [smem:$0x3FD0];
	(tm) =	ssettm $0x1  }
0x91: {  	s18 =	sld [smem:$0x3FFB];
	_ =	sdelay $0x3  }
0x92: {  	_ =	strace s18  }
0x93: {  	s3 =	sld [smem:$0x3FFC];
	_ =	sdelay $0x3  }
0x94: {  	_ =	strace s3  }
0x95: {  	s3 =	sld [smem:$0x3FFD];
	_ =	sdelay $0x3  }
0x96: {  	_ =	strace s3  }
0x97: {  	_ =	strace $0x8FFFFFFF  }
0x98: {  	s19 =	sld [smem:$0x3FDB];
	_ =	sdelay $0x1  }
0x99: {  	s4 =	simm.s32 $_scs_section_size  }
0x9a: {  	s5 =	simm.s32 $_size__tile_overlayer_lowered;
	s6 =	simm.s32 $_tile_overlayer_lowered  }
0x9b: {  	s22 =	simm.s32 $0x1BFF;
	s21 =	sshll.u32 s6, $0x1;
	s3 =	sadd.s32 s4, s19  }
0x9c: {  	s7 =	simm.s32 $0x0;
	s20 =	sshll.u32 s5, $0x1;
	s5 =	sadd.s32 s21, s3  }
0x9d: {  	[timem:s7], [sflag:s22] =	dma.local [hbm:s5], s20  }
0x9e: {  	_ =	swait.ge [sflag:s22], s20  }
0x9f: {  	s4 =	ssub.s32 $0x0, s20;
	[sflag:s22] =	ssyncset.done $0x0  }
0xa0: {  	[sflag:s22] =	ssyncadd.s32 s4;
	_ =	sdelay $0x1  }
0xa1: {  	s23 =	simm.s32 $0x1B8B  }
0xa2: {  	_ =	swait.ge [sflag:s23], $0x1  }
0xa3: {  	[sflag:s23] =	ssyncset.done $0x0  }
0xa4: {  	s25 =	simm.s32 $0x1B8E;
	s24 =	sld [smem:$0x3FFE];
	[sflag:s23] =	ssyncadd.s32 $0xFFFFFFFF  }
0xa5: {  	s26 =	simm.s32 $execute0_lowered;
	[smem:$0x3FD2] =	sst s25  }
0xa6: {  	s5 =	sshll.u32 s26, $0x1;
	_ =	strace $0x80000046;
	[dreg:$0x1] =	wrdreg $0xFFFFFFFF  }
0xa7: {  	s28 =	simm.s32 $_size_execute0_lowered;
	s3 =	sadd.s32 s3, s5;
	[dreg:$0x0] =	wrdreg $0x0  }
0xa8: {  	s5 =	sshll.u32 s28, $0x1;
	[dreg:$0x2] =	wrdreg s3  }
0xa9: {  	[dreg:$0x3] =	wrdreg s5  }
0xaa: {  	[dreg:$0x4] =	wrdreg $0xC0  }
0xab: {  	_ =	task [dreg:s7], $0x5FFFF  }
0xac: {  	[dreg:$0x1] =	wrdreg $0xFFFFFFFF  }
0xad: {  	[dreg:$0x0] =	wrdreg $0x60  }
0xae: {  	[dreg:$0x2] =	wrdreg s24  }
0xaf: {  	[dreg:$0x3] =	wrdreg s2  }
0xb0: {  	[dreg:$0x4] =	wrdreg $0xA  }
0xb1: {  	_ =	task.clear_ibuf [dreg:s7], $0x5FFFF;
	_ =	strace $0x90000046  }
0xb2: {  	s29 =	simm.s32 $0xA;
	_ =	strace $0x80000048  }
0xb3: {  	_ =	swait.ge [sflag:s29], $0x1  }
0xb4: {  	[sflag:s29] =	ssyncadd.s32 $0xFFFFFFFF  }
0xb5: {  	_ =	strace $0x90000048  }
0xb6: {  	_ =	sfence  }
0xb7: {  	s30 =	sld [smem:$0x0];
	_ =	sdelay $0x2  }
0xb8: {  	s31 =	sshll.u32 s1, $0xD;
	s1 =	sshrl.u32 s1, $0x2  }
0xb9: {  	s3 =	sand.u32 $0x4000, s31;
	s1 =	sadd.s32 s1, s30  }
0xba: {  	s0 =	sor.u32 s3, s0;
	s1 =	sshll.u32 s1, $0x11  }
0xbb: {  	s0 =	sor.u32 s1, s0  }
0xbc: {  	s0 =	sadd.s32 $0x8F2B, s0  }
0xbd: {  	[sflag:s0] =	ssyncadd.remote.s32 $0x1  }
0xbe: {  	_ =	sfence.sel $0xFFFF  }
0xbf: {  	[dreg:$0x0] =	wrdreg $0xFFFFFFFF;
	(pc) =	sbr.abs _section_cstart, $3  }
0xc0: {  	[dreg:$0x1] =	wrdreg $0xFFFFFFFF  }
0xc1: {  	_ =	task.clear_ibuf [dreg:s7], $0x2FFFF;
	_ =	strace $0x9FFFFFFF  }
0xc2: {  	(tm) =	ssettm $0x7FFFFFFF  }
0xc3: {  	_ =	shalt  }
tec
execute0_lowered:
.L_overlay_start_1:
0x0: {  	(tag) =	ssettag $0x1  }
0x1: {  	s0 =	srdreg.scid;
	s21 =	rddreg [dreg:$0x0]  }
0x2: {  	s5 =	stileid.u32;
	s9 =	rddreg [dreg:$0x1]  }
0x3: {  	s3 =	simm.s32 $0x1;
	s2 =	simm.s32 $0x0;
	s0 =	sand.u32 $0x1, s0  }
0x4: {  	s28 =	simm.s32 $0xC580;
	s29 =	simm.s32 $0x4F00;
	s1 =	sor.u32 s0, s5  }
0x5: {  	s30 =	simm.s32 $0xED00;
	p0 =	seq.s32 s0, $0x1;
	p1 =	seq.s32 s1, $0x0  }
0x6: {  	s31 =	simm.s32 $0x7680;
	[smem:$0x7FF] =	sst s2;
	p1 =	por !p1, !p0  }
0x7: {  	s11 =	sadd.s32 $0x17600, s21;
	s6 =	sadd.s32 $0x52A00, s21;
	p1 =	por !p1, !p1  }
0x8: {  	s7 =	sadd.s32 $0x5CC00, s21;
	s0 =	ssub.s32 $0x2, s0;
	s3 =	simm.s32 @!p1 $0x0  }
0x9: {  	_ =	strace $0x80000047;
	s8 =	sshrl.u32 s0, $0x1;
	s4 =	ssub.s32 s5, s3  }
0xa: {  	s0 =	ssub.s32 s0, s8;
	s8 =	simm.s32 $0x1;
	s4 =	sshrl.u32 s4, $0x1  }
0xb: {  	s0 =	smax.u32 s0, $0x1;
	s5 =	sadd.s32 s3, s5;
	s14 =	sand.u32 $0x1FFFFFFF, s4  }
0xc: {  	[dreg:$0xc] =	wrdreg s0;
	s5 =	sshll.u32 s5, $0x9;
	s15 =	smul.u32 $0x13C00, s14  }
0xd: {  	s3 =	sadd.s32 $0xD400, s21;
	s4 =	sadd.s32 $0x3200, s21;
	s5 =	sand.u32 $0x200, s5  }
0xe: {  	s12 =	sor.u32 $0x100, s5;
	s13 =	sor.u32 $0x180, s5;
	s10 =	sor.u32 s5, s15  }
0xf: {  	s21 =	smul.u32 $0x288000, s14;
	s16 =	sor.u32 s12, s15;
	s22 =	sshrl.u32 s10, $0x3  }
0x10: {  	s14 =	simm.s32 $0x15400;
	s16 =	sshrl.u32 s16, $0x3;
	s10 =	sadd.s32 s11, s22  }
0x11: {  	s1 =	sadd.s32 s9, s22;
	s24 =	sadd.s32 s11, s16;
	[dreg:$0x3] =	wrdreg s10  }
0x12: {  	s26 =	sadd.s32 s9, s16;
	s10 =	sor.u32 $0x80, s5;
	[dreg:$0x4] =	wrdreg s1  }
0x13: {  	s16 =	simm.s32 $0x16400;
	[dreg:$0x7] =	wrdreg s24;
	s23 =	sor.u32 s10, s15  }
0x14: {  	[dreg:$0x8] =	wrdreg s26;
	s24 =	simm.s32 $0x400;
	s1 =	sshrl.u32 s23, $0x3  }
0x15: {  	s26 =	simm.s32 $0x2780;
	s15 =	sor.u32 s13, s15;
	s17 =	sadd.s32 s11, s1  }
0x16: {  	s25 =	sshrl.u32 s15, $0x3;
	s1 =	sadd.s32 s9, s1;
	[dreg:$0x5] =	wrdreg s17  }
0x17: {  	s23 =	simm.s32 $0x80;
	s11 =	sadd.s32 s11, s25;
	[dreg:$0x6] =	wrdreg s1  }
0x18: {  	s15 =	simm.s32 $0x15C00;
	[dreg:$0x9] =	wrdreg s11;
	s11 =	simm.s32 $0x28800  }
0x19: {  	s1 =	sadd.s32 s9, s25;
	s25 =	simm.s32 $0x9E00;
	s17 =	simm.s32 $0x16C00  }
0x1a: {  	s9 =	simm.s32 $0x0;
	[dreg:$0xb] =	wrdreg s1;
	s11 =	simm.s32 @!p0 $0x0  }
0x1b: {  	s1 =	simm.s32 $0x11480;
	[dreg:$0xa] =	wrdreg s11;
	s11 =	simm.s32 $0x14C00  }
.LBB2_1:
0x1c: {  	[dreg:$0xd] =	wrdreg s9  }
0x1d: {  	s0 =	rddreg [dreg:$0x3]  }
0x1e: {  	[tilespmem:s2], [sflag:$0x1] =	stream.strided.gather [hbm4b:s0+s23], $0x2780, s24, s23, $0x38;
	[tilespmem:$0x17400] =	vst v63  }
0x1f: {  	_ =	swait.ge [sflag:s8], $0x2780  }
0x20: {  	[sflag:s8] =	ssyncset.done $0x0  }
0x21: {  	s20 =	rddreg [dreg:$0x4];
	[sflag:s8] =	ssyncadd.s32 $0xFFFFD880  }
0x22: {  	[tilespmem:s25], [sflag:$0x1] =	stream.strided.gather [hbm4b:s20+s23], $0x2780, s24, s23, $0x38;
	[tilespmem:$0x17400] =	vst v63  }
0x23: {  	_ =	swait.ge [sflag:s8], $0x2780  }
0x24: {  	[sflag:s8] =	ssyncset.done $0x0  }
0x25: {  	s22 =	rddreg [dreg:$0x5];
	[sflag:s8] =	ssyncadd.s32 $0xFFFFD880  }
0x26: {  	[tilespmem:s26], [sflag:$0x1] =	stream.strided.gather [hbm4b:s22+s23], $0x2780, s24, s23, $0x38;
	[tilespmem:$0x17400] =	vst v63  }
0x27: {  	_ =	swait.ge [sflag:s8], $0x2780  }
0x28: {  	[sflag:s8] =	ssyncset.done $0x0  }
0x29: {  	s9 =	rddreg [dreg:$0x6];
	[sflag:s8] =	ssyncadd.s32 $0xFFFFD880  }
0x2a: {  	[tilespmem:s28], [sflag:$0x1] =	stream.strided.gather [hbm4b:s9+s23], $0x2780, s24, s23, $0x38;
	[tilespmem:$0x17400] =	vst v63  }
0x2b: {  	_ =	swait.ge [sflag:s8], $0x2780  }
0x2c: {  	[sflag:s8] =	ssyncset.done $0x0  }
0x2d: {  	s18 =	rddreg [dreg:$0x7];
	[sflag:s8] =	ssyncadd.s32 $0xFFFFD880  }
0x2e: {  	[tilespmem:s29], [sflag:$0x1] =	stream.strided.gather [hbm4b:s18+s23], $0x2780, s24, s23, $0x38;
	[tilespmem:$0x17400] =	vst v63  }
0x2f: {  	_ =	swait.ge [sflag:s8], $0x2780  }
0x30: {  	[sflag:s8] =	ssyncset.done $0x0  }
0x31: {  	s19 =	rddreg [dreg:$0x8];
	[sflag:s8] =	ssyncadd.s32 $0xFFFFD880  }
0x32: {  	[tilespmem:s30], [sflag:$0x1] =	stream.strided.gather [hbm4b:s19+s23], $0x2780, s24, s23, $0x38;
	[tilespmem:$0x17400] =	vst v63  }
0x33: {  	_ =	swait.ge [sflag:s8], $0x2780  }
0x34: {  	[sflag:s8] =	ssyncset.done $0x0  }
0x35: {  	s20 =	rddreg [dreg:$0x9];
	[sflag:s8] =	ssyncadd.s32 $0xFFFFD880  }
0x36: {  	[tilespmem:s31], [sflag:$0x1] =	stream.strided.gather [hbm4b:s20+s23], $0x2780, s24, s23, $0x38;
	[tilespmem:$0x17400] =	vst v63  }
0x37: {  	_ =	swait.ge [sflag:s8], $0x2780  }
0x38: {  	[sflag:s8] =	ssyncset.done $0x0  }
0x39: {  	s22 =	rddreg [dreg:$0xb];
	[sflag:s8] =	ssyncadd.s32 $0xFFFFD880  }
0x3a: {  	[tilespmem:s1], [sflag:$0x1] =	stream.strided.gather [hbm4b:s22+s23], $0x2780, s24, s23, $0x38;
	[tilespmem:$0x17400] =	vst v63  }
0x3b: {  	_ =	swait.ge [sflag:s8], $0x2780  }
0x3c: {  	[sflag:s8] =	ssyncset.done $0x0  }
0x3d: {  	s22 =	simm.s32 $0x0;
	s19 =	rddreg [dreg:$0xa];
	[sflag:s8] =	ssyncadd.s32 $0xFFFFD880  }
.LBB2_2:
0x3e: {  	s0 =	sshrl.u32 s19, $0x3  }
0x3f: {  	s18 =	simm.s32 $0x0;
	s20 =	simm.s32 $0x13C00;
	s9 =	sadd.s32 s3, s0  }
0x40: {  	[tilespmem:s20], [sflag:$0x1] =	stream.linear.gather [hbm4b:s9+s18], $0x800, $0x38;
	[tilespmem:$0x17400] =	vst v63  }
0x41: {  	_ =	swait.ge [sflag:s8], $0x800  }
0x42: {  	[sflag:s8] =	ssyncset.done $0x0  }
0x43: {  	s9 =	sadd.s32 s4, s0;
	s20 =	simm.s32 $0x14400;
	[sflag:s8] =	ssyncadd.s32 $0xFFFFF800  }
0x44: {  	[tilespmem:s20], [sflag:$0x1] =	stream.linear.gather [hbm4b:s9+s18], $0x800, $0x38;
	[tilespmem:$0x17400] =	vst v63  }
0x45: {  	_ =	swait.ge [sflag:s8], $0x800  }
0x46: {  	[sflag:s8] =	ssyncset.done $0x0  }
0x47: {  	s0 =	sadd.s32 s6, s0;
	[sflag:s8] =	ssyncadd.s32 $0xFFFFF800  }
0x48: {  	[tilespmem:s11], [sflag:$0x1] =	stream.linear.gather [hbm4b:s0+s18], $0x800, $0x38;
	[tilespmem:$0x17400] =	vst v63  }
0x49: {  	_ =	swait.ge [sflag:s8], $0x800  }
0x4a: {  	[sflag:s8] =	ssyncset.done $0x0  }
0x4b: {  	s20 =	simm.s32 $0x0;
	[sflag:s8] =	ssyncadd.s32 $0xFFFFF800  }
0x4c: {  	v0 =	vld [tilespmem:s20+$0x13C00]  }
0x4d: {  	v1 =	vld [tilespmem:s20+$0x14400];
	_ =	sdelay $0x6  }
0x4e: {  	v3 =	vld.idx.msk [tilespmem:v0+s25+$0x0], $0xffff  }
0x4f: {  	v4 =	vld.idx.msk [tilespmem:v1+s2+$0x0], $0xffff;
	_ =	sdelay $0x2  }
0x50: {  	v2 =	vld [tilespmem:s20+$0x14C00];
	_ =	sdelay $0x1  }
0x51: {  	v3 =	vadd.f32 v3, v4;
	_ =	sdelay $0x1  }
0x52: {  	v3 =	vmax.f32 v3, $0.0e+00  }
0x53: {  	v3 =	vmul.f32 v3, v2;
	_ =	sdelay $0x1  }
0x54: {  	[tilespmem:s20+$0x15400] =	vst v3  }
0x55: {  	v3 =	vld.idx.msk [tilespmem:v1+s26+$0x0], $0xffff  }
0x56: {  	v4 =	vld.idx.msk [tilespmem:v0+s28+$0x0], $0xffff;
	_ =	sdelay $0x4  }
0x57: {  	v3 =	vadd.f32 v4, v3;
	_ =	sdelay $0x1  }
0x58: {  	v3 =	vmax.f32 v3, $0.0e+00  }
0x59: {  	v3 =	vmul.f32 v3, v2;
	_ =	sdelay $0x1  }
0x5a: {  	[tilespmem:s20+$0x15C00] =	vst v3  }
0x5b: {  	v3 =	vld.idx.msk [tilespmem:v1+s29+$0x0], $0xffff  }
0x5c: {  	v4 =	vld.idx.msk [tilespmem:v0+s30+$0x0], $0xffff;
	_ =	sdelay $0x4  }
0x5d: {  	v3 =	vadd.f32 v4, v3;
	_ =	sdelay $0x1  }
0x5e: {  	v3 =	vmax.f32 v3, $0.0e+00  }
0x5f: {  	v3 =	vmul.f32 v3, v2;
	_ =	sdelay $0x1  }
0x60: {  	[tilespmem:s20+$0x16400] =	vst v3  }
0x61: {  	v3 =	vld.idx.msk [tilespmem:v1+s31+$0x0], $0xffff  }
0x62: {  	v4 =	vld.idx.msk [tilespmem:v0+s1+$0x0], $0xffff;
	_ =	sdelay $0x1  }
0x63: {  	s9 =	simm.s32 $0x10  }
0x64: {  	v0 =	vld [tilespmem:s9+$0x13C00]  }
0x65: {  	v1 =	vld [tilespmem:s9+$0x14400]  }
0x66: {  	s18 =	simm.s32 $0x80;
	v3 =	vadd.f32 v4, v3  }
.LBB2_3:
0x67: {  	p0 =	sne.s32 s18, $0x1FC0;
	s0 =	smov.u32 s18;
	s18 =	sadd.s32 $0x40, s18  }
0x68: {  	v3 =	vmax.f32 v3, $0.0e+00  }
0x69: {  	v2 =	vmul.f32 v3, v2;
	_ =	sdelay $0x1  }
0x6a: {  	[tilespmem:s20+$0x16C00] =	vst v2;
	s20 =	smov.u32 s9  }
0x6b: {  	v3 =	vld.idx.msk [tilespmem:v0+s25+$0x0], $0xffff  }
0x6c: {  	v4 =	vld.idx.msk [tilespmem:v1+s2+$0x0], $0xffff;
	_ =	sdelay $0x2  }
0x6d: {  	v2 =	vld [tilespmem:s20+$0x14C00];
	_ =	sdelay $0x2  }
0x6e: {  	v3 =	vadd.f32 v3, v4;
	_ =	sdelay $0x1  }
0x6f: {  	v3 =	vmax.f32 v3, $0.0e+00  }
0x70: {  	v3 =	vmul.f32 v3, v2;
	_ =	sdelay $0x1  }
0x71: {  	[tilespmem:s20+$0x15400] =	vst v3  }
0x72: {  	v3 =	vld.idx.msk [tilespmem:v1+s26+$0x0], $0xffff  }
0x73: {  	v4 =	vld.idx.msk [tilespmem:v0+s28+$0x0], $0xffff;
	_ =	sdelay $0x5  }
0x74: {  	v3 =	vadd.f32 v4, v3;
	_ =	sdelay $0x1  }
0x75: {  	v3 =	vmax.f32 v3, $0.0e+00  }
0x76: {  	v3 =	vmul.f32 v3, v2;
	_ =	sdelay $0x1  }
0x77: {  	[tilespmem:s20+$0x15C00] =	vst v3  }
0x78: {  	v3 =	vld.idx.msk [tilespmem:v1+s29+$0x0], $0xffff  }
0x79: {  	v4 =	vld.idx.msk [tilespmem:v0+s30+$0x0], $0xffff;
	_ =	sdelay $0x5  }
0x7a: {  	v3 =	vadd.f32 v4, v3;
	_ =	sdelay $0x1  }
0x7b: {  	v3 =	vmax.f32 v3, $0.0e+00  }
0x7c: {  	v3 =	vmul.f32 v3, v2;
	_ =	sdelay $0x1  }
0x7d: {  	[tilespmem:s20+$0x16400] =	vst v3  }
0x7e: {  	v3 =	vld.idx.msk [tilespmem:v1+s31+$0x0], $0xffff  }
0x7f: {  	v4 =	vld.idx.msk [tilespmem:v0+s1+$0x0], $0xffff;
	_ =	sdelay $0x1  }
.Ltmp0:
0x80: {  	(pc) =	sbr.rel @p0 .LBB2_3-.Ltmp0, $4  }
0x81: {  	s9 =	sshra.s32 s0, $0x2  }
0x82: {  	v0 =	vld [tilespmem:s9+$0x13C00]  }
0x83: {  	v1 =	vld [tilespmem:s9+$0x14400]  }
0x84: {  	v3 =	vadd.f32 v4, v3  }
0x85: {  	_ =	sdelay $0x1  }
0x86: {  	v3 =	vmax.f32 v3, $0.0e+00  }
0x87: {  	v2 =	vmul.f32 v3, v2;
	_ =	sdelay $0x1  }
0x88: {  	[tilespmem:s20+$0x16C00] =	vst v2  }
0x89: {  	v2 =	vld.idx.msk [tilespmem:v0+s25+$0x0], $0xffff  }
0x8a: {  	v59 =	vld.idx.msk [tilespmem:v1+s2+$0x0], $0xffff;
	_ =	sdelay $0x2  }
0x8b: {  	v4 =	vld [tilespmem:s9+$0x14C00];
	_ =	sdelay $0x1  }
0x8c: {  	v2 =	vadd.f32 v2, v59;
	_ =	sdelay $0x1  }
0x8d: {  	v2 =	vmax.f32 v2, $0.0e+00  }
0x8e: {  	v2 =	vmul.f32 v2, v4;
	_ =	sdelay $0x1  }
0x8f: {  	[tilespmem:s9+$0x15400] =	vst v2  }
0x90: {  	v2 =	vld.idx.msk [tilespmem:v1+s26+$0x0], $0xffff  }
0x91: {  	v60 =	vld.idx.msk [tilespmem:v0+s28+$0x0], $0xffff;
	_ =	sdelay $0x4  }
0x92: {  	v2 =	vadd.f32 v60, v2;
	_ =	sdelay $0x1  }
0x93: {  	v2 =	vmax.f32 v2, $0.0e+00  }
0x94: {  	v2 =	vmul.f32 v2, v4;
	_ =	sdelay $0x1  }
0x95: {  	[tilespmem:s9+$0x15C00] =	vst v2  }
0x96: {  	v2 =	vld.idx.msk [tilespmem:v1+s29+$0x0], $0xffff  }
0x97: {  	v61 =	vld.idx.msk [tilespmem:v0+s30+$0x0], $0xffff;
	_ =	sdelay $0x4  }
0x98: {  	v2 =	vadd.f32 v61, v2;
	_ =	sdelay $0x1  }
0x99: {  	v2 =	vmax.f32 v2, $0.0e+00  }
0x9a: {  	v2 =	vmul.f32 v2, v4;
	_ =	sdelay $0x1  }
0x9b: {  	[tilespmem:s9+$0x16400] =	vst v2  }
0x9c: {  	v62 =	vld.idx.msk [tilespmem:v1+s31+$0x0], $0xffff  }
0x9d: {  	v63 =	vld.idx.msk [tilespmem:v0+s1+$0x0], $0xffff;
	_ =	sdelay $0x4  }
0x9e: {  	v0 =	vadd.f32 v63, v62  }
0x9f: {  	s0 =	sshll.u32 s19, $0x3  }
0xa0: {  	s0 =	sadd.s32 s21, s0;
	v0 =	vmax.f32 v0, $0.0e+00  }
0xa1: {  	s18 =	sor.u32 s5, s0;
	v0 =	vmul.f32 v0, v4  }
0xa2: {  	s18 =	sshrl.u32 s18, $0x3  }
0xa3: {  	s20 =	sadd.s32 s7, s18;
	[tilespmem:s9+$0x16C00] =	vst v0  }
0xa4: {  	[hbm4b:s20+s23] =	stream.strided.scatter [tilespmem:s14], [sflag:$0x1], $0x800, s24, s23, $0x38;
	[tilespmem:$0x17400] =	vst v63  }
0xa5: {  	s18 =	sor.u32 s10, s0;
	_ =	swait.ge [sflag:s8], $0x800  }
0xa6: {  	s9 =	sshrl.u32 s18, $0x3;
	[sflag:s8] =	ssyncset.done $0x0  }
0xa7: {  	s9 =	sadd.s32 s7, s9;
	[sflag:s8] =	ssyncadd.s32 $0xFFFFF800  }
0xa8: {  	[hbm4b:s9+s23] =	stream.strided.scatter [tilespmem:s15], [sflag:$0x1], $0x800, s24, s23, $0x38;
	[tilespmem:$0x17400] =	vst v63  }
0xa9: {  	s20 =	sor.u32 s12, s0;
	_ =	swait.ge [sflag:s8], $0x800  }
0xaa: {  	s9 =	sshrl.u32 s20, $0x3;
	[sflag:s8] =	ssyncset.done $0x0  }
0xab: {  	s9 =	sadd.s32 s7, s9;
	[sflag:s8] =	ssyncadd.s32 $0xFFFFF800  }
0xac: {  	[hbm4b:s9+s23] =	stream.strided.scatter [tilespmem:s16], [sflag:$0x1], $0x800, s24, s23, $0x38;
	[tilespmem:$0x17400] =	vst v63  }
0xad: {  	s22 =	sadd.s32 $0x1, s22;
	s0 =	sor.u32 s13, s0;
	_ =	swait.ge [sflag:s8], $0x800  }
0xae: {  	p0 =	sne.s32 s22, $0x51;
	s0 =	sshrl.u32 s0, $0x3;
	[sflag:s8] =	ssyncset.done $0x0  }
.Ltmp1:
0xaf: {  	s0 =	sadd.s32 s7, s0;
	[sflag:s8] =	ssyncadd.s32 $0xFFFFF800;
	(pc) =	sbr.rel @p0 .LBB2_2-.Ltmp1, $4  }
0xb0: {  	[hbm4b:s0+s23] =	stream.strided.scatter [tilespmem:s17], [sflag:$0x1], $0x800, s24, s23, $0x38;
	[tilespmem:$0x17400] =	vst v63  }
0xb1: {  	_ =	swait.ge [sflag:s8], $0x800  }
0xb2: {  	[sflag:s8] =	ssyncset.done $0x0  }
0xb3: {  	s19 =	sadd.s32 $0x800, s19;
	[sflag:s8] =	ssyncadd.s32 $0xFFFFF800  }
0xb4: {  	s9 =	rddreg [dreg:$0xd]  }
0xb5: {  	s0 =	rddreg [dreg:$0xc];
	s9 =	sadd.s32 $0x1, s9  }
0xb6: {  	p0 =	sne.s32 s9, s0  }
.Ltmp2:
0xb7: {  	_ = 	snop;
	(pc) =	sbr.rel @p0 .LBB2_1-.Ltmp2, $1  }
0xb8: {  	_ =	sdelay $0x3  }
0xb9: {  	_ =	sfence.sel $0x180000  }
0xba: {  	[bflag:$0x0] =	sbarrier.arrive $0xFFFF  }
0xbb: {  	_ =	strace $0x90000047  }
0xbc: {  	s0 =	stileid.u32;
	[bflag:$0x2] =	sbarrier.arrive $0xFFFF  }
0xbd: {  	p0 =	sne.s32 s0, $0x0;
	s0 =	rddreg [dreg:$0x2]  }
0xbe: {  	s0 =	sadd.s32 @!p0 $0x100000, s0  }
0xbf: {  	[sflag:s0] =	ssyncadd.tile.s32 @!p0 $0x1;
	_ =	shalt  }
.Lfunc_end2:
_tile_overlayer_lowered:
.L_overlay_start_2:
0xc0: {  	(tag) =	ssettag $0x2  }
0xc1: {  	s0 =	rddreg [dreg:$0x0];
	s2 =	stileid.u32  }
0xc2: {  	s1 =	rddreg [dreg:$0x1];
	p0 =	sne.s32 s2, $0x0  }
0xc3: {  	s3 =	rddreg [dreg:$0x2];
	[bflag:$0x3] =	sbarrier.arrive $0xFFFF;
	s2 =	simm.s32 @!p0 $0x1C01  }
0xc4: {  	[timem:s3], [sflag:s2] =	dma.local @!p0 [hbm:s0], s1  }
0xc5: {  	s0 =	simm.s32 @!p0 $0x1  }
0xc6: {  	_ =	swait.ge @!p0 [sflag:s0], s1  }
0xc7: {  	s1 =	ssub.s32 @!p0 $0x0, s1;
	[sflag:s0] =	ssyncset.done @!p0 $0x0  }
0xc8: {  	[sflag:s0] =	ssyncadd.s32 @!p0 s1  }
0xc9: {  	[bflag:$0x3] =	sbarrier.arrive $0xFFFF  }
0xca: {  	_ =	shalt  }

// kernel: kernel.22.cloned.1.call-start
scs
__scs_entry_jumppad:
0x0: {  	(pc) =	sbr.rel $0x88, $3  }
0x1: {  	(tag) =	ssettag $0x0;
	lr =	simm.s32 $0x1  }
0x2: {  	[smem:$0x3F8A] =	sst lr;
	_ =	strace $0xD0000000  }
0x3: {  	_ = 	snop  }
0x4: {  	_ = 	snop  }
0x5: {  	_ = 	snop  }
0x6: {  	_ = 	snop  }
0x7: {  	_ = 	snop  }
__scs_overlays_trampoline_lowered:
0x8: {  	[smem:$0x3F99] =	sst s0  }
0x9: {  	[smem:$0x3F9A] =	sst s1  }
0xa: {  	[smem:$0x3F9B] =	sst s2  }
0xb: {  	[smem:$0x3F9C] =	sst s3  }
0xc: {  	[smem:$0x3F9D] =	sst s4  }
0xd: {  	[smem:$0x3F9E] =	sst s5  }
0xe: {  	[smem:$0x3F9F] =	sst s6  }
0xf: {  	[smem:$0x3FA0] =	sst s7  }
0x10: {  	[smem:$0x3FA1] =	sst s8  }
0x11: {  	[smem:$0x3FA2] =	sst s9;
	s0 =	simm.s32 @!p0 $0x0  }
0x12: {  	s1 =	sld [smem:$0x3F88];
	s0 =	simm.s32 @p0 $0x1  }
0x13: {  	[smem:$0x3FA3] =	sst s0;
	s0 =	simm.s32 @!p1 $0x0  }
0x14: {  	s2 =	sld [smem:$0x3F87];
	s0 =	simm.s32 @p1 $0x1  }
0x15: {  	[smem:$0x3FA4] =	sst s0;
	s0 =	simm.s32 @!p2 $0x0  }
0x16: {  	s3 =	sld [smem:$0x3FDB];
	s0 =	simm.s32 @p2 $0x1  }
0x17: {  	s4 =	simm.s32 $0x1BF5;
	[smem:$0x3FA6] =	sst s0  }
0x18: {  	s0 =	sld [smem:$0x3F89];
	_ =	swait.ge [sflag:s4], $0x0  }
0x19: {  	s7 =	sld [smem:$0x3F8A]  }
0x1a: {  	s8 =	sadd.s32 $0xFFFFE003, lr  }
0x1b: {  	s9 =	sadd.s32 $0xFFFFFEF7, lr;
	s5 =	simm.s32 $0xFFFFFFFF;
	p2 =	slt.u32 s8, $0xFFFFF086  }
0x1c: {  	p1 =	slt.u32 s9, $0xF7A;
	s5 =	simm.s32 @!p2 $0x0  }
0x1d: {  	s5 =	simm.s32 @p1 $0x1;
	p0 =	seq.s32 s7, s2  }
0x1e: {  	s7 =	smul.u32 @!p0 $0xF7A, s2;
	p2 =	seq.s32 @!p0 s5, $0x0  }
0x1f: {  	s9 =	smul.u32 $0xF7A, s1;
	s8 =	simm.s32 @!p0 $0x1BF5;
	p2 =	por !p2, p0  }
0x20: {  	[sflag:s8] =	ssyncset.s32 @!p0 $0xFFFFF086;
	s6 =	sadd.s32 @!p0 s3, s7;
	s7 =	simm.s32 @!p0 $0x108  }
0x21: {  	s3 =	sadd.s32 s3, s9;
	s6 =	sadd.s32 @!p0 $0x88, s6;
	s7 =	simm.s32 @p2 $0x1082  }
0x22: {  	[simem:s7], [sflag:s8] =	dma.local @!p0 [hbm:s6], $0xF7A  }
0x23: {  	s9 =	sor.u32 $0xD0000000, s2;
	s6 =	simm.s32 $0x108;
	_ =	swait.ge @!p0 [sflag:s8], $0x0  }
0x24: {  	s3 =	sadd.s32 $0x88, s3;
	s6 =	simm.s32 @!p1 $0x1082;
	[sflag:s4] =	ssyncset.s32 $0xFFFFF086  }
0x25: {  	[simem:s6], [sflag:s4] =	dma.local [hbm:s3], $0xF7A  }
0x26: {  	[smem:$0x3F8A] =	sst s1;
	(tag) =	ssettag s2;
	_ =	strace s9  }
0x27: {  	s1 =	sld [smem:$0x3F9A]  }
0x28: {  	s2 =	sld [smem:$0x3F9B]  }
0x29: {  	s4 =	sld [smem:$0x3F9D]  }
0x2a: {  	p0 =	seq.s32 s5, $0x0;
	s5 =	sld [smem:$0x3F9E]  }
0x2b: {  	s6 =	sld [smem:$0x3F9F]  }
0x2c: {  	s7 =	sld [smem:$0x3FA0]  }
0x2d: {  	s3 =	simm.s32 $0x108;
	s8 =	sld [smem:$0x3FA1]  }
0x2e: {  	s3 =	simm.s32 @!p0 $0x1082;
	s9 =	sld [smem:$0x3FA2]  }
0x2f: {  	lr =	sadd.s32 s0, s3;
	s0 =	sld [smem:$0x3F99]  }
0x30: {  	s3 =	sld [smem:$0x3F9C]  }
0x31: {  	[smem:$0x3FA5] =	sst s10  }
0x32: {  	s10 =	sld [smem:$0x3FA3];
	_ =	sdelay $0x3  }
0x33: {  	p0 =	seq.s32 s10, $0x1;
	s10 =	sld [smem:$0x3FA5];
	_ =	sdelay $0x3  }
0x34: {  	[smem:$0x3FA5] =	sst s10  }
0x35: {  	s10 =	sld [smem:$0x3FA4];
	_ =	sdelay $0x3  }
0x36: {  	p1 =	seq.s32 s10, $0x1;
	s10 =	sld [smem:$0x3FA5];
	_ =	sdelay $0x3  }
0x37: {  	[smem:$0x3FA5] =	sst s10  }
0x38: {  	s10 =	sld [smem:$0x3FA6]  }
0x39: {  	_ = 	snop;
	(pc) =	sbr.ind lr, $3  }
0x3a: {  	_ = 	snop  }
0x3b: {  	_ = 	snop  }
0x3c: {  	p2 =	seq.s32 s10, $0x1;
	s10 =	sld [smem:$0x3FA5]  }
0x3d: {  	_ =	shalt  }
0x3e: {  	_ =	shalt  }
0x3f: {  	_ =	shalt  }
0x40: {  	_ =	shalt  }
0x41: {  	_ =	shalt  }
0x42: {  	_ =	shalt  }
0x43: {  	_ =	shalt  }
0x44: {  	_ =	shalt  }
0x45: {  	_ =	shalt  }
0x46: {  	_ =	shalt  }
0x47: {  	_ =	shalt  }
0x48: {  	_ =	shalt  }
0x49: {  	_ =	shalt  }
0x4a: {  	_ =	shalt  }
0x4b: {  	_ =	shalt  }
0x4c: {  	_ =	shalt  }
0x4d: {  	_ =	shalt  }
0x4e: {  	_ =	shalt  }
0x4f: {  	_ =	shalt  }
0x50: {  	_ =	shalt  }
0x51: {  	_ =	shalt  }
0x52: {  	_ =	shalt  }
0x53: {  	_ =	shalt  }
0x54: {  	_ =	shalt  }
0x55: {  	_ =	shalt  }
0x56: {  	_ =	shalt  }
0x57: {  	_ =	shalt  }
0x58: {  	_ =	shalt  }
0x59: {  	_ =	shalt  }
0x5a: {  	_ =	shalt  }
0x5b: {  	_ =	shalt  }
0x5c: {  	_ =	shalt  }
0x5d: {  	_ =	shalt  }
0x5e: {  	_ =	shalt  }
0x5f: {  	_ =	shalt  }
0x60: {  	_ =	shalt  }
0x61: {  	_ =	shalt  }
0x62: {  	_ =	shalt  }
0x63: {  	_ =	shalt  }
0x64: {  	_ =	shalt  }
0x65: {  	_ =	shalt  }
0x66: {  	_ =	shalt  }
0x67: {  	_ =	shalt  }
0x68: {  	_ =	shalt  }
0x69: {  	_ =	shalt  }
0x6a: {  	_ =	shalt  }
0x6b: {  	_ =	shalt  }
0x6c: {  	_ =	shalt  }
0x6d: {  	_ =	shalt  }
0x6e: {  	_ =	shalt  }
0x6f: {  	_ =	shalt  }
0x70: {  	_ =	shalt  }
0x71: {  	_ =	shalt  }
0x72: {  	_ =	shalt  }
0x73: {  	_ =	shalt  }
0x74: {  	_ =	shalt  }
0x75: {  	_ =	shalt  }
0x76: {  	_ =	shalt  }
0x77: {  	_ =	shalt  }
0x78: {  	_ =	shalt  }
0x79: {  	_ =	shalt  }
0x7a: {  	_ =	shalt  }
0x7b: {  	_ =	shalt  }
0x7c: {  	_ =	shalt  }
0x7d: {  	_ =	shalt  }
0x7e: {  	_ =	shalt  }
0x7f: {  	_ =	shalt  }
0x80: {  	_ =	shalt  }
0x81: {  	_ =	shalt  }
0x82: {  	_ =	shalt  }
0x83: {  	_ =	shalt  }
0x84: {  	_ =	shalt  }
0x85: {  	_ =	shalt  }
0x86: {  	_ =	shalt  }
0x87: {  	_ =	shalt  }
.Lfunc_end0:
.L_simem_size_0:
called_computation.3_lowered:
.L_overlay_start_0:
0x88: {  	s2 =	sld [smem:$0x3FD9]  }
0x89: {  	s3 =	sld [smem:$0x3FFE];
	_ =	sdelay $0x1  }
0x8a: {  	s1 =	srdreg.scid  }
0x8b: {  	s0 =	sand.u32 $0x1, s1  }
0x8c: {  	s17 =	sshll.u32 s0, $0xA;
	s2 =	sadd.s32 s3, s2  }
0x8d: {  	s2 =	sadd.s32 s2, s17  }
0x8e: {  	[smem:$0x3FB1] =	sst s2  }
0x8f: {  	_ = 	snop  }
0x90: {  	(tm) =	ssettm $0x1  }
0x91: {  	s18 =	sld [smem:$0x3FFB];
	_ =	sdelay $0x3  }
0x92: {  	_ =	strace s18  }
0x93: {  	s2 =	sld [smem:$0x3FFC];
	_ =	sdelay $0x3  }
0x94: {  	_ =	strace s2  }
0x95: {  	s2 =	sld [smem:$0x3FFD];
	_ =	sdelay $0x3  }
0x96: {  	_ =	strace s2  }
0x97: {  	_ =	strace $0x8FFFFFFF  }
0x98: {  	s19 =	sld [smem:$0x3FDB];
	_ =	sdelay $0x1  }
0x99: {  	s20 =	simm.s32 $_scs_section_size  }
0x9a: {  	s4 =	simm.s32 $_size__tile_overlayer_lowered;
	s5 =	simm.s32 $_tile_overlayer_lowered  }
0x9b: {  	s6 =	simm.s32 $0x1BFF;
	s21 =	sshll.u32 s5, $0x1;
	s3 =	sadd.s32 s20, s19  }
0x9c: {  	s22 =	simm.s32 $0x0;
	s4 =	sshll.u32 s4, $0x1;
	s5 =	sadd.s32 s21, s3  }
0x9d: {  	[timem:s22], [sflag:s6] =	dma.local [hbm:s5], s4  }
0x9e: {  	_ =	swait.ge [sflag:s6], s4  }
0x9f: {  	s4 =	ssub.s32 $0x0, s4;
	[sflag:s6] =	ssyncset.done $0x0  }
0xa0: {  	[sflag:s6] =	ssyncadd.s32 s4;
	_ =	sdelay $0x1  }
0xa1: {  	s23 =	simm.s32 $0x1B8B  }
0xa2: {  	_ =	swait.ge [sflag:s23], $0x1  }
0xa3: {  	[sflag:s23] =	ssyncset.done $0x0  }
0xa4: {  	[sflag:s23] =	ssyncadd.s32 $0xFFFFFFFF  }
0xa5: {  	s4 =	sld [smem:$0x0]  }
0xa6: {  	s5 =	sand.u32 $0xFFFFFFFE, s1  }
0xa7: {  	p0 =	sne.s32 s1, s5  }
0xa8: {  	s5 =	sshll.u32 @p0 s5, $0xE  }
0xa9: {  	s5 =	sadd.s32 @p0 $0x11B8D, s5;
	s6 =	sshll.u32 @p0 s4, $0x11  }
0xaa: {  	s5 =	sor.u32 @p0 s6, s5  }
0xab: {  	[sflag:s5] =	ssyncadd.remote.s32 @p0 $0x1;
	_ =	sdelay $0x1  }
0xac: {  	s5 =	simm.s32 @p0 $0x1B8D  }
0xad: {  	_ =	swait.eq @p0 [sflag:s5], $0x1  }
0xae: {  	[sflag:s5] =	ssyncadd.s32 @p0 $0xFFFFFFFF  }
0xaf: {  	s6 =	sshll.u32 @!p0 s1, $0xE  }
0xb0: {  	s6 =	sor.u32 @!p0 $0x4000, s6;
	s5 =	simm.s32 @!p0 $0x1B8D  }
0xb1: {  	s4 =	sshll.u32 @!p0 s4, $0x11;
	s6 =	sadd.s32 @!p0 $0x11B8D, s6;
	_ =	swait.eq @!p0 [sflag:s5], $0x1  }
0xb2: {  	s4 =	sor.u32 @!p0 s4, s6;
	[sflag:s5] =	ssyncadd.s32 @!p0 $0xFFFFFFFF  }
0xb3: {  	s25 =	simm.s32 $0x1B8E;
	s24 =	sld [smem:$0x3FFE];
	[sflag:s4] =	ssyncadd.remote.s32 @!p0 $0x1  }
0xb4: {  	s26 =	simm.s32 $execute0_lowered;
	[smem:$0x3FD2] =	sst s25  }
0xb5: {  	s5 =	sshll.u32 s26, $0x1;
	_ =	strace $0x8000004C;
	[dreg:$0x1] =	wrdreg $0xFFFFFFFF  }
0xb6: {  	s28 =	simm.s32 $_size_execute0_lowered;
	s3 =	sadd.s32 s3, s5;
	[dreg:$0x0] =	wrdreg $0x0  }
0xb7: {  	s5 =	sshll.u32 s28, $0x1;
	[dreg:$0x2] =	wrdreg s3  }
0xb8: {  	[dreg:$0x3] =	wrdreg s5  }
0xb9: {  	[dreg:$0x4] =	wrdreg $0xC0  }
0xba: {  	_ =	task [dreg:s22], $0x5FFFF  }
0xbb: {  	[dreg:$0x1] =	wrdreg $0xFFFFFFFF  }
0xbc: {  	[dreg:$0x0] =	wrdreg $0x60  }
0xbd: {  	[dreg:$0x2] =	wrdreg s24  }
0xbe: {  	[dreg:$0x3] =	wrdreg $0xA  }
0xbf: {  	_ =	task.clear_ibuf [dreg:s22], $0x4FFFF;
	_ =	strace $0x9000004C  }
0xc0: {  	s29 =	simm.s32 $0xA;
	_ =	strace $0x8000004E  }
0xc1: {  	_ =	swait.ge [sflag:s29], $0x1  }
0xc2: {  	[sflag:s29] =	ssyncadd.s32 $0xFFFFFFFF  }
0xc3: {  	_ =	strace $0x9000004E  }
0xc4: {  	_ =	sfence  }
0xc5: {  	s30 =	sld [smem:$0x0];
	_ =	sdelay $0x2  }
0xc6: {  	s31 =	sshll.u32 s1, $0xD;
	s1 =	sshrl.u32 s1, $0x2  }
0xc7: {  	s4 =	sand.u32 $0x4000, s31;
	s1 =	sadd.s32 s1, s30  }
0xc8: {  	s0 =	sor.u32 s4, s0;
	s1 =	sshll.u32 s1, $0x11  }
0xc9: {  	s0 =	sor.u32 s1, s0  }
0xca: {  	s0 =	sadd.s32 $0x8F2B, s0  }
0xcb: {  	[sflag:s0] =	ssyncadd.remote.s32 $0x1  }
0xcc: {  	_ =	sfence.sel $0xFFFF  }
0xcd: {  	[dreg:$0x0] =	wrdreg $0xFFFFFFFF;
	(pc) =	sbr.abs _section_cstart, $3  }
0xce: {  	[dreg:$0x1] =	wrdreg $0xFFFFFFFF  }
0xcf: {  	_ =	task.clear_ibuf [dreg:s22], $0x2FFFF;
	_ =	strace $0x9FFFFFFF  }
0xd0: {  	(tm) =	ssettm $0x7FFFFFFF  }
0xd1: {  	_ =	shalt  }
tec
execute0_lowered:
.L_overlay_start_1:
0x0: {  	(tag) =	ssettag $0x1  }
0x1: {  	s0 =	rddreg [dreg:$0x0]  }
0x2: {  	s2 =	simm.s32 $0x0;
	s3 =	srdreg.scid;
	s1 =	stileid.u32  }
0x3: {  	s10 =	simm.s32 $0x2000;
	s12 =	simm.s32 $0x4180;
	s13 =	simm.s32 $0x1  }
0x4: {  	s14 =	simm.s32 $0x80;
	s4 =	sand.u32 $0x1, s3;
	s31 =	sshll.u32 s1, $0x1  }
0x5: {  	s15 =	simm.s32 $0x9280;
	s16 =	simm.s32 $0x0;
	s5 =	sor.u32 s4, s31  }
0x6: {  	[smem:$0x7FF] =	sst s2;
	s3 =	sadd.s32 $0x3200, s0;
	s6 =	smul.u32 $0x1400, s5  }
.Ltmp0:
0x7: {  	_ =	strace $0x8000004D;
	s7 =	ssub.s32 $0x2, s4;
	(pc) =	sbr.rel .LBB2_1-.Ltmp0, $4  }
0x8: {  	s4 =	sadd.s32 $0x52A00, s0;
	s8 =	sshrl.u32 s7, $0x1;
	s9 =	smul.u32 $0x140, s5  }
0x9: {  	v1 =	vlaneseq.u32;
	v3 =	vimm.f32 $-Inf;
	s5 =	sadd.s32 $0x5CC00, s0;
	s7 =	ssub.s32 s7, s8;
	s8 =	simm.s32 $0x2  }
0xa: {  	v4 =	vimm.s32 $0x0;
	v6 =	vimm.s32 $0x147;
	v5 =	vand.u32 $0x1, v1;
	s0 =	sadd.s32 s6, s0;
	s11 =	sadd.s32 $0x140, s9;
	s7 =	smax.u32 s7, $0x1  }
0xb: {  	v5 =	vmul.u32 $0x40, v5;
	v0 =	vmov s9;
	s9 =	simm.s32 $0x1000;
	s6 =	sadd.s32 $0xA9B200, s0;
	v2 =	vmov s11;
	s11 =	simm.s32 $0x3080  }
.LBB2_16:
0xc: {  	s16 =	sadd.s32 $0x1, s16  }
0xd: {  	p0 =	sne.s32 s16, s7  }
.Ltmp1:
0xe: {  	s0 =	simm.s32 $0x0;
	(pc) =	sbr.rel @!p0 .LBB2_17-.Ltmp1, $4  }
0xf: {  	[hbm4b:s6+s0] =	stream.linear.scatter [tilespmem:s15], [sflag:$0x2], $0xA000, $0x38;
	[tilespmem:$0x13680] =	vst v63  }
0x10: {  	_ =	swait.ge [sflag:s8], $0xA000  }
0x11: {  	[sflag:s8] =	ssyncset.done $0x0  }
0x12: {  	[sflag:s8] =	ssyncadd.s32 $0xFFFF6000  }
.LBB2_1:
0x13: {  	s17 =	simm.s32 $0x200;
	s0 =	simm.s32 $0x0  }
.LBB2_2:
0x14: {  	p0 =	sne.s32 s17, $0x28E00;
	[tilespmem:s0+$0x92B0] =	vst v3;
	s18 =	smov.u32 s17;
	s17 =	sadd.s32 $0x200, s17  }
.Ltmp2:
0x15: {  	[tilespmem:s0+$0x92A0] =	vst v3;
	(pc) =	sbr.rel @p0 .LBB2_2-.Ltmp2, $3  }
0x16: {  	[tilespmem:s0+$0x9280] =	vst v3  }
0x17: {  	[tilespmem:s0+$0x9290] =	vst v3;
	_ =	sdelay $0x1  }
0x18: {  	s0 =	sshra.s32 s18, $0x2  }
.Ltmp3:
0x19: {  	(pc) =	sbr.rel .LBB2_4-.Ltmp3, $4  }
0x1a: {  	[tilespmem:s0+$0x92B0] =	vst v3  }
0x1b: {  	[tilespmem:s0+$0x92A0] =	vst v3  }
0x1c: {  	[tilespmem:s0+$0x9280] =	vst v3  }
0x1d: {  	s17 =	simm.s32 $0x0;
	[tilespmem:s0+$0x9290] =	vst v3;
	s18 =	simm.s32 $0x0;
	s19 =	simm.s32 $0x0  }
.LBB2_15:
0x1e: {  	s19 =	sadd.s32 $0x1, s19  }
0x1f: {  	p0 =	sne.s32 s19, $0x51  }
.Ltmp4:
0x20: {  	_ = 	snop;
	(pc) =	sbr.rel @!p0 .LBB2_16-.Ltmp4, $2  }
0x21: {  	_ =	sdelay $0x2  }
0x22: {  	s18 =	sadd.s32 $0x1000, s18  }
.LBB2_4:
0x23: {  	s0 =	sshrl.u32 s18, $0x3  }
0x24: {  	s20 =	sadd.s32 s3, s0  }
0x25: {  	[tilespmem:s17], [sflag:$0x2] =	stream.linear.gather [hbm4b:s20+s17], $0x1000, $0x38;
	[tilespmem:$0x13680] =	vst v63  }
0x26: {  	_ =	swait.ge [sflag:s8], $0x1000  }
0x27: {  	[sflag:s8] =	ssyncset.done $0x0  }
0x28: {  	s0 =	sadd.s32 s4, s0;
	[sflag:s8] =	ssyncadd.s32 $0xFFFFF000  }
0x29: {  	[tilespmem:s9], [sflag:$0x2] =	stream.linear.gather [hbm4b:s0+s17], $0x1000, $0x38;
	[tilespmem:$0x13680] =	vst v63  }
0x2a: {  	_ =	swait.ge [sflag:s8], $0x1000  }
0x2b: {  	[sflag:s8] =	ssyncset.done $0x0  }
0x2c: {  	s29 =	simm.s32 $0x0;
	[sflag:s8] =	ssyncadd.s32 $0xFFFFF000  }
0x2d: {  	v7 =	vld [tilespmem:s29+$0x0]  }
0x2e: {  	v8 =	vld [tilespmem:s29+$0x1000];
	_ =	sdelay $0x3  }
0x2f: {  	vm0 =	vge.s32 v7, v0;
	vm1 =	vlt.s32 v7, v2  }
0x30: {  	vm0 =	vmand vm0, vm1;
	vm1 =	vgt.f32 v8, $5.000000000e-01  }
0x31: {  	vm0 =	vmand vm0, vm1  }
0x32: {  	v8 =	vsel vm0, $0x1, v4  }
0x33: {  	(xrf0) =	vadd.scan.msk.s32 $0xffff, v8;
	_ =	sdelay $0x2  }
0x34: {  	v8 =	vmov s17  }
0x35: {  	v8 =	vadd.s32 $0xFFFFFFFF, v8  }
0x36: {  	v8 =	vbroadcast v8, $0x0  }
0x37: {  	v9, _, _ =	vpop (xrf0)  }
0x38: {  	v8 =	vadd.s32 v9, v8;
	_ =	sdelay $0x2  }
0x39: {  	v9 =	vor.u32 s18, v1;
	(v2sf) =	vpush v8, $0xF  }
0x3a: {  	v9 =	vshrl.u32 v9, $0x1  }
0x3b: {  	v7 =	vsub.s32 v7, v0;
	[tilespmem:v8+s10+$0x0] =	vst.idx.msk vm0, v9  }
0x3c: {  	[tilespmem:v8+s11+$0x0] =	vst.idx.msk vm0, v7  }
0x3d: {  	s30 =	simm.s32 $0x10;
	[tilespmem:v8+s12+$0x0] =	vst.idx.msk vm0, v5  }
0x3e: {  	v7 =	vld [tilespmem:s30+$0x0]  }
0x3f: {  	v8 =	vld [tilespmem:s30+$0x1000];
	_ =	sdelay $0x3  }
0x40: {  	vm0 =	vge.s32 v7, v0;
	vm1 =	vlt.s32 v7, v2  }
0x41: {  	vm0 =	vmand vm0, vm1;
	vm1 =	vgt.f32 v8, $5.000000000e-01  }
0x42: {  	vm0 =	vmand vm0, vm1  }
0x43: {  	v8 =	vsel vm0, $0x1, v4  }
0x44: {  	(xrf0) =	vadd.scan.msk.s32 $0xffff, v8  }
0x45: {  	s31 =	spop (v2sf)  }
0x46: {  	s0 =	sadd.s32 $0x1, s31  }
0x47: {  	v9 =	vmov s0  }
0x48: {  	s21 =	simm.s32 $0xC0;
	s20 =	smov.u32 s18;
	s0 =	simm.s32 $0x80;
	v8 =	vadd.s32 $0xFFFFFFFF, v9  }
.LBB2_5:
0x49: {  	p0 =	sne.s32 s21, $0x3FC0;
	v8 =	vbroadcast v8, $0x0  }
0x4a: {  	v9, _, _ =	vpop (xrf0)  }
0x4b: {  	v8 =	vadd.s32 v9, v8  }
0x4c: {  	(v2sf) =	vpush v8, $0xF  }
0x4d: {  	s20 =	sadd.s32 $0x10, s20  }
0x4e: {  	v9 =	vor.u32 s20, v1  }
0x4f: {  	v9 =	vshrl.u32 v9, $0x1  }
0x50: {  	v7 =	vsub.s32 v7, v0;
	[tilespmem:v8+s10+$0x0] =	vst.idx.msk vm0, v9  }
0x51: {  	[tilespmem:v8+s11+$0x0] =	vst.idx.msk vm0, v7  }
0x52: {  	s22 =	sshra.s32 s0, $0x2;
	s0 =	smov.u32 s21;
	[tilespmem:v8+s12+$0x0] =	vst.idx.msk vm0, v5  }
0x53: {  	v7 =	vld [tilespmem:s22+$0x0]  }
0x54: {  	v8 =	vld [tilespmem:s22+$0x1000];
	_ =	sdelay $0x3  }
0x55: {  	vm0 =	vge.s32 v7, v0;
	vm1 =	vlt.s32 v7, v2  }
0x56: {  	vm0 =	vmand vm0, vm1;
	vm1 =	vgt.f32 v8, $5.000000000e-01  }
0x57: {  	vm0 =	vmand vm0, vm1  }
0x58: {  	v8 =	vsel vm0, $0x1, v4;
	s22 =	spop (v2sf)  }
.Ltmp5:
0x59: {  	(xrf0) =	vadd.scan.msk.s32 $0xffff, v8;
	s22 =	sadd.s32 $0x1, s22;
	(pc) =	sbr.rel @p0 .LBB2_5-.Ltmp5, $3  }
0x5a: {  	_ =	sdelay $0x1  }
0x5b: {  	v8 =	vmov s22  }
0x5c: {  	s21 =	sadd.s32 $0x40, s21;
	v8 =	vadd.s32 $0xFFFFFFFF, v8  }
0x5d: {  	v8 =	vbroadcast v8, $0x0  }
0x5e: {  	v9, _, _ =	vpop (xrf0)  }
0x5f: {  	v8 =	vadd.s32 v9, v8;
	_ =	sdelay $0x1  }
0x60: {  	s20 =	sadd.s32 $0x10, s20  }
0x61: {  	v9 =	vor.u32 s20, v1;
	(v2sf) =	vpush v8, $0xF  }
0x62: {  	v9 =	vshrl.u32 v9, $0x1  }
0x63: {  	v7 =	vsub.s32 v7, v0;
	[tilespmem:v8+s10+$0x0] =	vst.idx.msk vm0, v9  }
0x64: {  	[tilespmem:v8+s11+$0x0] =	vst.idx.msk vm0, v7  }
0x65: {  	s0 =	sshra.s32 s0, $0x2;
	[tilespmem:v8+s12+$0x0] =	vst.idx.msk vm0, v5  }
0x66: {  	v7 =	vld [tilespmem:s0+$0x0]  }
0x67: {  	v8 =	vld [tilespmem:s0+$0x1000];
	_ =	sdelay $0x3  }
0x68: {  	vm14 =	vge.s32 v7, v0;
	vm1 =	vlt.s32 v7, v2  }
0x69: {  	vm15 =	vgt.f32 v8, $5.000000000e-01;
	vm0 =	vmand vm14, vm1  }
0x6a: {  	vm0 =	vmand vm0, vm15  }
0x6b: {  	v8 =	vsel vm0, $0x1, v4  }
0x6c: {  	(xrf0) =	vadd.scan.msk.s32 $0xffff, v8  }
0x6d: {  	s30 =	spop (v2sf)  }
0x6e: {  	s0 =	sadd.s32 $0x1, s30  }
0x6f: {  	v8 =	vmov s0  }
0x70: {  	v8 =	vadd.s32 $0xFFFFFFFF, v8  }
0x71: {  	v8 =	vbroadcast v8, $0x0  }
0x72: {  	v9, _, _ =	vpop (xrf0)  }
0x73: {  	v9 =	vadd.s32 v9, v8  }
0x74: {  	(v2sf) =	vpush v9, $0xF;
	_ =	sdelay $0xd  }
0x75: {  	s31 =	sadd.s32 $0x10, s20  }
0x76: {  	v8 =	vor.u32 s31, v1;
	s0 =	spop (v2sf)  }
0x77: {  	v7 =	vsub.s32 v7, v0;
	v8 =	vshrl.u32 v8, $0x1;
	s20 =	sadd.s32 $0x1, s0  }
0x78: {  	[tilespmem:v9+s10+$0x0] =	vst.idx.msk vm0, v8;
	s21 =	sadd.s32 $0x0, s20  }
0x79: {  	[tilespmem:v9+s11+$0x0] =	vst.idx.msk vm0, v7;
	v8 =	vadd.s32 s21, v1  }
0x7a: {  	[tilespmem:v9+s12+$0x0] =	vst.idx.msk vm0, v5;
	s21 =	simm.s32 $0x10;
	v7 =	vmov v8  }
.LBB2_7:
0x7b: {  	p0 =	sne.s32 s21, $0x70  }
.Ltmp6:
0x7c: {  	_ = 	snop;
	(pc) =	sbr.rel @p0 .LBB2_7-.Ltmp6, $4  }
0x7d: {  	_ = 	snop  }
0x7e: {  	s22 =	sadd.s32 s21, s20;
	[tilespmem:v8+s10+$0x0] =	vst.idx.msk $0xffff, v4  }
0x7f: {  	v8 =	vadd.s32 s22, v1;
	[tilespmem:v7+s11+$0x0] =	vst.idx.msk $0xffff, v6  }
0x80: {  	s21 =	sadd.s32 $0x10, s21;
	[tilespmem:v7+s12+$0x0] =	vst.idx.msk $0xffff, v4;
	v7 =	vmov v8  }
0x81: {  	s21 =	sadd.s32 $0x80, s0;
	s30 =	sand.u32 $0x7F, s0  }
0x82: {  	s22 =	sshra.s32 s21, $0x1F;
	p0 =	slt.s32 s21, $0x1;
	p1 =	sne.s32 s30, $0x0  }
0x83: {  	s31 =	sshrl.u32 s22, $0x19;
	p0 =	por !p0, !p1  }
0x84: {  	s0 =	sadd.s32 s31, s21;
	p0 =	por !p0, !p0;
	s21 =	simm.s32 $0x1  }
0x85: {  	s0 =	sshra.s32 s0, $0x7;
	s21 =	simm.s32 @!p0 $0x0  }
0x86: {  	s21 =	ssub.s32 s0, s21  }
0x87: {  	p0 =	slt.s32 s21, $0x1  }
.Ltmp7:
0x88: {  	_ = 	snop;
	(pc) =	sbr.rel @p0 .LBB2_15-.Ltmp7, $4  }
0x89: {  	_ = 	snop  }
0x8a: {  	[tilespmem:v8+s10+$0x0] =	vst.idx.msk $0xffff, v4  }
0x8b: {  	[tilespmem:v7+s11+$0x0] =	vst.idx.msk $0xffff, v6  }
0x8c: {  	[tilespmem:v7+s12+$0x0] =	vst.idx.msk $0xffff, v4  }
.Ltmp8:
0x8d: {  	(pc) =	sbr.rel .LBB2_10-.Ltmp8, $3  }
0x8e: {  	_ =	sdelay $0x1  }
0x8f: {  	s22 =	simm.s32 $0x0;
	s23 =	simm.s32 $0x4180  }
0x90: {  	s24 =	simm.s32 $0x3080;
	s25 =	smov.u32 s20;
	s26 =	simm.s32 $0x0  }
.LBB2_13:
0x91: {  	v7 =	vmax.f32 v7, v8  }
0x92: {  	[tilespmem:s0+$0x92B0] =	vst v7  }
.LBB2_14:
0x93: {  	s26 =	sadd.s32 $0x1, s26  }
0x94: {  	p0 =	sne.s32 s26, s21  }
.Ltmp9:
0x95: {  	_ = 	snop;
	(pc) =	sbr.rel @!p0 .LBB2_15-.Ltmp9, $3  }
0x96: {  	_ =	sdelay $0x1  }
0x97: {  	s22 =	sadd.s32 $0x80, s22  }
0x98: {  	s25 =	sadd.s32 $0xFFFFFF80, s25;
	s23 =	sadd.s32 $0x80, s23;
	s24 =	sadd.s32 $0x80, s24  }
.LBB2_10:
0x99: {  	s31 =	ssub.s32 s20, s22  }
0x9a: {  	p0 =	slt.s32 s31, $0x1  }
.Ltmp10:
0x9b: {  	s0 =	sadd.s32 $0x2000, s22;
	s28 =	simm.s32 $0x5280;
	(pc) =	sbr.rel @p0 .LBB2_14-.Ltmp10, $4  }
0x9c: {  	[tilespmem:s28], [sflag:$0x1] =	stream.indirect.gather [hbm4b:s5+s14], $0x80, s0, s14, $0xb8;
	[tilespmem:$0x13680] =	vst v63  }
0x9d: {  	_ =	swait.ge [sflag:s13], $0x4000  }
0x9e: {  	[sflag:s13] =	ssyncset.done $0x0  }
0x9f: {  	[sflag:s13] =	ssyncadd.s32 $0xFFFFC000  }
0xa0: {  	v7 =	vld [tilespmem:s23+$0x0]  }
0xa1: {  	v8 =	vld [tilespmem:s24+$0x0];
	_ =	sdelay $0x3  }
0xa2: {  	(v2sf) =	vpush v7, $0x0  }
0xa3: {  	(v2sf) =	vpush v8, $0x0;
	_ =	sdelay $0xd  }
0xa4: {  	s0 =	spop (v2sf)  }
0xa5: {  	s0 =	sshll.u32 s0, $0x2;
	s29 =	spop (v2sf)  }
0xa6: {  	s29 =	sshll.u32 s29, $0x9;
	s30 =	sshra.s32 s0, $0x2  }
0xa7: {  	s0 =	sshra.s32 s29, $0x2;
	s29 =	sand.u32 $0xFFFFFFC0, s30  }
0xa8: {  	v7 =	vld [tilespmem:s0+$0x9280];
	s30 =	sadd.s32 $0x5280, s29  }
0xa9: {  	v8 =	vld [tilespmem:s30+$0x0];
	_ =	sdelay $0x4  }
0xaa: {  	v7 =	vmax.f32 v7, v8  }
0xab: {  	[tilespmem:s0+$0x9280] =	vst v7;
	v7 =	vld [tilespmem:s0+$0x9290]  }
0xac: {  	v8 =	vld [tilespmem:s30+$0x10];
	_ =	sdelay $0x4  }
0xad: {  	v7 =	vmax.f32 v7, v8  }
0xae: {  	[tilespmem:s0+$0x9290] =	vst v7;
	v7 =	vld [tilespmem:s0+$0x92A0]  }
0xaf: {  	v8 =	vld [tilespmem:s30+$0x20];
	_ =	sdelay $0x2  }
0xb0: {  	p0 =	sgt.s32 s25, $0x1;
	s29 =	smov.u32 s25  }
0xb1: {  	s29 =	simm.s32 @!p0 $0x1  }
0xb2: {  	s29 =	smin.u32 s29, $0x80;
	v7 =	vmax.f32 v7, v8  }
0xb3: {  	p0 =	sne.s32 s29, $0x1;
	[tilespmem:s0+$0x92A0] =	vst v7;
	v7 =	vld [tilespmem:s0+$0x92B0]  }
.Ltmp11:
0xb4: {  	v8 =	vld [tilespmem:s30+$0x30];
	(pc) =	sbr.rel @!p0 .LBB2_13-.Ltmp11, $2  }
0xb5: {  	_ =	sdelay $0x2  }
0xb6: {  	s31 =	smov.u32 s24;
	s29 =	sadd.s32 $0xFFFFFFFF, s29;
	s30 =	smov.u32 s23  }
.LBB2_12:
0xb7: {  	v7 =	vmax.f32 v7, v8;
	s30 =	sadd.s32 $0x1, s30;
	s31 =	sadd.s32 $0x1, s31;
	s28 =	sadd.s32 $0x80, s28  }
0xb8: {  	p0 =	sne.s32 s29, $0x1;
	s29 =	sadd.s32 $0xFFFFFFFF, s29;
	[tilespmem:s0+$0x92B0] =	vst v7  }
0xb9: {  	v7 =	vld [tilespmem:s30+$0x0]  }
0xba: {  	v8 =	vld [tilespmem:s31+$0x0];
	_ =	sdelay $0x3  }
0xbb: {  	(v2sf) =	vpush v7, $0x0  }
0xbc: {  	(v2sf) =	vpush v8, $0x0;
	_ =	sdelay $0xd  }
0xbd: {  	s0 =	spop (v2sf)  }
0xbe: {  	s0 =	sshll.u32 s0, $0x2;
	s1 =	spop (v2sf)  }
0xbf: {  	s1 =	sshll.u32 s1, $0x9;
	s2 =	sshra.s32 s0, $0x2  }
0xc0: {  	s0 =	sshra.s32 s1, $0x2;
	s1 =	sand.u32 $0xFFFFFFC0, s2  }
0xc1: {  	v7 =	vld [tilespmem:s0+$0x9280];
	s1 =	sadd.s32 s1, s28  }
0xc2: {  	v8 =	vld [tilespmem:s1+$0x0];
	_ =	sdelay $0x4  }
0xc3: {  	v7 =	vmax.f32 v7, v8  }
0xc4: {  	[tilespmem:s0+$0x9280] =	vst v7;
	v7 =	vld [tilespmem:s0+$0x9290]  }
0xc5: {  	v8 =	vld [tilespmem:s1+$0x10];
	_ =	sdelay $0x4  }
0xc6: {  	v7 =	vmax.f32 v7, v8  }
0xc7: {  	[tilespmem:s0+$0x9290] =	vst v7;
	v7 =	vld [tilespmem:s0+$0x92A0]  }
0xc8: {  	v8 =	vld [tilespmem:s1+$0x20];
	_ =	sdelay $0x2  }
.Ltmp12:
0xc9: {  	(pc) =	sbr.rel @p0 .LBB2_12-.Ltmp12, $4  }
0xca: {  	_ = 	snop  }
0xcb: {  	v7 =	vmax.f32 v7, v8  }
0xcc: {  	[tilespmem:s0+$0x92A0] =	vst v7;
	v7 =	vld [tilespmem:s0+$0x92B0]  }
0xcd: {  	v8 =	vld [tilespmem:s1+$0x30]  }
.Ltmp13:
0xce: {  	_ = 	snop;
	(pc) =	sbr.rel .LBB2_13-.Ltmp13, $1  }
0xcf: {  	_ =	sdelay $0x3  }
.LBB2_17:
0xd0: {  	_ =	sfence.sel $0x180000  }
0xd1: {  	[bflag:$0x0] =	sbarrier.arrive $0xFFFF  }
0xd2: {  	_ =	strace $0x9000004D  }
0xd3: {  	s0 =	stileid.u32;
	[bflag:$0x2] =	sbarrier.arrive $0xFFFF  }
0xd4: {  	p0 =	sne.s32 s0, $0x0;
	s0 =	rddreg [dreg:$0x1]  }
0xd5: {  	s0 =	sadd.s32 @!p0 $0x100000, s0  }
0xd6: {  	[sflag:s0] =	ssyncadd.tile.s32 @!p0 $0x1;
	_ =	shalt  }
.Lfunc_end2:
_tile_overlayer_lowered:
.L_overlay_start_2:
0xd7: {  	(tag) =	ssettag $0x2  }
0xd8: {  	s0 =	rddreg [dreg:$0x0];
	s2 =	stileid.u32  }
0xd9: {  	s1 =	rddreg [dreg:$0x1];
	p0 =	sne.s32 s2, $0x0  }
0xda: {  	s3 =	rddreg [dreg:$0x2];
	[bflag:$0x3] =	sbarrier.arrive $0xFFFF;
	s2 =	simm.s32 @!p0 $0x1C02  }
0xdb: {  	[timem:s3], [sflag:s2] =	dma.local @!p0 [hbm:s0], s1  }
0xdc: {  	s0 =	simm.s32 @!p0 $0x2  }
0xdd: {  	_ =	swait.ge @!p0 [sflag:s0], s1  }
0xde: {  	s1 =	ssub.s32 @!p0 $0x0, s1;
	[sflag:s0] =	ssyncset.done @!p0 $0x0  }
0xdf: {  	[sflag:s0] =	ssyncadd.s32 @!p0 s1  }
0xe0: {  	[bflag:$0x3] =	sbarrier.arrive $0xFFFF  }
0xe1: {  	_ =	shalt  }

</sc_bundles>
